<compile_context>
chip_gen: v7x
topology: tpu7x:2x2x1
jax: 0.10.2.dev20260603
libtpu: 0.0.44.dev20260713+nightly
codegen_flags: <defaults>
</compile_context>

<pallas_src>
import functools
import math

import jax
import jax.numpy as jnp
from jax import lax
from jax.experimental import pallas as pl
from jax.experimental.pallas import tpu as pltpu
from jax.experimental.pallas import tpu_sc as plsc

EMB = 128
SCALE = math.sqrt(float(EMB))
NC = 2
NS = 16
NW = NC * NS
LANES = 16
CHUNK = 128
NBUF = 4


@functools.partial(jax.jit, static_argnums=(2,))
def _embed(tokens_grp, table, vocab):
    nchunks = tokens_grp.shape[1]
    bpw = nchunks * CHUNK
    b = NW * bpw
    nfixpad = nchunks + 2
    mesh = plsc.VectorSubcoreMesh(core_axis_name="c", subcore_axis_name="s")

    @functools.partial(
        pl.kernel,
        mesh=mesh,
        compiler_params=pltpu.CompilerParams(needs_layout_passes=False),
        out_type=jax.ShapeDtypeStruct((b, EMB), jnp.float32),
        scratch_types=[
            pltpu.VMEM((nchunks, CHUNK), jnp.int32),
            pltpu.VMEM((nfixpad, CHUNK), jnp.int32),
            pltpu.VMEM((NBUF, CHUNK, EMB), jnp.float32),
        ]
        + [pltpu.SemaphoreType.DMA] * (2 * NBUF + 1),
    )
    def k(tok_hbm, table_hbm, out_hbm, idx_v, fix2d, gbuf, *sems):
        sg = sems[:NBUF]
        ss = sems[NBUF : 2 * NBUF]
        sfix = sems[2 * NBUF]
        wid = lax.axis_index("s") * NC + lax.axis_index("c")
        base = wid * bpw
        iota = lax.iota(jnp.int32, LANES)

        pltpu.sync_copy(tok_hbm.at[wid], idx_v)

        def prep_chunk(r, off_vec):
            for j in range(CHUNK // LANES):
                s = pl.ds(j * LANES, LANES)
                t = idx_v[r, s]
                pos16 = r * CHUNK + j * LANES + iota
                flagged = t >= vocab - 1
                dummy = (pos16 + wid * 800) & 16383
                idx_v[r, s] = jnp.where(flagged, dummy, t)
                dst = off_vec + plsc.cumsum(flagged.astype(jnp.int32)) - 1
                plsc.store_scatter(
                    fix2d,
                    [lax.shift_right_logical(dst, 7), dst & (CHUNK - 1)],
                    base + pos16,
                    mask=flagged,
                )
                off_vec = off_vec + plsc.all_reduce_population_count(flagged)
            return off_vec

        off_vec = jnp.zeros((LANES,), jnp.int32)
        for p in range(NBUF - 2):
            off_vec = prep_chunk(p, off_vec)
            pltpu.async_copy(table_hbm.at[idx_v.at[p]], gbuf.at[p], sg[p])

        def turn(g, slot, off_vec):
            pltpu.make_async_copy(
                table_hbm.at[idx_v.at[g]], gbuf.at[slot], sg[slot]
            ).wait()

            def scale_body(r, c):
                for j in range(EMB // LANES):
                    s = pl.ds(j * LANES, LANES)
                    gbuf[slot, r, s] = gbuf[slot, r, s] * SCALE
                return c

            lax.fori_loop(0, CHUNK, scale_body, 0, unroll=2)
            pltpu.async_copy(
                gbuf.at[slot],
                out_hbm.at[pl.ds(base + g * CHUNK, CHUNK)],
                ss[slot],
            )
            gq = g + NBUF - 2
            sq = (slot + NBUF - 2) % NBUF
            off_vec = lax.cond(
                gq < nchunks, lambda o: prep_chunk(gq, o), lambda o: o, off_vec
            )

            @pl.when((gq < nchunks) & (g >= 2))
            def _():
                pltpu.make_async_copy(
                    gbuf.at[sq],
                    out_hbm.at[pl.ds(base + (g - 2) * CHUNK, CHUNK)],
                    ss[sq],
                ).wait()

            @pl.when(gq < nchunks)
            def _():
                pltpu.async_copy(
                    table_hbm.at[idx_v.at[gq]], gbuf.at[sq], sg[sq]
                )

            return off_vec

        def round_body(i, off_vec):
            for slot in range(NBUF):
                off_vec = turn(i * NBUF + slot, slot, off_vec)
            return off_vec

        off_vec = lax.fori_loop(0, nchunks // NBUF, round_body, off_vec)
        nfix = jnp.max(off_vec)

        for p in range(NBUF):
            g = nchunks - NBUF + p
            pltpu.make_async_copy(
                gbuf.at[g % NBUF],
                out_hbm.at[pl.ds(base + g * CHUNK, CHUNK)],
                ss[g % NBUF],
            ).wait()

        @pl.when(nfix > 0)
        def _():
            pad = plsc.load_gather(
                fix2d,
                [
                    jnp.full((LANES,), lax.shift_right_logical(nfix - 1, 7)),
                    jnp.full((LANES,), (nfix - 1) & (CHUNK - 1)),
                ],
            )
            for j in range(CHUNK // LANES):
                d = nfix + j * LANES + iota
                plsc.store_scatter(
                    fix2d,
                    [lax.shift_right_logical(d, 7), d & (CHUNK - 1)],
                    pad,
                )
            pltpu.sync_copy(
                table_hbm.at[pl.ds(vocab - 1, 1)], gbuf.at[0].at[pl.ds(0, 1)]
            )

            def rep_body(r, c):
                for j in range(EMB // LANES):
                    s = pl.ds(j * LANES, LANES)
                    gbuf[0, r, s] = gbuf[0, 0, s] * SCALE
                return c

            lax.fori_loop(1, CHUNK, rep_body, 0, unroll=2)
            for j in range(EMB // LANES):
                s = pl.ds(j * LANES, LANES)
                gbuf[0, 0, s] = gbuf[0, 0, s] * SCALE

            def fix_body(r, c):
                pltpu.async_copy(
                    gbuf.at[0], out_hbm.at[fix2d.at[r]], sfix
                ).wait()
                return c

            lax.fori_loop(0, (nfix + CHUNK - 1) // CHUNK, fix_body, 0)

    return k(tokens_grp, table)


def kernel(tokens, table):
    b0, b1 = tokens.shape
    b = b0 * b1
    tokens_grp = tokens.reshape(NW, b // (NW * CHUNK), CHUNK)
    out = _embed(tokens_grp, table, table.shape[0])
    return out.reshape(b0, b1, EMB)

# --- scband reference (transcript-rebuilt; emitter-appended) ---
"""Pipeline reference for scband-token-embedding-52578989638343 (READ-ONLY COPY).

The authoritative reference and input builder live on the scoring server;
editing this copy changes nothing except your own understanding.
"""

import jax, jax.numpy as jnp
import numpy as np
import math

VOCAB_SIZE = 100000
NUM_POSITION_MARKERS = 1000
EMB_SIZE = 128
PADDING_IDX = 0
VOCAB_NO_POS = VOCAB_SIZE - NUM_POSITION_MARKERS + 1  # 99001


def setup_inputs(seed: int = 0) -> dict:
    key = jax.random.key(seed)
    k1, k2 = jax.random.split(key)
    tokens = jax.random.randint(k1, (4096, 200), 0, VOCAB_SIZE, dtype=jnp.int32)
    table = jax.random.normal(k2, (VOCAB_NO_POS, EMB_SIZE), dtype=jnp.float32)
    # padding_idx row is initialized to zero in nn.Embedding
    table = table.at[PADDING_IDX].set(0.0)
    return {"tokens": tokens, "table": table}


def reference(tokens, table):
    v = table.shape[0]
    inp = jnp.where(tokens >= v, jnp.ones_like(tokens) * (v - 1), tokens)
    emb = jnp.take(table, inp, axis=0)
    return emb * math.sqrt(EMB_SIZE)

if __name__ == "__main__":
    import jax
    _d = setup_inputs()
    print(jax.jit(kernel)(*tuple(_d.values())))

</pallas_src>

<mosaic_0001>
#map = affine_map<(d0, d1) -> (0, 0, 0)>
#map1 = affine_map<(d0, d1) -> (0, 0)>
module attributes {stable_mosaic.version = 14 : i64} {
  func.func @k(%arg0: i32, %arg1: i32, %arg2: memref<32x200x128xi32, #tpu.memory_space<hbm>>, %arg3: memref<99001x128xf32, #tpu.memory_space<hbm>>, %arg4: memref<819200x128xf32, #tpu.memory_space<hbm>>, %arg5: memref<200x128xi32, #tpu.memory_space<vmem>>, %arg6: memref<202x128xi32, #tpu.memory_space<vmem>>, %arg7: memref<4x128x128xf32, #tpu.memory_space<vmem>>, %arg8: memref<!tpu.dma_semaphore, #tpu.memory_space<semaphore_mem>>, %arg9: memref<!tpu.dma_semaphore, #tpu.memory_space<semaphore_mem>>, %arg10: memref<!tpu.dma_semaphore, #tpu.memory_space<semaphore_mem>>, %arg11: memref<!tpu.dma_semaphore, #tpu.memory_space<semaphore_mem>>, %arg12: memref<!tpu.dma_semaphore, #tpu.memory_space<semaphore_mem>>, %arg13: memref<!tpu.dma_semaphore, #tpu.memory_space<semaphore_mem>>, %arg14: memref<!tpu.dma_semaphore, #tpu.memory_space<semaphore_mem>>, %arg15: memref<!tpu.dma_semaphore, #tpu.memory_space<semaphore_mem>>, %arg16: memref<!tpu.dma_semaphore, #tpu.memory_space<semaphore_mem>>) attributes {dimension_semantics = [#tpu.dimension_semantics<core_parallel>, #tpu.dimension_semantics<subcore_parallel>], iteration_bounds = array<i64: 2, 16>, scalar_prefetch = 0 : i64, scratch_operands = 12 : i64, tpu.core_type = #tpu.core_type<sc_vector_subcore>, window_params = [{transform_indices = #map}, {transform_indices = #map1}, {transform_indices = #map1}]} {
    %mul3A = arith.constant 2 : i32
    %mul3A_0 = arith.muli %arg1, %mul3A : i32
    %add3A = arith.addi %mul3A_0, %arg0 : i32
    %mul3A_1 = arith.constant 25600 : i32
    %mul3A_2 = arith.muli %add3A, %mul3A_1 : i32
    %iota3A = tpu.iota {dimensions = array<i32: 0>} : vector<16xi32>
    "tpu.region"() ({
      %run_scoped3A = tpu.sem_alloc : memref<!tpu.dma_semaphore, #tpu.memory_space<semaphore_mem>>
      %dma_start3A_731 = arith.constant 0 : i32
      %dma_start3A_732 = arith.constant 0 : i32
      %dma_start3A_733 = tpu.memref_slice %arg2[%add3A, %dma_start3A_731, %dma_start3A_732] : memref<32x200x128xi32, #tpu.memory_space<hbm>> -> memref<1x200x128xi32, #tpu.memory_space<hbm>>
      %dma_start3A_734 = tpu.memref_squeeze %dma_start3A_733 : memref<1x200x128xi32, #tpu.memory_space<hbm>> -> memref<200x128xi32, #tpu.memory_space<hbm>>
      %dma_start3A_735 = arith.constant 0 : i32
      %dma_start3A_736 = arith.constant 0 : i32
      %dma_start3A_737 = tpu.memref_slice %arg2[%add3A, %dma_start3A_735, %dma_start3A_736] : memref<32x200x128xi32, #tpu.memory_space<hbm>> -> memref<1x200x128xi32, #tpu.memory_space<hbm>>
      %dma_start3A_738 = tpu.memref_squeeze %dma_start3A_737 : memref<1x200x128xi32, #tpu.memory_space<hbm>> -> memref<200x128xi32, #tpu.memory_space<hbm>>
      tpu.enqueue_dma source(%dma_start3A_738 : memref<200x128xi32, #tpu.memory_space<hbm>>) target(%arg5 : memref<200x128xi32, #tpu.memory_space<vmem>>) target_semaphore(%run_scoped3A : memref<!tpu.dma_semaphore, #tpu.memory_space<semaphore_mem>>)
      %dma_wait3A_739 = arith.constant 0 : i32
      %dma_wait3A_740 = arith.constant 0 : i32
      %dma_wait3A_741 = tpu.memref_slice %arg2[%add3A, %dma_wait3A_739, %dma_wait3A_740] : memref<32x200x128xi32, #tpu.memory_space<hbm>> -> memref<1x200x128xi32, #tpu.memory_space<hbm>>
      %dma_wait3A_742 = tpu.memref_squeeze %dma_wait3A_741 : memref<1x200x128xi32, #tpu.memory_space<hbm>> -> memref<200x128xi32, #tpu.memory_space<hbm>>
      %dma_wait3A_743 = arith.constant 0 : i32
      %dma_wait3A_744 = arith.constant 0 : i32
      %dma_wait3A_745 = tpu.memref_slice %arg2[%add3A, %dma_wait3A_743, %dma_wait3A_744] : memref<32x200x128xi32, #tpu.memory_space<hbm>> -> memref<1x200x128xi32, #tpu.memory_space<hbm>>
      %dma_wait3A_746 = tpu.memref_squeeze %dma_wait3A_745 : memref<1x200x128xi32, #tpu.memory_space<hbm>> -> memref<200x128xi32, #tpu.memory_space<hbm>>
      tpu.wait_dma2 semaphore(%run_scoped3A : memref<!tpu.dma_semaphore, #tpu.memory_space<semaphore_mem>>) src(%dma_wait3A_746 : memref<200x128xi32, #tpu.memory_space<hbm>>) dst(%arg5 : memref<200x128xi32, #tpu.memory_space<vmem>>)
      tpu.yield
    }) : () -> ()
    %broadcast_in_dim3A = arith.constant 0 : i32
    %broadcast_in_dim3A_3 = vector.broadcast %broadcast_in_dim3A : i32 to vector<16xi32>
    %get3A = arith.constant 0 : i32
    %get3A_4 = arith.index_cast %get3A : i32 to index
    %get3A_5 = arith.constant 0 : index
    %get3A_6 = tpu.vector_load %arg5[%get3A_4, %get3A_5] {strides = array<i32>} : memref<200x128xi32, #tpu.memory_space<vmem>>, vector<16xi32>,
    %add3A_7 = arith.constant 0 : i32
    %add3A_8 = vector.broadcast %add3A_7 : i32 to vector<16xi32>
    %add3A_9 = arith.addi %add3A_8, %iota3A : vector<16xi32>
    %ge3A = arith.constant 99000 : i32
    %ge3A_10 = vector.broadcast %ge3A : i32 to vector<16xi32>
    %ge3A_11 = arith.cmpi sge, %get3A_6, %ge3A_10 : vector<16xi32>
    %mul3A_12 = arith.constant 800 : i32
    %mul3A_13 = arith.muli %add3A, %mul3A_12 : i32
    %add3A_14 = vector.broadcast %mul3A_13 : i32 to vector<16xi32>
    %add3A_15 = arith.addi %add3A_9, %add3A_14 : vector<16xi32>
    %and3A = arith.constant 16383 : i32
    %and3A_16 = vector.broadcast %and3A : i32 to vector<16xi32>
    %and3A_17 = arith.andi %add3A_15, %and3A_16 : vector<16xi32>
    %select_n3A = arith.select %ge3A_11, %and3A_17, %get3A_6 : vector<16xi1>, vector<16xi32>
    %swap3A = arith.constant 0 : i32
    %swap3A_18 = arith.index_cast %swap3A : i32 to index
    %swap3A_19 = arith.constant 0 : index
    %swap3A_20 = tpu.vector_load %arg5[%swap3A_18, %swap3A_19] {strides = array<i32>} : memref<200x128xi32, #tpu.memory_space<vmem>>, vector<16xi32>,
    tpu.vector_store %arg5[%swap3A_18, %swap3A_19], %select_n3A {strides = array<i32>} : memref<200x128xi32, #tpu.memory_space<vmem>>, vector<16xi32>,
    %convert_element_type3A = arith.extui %ge3A_11 : vector<16xi1> to vector<16xi32>
    %broadcast_in_dim3A_21 = arith.constant true
    %broadcast_in_dim3A_22 = vector.broadcast %broadcast_in_dim3A_21 : i1 to vector<16xi1>
    %masked_cumsum3A = tpu.scan <sum>, %convert_element_type3A masked %broadcast_in_dim3A_22 : vector<16xi32>, vector<16xi1> -> vector<16xi32>
    %add3A_23 = arith.addi %broadcast_in_dim3A_3, %masked_cumsum3A : vector<16xi32>
    %sub3A = arith.constant 1 : i32
    %sub3A_24 = vector.broadcast %sub3A : i32 to vector<16xi32>
    %sub3A_25 = arith.subi %add3A_23, %sub3A_24 : vector<16xi32>
    %shift_right_logical3A = arith.constant 7 : i32
    %shift_right_logical3A_26 = vector.broadcast %shift_right_logical3A : i32 to vector<16xi32>
    %shift_right_logical3A_27 = arith.shrui %sub3A_25, %shift_right_logical3A_26 : vector<16xi32>
    %and3A_28 = arith.constant 127 : i32
    %and3A_29 = vector.broadcast %and3A_28 : i32 to vector<16xi32>
    %and3A_30 = arith.andi %sub3A_25, %and3A_29 : vector<16xi32>
    %add3A_31 = vector.broadcast %mul3A_2 : i32 to vector<16xi32>
    %add3A_32 = arith.addi %add3A_31, %add3A_9 : vector<16xi32>
    tpu.vector_store_idx %arg6[%shift_right_logical3A_27, %and3A_30], %add3A_32 masked %ge3A_11 : memref<202x128xi32, #tpu.memory_space<vmem>>[vector<16xi32>, vector<16xi32>], vector<16xi32>, vector<16xi1>
    %all_reduce_population_count3A = tpu.all_reduce %ge3A_11 {dim = 0 : i64, kind = #tpu.reduction_kind<sum>} : vector<16xi1> -> vector<16xi32>
    %add3A_33 = arith.addi %broadcast_in_dim3A_3, %all_reduce_population_count3A : vector<16xi32>
    %get3A_34 = arith.constant 0 : i32
    %get3A_35 = arith.index_cast %get3A_34 : i32 to index
    %get3A_36 = arith.constant 16 : index
    %get3A_37 = tpu.vector_load %arg5[%get3A_35, %get3A_36] {strides = array<i32>} : memref<200x128xi32, #tpu.memory_space<vmem>>, vector<16xi32>,
    %add3A_38 = arith.constant 16 : i32
    %add3A_39 = vector.broadcast %add3A_38 : i32 to vector<16xi32>
    %add3A_40 = arith.addi %add3A_39, %iota3A : vector<16xi32>
    %ge3A_41 = arith.constant 99000 : i32
    %ge3A_42 = vector.broadcast %ge3A_41 : i32 to vector<16xi32>
    %ge3A_43 = arith.cmpi sge, %get3A_37, %ge3A_42 : vector<16xi32>
    %mul3A_44 = arith.constant 800 : i32
    %mul3A_45 = arith.muli %add3A, %mul3A_44 : i32
    %add3A_46 = vector.broadcast %mul3A_45 : i32 to vector<16xi32>
    %add3A_47 = arith.addi %add3A_40, %add3A_46 : vector<16xi32>
    %and3A_48 = arith.constant 16383 : i32
    %and3A_49 = vector.broadcast %and3A_48 : i32 to vector<16xi32>
    %and3A_50 = arith.andi %add3A_47, %and3A_49 : vector<16xi32>
    %select_n3A_51 = arith.select %ge3A_43, %and3A_50, %get3A_37 : vector<16xi1>, vector<16xi32>
    %swap3A_52 = arith.constant 0 : i32
    %swap3A_53 = arith.index_cast %swap3A_52 : i32 to index
    %swap3A_54 = arith.constant 16 : index
    %swap3A_55 = tpu.vector_load %arg5[%swap3A_53, %swap3A_54] {strides = array<i32>} : memref<200x128xi32, #tpu.memory_space<vmem>>, vector<16xi32>,
    tpu.vector_store %arg5[%swap3A_53, %swap3A_54], %select_n3A_51 {strides = array<i32>} : memref<200x128xi32, #tpu.memory_space<vmem>>, vector<16xi32>,
    %convert_element_type3A_56 = arith.extui %ge3A_43 : vector<16xi1> to vector<16xi32>
    %broadcast_in_dim3A_57 = arith.constant true
    %broadcast_in_dim3A_58 = vector.broadcast %broadcast_in_dim3A_57 : i1 to vector<16xi1>
    %masked_cumsum3A_59 = tpu.scan <sum>, %convert_element_type3A_56 masked %broadcast_in_dim3A_58 : vector<16xi32>, vector<16xi1> -> vector<16xi32>
    %add3A_60 = arith.addi %add3A_33, %masked_cumsum3A_59 : vector<16xi32>
    %sub3A_61 = arith.constant 1 : i32
    %sub3A_62 = vector.broadcast %sub3A_61 : i32 to vector<16xi32>
    %sub3A_63 = arith.subi %add3A_60, %sub3A_62 : vector<16xi32>
    %shift_right_logical3A_64 = arith.constant 7 : i32
    %shift_right_logical3A_65 = vector.broadcast %shift_right_logical3A_64 : i32 to vector<16xi32>
    %shift_right_logical3A_66 = arith.shrui %sub3A_63, %shift_right_logical3A_65 : vector<16xi32>
    %and3A_67 = arith.constant 127 : i32
    %and3A_68 = vector.broadcast %and3A_67 : i32 to vector<16xi32>
    %and3A_69 = arith.andi %sub3A_63, %and3A_68 : vector<16xi32>
    %add3A_70 = vector.broadcast %mul3A_2 : i32 to vector<16xi32>
    %add3A_71 = arith.addi %add3A_70, %add3A_40 : vector<16xi32>
    tpu.vector_store_idx %arg6[%shift_right_logical3A_66, %and3A_69], %add3A_71 masked %ge3A_43 : memref<202x128xi32, #tpu.memory_space<vmem>>[vector<16xi32>, vector<16xi32>], vector<16xi32>, vector<16xi1>
    %all_reduce_population_count3A_72 = tpu.all_reduce %ge3A_43 {dim = 0 : i64, kind = #tpu.reduction_kind<sum>} : vector<16xi1> -> vector<16xi32>
    %add3A_73 = arith.addi %add3A_33, %all_reduce_population_count3A_72 : vector<16xi32>
    %get3A_74 = arith.constant 0 : i32
    %get3A_75 = arith.index_cast %get3A_74 : i32 to index
    %get3A_76 = arith.constant 32 : index
    %get3A_77 = tpu.vector_load %arg5[%get3A_75, %get3A_76] {strides = array<i32>} : memref<200x128xi32, #tpu.memory_space<vmem>>, vector<16xi32>,
    %add3A_78 = arith.constant 32 : i32
    %add3A_79 = vector.broadcast %add3A_78 : i32 to vector<16xi32>
    %add3A_80 = arith.addi %add3A_79, %iota3A : vector<16xi32>
    %ge3A_81 = arith.constant 99000 : i32
    %ge3A_82 = vector.broadcast %ge3A_81 : i32 to vector<16xi32>
    %ge3A_83 = arith.cmpi sge, %get3A_77, %ge3A_82 : vector<16xi32>
    %mul3A_84 = arith.constant 800 : i32
    %mul3A_85 = arith.muli %add3A, %mul3A_84 : i32
    %add3A_86 = vector.broadcast %mul3A_85 : i32 to vector<16xi32>
    %add3A_87 = arith.addi %add3A_80, %add3A_86 : vector<16xi32>
    %and3A_88 = arith.constant 16383 : i32
    %and3A_89 = vector.broadcast %and3A_88 : i32 to vector<16xi32>
    %and3A_90 = arith.andi %add3A_87, %and3A_89 : vector<16xi32>
    %select_n3A_91 = arith.select %ge3A_83, %and3A_90, %get3A_77 : vector<16xi1>, vector<16xi32>
    %swap3A_92 = arith.constant 0 : i32
    %swap3A_93 = arith.index_cast %swap3A_92 : i32 to index
    %swap3A_94 = arith.constant 32 : index
    %swap3A_95 = tpu.vector_load %arg5[%swap3A_93, %swap3A_94] {strides = array<i32>} : memref<200x128xi32, #tpu.memory_space<vmem>>, vector<16xi32>,
    tpu.vector_store %arg5[%swap3A_93, %swap3A_94], %select_n3A_91 {strides = array<i32>} : memref<200x128xi32, #tpu.memory_space<vmem>>, vector<16xi32>,
    %convert_element_type3A_96 = arith.extui %ge3A_83 : vector<16xi1> to vector<16xi32>
    %broadcast_in_dim3A_97 = arith.constant true
    %broadcast_in_dim3A_98 = vector.broadcast %broadcast_in_dim3A_97 : i1 to vector<16xi1>
    %masked_cumsum3A_99 = tpu.scan <sum>, %convert_element_type3A_96 masked %broadcast_in_dim3A_98 : vector<16xi32>, vector<16xi1> -> vector<16xi32>
    %add3A_100 = arith.addi %add3A_73, %masked_cumsum3A_99 : vector<16xi32>
    %sub3A_101 = arith.constant 1 : i32
    %sub3A_102 = vector.broadcast %sub3A_101 : i32 to vector<16xi32>
    %sub3A_103 = arith.subi %add3A_100, %sub3A_102 : vector<16xi32>
    %shift_right_logical3A_104 = arith.constant 7 : i32
    %shift_right_logical3A_105 = vector.broadcast %shift_right_logical3A_104 : i32 to vector<16xi32>
    %shift_right_logical3A_106 = arith.shrui %sub3A_103, %shift_right_logical3A_105 : vector<16xi32>
    %and3A_107 = arith.constant 127 : i32
    %and3A_108 = vector.broadcast %and3A_107 : i32 to vector<16xi32>
    %and3A_109 = arith.andi %sub3A_103, %and3A_108 : vector<16xi32>
    %add3A_110 = vector.broadcast %mul3A_2 : i32 to vector<16xi32>
    %add3A_111 = arith.addi %add3A_110, %add3A_80 : vector<16xi32>
    tpu.vector_store_idx %arg6[%shift_right_logical3A_106, %and3A_109], %add3A_111 masked %ge3A_83 : memref<202x128xi32, #tpu.memory_space<vmem>>[vector<16xi32>, vector<16xi32>], vector<16xi32>, vector<16xi1>
    %all_reduce_population_count3A_112 = tpu.all_reduce %ge3A_83 {dim = 0 : i64, kind = #tpu.reduction_kind<sum>} : vector<16xi1> -> vector<16xi32>
    %add3A_113 = arith.addi %add3A_73, %all_reduce_population_count3A_112 : vector<16xi32>
    %get3A_114 = arith.constant 0 : i32
    %get3A_115 = arith.index_cast %get3A_114 : i32 to index
    %get3A_116 = arith.constant 48 : index
    %get3A_117 = tpu.vector_load %arg5[%get3A_115, %get3A_116] {strides = array<i32>} : memref<200x128xi32, #tpu.memory_space<vmem>>, vector<16xi32>,
    %add3A_118 = arith.constant 48 : i32
    %add3A_119 = vector.broadcast %add3A_118 : i32 to vector<16xi32>
    %add3A_120 = arith.addi %add3A_119, %iota3A : vector<16xi32>
    %ge3A_121 = arith.constant 99000 : i32
    %ge3A_122 = vector.broadcast %ge3A_121 : i32 to vector<16xi32>
    %ge3A_123 = arith.cmpi sge, %get3A_117, %ge3A_122 : vector<16xi32>
    %mul3A_124 = arith.constant 800 : i32
    %mul3A_125 = arith.muli %add3A, %mul3A_124 : i32
    %add3A_126 = vector.broadcast %mul3A_125 : i32 to vector<16xi32>
    %add3A_127 = arith.addi %add3A_120, %add3A_126 : vector<16xi32>
    %and3A_128 = arith.constant 16383 : i32
    %and3A_129 = vector.broadcast %and3A_128 : i32 to vector<16xi32>
    %and3A_130 = arith.andi %add3A_127, %and3A_129 : vector<16xi32>
    %select_n3A_131 = arith.select %ge3A_123, %and3A_130, %get3A_117 : vector<16xi1>, vector<16xi32>
    %swap3A_132 = arith.constant 0 : i32
    %swap3A_133 = arith.index_cast %swap3A_132 : i32 to index
    %swap3A_134 = arith.constant 48 : index
    %swap3A_135 = tpu.vector_load %arg5[%swap3A_133, %swap3A_134] {strides = array<i32>} : memref<200x128xi32, #tpu.memory_space<vmem>>, vector<16xi32>,
    tpu.vector_store %arg5[%swap3A_133, %swap3A_134], %select_n3A_131 {strides = array<i32>} : memref<200x128xi32, #tpu.memory_space<vmem>>, vector<16xi32>,
    %convert_element_type3A_136 = arith.extui %ge3A_123 : vector<16xi1> to vector<16xi32>
    %broadcast_in_dim3A_137 = arith.constant true
    %broadcast_in_dim3A_138 = vector.broadcast %broadcast_in_dim3A_137 : i1 to vector<16xi1>
    %masked_cumsum3A_139 = tpu.scan <sum>, %convert_element_type3A_136 masked %broadcast_in_dim3A_138 : vector<16xi32>, vector<16xi1> -> vector<16xi32>
    %add3A_140 = arith.addi %add3A_113, %masked_cumsum3A_139 : vector<16xi32>
    %sub3A_141 = arith.constant 1 : i32
    %sub3A_142 = vector.broadcast %sub3A_141 : i32 to vector<16xi32>
    %sub3A_143 = arith.subi %add3A_140, %sub3A_142 : vector<16xi32>
    %shift_right_logical3A_144 = arith.constant 7 : i32
    %shift_right_logical3A_145 = vector.broadcast %shift_right_logical3A_144 : i32 to vector<16xi32>
    %shift_right_logical3A_146 = arith.shrui %sub3A_143, %shift_right_logical3A_145 : vector<16xi32>
    %and3A_147 = arith.constant 127 : i32
    %and3A_148 = vector.broadcast %and3A_147 : i32 to vector<16xi32>
    %and3A_149 = arith.andi %sub3A_143, %and3A_148 : vector<16xi32>
    %add3A_150 = vector.broadcast %mul3A_2 : i32 to vector<16xi32>
    %add3A_151 = arith.addi %add3A_150, %add3A_120 : vector<16xi32>
    tpu.vector_store_idx %arg6[%shift_right_logical3A_146, %and3A_149], %add3A_151 masked %ge3A_123 : memref<202x128xi32, #tpu.memory_space<vmem>>[vector<16xi32>, vector<16xi32>], vector<16xi32>, vector<16xi1>
    %all_reduce_population_count3A_152 = tpu.all_reduce %ge3A_123 {dim = 0 : i64, kind = #tpu.reduction_kind<sum>} : vector<16xi1> -> vector<16xi32>
    %add3A_153 = arith.addi %add3A_113, %all_reduce_population_count3A_152 : vector<16xi32>
    %get3A_154 = arith.constant 0 : i32
    %get3A_155 = arith.index_cast %get3A_154 : i32 to index
    %get3A_156 = arith.constant 64 : index
    %get3A_157 = tpu.vector_load %arg5[%get3A_155, %get3A_156] {strides = array<i32>} : memref<200x128xi32, #tpu.memory_space<vmem>>, vector<16xi32>,
    %add3A_158 = arith.constant 64 : i32
    %add3A_159 = vector.broadcast %add3A_158 : i32 to vector<16xi32>
    %add3A_160 = arith.addi %add3A_159, %iota3A : vector<16xi32>
    %ge3A_161 = arith.constant 99000 : i32
    %ge3A_162 = vector.broadcast %ge3A_161 : i32 to vector<16xi32>
    %ge3A_163 = arith.cmpi sge, %get3A_157, %ge3A_162 : vector<16xi32>
    %mul3A_164 = arith.constant 800 : i32
    %mul3A_165 = arith.muli %add3A, %mul3A_164 : i32
    %add3A_166 = vector.broadcast %mul3A_165 : i32 to vector<16xi32>
    %add3A_167 = arith.addi %add3A_160, %add3A_166 : vector<16xi32>
    %and3A_168 = arith.constant 16383 : i32
    %and3A_169 = vector.broadcast %and3A_168 : i32 to vector<16xi32>
    %and3A_170 = arith.andi %add3A_167, %and3A_169 : vector<16xi32>
    %select_n3A_171 = arith.select %ge3A_163, %and3A_170, %get3A_157 : vector<16xi1>, vector<16xi32>
    %swap3A_172 = arith.constant 0 : i32
    %swap3A_173 = arith.index_cast %swap3A_172 : i32 to index
    %swap3A_174 = arith.constant 64 : index
    %swap3A_175 = tpu.vector_load %arg5[%swap3A_173, %swap3A_174] {strides = array<i32>} : memref<200x128xi32, #tpu.memory_space<vmem>>, vector<16xi32>,
    tpu.vector_store %arg5[%swap3A_173, %swap3A_174], %select_n3A_171 {strides = array<i32>} : memref<200x128xi32, #tpu.memory_space<vmem>>, vector<16xi32>,
    %convert_element_type3A_176 = arith.extui %ge3A_163 : vector<16xi1> to vector<16xi32>
    %broadcast_in_dim3A_177 = arith.constant true
    %broadcast_in_dim3A_178 = vector.broadcast %broadcast_in_dim3A_177 : i1 to vector<16xi1>
    %masked_cumsum3A_179 = tpu.scan <sum>, %convert_element_type3A_176 masked %broadcast_in_dim3A_178 : vector<16xi32>, vector<16xi1> -> vector<16xi32>
    %add3A_180 = arith.addi %add3A_153, %masked_cumsum3A_179 : vector<16xi32>
    %sub3A_181 = arith.constant 1 : i32
    %sub3A_182 = vector.broadcast %sub3A_181 : i32 to vector<16xi32>
    %sub3A_183 = arith.subi %add3A_180, %sub3A_182 : vector<16xi32>
    %shift_right_logical3A_184 = arith.constant 7 : i32
    %shift_right_logical3A_185 = vector.broadcast %shift_right_logical3A_184 : i32 to vector<16xi32>
    %shift_right_logical3A_186 = arith.shrui %sub3A_183, %shift_right_logical3A_185 : vector<16xi32>
    %and3A_187 = arith.constant 127 : i32
    %and3A_188 = vector.broadcast %and3A_187 : i32 to vector<16xi32>
    %and3A_189 = arith.andi %sub3A_183, %and3A_188 : vector<16xi32>
    %add3A_190 = vector.broadcast %mul3A_2 : i32 to vector<16xi32>
    %add3A_191 = arith.addi %add3A_190, %add3A_160 : vector<16xi32>
    tpu.vector_store_idx %arg6[%shift_right_logical3A_186, %and3A_189], %add3A_191 masked %ge3A_163 : memref<202x128xi32, #tpu.memory_space<vmem>>[vector<16xi32>, vector<16xi32>], vector<16xi32>, vector<16xi1>
    %all_reduce_population_count3A_192 = tpu.all_reduce %ge3A_163 {dim = 0 : i64, kind = #tpu.reduction_kind<sum>} : vector<16xi1> -> vector<16xi32>
    %add3A_193 = arith.addi %add3A_153, %all_reduce_population_count3A_192 : vector<16xi32>
    %get3A_194 = arith.constant 0 : i32
    %get3A_195 = arith.index_cast %get3A_194 : i32 to index
    %get3A_196 = arith.constant 80 : index
    %get3A_197 = tpu.vector_load %arg5[%get3A_195, %get3A_196] {strides = array<i32>} : memref<200x128xi32, #tpu.memory_space<vmem>>, vector<16xi32>,
    %add3A_198 = arith.constant 80 : i32
    %add3A_199 = vector.broadcast %add3A_198 : i32 to vector<16xi32>
    %add3A_200 = arith.addi %add3A_199, %iota3A : vector<16xi32>
    %ge3A_201 = arith.constant 99000 : i32
    %ge3A_202 = vector.broadcast %ge3A_201 : i32 to vector<16xi32>
    %ge3A_203 = arith.cmpi sge, %get3A_197, %ge3A_202 : vector<16xi32>
    %mul3A_204 = arith.constant 800 : i32
    %mul3A_205 = arith.muli %add3A, %mul3A_204 : i32
    %add3A_206 = vector.broadcast %mul3A_205 : i32 to vector<16xi32>
    %add3A_207 = arith.addi %add3A_200, %add3A_206 : vector<16xi32>
    %and3A_208 = arith.constant 16383 : i32
    %and3A_209 = vector.broadcast %and3A_208 : i32 to vector<16xi32>
    %and3A_210 = arith.andi %add3A_207, %and3A_209 : vector<16xi32>
    %select_n3A_211 = arith.select %ge3A_203, %and3A_210, %get3A_197 : vector<16xi1>, vector<16xi32>
    %swap3A_212 = arith.constant 0 : i32
    %swap3A_213 = arith.index_cast %swap3A_212 : i32 to index
    %swap3A_214 = arith.constant 80 : index
    %swap3A_215 = tpu.vector_load %arg5[%swap3A_213, %swap3A_214] {strides = array<i32>} : memref<200x128xi32, #tpu.memory_space<vmem>>, vector<16xi32>,
    tpu.vector_store %arg5[%swap3A_213, %swap3A_214], %select_n3A_211 {strides = array<i32>} : memref<200x128xi32, #tpu.memory_space<vmem>>, vector<16xi32>,
    %convert_element_type3A_216 = arith.extui %ge3A_203 : vector<16xi1> to vector<16xi32>
    %broadcast_in_dim3A_217 = arith.constant true
    %broadcast_in_dim3A_218 = vector.broadcast %broadcast_in_dim3A_217 : i1 to vector<16xi1>
    %masked_cumsum3A_219 = tpu.scan <sum>, %convert_element_type3A_216 masked %broadcast_in_dim3A_218 : vector<16xi32>, vector<16xi1> -> vector<16xi32>
    %add3A_220 = arith.addi %add3A_193, %masked_cumsum3A_219 : vector<16xi32>
    %sub3A_221 = arith.constant 1 : i32
    %sub3A_222 = vector.broadcast %sub3A_221 : i32 to vector<16xi32>
    %sub3A_223 = arith.subi %add3A_220, %sub3A_222 : vector<16xi32>
    %shift_right_logical3A_224 = arith.constant 7 : i32
    %shift_right_logical3A_225 = vector.broadcast %shift_right_logical3A_224 : i32 to vector<16xi32>
    %shift_right_logical3A_226 = arith.shrui %sub3A_223, %shift_right_logical3A_225 : vector<16xi32>
    %and3A_227 = arith.constant 127 : i32
    %and3A_228 = vector.broadcast %and3A_227 : i32 to vector<16xi32>
    %and3A_229 = arith.andi %sub3A_223, %and3A_228 : vector<16xi32>
    %add3A_230 = vector.broadcast %mul3A_2 : i32 to vector<16xi32>
    %add3A_231 = arith.addi %add3A_230, %add3A_200 : vector<16xi32>
    tpu.vector_store_idx %arg6[%shift_right_logical3A_226, %and3A_229], %add3A_231 masked %ge3A_203 : memref<202x128xi32, #tpu.memory_space<vmem>>[vector<16xi32>, vector<16xi32>], vector<16xi32>, vector<16xi1>
    %all_reduce_population_count3A_232 = tpu.all_reduce %ge3A_203 {dim = 0 : i64, kind = #tpu.reduction_kind<sum>} : vector<16xi1> -> vector<16xi32>
    %add3A_233 = arith.addi %add3A_193, %all_reduce_population_count3A_232 : vector<16xi32>
    %get3A_234 = arith.constant 0 : i32
    %get3A_235 = arith.index_cast %get3A_234 : i32 to index
    %get3A_236 = arith.constant 96 : index
    %get3A_237 = tpu.vector_load %arg5[%get3A_235, %get3A_236] {strides = array<i32>} : memref<200x128xi32, #tpu.memory_space<vmem>>, vector<16xi32>,
    %add3A_238 = arith.constant 96 : i32
    %add3A_239 = vector.broadcast %add3A_238 : i32 to vector<16xi32>
    %add3A_240 = arith.addi %add3A_239, %iota3A : vector<16xi32>
    %ge3A_241 = arith.constant 99000 : i32
    %ge3A_242 = vector.broadcast %ge3A_241 : i32 to vector<16xi32>
    %ge3A_243 = arith.cmpi sge, %get3A_237, %ge3A_242 : vector<16xi32>
    %mul3A_244 = arith.constant 800 : i32
    %mul3A_245 = arith.muli %add3A, %mul3A_244 : i32
    %add3A_246 = vector.broadcast %mul3A_245 : i32 to vector<16xi32>
    %add3A_247 = arith.addi %add3A_240, %add3A_246 : vector<16xi32>
    %and3A_248 = arith.constant 16383 : i32
    %and3A_249 = vector.broadcast %and3A_248 : i32 to vector<16xi32>
    %and3A_250 = arith.andi %add3A_247, %and3A_249 : vector<16xi32>
    %select_n3A_251 = arith.select %ge3A_243, %and3A_250, %get3A_237 : vector<16xi1>, vector<16xi32>
    %swap3A_252 = arith.constant 0 : i32
    %swap3A_253 = arith.index_cast %swap3A_252 : i32 to index
    %swap3A_254 = arith.constant 96 : index
    %swap3A_255 = tpu.vector_load %arg5[%swap3A_253, %swap3A_254] {strides = array<i32>} : memref<200x128xi32, #tpu.memory_space<vmem>>, vector<16xi32>,
    tpu.vector_store %arg5[%swap3A_253, %swap3A_254], %select_n3A_251 {strides = array<i32>} : memref<200x128xi32, #tpu.memory_space<vmem>>, vector<16xi32>,
    %convert_element_type3A_256 = arith.extui %ge3A_243 : vector<16xi1> to vector<16xi32>
    %broadcast_in_dim3A_257 = arith.constant true
    %broadcast_in_dim3A_258 = vector.broadcast %broadcast_in_dim3A_257 : i1 to vector<16xi1>
    %masked_cumsum3A_259 = tpu.scan <sum>, %convert_element_type3A_256 masked %broadcast_in_dim3A_258 : vector<16xi32>, vector<16xi1> -> vector<16xi32>
    %add3A_260 = arith.addi %add3A_233, %masked_cumsum3A_259 : vector<16xi32>
    %sub3A_261 = arith.constant 1 : i32
    %sub3A_262 = vector.broadcast %sub3A_261 : i32 to vector<16xi32>
    %sub3A_263 = arith.subi %add3A_260, %sub3A_262 : vector<16xi32>
    %shift_right_logical3A_264 = arith.constant 7 : i32
    %shift_right_logical3A_265 = vector.broadcast %shift_right_logical3A_264 : i32 to vector<16xi32>
    %shift_right_logical3A_266 = arith.shrui %sub3A_263, %shift_right_logical3A_265 : vector<16xi32>
    %and3A_267 = arith.constant 127 : i32
    %and3A_268 = vector.broadcast %and3A_267 : i32 to vector<16xi32>
    %and3A_269 = arith.andi %sub3A_263, %and3A_268 : vector<16xi32>
    %add3A_270 = vector.broadcast %mul3A_2 : i32 to vector<16xi32>
    %add3A_271 = arith.addi %add3A_270, %add3A_240 : vector<16xi32>
    tpu.vector_store_idx %arg6[%shift_right_logical3A_266, %and3A_269], %add3A_271 masked %ge3A_243 : memref<202x128xi32, #tpu.memory_space<vmem>>[vector<16xi32>, vector<16xi32>], vector<16xi32>, vector<16xi1>
    %all_reduce_population_count3A_272 = tpu.all_reduce %ge3A_243 {dim = 0 : i64, kind = #tpu.reduction_kind<sum>} : vector<16xi1> -> vector<16xi32>
    %add3A_273 = arith.addi %add3A_233, %all_reduce_population_count3A_272 : vector<16xi32>
    %get3A_274 = arith.constant 0 : i32
    %get3A_275 = arith.index_cast %get3A_274 : i32 to index
    %get3A_276 = arith.constant 112 : index
    %get3A_277 = tpu.vector_load %arg5[%get3A_275, %get3A_276] {strides = array<i32>} : memref<200x128xi32, #tpu.memory_space<vmem>>, vector<16xi32>,
    %add3A_278 = arith.constant 112 : i32
    %add3A_279 = vector.broadcast %add3A_278 : i32 to vector<16xi32>
    %add3A_280 = arith.addi %add3A_279, %iota3A : vector<16xi32>
    %ge3A_281 = arith.constant 99000 : i32
    %ge3A_282 = vector.broadcast %ge3A_281 : i32 to vector<16xi32>
    %ge3A_283 = arith.cmpi sge, %get3A_277, %ge3A_282 : vector<16xi32>
    %mul3A_284 = arith.constant 800 : i32
    %mul3A_285 = arith.muli %add3A, %mul3A_284 : i32
    %add3A_286 = vector.broadcast %mul3A_285 : i32 to vector<16xi32>
    %add3A_287 = arith.addi %add3A_280, %add3A_286 : vector<16xi32>
    %and3A_288 = arith.constant 16383 : i32
    %and3A_289 = vector.broadcast %and3A_288 : i32 to vector<16xi32>
    %and3A_290 = arith.andi %add3A_287, %and3A_289 : vector<16xi32>
    %select_n3A_291 = arith.select %ge3A_283, %and3A_290, %get3A_277 : vector<16xi1>, vector<16xi32>
    %swap3A_292 = arith.constant 0 : i32
    %swap3A_293 = arith.index_cast %swap3A_292 : i32 to index
    %swap3A_294 = arith.constant 112 : index
    %swap3A_295 = tpu.vector_load %arg5[%swap3A_293, %swap3A_294] {strides = array<i32>} : memref<200x128xi32, #tpu.memory_space<vmem>>, vector<16xi32>,
    tpu.vector_store %arg5[%swap3A_293, %swap3A_294], %select_n3A_291 {strides = array<i32>} : memref<200x128xi32, #tpu.memory_space<vmem>>, vector<16xi32>,
    %convert_element_type3A_296 = arith.extui %ge3A_283 : vector<16xi1> to vector<16xi32>
    %broadcast_in_dim3A_297 = arith.constant true
    %broadcast_in_dim3A_298 = vector.broadcast %broadcast_in_dim3A_297 : i1 to vector<16xi1>
    %masked_cumsum3A_299 = tpu.scan <sum>, %convert_element_type3A_296 masked %broadcast_in_dim3A_298 : vector<16xi32>, vector<16xi1> -> vector<16xi32>
    %add3A_300 = arith.addi %add3A_273, %masked_cumsum3A_299 : vector<16xi32>
    %sub3A_301 = arith.constant 1 : i32
    %sub3A_302 = vector.broadcast %sub3A_301 : i32 to vector<16xi32>
    %sub3A_303 = arith.subi %add3A_300, %sub3A_302 : vector<16xi32>
    %shift_right_logical3A_304 = arith.constant 7 : i32
    %shift_right_logical3A_305 = vector.broadcast %shift_right_logical3A_304 : i32 to vector<16xi32>
    %shift_right_logical3A_306 = arith.shrui %sub3A_303, %shift_right_logical3A_305 : vector<16xi32>
    %and3A_307 = arith.constant 127 : i32
    %and3A_308 = vector.broadcast %and3A_307 : i32 to vector<16xi32>
    %and3A_309 = arith.andi %sub3A_303, %and3A_308 : vector<16xi32>
    %add3A_310 = vector.broadcast %mul3A_2 : i32 to vector<16xi32>
    %add3A_311 = arith.addi %add3A_310, %add3A_280 : vector<16xi32>
    tpu.vector_store_idx %arg6[%shift_right_logical3A_306, %and3A_309], %add3A_311 masked %ge3A_283 : memref<202x128xi32, #tpu.memory_space<vmem>>[vector<16xi32>, vector<16xi32>], vector<16xi32>, vector<16xi1>
    %all_reduce_population_count3A_312 = tpu.all_reduce %ge3A_283 {dim = 0 : i64, kind = #tpu.reduction_kind<sum>} : vector<16xi1> -> vector<16xi32>
    %add3A_313 = arith.addi %add3A_273, %all_reduce_population_count3A_312 : vector<16xi32>
    %dma_start3A = arith.constant 0 : i32
    %dma_start3A_314 = arith.constant 0 : i32
    %dma_start3A_315 = arith.constant 0 : i32
    %dma_start3A_316 = arith.constant 0 : i32
    %dma_start3A_317 = tpu.memref_slice %arg7[%dma_start3A_314, %dma_start3A_315, %dma_start3A_316] : memref<4x128x128xf32, #tpu.memory_space<vmem>> -> memref<1x128x128xf32, #tpu.memory_space<vmem>>
    %dma_start3A_318 = tpu.memref_squeeze %dma_start3A_317 : memref<1x128x128xf32, #tpu.memory_space<vmem>> -> memref<128x128xf32, #tpu.memory_space<vmem>>
    %dma_start3A_319 = arith.constant 0 : i32
    %dma_start3A_320 = tpu.memref_slice %arg5[%dma_start3A, %dma_start3A_319] : memref<200x128xi32, #tpu.memory_space<vmem>> -> memref<1x128xi32, #tpu.memory_space<vmem>>
    %dma_start3A_321 = tpu.memref_squeeze %dma_start3A_320 : memref<1x128xi32, #tpu.memory_space<vmem>> -> memref<128xi32, #tpu.memory_space<vmem>>
    %dma_start3A_322 = arith.constant 0 : i32
    %dma_start3A_323 = arith.constant 0 : i32
    %dma_start3A_324 = tpu.memref_slice %arg3[%dma_start3A_322, %dma_start3A_323] : memref<99001x128xf32, #tpu.memory_space<hbm>> -> memref<99001x128xf32, #tpu.memory_space<hbm>>
    tpu.enqueue_indirect_dma source(%dma_start3A_324 : memref<99001x128xf32, #tpu.memory_space<hbm>>) target(%dma_start3A_318 : memref<128x128xf32, #tpu.memory_space<vmem>>) offsets(%dma_start3A_321 : memref<128xi32, #tpu.memory_space<vmem>>) semaphore(%arg8 : memref<!tpu.dma_semaphore, #tpu.memory_space<semaphore_mem>>)
    %get3A_325 = arith.constant 1 : i32
    %get3A_326 = arith.index_cast %get3A_325 : i32 to index
    %get3A_327 = arith.constant 0 : index
    %get3A_328 = tpu.vector_load %arg5[%get3A_326, %get3A_327] {strides = array<i32>} : memref<200x128xi32, #tpu.memory_space<vmem>>, vector<16xi32>,
    %add3A_329 = arith.constant 128 : i32
    %add3A_330 = vector.broadcast %add3A_329 : i32 to vector<16xi32>
    %add3A_331 = arith.addi %add3A_330, %iota3A : vector<16xi32>
    %ge3A_332 = arith.constant 99000 : i32
    %ge3A_333 = vector.broadcast %ge3A_332 : i32 to vector<16xi32>
    %ge3A_334 = arith.cmpi sge, %get3A_328, %ge3A_333 : vector<16xi32>
    %mul3A_335 = arith.constant 800 : i32
    %mul3A_336 = arith.muli %add3A, %mul3A_335 : i32
    %add3A_337 = vector.broadcast %mul3A_336 : i32 to vector<16xi32>
    %add3A_338 = arith.addi %add3A_331, %add3A_337 : vector<16xi32>
    %and3A_339 = arith.constant 16383 : i32
    %and3A_340 = vector.broadcast %and3A_339 : i32 to vector<16xi32>
    %and3A_341 = arith.andi %add3A_338, %and3A_340 : vector<16xi32>
    %select_n3A_342 = arith.select %ge3A_334, %and3A_341, %get3A_328 : vector<16xi1>, vector<16xi32>
    %swap3A_343 = arith.constant 1 : i32
    %swap3A_344 = arith.index_cast %swap3A_343 : i32 to index
    %swap3A_345 = arith.constant 0 : index
    %swap3A_346 = tpu.vector_load %arg5[%swap3A_344, %swap3A_345] {strides = array<i32>} : memref<200x128xi32, #tpu.memory_space<vmem>>, vector<16xi32>,
    tpu.vector_store %arg5[%swap3A_344, %swap3A_345], %select_n3A_342 {strides = array<i32>} : memref<200x128xi32, #tpu.memory_space<vmem>>, vector<16xi32>,
    %convert_element_type3A_347 = arith.extui %ge3A_334 : vector<16xi1> to vector<16xi32>
    %broadcast_in_dim3A_348 = arith.constant true
    %broadcast_in_dim3A_349 = vector.broadcast %broadcast_in_dim3A_348 : i1 to vector<16xi1>
    %masked_cumsum3A_350 = tpu.scan <sum>, %convert_element_type3A_347 masked %broadcast_in_dim3A_349 : vector<16xi32>, vector<16xi1> -> vector<16xi32>
    %add3A_351 = arith.addi %add3A_313, %masked_cumsum3A_350 : vector<16xi32>
    %sub3A_352 = arith.constant 1 : i32
    %sub3A_353 = vector.broadcast %sub3A_352 : i32 to vector<16xi32>
    %sub3A_354 = arith.subi %add3A_351, %sub3A_353 : vector<16xi32>
    %shift_right_logical3A_355 = arith.constant 7 : i32
    %shift_right_logical3A_356 = vector.broadcast %shift_right_logical3A_355 : i32 to vector<16xi32>
    %shift_right_logical3A_357 = arith.shrui %sub3A_354, %shift_right_logical3A_356 : vector<16xi32>
    %and3A_358 = arith.constant 127 : i32
    %and3A_359 = vector.broadcast %and3A_358 : i32 to vector<16xi32>
    %and3A_360 = arith.andi %sub3A_354, %and3A_359 : vector<16xi32>
    %add3A_361 = vector.broadcast %mul3A_2 : i32 to vector<16xi32>
    %add3A_362 = arith.addi %add3A_361, %add3A_331 : vector<16xi32>
    tpu.vector_store_idx %arg6[%shift_right_logical3A_357, %and3A_360], %add3A_362 masked %ge3A_334 : memref<202x128xi32, #tpu.memory_space<vmem>>[vector<16xi32>, vector<16xi32>], vector<16xi32>, vector<16xi1>
    %all_reduce_population_count3A_363 = tpu.all_reduce %ge3A_334 {dim = 0 : i64, kind = #tpu.reduction_kind<sum>} : vector<16xi1> -> vector<16xi32>
    %add3A_364 = arith.addi %add3A_313, %all_reduce_population_count3A_363 : vector<16xi32>
    %get3A_365 = arith.constant 1 : i32
    %get3A_366 = arith.index_cast %get3A_365 : i32 to index
    %get3A_367 = arith.constant 16 : index
    %get3A_368 = tpu.vector_load %arg5[%get3A_366, %get3A_367] {strides = array<i32>} : memref<200x128xi32, #tpu.memory_space<vmem>>, vector<16xi32>,
    %add3A_369 = arith.constant 144 : i32
    %add3A_370 = vector.broadcast %add3A_369 : i32 to vector<16xi32>
    %add3A_371 = arith.addi %add3A_370, %iota3A : vector<16xi32>
    %ge3A_372 = arith.constant 99000 : i32
    %ge3A_373 = vector.broadcast %ge3A_372 : i32 to vector<16xi32>
    %ge3A_374 = arith.cmpi sge, %get3A_368, %ge3A_373 : vector<16xi32>
    %mul3A_375 = arith.constant 800 : i32
    %mul3A_376 = arith.muli %add3A, %mul3A_375 : i32
    %add3A_377 = vector.broadcast %mul3A_376 : i32 to vector<16xi32>
    %add3A_378 = arith.addi %add3A_371, %add3A_377 : vector<16xi32>
    %and3A_379 = arith.constant 16383 : i32
    %and3A_380 = vector.broadcast %and3A_379 : i32 to vector<16xi32>
    %and3A_381 = arith.andi %add3A_378, %and3A_380 : vector<16xi32>
    %select_n3A_382 = arith.select %ge3A_374, %and3A_381, %get3A_368 : vector<16xi1>, vector<16xi32>
    %swap3A_383 = arith.constant 1 : i32
    %swap3A_384 = arith.index_cast %swap3A_383 : i32 to index
    %swap3A_385 = arith.constant 16 : index
    %swap3A_386 = tpu.vector_load %arg5[%swap3A_384, %swap3A_385] {strides = array<i32>} : memref<200x128xi32, #tpu.memory_space<vmem>>, vector<16xi32>,
    tpu.vector_store %arg5[%swap3A_384, %swap3A_385], %select_n3A_382 {strides = array<i32>} : memref<200x128xi32, #tpu.memory_space<vmem>>, vector<16xi32>,
    %convert_element_type3A_387 = arith.extui %ge3A_374 : vector<16xi1> to vector<16xi32>
    %broadcast_in_dim3A_388 = arith.constant true
    %broadcast_in_dim3A_389 = vector.broadcast %broadcast_in_dim3A_388 : i1 to vector<16xi1>
    %masked_cumsum3A_390 = tpu.scan <sum>, %convert_element_type3A_387 masked %broadcast_in_dim3A_389 : vector<16xi32>, vector<16xi1> -> vector<16xi32>
    %add3A_391 = arith.addi %add3A_364, %masked_cumsum3A_390 : vector<16xi32>
    %sub3A_392 = arith.constant 1 : i32
    %sub3A_393 = vector.broadcast %sub3A_392 : i32 to vector<16xi32>
    %sub3A_394 = arith.subi %add3A_391, %sub3A_393 : vector<16xi32>
    %shift_right_logical3A_395 = arith.constant 7 : i32
    %shift_right_logical3A_396 = vector.broadcast %shift_right_logical3A_395 : i32 to vector<16xi32>
    %shift_right_logical3A_397 = arith.shrui %sub3A_394, %shift_right_logical3A_396 : vector<16xi32>
    %and3A_398 = arith.constant 127 : i32
    %and3A_399 = vector.broadcast %and3A_398 : i32 to vector<16xi32>
    %and3A_400 = arith.andi %sub3A_394, %and3A_399 : vector<16xi32>
    %add3A_401 = vector.broadcast %mul3A_2 : i32 to vector<16xi32>
    %add3A_402 = arith.addi %add3A_401, %add3A_371 : vector<16xi32>
    tpu.vector_store_idx %arg6[%shift_right_logical3A_397, %and3A_400], %add3A_402 masked %ge3A_374 : memref<202x128xi32, #tpu.memory_space<vmem>>[vector<16xi32>, vector<16xi32>], vector<16xi32>, vector<16xi1>
    %all_reduce_population_count3A_403 = tpu.all_reduce %ge3A_374 {dim = 0 : i64, kind = #tpu.reduction_kind<sum>} : vector<16xi1> -> vector<16xi32>
    %add3A_404 = arith.addi %add3A_364, %all_reduce_population_count3A_403 : vector<16xi32>
    %get3A_405 = arith.constant 1 : i32
    %get3A_406 = arith.index_cast %get3A_405 : i32 to index
    %get3A_407 = arith.constant 32 : index
    %get3A_408 = tpu.vector_load %arg5[%get3A_406, %get3A_407] {strides = array<i32>} : memref<200x128xi32, #tpu.memory_space<vmem>>, vector<16xi32>,
    %add3A_409 = arith.constant 160 : i32
    %add3A_410 = vector.broadcast %add3A_409 : i32 to vector<16xi32>
    %add3A_411 = arith.addi %add3A_410, %iota3A : vector<16xi32>
    %ge3A_412 = arith.constant 99000 : i32
    %ge3A_413 = vector.broadcast %ge3A_412 : i32 to vector<16xi32>
    %ge3A_414 = arith.cmpi sge, %get3A_408, %ge3A_413 : vector<16xi32>
    %mul3A_415 = arith.constant 800 : i32
    %mul3A_416 = arith.muli %add3A, %mul3A_415 : i32
    %add3A_417 = vector.broadcast %mul3A_416 : i32 to vector<16xi32>
    %add3A_418 = arith.addi %add3A_411, %add3A_417 : vector<16xi32>
    %and3A_419 = arith.constant 16383 : i32
    %and3A_420 = vector.broadcast %and3A_419 : i32 to vector<16xi32>
    %and3A_421 = arith.andi %add3A_418, %and3A_420 : vector<16xi32>
    %select_n3A_422 = arith.select %ge3A_414, %and3A_421, %get3A_408 : vector<16xi1>, vector<16xi32>
    %swap3A_423 = arith.constant 1 : i32
    %swap3A_424 = arith.index_cast %swap3A_423 : i32 to index
    %swap3A_425 = arith.constant 32 : index
    %swap3A_426 = tpu.vector_load %arg5[%swap3A_424, %swap3A_425] {strides = array<i32>} : memref<200x128xi32, #tpu.memory_space<vmem>>, vector<16xi32>,
    tpu.vector_store %arg5[%swap3A_424, %swap3A_425], %select_n3A_422 {strides = array<i32>} : memref<200x128xi32, #tpu.memory_space<vmem>>, vector<16xi32>,
    %convert_element_type3A_427 = arith.extui %ge3A_414 : vector<16xi1> to vector<16xi32>
    %broadcast_in_dim3A_428 = arith.constant true
    %broadcast_in_dim3A_429 = vector.broadcast %broadcast_in_dim3A_428 : i1 to vector<16xi1>
    %masked_cumsum3A_430 = tpu.scan <sum>, %convert_element_type3A_427 masked %broadcast_in_dim3A_429 : vector<16xi32>, vector<16xi1> -> vector<16xi32>
    %add3A_431 = arith.addi %add3A_404, %masked_cumsum3A_430 : vector<16xi32>
    %sub3A_432 = arith.constant 1 : i32
    %sub3A_433 = vector.broadcast %sub3A_432 : i32 to vector<16xi32>
    %sub3A_434 = arith.subi %add3A_431, %sub3A_433 : vector<16xi32>
    %shift_right_logical3A_435 = arith.constant 7 : i32
    %shift_right_logical3A_436 = vector.broadcast %shift_right_logical3A_435 : i32 to vector<16xi32>
    %shift_right_logical3A_437 = arith.shrui %sub3A_434, %shift_right_logical3A_436 : vector<16xi32>
    %and3A_438 = arith.constant 127 : i32
    %and3A_439 = vector.broadcast %and3A_438 : i32 to vector<16xi32>
    %and3A_440 = arith.andi %sub3A_434, %and3A_439 : vector<16xi32>
    %add3A_441 = vector.broadcast %mul3A_2 : i32 to vector<16xi32>
    %add3A_442 = arith.addi %add3A_441, %add3A_411 : vector<16xi32>
    tpu.vector_store_idx %arg6[%shift_right_logical3A_437, %and3A_440], %add3A_442 masked %ge3A_414 : memref<202x128xi32, #tpu.memory_space<vmem>>[vector<16xi32>, vector<16xi32>], vector<16xi32>, vector<16xi1>
    %all_reduce_population_count3A_443 = tpu.all_reduce %ge3A_414 {dim = 0 : i64, kind = #tpu.reduction_kind<sum>} : vector<16xi1> -> vector<16xi32>
    %add3A_444 = arith.addi %add3A_404, %all_reduce_population_count3A_443 : vector<16xi32>
    %get3A_445 = arith.constant 1 : i32
    %get3A_446 = arith.index_cast %get3A_445 : i32 to index
    %get3A_447 = arith.constant 48 : index
    %get3A_448 = tpu.vector_load %arg5[%get3A_446, %get3A_447] {strides = array<i32>} : memref<200x128xi32, #tpu.memory_space<vmem>>, vector<16xi32>,
    %add3A_449 = arith.constant 176 : i32
    %add3A_450 = vector.broadcast %add3A_449 : i32 to vector<16xi32>
    %add3A_451 = arith.addi %add3A_450, %iota3A : vector<16xi32>
    %ge3A_452 = arith.constant 99000 : i32
    %ge3A_453 = vector.broadcast %ge3A_452 : i32 to vector<16xi32>
    %ge3A_454 = arith.cmpi sge, %get3A_448, %ge3A_453 : vector<16xi32>
    %mul3A_455 = arith.constant 800 : i32
    %mul3A_456 = arith.muli %add3A, %mul3A_455 : i32
    %add3A_457 = vector.broadcast %mul3A_456 : i32 to vector<16xi32>
    %add3A_458 = arith.addi %add3A_451, %add3A_457 : vector<16xi32>
    %and3A_459 = arith.constant 16383 : i32
    %and3A_460 = vector.broadcast %and3A_459 : i32 to vector<16xi32>
    %and3A_461 = arith.andi %add3A_458, %and3A_460 : vector<16xi32>
    %select_n3A_462 = arith.select %ge3A_454, %and3A_461, %get3A_448 : vector<16xi1>, vector<16xi32>
    %swap3A_463 = arith.constant 1 : i32
    %swap3A_464 = arith.index_cast %swap3A_463 : i32 to index
    %swap3A_465 = arith.constant 48 : index
    %swap3A_466 = tpu.vector_load %arg5[%swap3A_464, %swap3A_465] {strides = array<i32>} : memref<200x128xi32, #tpu.memory_space<vmem>>, vector<16xi32>,
    tpu.vector_store %arg5[%swap3A_464, %swap3A_465], %select_n3A_462 {strides = array<i32>} : memref<200x128xi32, #tpu.memory_space<vmem>>, vector<16xi32>,
    %convert_element_type3A_467 = arith.extui %ge3A_454 : vector<16xi1> to vector<16xi32>
    %broadcast_in_dim3A_468 = arith.constant true
    %broadcast_in_dim3A_469 = vector.broadcast %broadcast_in_dim3A_468 : i1 to vector<16xi1>
    %masked_cumsum3A_470 = tpu.scan <sum>, %convert_element_type3A_467 masked %broadcast_in_dim3A_469 : vector<16xi32>, vector<16xi1> -> vector<16xi32>
    %add3A_471 = arith.addi %add3A_444, %masked_cumsum3A_470 : vector<16xi32>
    %sub3A_472 = arith.constant 1 : i32
    %sub3A_473 = vector.broadcast %sub3A_472 : i32 to vector<16xi32>
    %sub3A_474 = arith.subi %add3A_471, %sub3A_473 : vector<16xi32>
    %shift_right_logical3A_475 = arith.constant 7 : i32
    %shift_right_logical3A_476 = vector.broadcast %shift_right_logical3A_475 : i32 to vector<16xi32>
    %shift_right_logical3A_477 = arith.shrui %sub3A_474, %shift_right_logical3A_476 : vector<16xi32>
    %and3A_478 = arith.constant 127 : i32
    %and3A_479 = vector.broadcast %and3A_478 : i32 to vector<16xi32>
    %and3A_480 = arith.andi %sub3A_474, %and3A_479 : vector<16xi32>
    %add3A_481 = vector.broadcast %mul3A_2 : i32 to vector<16xi32>
    %add3A_482 = arith.addi %add3A_481, %add3A_451 : vector<16xi32>
    tpu.vector_store_idx %arg6[%shift_right_logical3A_477, %and3A_480], %add3A_482 masked %ge3A_454 : memref<202x128xi32, #tpu.memory_space<vmem>>[vector<16xi32>, vector<16xi32>], vector<16xi32>, vector<16xi1>
    %all_reduce_population_count3A_483 = tpu.all_reduce %ge3A_454 {dim = 0 : i64, kind = #tpu.reduction_kind<sum>} : vector<16xi1> -> vector<16xi32>
    %add3A_484 = arith.addi %add3A_444, %all_reduce_population_count3A_483 : vector<16xi32>
    %get3A_485 = arith.constant 1 : i32
    %get3A_486 = arith.index_cast %get3A_485 : i32 to index
    %get3A_487 = arith.constant 64 : index
    %get3A_488 = tpu.vector_load %arg5[%get3A_486, %get3A_487] {strides = array<i32>} : memref<200x128xi32, #tpu.memory_space<vmem>>, vector<16xi32>,
    %add3A_489 = arith.constant 192 : i32
    %add3A_490 = vector.broadcast %add3A_489 : i32 to vector<16xi32>
    %add3A_491 = arith.addi %add3A_490, %iota3A : vector<16xi32>
    %ge3A_492 = arith.constant 99000 : i32
    %ge3A_493 = vector.broadcast %ge3A_492 : i32 to vector<16xi32>
    %ge3A_494 = arith.cmpi sge, %get3A_488, %ge3A_493 : vector<16xi32>
    %mul3A_495 = arith.constant 800 : i32
    %mul3A_496 = arith.muli %add3A, %mul3A_495 : i32
    %add3A_497 = vector.broadcast %mul3A_496 : i32 to vector<16xi32>
    %add3A_498 = arith.addi %add3A_491, %add3A_497 : vector<16xi32>
    %and3A_499 = arith.constant 16383 : i32
    %and3A_500 = vector.broadcast %and3A_499 : i32 to vector<16xi32>
    %and3A_501 = arith.andi %add3A_498, %and3A_500 : vector<16xi32>
    %select_n3A_502 = arith.select %ge3A_494, %and3A_501, %get3A_488 : vector<16xi1>, vector<16xi32>
    %swap3A_503 = arith.constant 1 : i32
    %swap3A_504 = arith.index_cast %swap3A_503 : i32 to index
    %swap3A_505 = arith.constant 64 : index
    %swap3A_506 = tpu.vector_load %arg5[%swap3A_504, %swap3A_505] {strides = array<i32>} : memref<200x128xi32, #tpu.memory_space<vmem>>, vector<16xi32>,
    tpu.vector_store %arg5[%swap3A_504, %swap3A_505], %select_n3A_502 {strides = array<i32>} : memref<200x128xi32, #tpu.memory_space<vmem>>, vector<16xi32>,
    %convert_element_type3A_507 = arith.extui %ge3A_494 : vector<16xi1> to vector<16xi32>
    %broadcast_in_dim3A_508 = arith.constant true
    %broadcast_in_dim3A_509 = vector.broadcast %broadcast_in_dim3A_508 : i1 to vector<16xi1>
    %masked_cumsum3A_510 = tpu.scan <sum>, %convert_element_type3A_507 masked %broadcast_in_dim3A_509 : vector<16xi32>, vector<16xi1> -> vector<16xi32>
    %add3A_511 = arith.addi %add3A_484, %masked_cumsum3A_510 : vector<16xi32>
    %sub3A_512 = arith.constant 1 : i32
    %sub3A_513 = vector.broadcast %sub3A_512 : i32 to vector<16xi32>
    %sub3A_514 = arith.subi %add3A_511, %sub3A_513 : vector<16xi32>
    %shift_right_logical3A_515 = arith.constant 7 : i32
    %shift_right_logical3A_516 = vector.broadcast %shift_right_logical3A_515 : i32 to vector<16xi32>
    %shift_right_logical3A_517 = arith.shrui %sub3A_514, %shift_right_logical3A_516 : vector<16xi32>
    %and3A_518 = arith.constant 127 : i32
    %and3A_519 = vector.broadcast %and3A_518 : i32 to vector<16xi32>
    %and3A_520 = arith.andi %sub3A_514, %and3A_519 : vector<16xi32>
    %add3A_521 = vector.broadcast %mul3A_2 : i32 to vector<16xi32>
    %add3A_522 = arith.addi %add3A_521, %add3A_491 : vector<16xi32>
    tpu.vector_store_idx %arg6[%shift_right_logical3A_517, %and3A_520], %add3A_522 masked %ge3A_494 : memref<202x128xi32, #tpu.memory_space<vmem>>[vector<16xi32>, vector<16xi32>], vector<16xi32>, vector<16xi1>
    %all_reduce_population_count3A_523 = tpu.all_reduce %ge3A_494 {dim = 0 : i64, kind = #tpu.reduction_kind<sum>} : vector<16xi1> -> vector<16xi32>
    %add3A_524 = arith.addi %add3A_484, %all_reduce_population_count3A_523 : vector<16xi32>
    %get3A_525 = arith.constant 1 : i32
    %get3A_526 = arith.index_cast %get3A_525 : i32 to index
    %get3A_527 = arith.constant 80 : index
    %get3A_528 = tpu.vector_load %arg5[%get3A_526, %get3A_527] {strides = array<i32>} : memref<200x128xi32, #tpu.memory_space<vmem>>, vector<16xi32>,
    %add3A_529 = arith.constant 208 : i32
    %add3A_530 = vector.broadcast %add3A_529 : i32 to vector<16xi32>
    %add3A_531 = arith.addi %add3A_530, %iota3A : vector<16xi32>
    %ge3A_532 = arith.constant 99000 : i32
    %ge3A_533 = vector.broadcast %ge3A_532 : i32 to vector<16xi32>
    %ge3A_534 = arith.cmpi sge, %get3A_528, %ge3A_533 : vector<16xi32>
    %mul3A_535 = arith.constant 800 : i32
    %mul3A_536 = arith.muli %add3A, %mul3A_535 : i32
    %add3A_537 = vector.broadcast %mul3A_536 : i32 to vector<16xi32>
    %add3A_538 = arith.addi %add3A_531, %add3A_537 : vector<16xi32>
    %and3A_539 = arith.constant 16383 : i32
    %and3A_540 = vector.broadcast %and3A_539 : i32 to vector<16xi32>
    %and3A_541 = arith.andi %add3A_538, %and3A_540 : vector<16xi32>
    %select_n3A_542 = arith.select %ge3A_534, %and3A_541, %get3A_528 : vector<16xi1>, vector<16xi32>
    %swap3A_543 = arith.constant 1 : i32
    %swap3A_544 = arith.index_cast %swap3A_543 : i32 to index
    %swap3A_545 = arith.constant 80 : index
    %swap3A_546 = tpu.vector_load %arg5[%swap3A_544, %swap3A_545] {strides = array<i32>} : memref<200x128xi32, #tpu.memory_space<vmem>>, vector<16xi32>,
    tpu.vector_store %arg5[%swap3A_544, %swap3A_545], %select_n3A_542 {strides = array<i32>} : memref<200x128xi32, #tpu.memory_space<vmem>>, vector<16xi32>,
    %convert_element_type3A_547 = arith.extui %ge3A_534 : vector<16xi1> to vector<16xi32>
    %broadcast_in_dim3A_548 = arith.constant true
    %broadcast_in_dim3A_549 = vector.broadcast %broadcast_in_dim3A_548 : i1 to vector<16xi1>
    %masked_cumsum3A_550 = tpu.scan <sum>, %convert_element_type3A_547 masked %broadcast_in_dim3A_549 : vector<16xi32>, vector<16xi1> -> vector<16xi32>
    %add3A_551 = arith.addi %add3A_524, %masked_cumsum3A_550 : vector<16xi32>
    %sub3A_552 = arith.constant 1 : i32
    %sub3A_553 = vector.broadcast %sub3A_552 : i32 to vector<16xi32>
    %sub3A_554 = arith.subi %add3A_551, %sub3A_553 : vector<16xi32>
    %shift_right_logical3A_555 = arith.constant 7 : i32
    %shift_right_logical3A_556 = vector.broadcast %shift_right_logical3A_555 : i32 to vector<16xi32>
    %shift_right_logical3A_557 = arith.shrui %sub3A_554, %shift_right_logical3A_556 : vector<16xi32>
    %and3A_558 = arith.constant 127 : i32
    %and3A_559 = vector.broadcast %and3A_558 : i32 to vector<16xi32>
    %and3A_560 = arith.andi %sub3A_554, %and3A_559 : vector<16xi32>
    %add3A_561 = vector.broadcast %mul3A_2 : i32 to vector<16xi32>
    %add3A_562 = arith.addi %add3A_561, %add3A_531 : vector<16xi32>
    tpu.vector_store_idx %arg6[%shift_right_logical3A_557, %and3A_560], %add3A_562 masked %ge3A_534 : memref<202x128xi32, #tpu.memory_space<vmem>>[vector<16xi32>, vector<16xi32>], vector<16xi32>, vector<16xi1>
    %all_reduce_population_count3A_563 = tpu.all_reduce %ge3A_534 {dim = 0 : i64, kind = #tpu.reduction_kind<sum>} : vector<16xi1> -> vector<16xi32>
    %add3A_564 = arith.addi %add3A_524, %all_reduce_population_count3A_563 : vector<16xi32>
    %get3A_565 = arith.constant 1 : i32
    %get3A_566 = arith.index_cast %get3A_565 : i32 to index
    %get3A_567 = arith.constant 96 : index
    %get3A_568 = tpu.vector_load %arg5[%get3A_566, %get3A_567] {strides = array<i32>} : memref<200x128xi32, #tpu.memory_space<vmem>>, vector<16xi32>,
    %add3A_569 = arith.constant 224 : i32
    %add3A_570 = vector.broadcast %add3A_569 : i32 to vector<16xi32>
    %add3A_571 = arith.addi %add3A_570, %iota3A : vector<16xi32>
    %ge3A_572 = arith.constant 99000 : i32
    %ge3A_573 = vector.broadcast %ge3A_572 : i32 to vector<16xi32>
    %ge3A_574 = arith.cmpi sge, %get3A_568, %ge3A_573 : vector<16xi32>
    %mul3A_575 = arith.constant 800 : i32
    %mul3A_576 = arith.muli %add3A, %mul3A_575 : i32
    %add3A_577 = vector.broadcast %mul3A_576 : i32 to vector<16xi32>
    %add3A_578 = arith.addi %add3A_571, %add3A_577 : vector<16xi32>
    %and3A_579 = arith.constant 16383 : i32
    %and3A_580 = vector.broadcast %and3A_579 : i32 to vector<16xi32>
    %and3A_581 = arith.andi %add3A_578, %and3A_580 : vector<16xi32>
    %select_n3A_582 = arith.select %ge3A_574, %and3A_581, %get3A_568 : vector<16xi1>, vector<16xi32>
    %swap3A_583 = arith.constant 1 : i32
    %swap3A_584 = arith.index_cast %swap3A_583 : i32 to index
    %swap3A_585 = arith.constant 96 : index
    %swap3A_586 = tpu.vector_load %arg5[%swap3A_584, %swap3A_585] {strides = array<i32>} : memref<200x128xi32, #tpu.memory_space<vmem>>, vector<16xi32>,
    tpu.vector_store %arg5[%swap3A_584, %swap3A_585], %select_n3A_582 {strides = array<i32>} : memref<200x128xi32, #tpu.memory_space<vmem>>, vector<16xi32>,
    %convert_element_type3A_587 = arith.extui %ge3A_574 : vector<16xi1> to vector<16xi32>
    %broadcast_in_dim3A_588 = arith.constant true
    %broadcast_in_dim3A_589 = vector.broadcast %broadcast_in_dim3A_588 : i1 to vector<16xi1>
    %masked_cumsum3A_590 = tpu.scan <sum>, %convert_element_type3A_587 masked %broadcast_in_dim3A_589 : vector<16xi32>, vector<16xi1> -> vector<16xi32>
    %add3A_591 = arith.addi %add3A_564, %masked_cumsum3A_590 : vector<16xi32>
    %sub3A_592 = arith.constant 1 : i32
    %sub3A_593 = vector.broadcast %sub3A_592 : i32 to vector<16xi32>
    %sub3A_594 = arith.subi %add3A_591, %sub3A_593 : vector<16xi32>
    %shift_right_logical3A_595 = arith.constant 7 : i32
    %shift_right_logical3A_596 = vector.broadcast %shift_right_logical3A_595 : i32 to vector<16xi32>
    %shift_right_logical3A_597 = arith.shrui %sub3A_594, %shift_right_logical3A_596 : vector<16xi32>
    %and3A_598 = arith.constant 127 : i32
    %and3A_599 = vector.broadcast %and3A_598 : i32 to vector<16xi32>
    %and3A_600 = arith.andi %sub3A_594, %and3A_599 : vector<16xi32>
    %add3A_601 = vector.broadcast %mul3A_2 : i32 to vector<16xi32>
    %add3A_602 = arith.addi %add3A_601, %add3A_571 : vector<16xi32>
    tpu.vector_store_idx %arg6[%shift_right_logical3A_597, %and3A_600], %add3A_602 masked %ge3A_574 : memref<202x128xi32, #tpu.memory_space<vmem>>[vector<16xi32>, vector<16xi32>], vector<16xi32>, vector<16xi1>
    %all_reduce_population_count3A_603 = tpu.all_reduce %ge3A_574 {dim = 0 : i64, kind = #tpu.reduction_kind<sum>} : vector<16xi1> -> vector<16xi32>
    %add3A_604 = arith.addi %add3A_564, %all_reduce_population_count3A_603 : vector<16xi32>
    %get3A_605 = arith.constant 1 : i32
    %get3A_606 = arith.index_cast %get3A_605 : i32 to index
    %get3A_607 = arith.constant 112 : index
    %get3A_608 = tpu.vector_load %arg5[%get3A_606, %get3A_607] {strides = array<i32>} : memref<200x128xi32, #tpu.memory_space<vmem>>, vector<16xi32>,
    %add3A_609 = arith.constant 240 : i32
    %add3A_610 = vector.broadcast %add3A_609 : i32 to vector<16xi32>
    %add3A_611 = arith.addi %add3A_610, %iota3A : vector<16xi32>
    %ge3A_612 = arith.constant 99000 : i32
    %ge3A_613 = vector.broadcast %ge3A_612 : i32 to vector<16xi32>
    %ge3A_614 = arith.cmpi sge, %get3A_608, %ge3A_613 : vector<16xi32>
    %mul3A_615 = arith.constant 800 : i32
    %mul3A_616 = arith.muli %add3A, %mul3A_615 : i32
    %add3A_617 = vector.broadcast %mul3A_616 : i32 to vector<16xi32>
    %add3A_618 = arith.addi %add3A_611, %add3A_617 : vector<16xi32>
    %and3A_619 = arith.constant 16383 : i32
    %and3A_620 = vector.broadcast %and3A_619 : i32 to vector<16xi32>
    %and3A_621 = arith.andi %add3A_618, %and3A_620 : vector<16xi32>
    %select_n3A_622 = arith.select %ge3A_614, %and3A_621, %get3A_608 : vector<16xi1>, vector<16xi32>
    %swap3A_623 = arith.constant 1 : i32
    %swap3A_624 = arith.index_cast %swap3A_623 : i32 to index
    %swap3A_625 = arith.constant 112 : index
    %swap3A_626 = tpu.vector_load %arg5[%swap3A_624, %swap3A_625] {strides = array<i32>} : memref<200x128xi32, #tpu.memory_space<vmem>>, vector<16xi32>,
    tpu.vector_store %arg5[%swap3A_624, %swap3A_625], %select_n3A_622 {strides = array<i32>} : memref<200x128xi32, #tpu.memory_space<vmem>>, vector<16xi32>,
    %convert_element_type3A_627 = arith.extui %ge3A_614 : vector<16xi1> to vector<16xi32>
    %broadcast_in_dim3A_628 = arith.constant true
    %broadcast_in_dim3A_629 = vector.broadcast %broadcast_in_dim3A_628 : i1 to vector<16xi1>
    %masked_cumsum3A_630 = tpu.scan <sum>, %convert_element_type3A_627 masked %broadcast_in_dim3A_629 : vector<16xi32>, vector<16xi1> -> vector<16xi32>
    %add3A_631 = arith.addi %add3A_604, %masked_cumsum3A_630 : vector<16xi32>
    %sub3A_632 = arith.constant 1 : i32
    %sub3A_633 = vector.broadcast %sub3A_632 : i32 to vector<16xi32>
    %sub3A_634 = arith.subi %add3A_631, %sub3A_633 : vector<16xi32>
    %shift_right_logical3A_635 = arith.constant 7 : i32
    %shift_right_logical3A_636 = vector.broadcast %shift_right_logical3A_635 : i32 to vector<16xi32>
    %shift_right_logical3A_637 = arith.shrui %sub3A_634, %shift_right_logical3A_636 : vector<16xi32>
    %and3A_638 = arith.constant 127 : i32
    %and3A_639 = vector.broadcast %and3A_638 : i32 to vector<16xi32>
    %and3A_640 = arith.andi %sub3A_634, %and3A_639 : vector<16xi32>
    %add3A_641 = vector.broadcast %mul3A_2 : i32 to vector<16xi32>
    %add3A_642 = arith.addi %add3A_641, %add3A_611 : vector<16xi32>
    tpu.vector_store_idx %arg6[%shift_right_logical3A_637, %and3A_640], %add3A_642 masked %ge3A_614 : memref<202x128xi32, #tpu.memory_space<vmem>>[vector<16xi32>, vector<16xi32>], vector<16xi32>, vector<16xi1>
    %all_reduce_population_count3A_643 = tpu.all_reduce %ge3A_614 {dim = 0 : i64, kind = #tpu.reduction_kind<sum>} : vector<16xi1> -> vector<16xi32>
    %add3A_644 = arith.addi %add3A_604, %all_reduce_population_count3A_643 : vector<16xi32>
    %dma_start3A_645 = arith.constant 1 : i32
    %dma_start3A_646 = arith.constant 1 : i32
    %dma_start3A_647 = arith.constant 0 : i32
    %dma_start3A_648 = arith.constant 0 : i32
    %dma_start3A_649 = tpu.memref_slice %arg7[%dma_start3A_646, %dma_start3A_647, %dma_start3A_648] : memref<4x128x128xf32, #tpu.memory_space<vmem>> -> memref<1x128x128xf32, #tpu.memory_space<vmem>>
    %dma_start3A_650 = tpu.memref_squeeze %dma_start3A_649 : memref<1x128x128xf32, #tpu.memory_space<vmem>> -> memref<128x128xf32, #tpu.memory_space<vmem>>
    %dma_start3A_651 = arith.constant 0 : i32
    %dma_start3A_652 = tpu.memref_slice %arg5[%dma_start3A_645, %dma_start3A_651] : memref<200x128xi32, #tpu.memory_space<vmem>> -> memref<1x128xi32, #tpu.memory_space<vmem>>
    %dma_start3A_653 = tpu.memref_squeeze %dma_start3A_652 : memref<1x128xi32, #tpu.memory_space<vmem>> -> memref<128xi32, #tpu.memory_space<vmem>>
    %dma_start3A_654 = arith.constant 0 : i32
    %dma_start3A_655 = arith.constant 0 : i32
    %dma_start3A_656 = tpu.memref_slice %arg3[%dma_start3A_654, %dma_start3A_655] : memref<99001x128xf32, #tpu.memory_space<hbm>> -> memref<99001x128xf32, #tpu.memory_space<hbm>>
    tpu.enqueue_indirect_dma source(%dma_start3A_656 : memref<99001x128xf32, #tpu.memory_space<hbm>>) target(%dma_start3A_650 : memref<128x128xf32, #tpu.memory_space<vmem>>) offsets(%dma_start3A_653 : memref<128xi32, #tpu.memory_space<vmem>>) semaphore(%arg9 : memref<!tpu.dma_semaphore, #tpu.memory_space<semaphore_mem>>)
    %scan3A = arith.constant 0 : i32
    %scan3A_657 = arith.constant 50 : i32
    %scan3A_658 = arith.addi %scan3A, %scan3A_657 : i32
    %scan3A_659 = arith.constant 1 : i32
    %scan3A_660 = scf.for %scan3A_731 = %scan3A to %scan3A_658 step %scan3A_659 iter_args(%scan3A_732 = %add3A_644) -> (vector<16xi32>)  : i32 {
      %mul3A_733 = arith.constant 4 : i32
      %mul3A_734 = arith.muli %scan3A_731, %mul3A_733 : i32
      %add3A_735 = arith.constant 0 : i32
      %add3A_736 = arith.addi %mul3A_734, %add3A_735 : i32
      %dma_wait3A_737 = arith.constant 0 : i32
      %dma_wait3A_738 = arith.constant 0 : i32
      %dma_wait3A_739 = arith.constant 0 : i32
      %dma_wait3A_740 = tpu.memref_slice %arg7[%dma_wait3A_737, %dma_wait3A_738, %dma_wait3A_739] : memref<4x128x128xf32, #tpu.memory_space<vmem>> -> memref<1x128x128xf32, #tpu.memory_space<vmem>>
      %dma_wait3A_741 = tpu.memref_squeeze %dma_wait3A_740 : memref<1x128x128xf32, #tpu.memory_space<vmem>> -> memref<128x128xf32, #tpu.memory_space<vmem>>
      %dma_wait3A_742 = arith.constant 0 : i32
      %dma_wait3A_743 = tpu.memref_slice %arg5[%add3A_736, %dma_wait3A_742] : memref<200x128xi32, #tpu.memory_space<vmem>> -> memref<1x128xi32, #tpu.memory_space<vmem>>
      %dma_wait3A_744 = tpu.memref_squeeze %dma_wait3A_743 : memref<1x128xi32, #tpu.memory_space<vmem>> -> memref<128xi32, #tpu.memory_space<vmem>>
      %dma_wait3A_745 = arith.constant 0 : i32
      %dma_wait3A_746 = arith.constant 0 : i32
      %dma_wait3A_747 = tpu.memref_slice %arg3[%dma_wait3A_745, %dma_wait3A_746] : memref<99001x128xf32, #tpu.memory_space<hbm>> -> memref<99001x128xf32, #tpu.memory_space<hbm>>
      tpu.wait_indirect_dma semaphore(%arg8 : memref<!tpu.dma_semaphore, #tpu.memory_space<semaphore_mem>>) src(%dma_wait3A_747 : memref<99001x128xf32, #tpu.memory_space<hbm>>) dst(%dma_wait3A_741 : memref<128x128xf32, #tpu.memory_space<vmem>>)
      %scan3A_748 = arith.constant 0 : i32
      %scan3A_749 = arith.constant 0 : i32
      %scan3A_750 = arith.constant 128 : i32
      %scan3A_751 = arith.addi %scan3A_749, %scan3A_750 : i32
      %scan3A_752 = arith.constant 2 : i32
      scf.for %scan3A_972 = %scan3A_749 to %scan3A_751 step %scan3A_752  : i32 {
        %get3A_973 = arith.constant 0 : i32
        %get3A_974 = arith.index_cast %get3A_973 : i32 to index
        %get3A_975 = arith.index_cast %scan3A_972 : i32 to index
        %get3A_976 = arith.constant 0 : index
        %get3A_977 = tpu.vector_load %arg7[%get3A_974, %get3A_975, %get3A_976] {strides = array<i32>} : memref<4x128x128xf32, #tpu.memory_space<vmem>>, vector<16xf32>,
        %mul3A_978 = arith.constant 11.3137083 : f32
        %mul3A_979 = vector.broadcast %mul3A_978 : f32 to vector<16xf32>
        %mul3A_980 = arith.mulf %get3A_977, %mul3A_979 : vector<16xf32>
        %swap3A_981 = arith.constant 0 : i32
        %swap3A_982 = arith.index_cast %swap3A_981 : i32 to index
        %swap3A_983 = arith.index_cast %scan3A_972 : i32 to index
        %swap3A_984 = arith.constant 0 : index
        %swap3A_985 = tpu.vector_load %arg7[%swap3A_982, %swap3A_983, %swap3A_984] {strides = array<i32>} : memref<4x128x128xf32, #tpu.memory_space<vmem>>, vector<16xf32>,
        tpu.vector_store %arg7[%swap3A_982, %swap3A_983, %swap3A_984], %mul3A_980 {strides = array<i32>} : memref<4x128x128xf32, #tpu.memory_space<vmem>>, vector<16xf32>,
        %get3A_986 = arith.constant 0 : i32
        %get3A_987 = arith.index_cast %get3A_986 : i32 to index
        %get3A_988 = arith.index_cast %scan3A_972 : i32 to index
        %get3A_989 = arith.constant 16 : index
        %get3A_990 = tpu.vector_load %arg7[%get3A_987, %get3A_988, %get3A_989] {strides = array<i32>} : memref<4x128x128xf32, #tpu.memory_space<vmem>>, vector<16xf32>,
        %mul3A_991 = arith.constant 11.3137083 : f32
        %mul3A_992 = vector.broadcast %mul3A_991 : f32 to vector<16xf32>
        %mul3A_993 = arith.mulf %get3A_990, %mul3A_992 : vector<16xf32>
        %swap3A_994 = arith.constant 0 : i32
        %swap3A_995 = arith.index_cast %swap3A_994 : i32 to index
        %swap3A_996 = arith.index_cast %scan3A_972 : i32 to index
        %swap3A_997 = arith.constant 16 : index
        %swap3A_998 = tpu.vector_load %arg7[%swap3A_995, %swap3A_996, %swap3A_997] {strides = array<i32>} : memref<4x128x128xf32, #tpu.memory_space<vmem>>, vector<16xf32>,
        tpu.vector_store %arg7[%swap3A_995, %swap3A_996, %swap3A_997], %mul3A_993 {strides = array<i32>} : memref<4x128x128xf32, #tpu.memory_space<vmem>>, vector<16xf32>,
        %get3A_999 = arith.constant 0 : i32
        %get3A_1000 = arith.index_cast %get3A_999 : i32 to index
        %get3A_1001 = arith.index_cast %scan3A_972 : i32 to index
        %get3A_1002 = arith.constant 32 : index
        %get3A_1003 = tpu.vector_load %arg7[%get3A_1000, %get3A_1001, %get3A_1002] {strides = array<i32>} : memref<4x128x128xf32, #tpu.memory_space<vmem>>, vector<16xf32>,
        %mul3A_1004 = arith.constant 11.3137083 : f32
        %mul3A_1005 = vector.broadcast %mul3A_1004 : f32 to vector<16xf32>
        %mul3A_1006 = arith.mulf %get3A_1003, %mul3A_1005 : vector<16xf32>
        %swap3A_1007 = arith.constant 0 : i32
        %swap3A_1008 = arith.index_cast %swap3A_1007 : i32 to index
        %swap3A_1009 = arith.index_cast %scan3A_972 : i32 to index
        %swap3A_1010 = arith.constant 32 : index
        %swap3A_1011 = tpu.vector_load %arg7[%swap3A_1008, %swap3A_1009, %swap3A_1010] {strides = array<i32>} : memref<4x128x128xf32, #tpu.memory_space<vmem>>, vector<16xf32>,
        tpu.vector_store %arg7[%swap3A_1008, %swap3A_1009, %swap3A_1010], %mul3A_1006 {strides = array<i32>} : memref<4x128x128xf32, #tpu.memory_space<vmem>>, vector<16xf32>,
        %get3A_1012 = arith.constant 0 : i32
        %get3A_1013 = arith.index_cast %get3A_1012 : i32 to index
        %get3A_1014 = arith.index_cast %scan3A_972 : i32 to index
        %get3A_1015 = arith.constant 48 : index
        %get3A_1016 = tpu.vector_load %arg7[%get3A_1013, %get3A_1014, %get3A_1015] {strides = array<i32>} : memref<4x128x128xf32, #tpu.memory_space<vmem>>, vector<16xf32>,
        %mul3A_1017 = arith.constant 11.3137083 : f32
        %mul3A_1018 = vector.broadcast %mul3A_1017 : f32 to vector<16xf32>
        %mul3A_1019 = arith.mulf %get3A_1016, %mul3A_1018 : vector<16xf32>
        %swap3A_1020 = arith.constant 0 : i32
        %swap3A_1021 = arith.index_cast %swap3A_1020 : i32 to index
        %swap3A_1022 = arith.index_cast %scan3A_972 : i32 to index
        %swap3A_1023 = arith.constant 48 : index
        %swap3A_1024 = tpu.vector_load %arg7[%swap3A_1021, %swap3A_1022, %swap3A_1023] {strides = array<i32>} : memref<4x128x128xf32, #tpu.memory_space<vmem>>, vector<16xf32>,
        tpu.vector_store %arg7[%swap3A_1021, %swap3A_1022, %swap3A_1023], %mul3A_1019 {strides = array<i32>} : memref<4x128x128xf32, #tpu.memory_space<vmem>>, vector<16xf32>,
        %get3A_1025 = arith.constant 0 : i32
        %get3A_1026 = arith.index_cast %get3A_1025 : i32 to index
        %get3A_1027 = arith.index_cast %scan3A_972 : i32 to index
        %get3A_1028 = arith.constant 64 : index
        %get3A_1029 = tpu.vector_load %arg7[%get3A_1026, %get3A_1027, %get3A_1028] {strides = array<i32>} : memref<4x128x128xf32, #tpu.memory_space<vmem>>, vector<16xf32>,
        %mul3A_1030 = arith.constant 11.3137083 : f32
        %mul3A_1031 = vector.broadcast %mul3A_1030 : f32 to vector<16xf32>
        %mul3A_1032 = arith.mulf %get3A_1029, %mul3A_1031 : vector<16xf32>
        %swap3A_1033 = arith.constant 0 : i32
        %swap3A_1034 = arith.index_cast %swap3A_1033 : i32 to index
        %swap3A_1035 = arith.index_cast %scan3A_972 : i32 to index
        %swap3A_1036 = arith.constant 64 : index
        %swap3A_1037 = tpu.vector_load %arg7[%swap3A_1034, %swap3A_1035, %swap3A_1036] {strides = array<i32>} : memref<4x128x128xf32, #tpu.memory_space<vmem>>, vector<16xf32>,
        tpu.vector_store %arg7[%swap3A_1034, %swap3A_1035, %swap3A_1036], %mul3A_1032 {strides = array<i32>} : memref<4x128x128xf32, #tpu.memory_space<vmem>>, vector<16xf32>,
        %get3A_1038 = arith.constant 0 : i32
        %get3A_1039 = arith.index_cast %get3A_1038 : i32 to index
        %get3A_1040 = arith.index_cast %scan3A_972 : i32 to index
        %get3A_1041 = arith.constant 80 : index
        %get3A_1042 = tpu.vector_load %arg7[%get3A_1039, %get3A_1040, %get3A_1041] {strides = array<i32>} : memref<4x128x128xf32, #tpu.memory_space<vmem>>, vector<16xf32>,
        %mul3A_1043 = arith.constant 11.3137083 : f32
        %mul3A_1044 = vector.broadcast %mul3A_1043 : f32 to vector<16xf32>
        %mul3A_1045 = arith.mulf %get3A_1042, %mul3A_1044 : vector<16xf32>
        %swap3A_1046 = arith.constant 0 : i32
        %swap3A_1047 = arith.index_cast %swap3A_1046 : i32 to index
        %swap3A_1048 = arith.index_cast %scan3A_972 : i32 to index
        %swap3A_1049 = arith.constant 80 : index
        %swap3A_1050 = tpu.vector_load %arg7[%swap3A_1047, %swap3A_1048, %swap3A_1049] {strides = array<i32>} : memref<4x128x128xf32, #tpu.memory_space<vmem>>, vector<16xf32>,
        tpu.vector_store %arg7[%swap3A_1047, %swap3A_1048, %swap3A_1049], %mul3A_1045 {strides = array<i32>} : memref<4x128x128xf32, #tpu.memory_space<vmem>>, vector<16xf32>,
        %get3A_1051 = arith.constant 0 : i32
        %get3A_1052 = arith.index_cast %get3A_1051 : i32 to index
        %get3A_1053 = arith.index_cast %scan3A_972 : i32 to index
        %get3A_1054 = arith.constant 96 : index
        %get3A_1055 = tpu.vector_load %arg7[%get3A_1052, %get3A_1053, %get3A_1054] {strides = array<i32>} : memref<4x128x128xf32, #tpu.memory_space<vmem>>, vector<16xf32>,
        %mul3A_1056 = arith.constant 11.3137083 : f32
        %mul3A_1057 = vector.broadcast %mul3A_1056 : f32 to vector<16xf32>
        %mul3A_1058 = arith.mulf %get3A_1055, %mul3A_1057 : vector<16xf32>
        %swap3A_1059 = arith.constant 0 : i32
        %swap3A_1060 = arith.index_cast %swap3A_1059 : i32 to index
        %swap3A_1061 = arith.index_cast %scan3A_972 : i32 to index
        %swap3A_1062 = arith.constant 96 : index
        %swap3A_1063 = tpu.vector_load %arg7[%swap3A_1060, %swap3A_1061, %swap3A_1062] {strides = array<i32>} : memref<4x128x128xf32, #tpu.memory_space<vmem>>, vector<16xf32>,
        tpu.vector_store %arg7[%swap3A_1060, %swap3A_1061, %swap3A_1062], %mul3A_1058 {strides = array<i32>} : memref<4x128x128xf32, #tpu.memory_space<vmem>>, vector<16xf32>,
        %get3A_1064 = arith.constant 0 : i32
        %get3A_1065 = arith.index_cast %get3A_1064 : i32 to index
        %get3A_1066 = arith.index_cast %scan3A_972 : i32 to index
        %get3A_1067 = arith.constant 112 : index
        %get3A_1068 = tpu.vector_load %arg7[%get3A_1065, %get3A_1066, %get3A_1067] {strides = array<i32>} : memref<4x128x128xf32, #tpu.memory_space<vmem>>, vector<16xf32>,
        %mul3A_1069 = arith.constant 11.3137083 : f32
        %mul3A_1070 = vector.broadcast %mul3A_1069 : f32 to vector<16xf32>
        %mul3A_1071 = arith.mulf %get3A_1068, %mul3A_1070 : vector<16xf32>
        %swap3A_1072 = arith.constant 0 : i32
        %swap3A_1073 = arith.index_cast %swap3A_1072 : i32 to index
        %swap3A_1074 = arith.index_cast %scan3A_972 : i32 to index
        %swap3A_1075 = arith.constant 112 : index
        %swap3A_1076 = tpu.vector_load %arg7[%swap3A_1073, %swap3A_1074, %swap3A_1075] {strides = array<i32>} : memref<4x128x128xf32, #tpu.memory_space<vmem>>, vector<16xf32>,
        tpu.vector_store %arg7[%swap3A_1073, %swap3A_1074, %swap3A_1075], %mul3A_1071 {strides = array<i32>} : memref<4x128x128xf32, #tpu.memory_space<vmem>>, vector<16xf32>,
        %scan3A_1077 = arith.constant 1 : i32
        %scan3A_1078 = arith.addi %scan3A_972, %scan3A_1077 : i32
        %get3A_1079 = arith.constant 0 : i32
        %get3A_1080 = arith.index_cast %get3A_1079 : i32 to index
        %get3A_1081 = arith.index_cast %scan3A_1078 : i32 to index
        %get3A_1082 = arith.constant 0 : index
        %get3A_1083 = tpu.vector_load %arg7[%get3A_1080, %get3A_1081, %get3A_1082] {strides = array<i32>} : memref<4x128x128xf32, #tpu.memory_space<vmem>>, vector<16xf32>,
        %mul3A_1084 = arith.constant 11.3137083 : f32
        %mul3A_1085 = vector.broadcast %mul3A_1084 : f32 to vector<16xf32>
        %mul3A_1086 = arith.mulf %get3A_1083, %mul3A_1085 : vector<16xf32>
        %swap3A_1087 = arith.constant 0 : i32
        %swap3A_1088 = arith.index_cast %swap3A_1087 : i32 to index
        %swap3A_1089 = arith.index_cast %scan3A_1078 : i32 to index
        %swap3A_1090 = arith.constant 0 : index
        %swap3A_1091 = tpu.vector_load %arg7[%swap3A_1088, %swap3A_1089, %swap3A_1090] {strides = array<i32>} : memref<4x128x128xf32, #tpu.memory_space<vmem>>, vector<16xf32>,
        tpu.vector_store %arg7[%swap3A_1088, %swap3A_1089, %swap3A_1090], %mul3A_1086 {strides = array<i32>} : memref<4x128x128xf32, #tpu.memory_space<vmem>>, vector<16xf32>,
        %get3A_1092 = arith.constant 0 : i32
        %get3A_1093 = arith.index_cast %get3A_1092 : i32 to index
        %get3A_1094 = arith.index_cast %scan3A_1078 : i32 to index
        %get3A_1095 = arith.constant 16 : index
        %get3A_1096 = tpu.vector_load %arg7[%get3A_1093, %get3A_1094, %get3A_1095] {strides = array<i32>} : memref<4x128x128xf32, #tpu.memory_space<vmem>>, vector<16xf32>,
        %mul3A_1097 = arith.constant 11.3137083 : f32
        %mul3A_1098 = vector.broadcast %mul3A_1097 : f32 to vector<16xf32>
        %mul3A_1099 = arith.mulf %get3A_1096, %mul3A_1098 : vector<16xf32>
        %swap3A_1100 = arith.constant 0 : i32
        %swap3A_1101 = arith.index_cast %swap3A_1100 : i32 to index
        %swap3A_1102 = arith.index_cast %scan3A_1078 : i32 to index
        %swap3A_1103 = arith.constant 16 : index
        %swap3A_1104 = tpu.vector_load %arg7[%swap3A_1101, %swap3A_1102, %swap3A_1103] {strides = array<i32>} : memref<4x128x128xf32, #tpu.memory_space<vmem>>, vector<16xf32>,
        tpu.vector_store %arg7[%swap3A_1101, %swap3A_1102, %swap3A_1103], %mul3A_1099 {strides = array<i32>} : memref<4x128x128xf32, #tpu.memory_space<vmem>>, vector<16xf32>,
        %get3A_1105 = arith.constant 0 : i32
        %get3A_1106 = arith.index_cast %get3A_1105 : i32 to index
        %get3A_1107 = arith.index_cast %scan3A_1078 : i32 to index
        %get3A_1108 = arith.constant 32 : index
        %get3A_1109 = tpu.vector_load %arg7[%get3A_1106, %get3A_1107, %get3A_1108] {strides = array<i32>} : memref<4x128x128xf32, #tpu.memory_space<vmem>>, vector<16xf32>,
        %mul3A_1110 = arith.constant 11.3137083 : f32
        %mul3A_1111 = vector.broadcast %mul3A_1110 : f32 to vector<16xf32>
        %mul3A_1112 = arith.mulf %get3A_1109, %mul3A_1111 : vector<16xf32>
        %swap3A_1113 = arith.constant 0 : i32
        %swap3A_1114 = arith.index_cast %swap3A_1113 : i32 to index
        %swap3A_1115 = arith.index_cast %scan3A_1078 : i32 to index
        %swap3A_1116 = arith.constant 32 : index
        %swap3A_1117 = tpu.vector_load %arg7[%swap3A_1114, %swap3A_1115, %swap3A_1116] {strides = array<i32>} : memref<4x128x128xf32, #tpu.memory_space<vmem>>, vector<16xf32>,
        tpu.vector_store %arg7[%swap3A_1114, %swap3A_1115, %swap3A_1116], %mul3A_1112 {strides = array<i32>} : memref<4x128x128xf32, #tpu.memory_space<vmem>>, vector<16xf32>,
        %get3A_1118 = arith.constant 0 : i32
        %get3A_1119 = arith.index_cast %get3A_1118 : i32 to index
        %get3A_1120 = arith.index_cast %scan3A_1078 : i32 to index
        %get3A_1121 = arith.constant 48 : index
        %get3A_1122 = tpu.vector_load %arg7[%get3A_1119, %get3A_1120, %get3A_1121] {strides = array<i32>} : memref<4x128x128xf32, #tpu.memory_space<vmem>>, vector<16xf32>,
        %mul3A_1123 = arith.constant 11.3137083 : f32
        %mul3A_1124 = vector.broadcast %mul3A_1123 : f32 to vector<16xf32>
        %mul3A_1125 = arith.mulf %get3A_1122, %mul3A_1124 : vector<16xf32>
        %swap3A_1126 = arith.constant 0 : i32
        %swap3A_1127 = arith.index_cast %swap3A_1126 : i32 to index
        %swap3A_1128 = arith.index_cast %scan3A_1078 : i32 to index
        %swap3A_1129 = arith.constant 48 : index
        %swap3A_1130 = tpu.vector_load %arg7[%swap3A_1127, %swap3A_1128, %swap3A_1129] {strides = array<i32>} : memref<4x128x128xf32, #tpu.memory_space<vmem>>, vector<16xf32>,
        tpu.vector_store %arg7[%swap3A_1127, %swap3A_1128, %swap3A_1129], %mul3A_1125 {strides = array<i32>} : memref<4x128x128xf32, #tpu.memory_space<vmem>>, vector<16xf32>,
        %get3A_1131 = arith.constant 0 : i32
        %get3A_1132 = arith.index_cast %get3A_1131 : i32 to index
        %get3A_1133 = arith.index_cast %scan3A_1078 : i32 to index
        %get3A_1134 = arith.constant 64 : index
        %get3A_1135 = tpu.vector_load %arg7[%get3A_1132, %get3A_1133, %get3A_1134] {strides = array<i32>} : memref<4x128x128xf32, #tpu.memory_space<vmem>>, vector<16xf32>,
        %mul3A_1136 = arith.constant 11.3137083 : f32
        %mul3A_1137 = vector.broadcast %mul3A_1136 : f32 to vector<16xf32>
        %mul3A_1138 = arith.mulf %get3A_1135, %mul3A_1137 : vector<16xf32>
        %swap3A_1139 = arith.constant 0 : i32
        %swap3A_1140 = arith.index_cast %swap3A_1139 : i32 to index
        %swap3A_1141 = arith.index_cast %scan3A_1078 : i32 to index
        %swap3A_1142 = arith.constant 64 : index
        %swap3A_1143 = tpu.vector_load %arg7[%swap3A_1140, %swap3A_1141, %swap3A_1142] {strides = array<i32>} : memref<4x128x128xf32, #tpu.memory_space<vmem>>, vector<16xf32>,
        tpu.vector_store %arg7[%swap3A_1140, %swap3A_1141, %swap3A_1142], %mul3A_1138 {strides = array<i32>} : memref<4x128x128xf32, #tpu.memory_space<vmem>>, vector<16xf32>,
        %get3A_1144 = arith.constant 0 : i32
        %get3A_1145 = arith.index_cast %get3A_1144 : i32 to index
        %get3A_1146 = arith.index_cast %scan3A_1078 : i32 to index
        %get3A_1147 = arith.constant 80 : index
        %get3A_1148 = tpu.vector_load %arg7[%get3A_1145, %get3A_1146, %get3A_1147] {strides = array<i32>} : memref<4x128x128xf32, #tpu.memory_space<vmem>>, vector<16xf32>,
        %mul3A_1149 = arith.constant 11.3137083 : f32
        %mul3A_1150 = vector.broadcast %mul3A_1149 : f32 to vector<16xf32>
        %mul3A_1151 = arith.mulf %get3A_1148, %mul3A_1150 : vector<16xf32>
        %swap3A_1152 = arith.constant 0 : i32
        %swap3A_1153 = arith.index_cast %swap3A_1152 : i32 to index
        %swap3A_1154 = arith.index_cast %scan3A_1078 : i32 to index
        %swap3A_1155 = arith.constant 80 : index
        %swap3A_1156 = tpu.vector_load %arg7[%swap3A_1153, %swap3A_1154, %swap3A_1155] {strides = array<i32>} : memref<4x128x128xf32, #tpu.memory_space<vmem>>, vector<16xf32>,
        tpu.vector_store %arg7[%swap3A_1153, %swap3A_1154, %swap3A_1155], %mul3A_1151 {strides = array<i32>} : memref<4x128x128xf32, #tpu.memory_space<vmem>>, vector<16xf32>,
        %get3A_1157 = arith.constant 0 : i32
        %get3A_1158 = arith.index_cast %get3A_1157 : i32 to index
        %get3A_1159 = arith.index_cast %scan3A_1078 : i32 to index
        %get3A_1160 = arith.constant 96 : index
        %get3A_1161 = tpu.vector_load %arg7[%get3A_1158, %get3A_1159, %get3A_1160] {strides = array<i32>} : memref<4x128x128xf32, #tpu.memory_space<vmem>>, vector<16xf32>,
        %mul3A_1162 = arith.constant 11.3137083 : f32
        %mul3A_1163 = vector.broadcast %mul3A_1162 : f32 to vector<16xf32>
        %mul3A_1164 = arith.mulf %get3A_1161, %mul3A_1163 : vector<16xf32>
        %swap3A_1165 = arith.constant 0 : i32
        %swap3A_1166 = arith.index_cast %swap3A_1165 : i32 to index
        %swap3A_1167 = arith.index_cast %scan3A_1078 : i32 to index
        %swap3A_1168 = arith.constant 96 : index
        %swap3A_1169 = tpu.vector_load %arg7[%swap3A_1166, %swap3A_1167, %swap3A_1168] {strides = array<i32>} : memref<4x128x128xf32, #tpu.memory_space<vmem>>, vector<16xf32>,
        tpu.vector_store %arg7[%swap3A_1166, %swap3A_1167, %swap3A_1168], %mul3A_1164 {strides = array<i32>} : memref<4x128x128xf32, #tpu.memory_space<vmem>>, vector<16xf32>,
        %get3A_1170 = arith.constant 0 : i32
        %get3A_1171 = arith.index_cast %get3A_1170 : i32 to index
        %get3A_1172 = arith.index_cast %scan3A_1078 : i32 to index
        %get3A_1173 = arith.constant 112 : index
        %get3A_1174 = tpu.vector_load %arg7[%get3A_1171, %get3A_1172, %get3A_1173] {strides = array<i32>} : memref<4x128x128xf32, #tpu.memory_space<vmem>>, vector<16xf32>,
        %mul3A_1175 = arith.constant 11.3137083 : f32
        %mul3A_1176 = vector.broadcast %mul3A_1175 : f32 to vector<16xf32>
        %mul3A_1177 = arith.mulf %get3A_1174, %mul3A_1176 : vector<16xf32>
        %swap3A_1178 = arith.constant 0 : i32
        %swap3A_1179 = arith.index_cast %swap3A_1178 : i32 to index
        %swap3A_1180 = arith.index_cast %scan3A_1078 : i32 to index
        %swap3A_1181 = arith.constant 112 : index
        %swap3A_1182 = tpu.vector_load %arg7[%swap3A_1179, %swap3A_1180, %swap3A_1181] {strides = array<i32>} : memref<4x128x128xf32, #tpu.memory_space<vmem>>, vector<16xf32>,
        tpu.vector_store %arg7[%swap3A_1179, %swap3A_1180, %swap3A_1181], %mul3A_1177 {strides = array<i32>} : memref<4x128x128xf32, #tpu.memory_space<vmem>>, vector<16xf32>,
      }
      %scan3A_753 = arith.constant 128 : i32
      %mul3A_754 = arith.constant 128 : i32
      %mul3A_755 = arith.muli %add3A_736, %mul3A_754 : i32
      %add3A_756 = arith.addi %mul3A_2, %mul3A_755 : i32
      %dma_start3A_757 = arith.constant 0 : i32
      %dma_start3A_758 = arith.constant 0 : i32
      %dma_start3A_759 = arith.constant 0 : i32
      %dma_start3A_760 = tpu.memref_slice %arg7[%dma_start3A_757, %dma_start3A_758, %dma_start3A_759] : memref<4x128x128xf32, #tpu.memory_space<vmem>> -> memref<1x128x128xf32, #tpu.memory_space<vmem>>
      %dma_start3A_761 = tpu.memref_squeeze %dma_start3A_760 : memref<1x128x128xf32, #tpu.memory_space<vmem>> -> memref<128x128xf32, #tpu.memory_space<vmem>>
      %dma_start3A_762 = arith.constant 0 : i32
      %dma_start3A_763 = tpu.memref_slice %arg4[%add3A_756, %dma_start3A_762] : memref<819200x128xf32, #tpu.memory_space<hbm>> -> memref<128x128xf32, #tpu.memory_space<hbm>>
      %dma_start3A_764 = arith.constant 0 : i32
      %dma_start3A_765 = tpu.memref_slice %arg4[%add3A_756, %dma_start3A_764] : memref<819200x128xf32, #tpu.memory_space<hbm>> -> memref<128x128xf32, #tpu.memory_space<hbm>>
      %dma_start3A_766 = arith.constant 0 : i32
      %dma_start3A_767 = arith.constant 0 : i32
      %dma_start3A_768 = tpu.memref_slice %arg7[%dma_start3A_757, %dma_start3A_766, %dma_start3A_767] : memref<4x128x128xf32, #tpu.memory_space<vmem>> -> memref<1x128x128xf32, #tpu.memory_space<vmem>>
      %dma_start3A_769 = tpu.memref_squeeze %dma_start3A_768 : memref<1x128x128xf32, #tpu.memory_space<vmem>> -> memref<128x128xf32, #tpu.memory_space<vmem>>
      tpu.enqueue_dma source(%dma_start3A_769 : memref<128x128xf32, #tpu.memory_space<vmem>>) target(%dma_start3A_765 : memref<128x128xf32, #tpu.memory_space<hbm>>) target_semaphore(%arg12 : memref<!tpu.dma_semaphore, #tpu.memory_space<semaphore_mem>>)
      %add3A_770 = arith.constant 4 : i32
      %add3A_771 = arith.addi %add3A_736, %add3A_770 : i32
      %sub3A_772 = arith.constant 2 : i32
      %sub3A_773 = arith.subi %add3A_771, %sub3A_772 : i32
      %lt3A = arith.constant 200 : i32
      %lt3A_774 = arith.cmpi slt, %sub3A_773, %lt3A : i32
      %convert_element_type3A_775 = arith.extui %lt3A_774 : i1 to i32
      %cond3A_776 = arith.constant 0 : i32
      %cond3A_777 = arith.cmpi ne, %convert_element_type3A_775, %cond3A_776 : i32
      %cond3A_778 = scf.if %cond3A_777 -> (vector<16xi32>) {
        %get3A_972 = arith.index_cast %sub3A_773 : i32 to index
        %get3A_973 = arith.constant 0 : index
        %get3A_974 = tpu.vector_load %arg5[%get3A_972, %get3A_973] {strides = array<i32>} : memref<200x128xi32, #tpu.memory_space<vmem>>, vector<16xi32>,
        %mul3A_975 = arith.constant 128 : i32
        %mul3A_976 = arith.muli %sub3A_773, %mul3A_975 : i32
        %add3A_977 = arith.constant 0 : i32
        %add3A_978 = arith.addi %mul3A_976, %add3A_977 : i32
        %add3A_979 = vector.broadcast %add3A_978 : i32 to vector<16xi32>
        %add3A_980 = arith.addi %add3A_979, %iota3A : vector<16xi32>
        %ge3A_981 = arith.constant 99000 : i32
        %ge3A_982 = vector.broadcast %ge3A_981 : i32 to vector<16xi32>
        %ge3A_983 = arith.cmpi sge, %get3A_974, %ge3A_982 : vector<16xi32>
        %mul3A_984 = arith.constant 800 : i32
        %mul3A_985 = arith.muli %add3A, %mul3A_984 : i32
        %add3A_986 = vector.broadcast %mul3A_985 : i32 to vector<16xi32>
        %add3A_987 = arith.addi %add3A_980, %add3A_986 : vector<16xi32>
        %and3A_988 = arith.constant 16383 : i32
        %and3A_989 = vector.broadcast %and3A_988 : i32 to vector<16xi32>
        %and3A_990 = arith.andi %add3A_987, %and3A_989 : vector<16xi32>
        %select_n3A_991 = arith.select %ge3A_983, %and3A_990, %get3A_974 : vector<16xi1>, vector<16xi32>
        %swap3A_992 = arith.index_cast %sub3A_773 : i32 to index
        %swap3A_993 = arith.constant 0 : index
        %swap3A_994 = tpu.vector_load %arg5[%swap3A_992, %swap3A_993] {strides = array<i32>} : memref<200x128xi32, #tpu.memory_space<vmem>>, vector<16xi32>,
        tpu.vector_store %arg5[%swap3A_992, %swap3A_993], %select_n3A_991 {strides = array<i32>} : memref<200x128xi32, #tpu.memory_space<vmem>>, vector<16xi32>,
        %convert_element_type3A_995 = arith.extui %ge3A_983 : vector<16xi1> to vector<16xi32>
        %broadcast_in_dim3A_996 = arith.constant true
        %broadcast_in_dim3A_997 = vector.broadcast %broadcast_in_dim3A_996 : i1 to vector<16xi1>
        %masked_cumsum3A_998 = tpu.scan <sum>, %convert_element_type3A_995 masked %broadcast_in_dim3A_997 : vector<16xi32>, vector<16xi1> -> vector<16xi32>
        %add3A_999 = arith.addi %scan3A_732, %masked_cumsum3A_998 : vector<16xi32>
        %sub3A_1000 = arith.constant 1 : i32
        %sub3A_1001 = vector.broadcast %sub3A_1000 : i32 to vector<16xi32>
        %sub3A_1002 = arith.subi %add3A_999, %sub3A_1001 : vector<16xi32>
        %shift_right_logical3A_1003 = arith.constant 7 : i32
        %shift_right_logical3A_1004 = vector.broadcast %shift_right_logical3A_1003 : i32 to vector<16xi32>
        %shift_right_logical3A_1005 = arith.shrui %sub3A_1002, %shift_right_logical3A_1004 : vector<16xi32>
        %and3A_1006 = arith.constant 127 : i32
        %and3A_1007 = vector.broadcast %and3A_1006 : i32 to vector<16xi32>
        %and3A_1008 = arith.andi %sub3A_1002, %and3A_1007 : vector<16xi32>
        %add3A_1009 = vector.broadcast %mul3A_2 : i32 to vector<16xi32>
        %add3A_1010 = arith.addi %add3A_1009, %add3A_980 : vector<16xi32>
        tpu.vector_store_idx %arg6[%shift_right_logical3A_1005, %and3A_1008], %add3A_1010 masked %ge3A_983 : memref<202x128xi32, #tpu.memory_space<vmem>>[vector<16xi32>, vector<16xi32>], vector<16xi32>, vector<16xi1>
        %all_reduce_population_count3A_1011 = tpu.all_reduce %ge3A_983 {dim = 0 : i64, kind = #tpu.reduction_kind<sum>} : vector<16xi1> -> vector<16xi32>
        %add3A_1012 = arith.addi %scan3A_732, %all_reduce_population_count3A_1011 : vector<16xi32>
        %get3A_1013 = arith.index_cast %sub3A_773 : i32 to index
        %get3A_1014 = arith.constant 16 : index
        %get3A_1015 = tpu.vector_load %arg5[%get3A_1013, %get3A_1014] {strides = array<i32>} : memref<200x128xi32, #tpu.memory_space<vmem>>, vector<16xi32>,
        %mul3A_1016 = arith.constant 128 : i32
        %mul3A_1017 = arith.muli %sub3A_773, %mul3A_1016 : i32
        %add3A_1018 = arith.constant 16 : i32
        %add3A_1019 = arith.addi %mul3A_1017, %add3A_1018 : i32
        %add3A_1020 = vector.broadcast %add3A_1019 : i32 to vector<16xi32>
        %add3A_1021 = arith.addi %add3A_1020, %iota3A : vector<16xi32>
        %ge3A_1022 = arith.constant 99000 : i32
        %ge3A_1023 = vector.broadcast %ge3A_1022 : i32 to vector<16xi32>
        %ge3A_1024 = arith.cmpi sge, %get3A_1015, %ge3A_1023 : vector<16xi32>
        %mul3A_1025 = arith.constant 800 : i32
        %mul3A_1026 = arith.muli %add3A, %mul3A_1025 : i32
        %add3A_1027 = vector.broadcast %mul3A_1026 : i32 to vector<16xi32>
        %add3A_1028 = arith.addi %add3A_1021, %add3A_1027 : vector<16xi32>
        %and3A_1029 = arith.constant 16383 : i32
        %and3A_1030 = vector.broadcast %and3A_1029 : i32 to vector<16xi32>
        %and3A_1031 = arith.andi %add3A_1028, %and3A_1030 : vector<16xi32>
        %select_n3A_1032 = arith.select %ge3A_1024, %and3A_1031, %get3A_1015 : vector<16xi1>, vector<16xi32>
        %swap3A_1033 = arith.index_cast %sub3A_773 : i32 to index
        %swap3A_1034 = arith.constant 16 : index
        %swap3A_1035 = tpu.vector_load %arg5[%swap3A_1033, %swap3A_1034] {strides = array<i32>} : memref<200x128xi32, #tpu.memory_space<vmem>>, vector<16xi32>,
        tpu.vector_store %arg5[%swap3A_1033, %swap3A_1034], %select_n3A_1032 {strides = array<i32>} : memref<200x128xi32, #tpu.memory_space<vmem>>, vector<16xi32>,
        %convert_element_type3A_1036 = arith.extui %ge3A_1024 : vector<16xi1> to vector<16xi32>
        %broadcast_in_dim3A_1037 = arith.constant true
        %broadcast_in_dim3A_1038 = vector.broadcast %broadcast_in_dim3A_1037 : i1 to vector<16xi1>
        %masked_cumsum3A_1039 = tpu.scan <sum>, %convert_element_type3A_1036 masked %broadcast_in_dim3A_1038 : vector<16xi32>, vector<16xi1> -> vector<16xi32>
        %add3A_1040 = arith.addi %add3A_1012, %masked_cumsum3A_1039 : vector<16xi32>
        %sub3A_1041 = arith.constant 1 : i32
        %sub3A_1042 = vector.broadcast %sub3A_1041 : i32 to vector<16xi32>
        %sub3A_1043 = arith.subi %add3A_1040, %sub3A_1042 : vector<16xi32>
        %shift_right_logical3A_1044 = arith.constant 7 : i32
        %shift_right_logical3A_1045 = vector.broadcast %shift_right_logical3A_1044 : i32 to vector<16xi32>
        %shift_right_logical3A_1046 = arith.shrui %sub3A_1043, %shift_right_logical3A_1045 : vector<16xi32>
        %and3A_1047 = arith.constant 127 : i32
        %and3A_1048 = vector.broadcast %and3A_1047 : i32 to vector<16xi32>
        %and3A_1049 = arith.andi %sub3A_1043, %and3A_1048 : vector<16xi32>
        %add3A_1050 = vector.broadcast %mul3A_2 : i32 to vector<16xi32>
        %add3A_1051 = arith.addi %add3A_1050, %add3A_1021 : vector<16xi32>
        tpu.vector_store_idx %arg6[%shift_right_logical3A_1046, %and3A_1049], %add3A_1051 masked %ge3A_1024 : memref<202x128xi32, #tpu.memory_space<vmem>>[vector<16xi32>, vector<16xi32>], vector<16xi32>, vector<16xi1>
        %all_reduce_population_count3A_1052 = tpu.all_reduce %ge3A_1024 {dim = 0 : i64, kind = #tpu.reduction_kind<sum>} : vector<16xi1> -> vector<16xi32>
        %add3A_1053 = arith.addi %add3A_1012, %all_reduce_population_count3A_1052 : vector<16xi32>
        %get3A_1054 = arith.index_cast %sub3A_773 : i32 to index
        %get3A_1055 = arith.constant 32 : index
        %get3A_1056 = tpu.vector_load %arg5[%get3A_1054, %get3A_1055] {strides = array<i32>} : memref<200x128xi32, #tpu.memory_space<vmem>>, vector<16xi32>,
        %mul3A_1057 = arith.constant 128 : i32
        %mul3A_1058 = arith.muli %sub3A_773, %mul3A_1057 : i32
        %add3A_1059 = arith.constant 32 : i32
        %add3A_1060 = arith.addi %mul3A_1058, %add3A_1059 : i32
        %add3A_1061 = vector.broadcast %add3A_1060 : i32 to vector<16xi32>
        %add3A_1062 = arith.addi %add3A_1061, %iota3A : vector<16xi32>
        %ge3A_1063 = arith.constant 99000 : i32
        %ge3A_1064 = vector.broadcast %ge3A_1063 : i32 to vector<16xi32>
        %ge3A_1065 = arith.cmpi sge, %get3A_1056, %ge3A_1064 : vector<16xi32>
        %mul3A_1066 = arith.constant 800 : i32
        %mul3A_1067 = arith.muli %add3A, %mul3A_1066 : i32
        %add3A_1068 = vector.broadcast %mul3A_1067 : i32 to vector<16xi32>
        %add3A_1069 = arith.addi %add3A_1062, %add3A_1068 : vector<16xi32>
        %and3A_1070 = arith.constant 16383 : i32
        %and3A_1071 = vector.broadcast %and3A_1070 : i32 to vector<16xi32>
        %and3A_1072 = arith.andi %add3A_1069, %and3A_1071 : vector<16xi32>
        %select_n3A_1073 = arith.select %ge3A_1065, %and3A_1072, %get3A_1056 : vector<16xi1>, vector<16xi32>
        %swap3A_1074 = arith.index_cast %sub3A_773 : i32 to index
        %swap3A_1075 = arith.constant 32 : index
        %swap3A_1076 = tpu.vector_load %arg5[%swap3A_1074, %swap3A_1075] {strides = array<i32>} : memref<200x128xi32, #tpu.memory_space<vmem>>, vector<16xi32>,
        tpu.vector_store %arg5[%swap3A_1074, %swap3A_1075], %select_n3A_1073 {strides = array<i32>} : memref<200x128xi32, #tpu.memory_space<vmem>>, vector<16xi32>,
        %convert_element_type3A_1077 = arith.extui %ge3A_1065 : vector<16xi1> to vector<16xi32>
        %broadcast_in_dim3A_1078 = arith.constant true
        %broadcast_in_dim3A_1079 = vector.broadcast %broadcast_in_dim3A_1078 : i1 to vector<16xi1>
        %masked_cumsum3A_1080 = tpu.scan <sum>, %convert_element_type3A_1077 masked %broadcast_in_dim3A_1079 : vector<16xi32>, vector<16xi1> -> vector<16xi32>
        %add3A_1081 = arith.addi %add3A_1053, %masked_cumsum3A_1080 : vector<16xi32>
        %sub3A_1082 = arith.constant 1 : i32
        %sub3A_1083 = vector.broadcast %sub3A_1082 : i32 to vector<16xi32>
        %sub3A_1084 = arith.subi %add3A_1081, %sub3A_1083 : vector<16xi32>
        %shift_right_logical3A_1085 = arith.constant 7 : i32
        %shift_right_logical3A_1086 = vector.broadcast %shift_right_logical3A_1085 : i32 to vector<16xi32>
        %shift_right_logical3A_1087 = arith.shrui %sub3A_1084, %shift_right_logical3A_1086 : vector<16xi32>
        %and3A_1088 = arith.constant 127 : i32
        %and3A_1089 = vector.broadcast %and3A_1088 : i32 to vector<16xi32>
        %and3A_1090 = arith.andi %sub3A_1084, %and3A_1089 : vector<16xi32>
        %add3A_1091 = vector.broadcast %mul3A_2 : i32 to vector<16xi32>
        %add3A_1092 = arith.addi %add3A_1091, %add3A_1062 : vector<16xi32>
        tpu.vector_store_idx %arg6[%shift_right_logical3A_1087, %and3A_1090], %add3A_1092 masked %ge3A_1065 : memref<202x128xi32, #tpu.memory_space<vmem>>[vector<16xi32>, vector<16xi32>], vector<16xi32>, vector<16xi1>
        %all_reduce_population_count3A_1093 = tpu.all_reduce %ge3A_1065 {dim = 0 : i64, kind = #tpu.reduction_kind<sum>} : vector<16xi1> -> vector<16xi32>
        %add3A_1094 = arith.addi %add3A_1053, %all_reduce_population_count3A_1093 : vector<16xi32>
        %get3A_1095 = arith.index_cast %sub3A_773 : i32 to index
        %get3A_1096 = arith.constant 48 : index
        %get3A_1097 = tpu.vector_load %arg5[%get3A_1095, %get3A_1096] {strides = array<i32>} : memref<200x128xi32, #tpu.memory_space<vmem>>, vector<16xi32>,
        %mul3A_1098 = arith.constant 128 : i32
        %mul3A_1099 = arith.muli %sub3A_773, %mul3A_1098 : i32
        %add3A_1100 = arith.constant 48 : i32
        %add3A_1101 = arith.addi %mul3A_1099, %add3A_1100 : i32
        %add3A_1102 = vector.broadcast %add3A_1101 : i32 to vector<16xi32>
        %add3A_1103 = arith.addi %add3A_1102, %iota3A : vector<16xi32>
        %ge3A_1104 = arith.constant 99000 : i32
        %ge3A_1105 = vector.broadcast %ge3A_1104 : i32 to vector<16xi32>
        %ge3A_1106 = arith.cmpi sge, %get3A_1097, %ge3A_1105 : vector<16xi32>
        %mul3A_1107 = arith.constant 800 : i32
        %mul3A_1108 = arith.muli %add3A, %mul3A_1107 : i32
        %add3A_1109 = vector.broadcast %mul3A_1108 : i32 to vector<16xi32>
        %add3A_1110 = arith.addi %add3A_1103, %add3A_1109 : vector<16xi32>
        %and3A_1111 = arith.constant 16383 : i32
        %and3A_1112 = vector.broadcast %and3A_1111 : i32 to vector<16xi32>
        %and3A_1113 = arith.andi %add3A_1110, %and3A_1112 : vector<16xi32>
        %select_n3A_1114 = arith.select %ge3A_1106, %and3A_1113, %get3A_1097 : vector<16xi1>, vector<16xi32>
        %swap3A_1115 = arith.index_cast %sub3A_773 : i32 to index
        %swap3A_1116 = arith.constant 48 : index
        %swap3A_1117 = tpu.vector_load %arg5[%swap3A_1115, %swap3A_1116] {strides = array<i32>} : memref<200x128xi32, #tpu.memory_space<vmem>>, vector<16xi32>,
        tpu.vector_store %arg5[%swap3A_1115, %swap3A_1116], %select_n3A_1114 {strides = array<i32>} : memref<200x128xi32, #tpu.memory_space<vmem>>, vector<16xi32>,
        %convert_element_type3A_1118 = arith.extui %ge3A_1106 : vector<16xi1> to vector<16xi32>
        %broadcast_in_dim3A_1119 = arith.constant true
        %broadcast_in_dim3A_1120 = vector.broadcast %broadcast_in_dim3A_1119 : i1 to vector<16xi1>
        %masked_cumsum3A_1121 = tpu.scan <sum>, %convert_element_type3A_1118 masked %broadcast_in_dim3A_1120 : vector<16xi32>, vector<16xi1> -> vector<16xi32>
        %add3A_1122 = arith.addi %add3A_1094, %masked_cumsum3A_1121 : vector<16xi32>
        %sub3A_1123 = arith.constant 1 : i32
        %sub3A_1124 = vector.broadcast %sub3A_1123 : i32 to vector<16xi32>
        %sub3A_1125 = arith.subi %add3A_1122, %sub3A_1124 : vector<16xi32>
        %shift_right_logical3A_1126 = arith.constant 7 : i32
        %shift_right_logical3A_1127 = vector.broadcast %shift_right_logical3A_1126 : i32 to vector<16xi32>
        %shift_right_logical3A_1128 = arith.shrui %sub3A_1125, %shift_right_logical3A_1127 : vector<16xi32>
        %and3A_1129 = arith.constant 127 : i32
        %and3A_1130 = vector.broadcast %and3A_1129 : i32 to vector<16xi32>
        %and3A_1131 = arith.andi %sub3A_1125, %and3A_1130 : vector<16xi32>
        %add3A_1132 = vector.broadcast %mul3A_2 : i32 to vector<16xi32>
        %add3A_1133 = arith.addi %add3A_1132, %add3A_1103 : vector<16xi32>
        tpu.vector_store_idx %arg6[%shift_right_logical3A_1128, %and3A_1131], %add3A_1133 masked %ge3A_1106 : memref<202x128xi32, #tpu.memory_space<vmem>>[vector<16xi32>, vector<16xi32>], vector<16xi32>, vector<16xi1>
        %all_reduce_population_count3A_1134 = tpu.all_reduce %ge3A_1106 {dim = 0 : i64, kind = #tpu.reduction_kind<sum>} : vector<16xi1> -> vector<16xi32>
        %add3A_1135 = arith.addi %add3A_1094, %all_reduce_population_count3A_1134 : vector<16xi32>
        %get3A_1136 = arith.index_cast %sub3A_773 : i32 to index
        %get3A_1137 = arith.constant 64 : index
        %get3A_1138 = tpu.vector_load %arg5[%get3A_1136, %get3A_1137] {strides = array<i32>} : memref<200x128xi32, #tpu.memory_space<vmem>>, vector<16xi32>,
        %mul3A_1139 = arith.constant 128 : i32
        %mul3A_1140 = arith.muli %sub3A_773, %mul3A_1139 : i32
        %add3A_1141 = arith.constant 64 : i32
        %add3A_1142 = arith.addi %mul3A_1140, %add3A_1141 : i32
        %add3A_1143 = vector.broadcast %add3A_1142 : i32 to vector<16xi32>
        %add3A_1144 = arith.addi %add3A_1143, %iota3A : vector<16xi32>
        %ge3A_1145 = arith.constant 99000 : i32
        %ge3A_1146 = vector.broadcast %ge3A_1145 : i32 to vector<16xi32>
        %ge3A_1147 = arith.cmpi sge, %get3A_1138, %ge3A_1146 : vector<16xi32>
        %mul3A_1148 = arith.constant 800 : i32
        %mul3A_1149 = arith.muli %add3A, %mul3A_1148 : i32
        %add3A_1150 = vector.broadcast %mul3A_1149 : i32 to vector<16xi32>
        %add3A_1151 = arith.addi %add3A_1144, %add3A_1150 : vector<16xi32>
        %and3A_1152 = arith.constant 16383 : i32
        %and3A_1153 = vector.broadcast %and3A_1152 : i32 to vector<16xi32>
        %and3A_1154 = arith.andi %add3A_1151, %and3A_1153 : vector<16xi32>
        %select_n3A_1155 = arith.select %ge3A_1147, %and3A_1154, %get3A_1138 : vector<16xi1>, vector<16xi32>
        %swap3A_1156 = arith.index_cast %sub3A_773 : i32 to index
        %swap3A_1157 = arith.constant 64 : index
        %swap3A_1158 = tpu.vector_load %arg5[%swap3A_1156, %swap3A_1157] {strides = array<i32>} : memref<200x128xi32, #tpu.memory_space<vmem>>, vector<16xi32>,
        tpu.vector_store %arg5[%swap3A_1156, %swap3A_1157], %select_n3A_1155 {strides = array<i32>} : memref<200x128xi32, #tpu.memory_space<vmem>>, vector<16xi32>,
        %convert_element_type3A_1159 = arith.extui %ge3A_1147 : vector<16xi1> to vector<16xi32>
        %broadcast_in_dim3A_1160 = arith.constant true
        %broadcast_in_dim3A_1161 = vector.broadcast %broadcast_in_dim3A_1160 : i1 to vector<16xi1>
        %masked_cumsum3A_1162 = tpu.scan <sum>, %convert_element_type3A_1159 masked %broadcast_in_dim3A_1161 : vector<16xi32>, vector<16xi1> -> vector<16xi32>
        %add3A_1163 = arith.addi %add3A_1135, %masked_cumsum3A_1162 : vector<16xi32>
        %sub3A_1164 = arith.constant 1 : i32
        %sub3A_1165 = vector.broadcast %sub3A_1164 : i32 to vector<16xi32>
        %sub3A_1166 = arith.subi %add3A_1163, %sub3A_1165 : vector<16xi32>
        %shift_right_logical3A_1167 = arith.constant 7 : i32
        %shift_right_logical3A_1168 = vector.broadcast %shift_right_logical3A_1167 : i32 to vector<16xi32>
        %shift_right_logical3A_1169 = arith.shrui %sub3A_1166, %shift_right_logical3A_1168 : vector<16xi32>
        %and3A_1170 = arith.constant 127 : i32
        %and3A_1171 = vector.broadcast %and3A_1170 : i32 to vector<16xi32>
        %and3A_1172 = arith.andi %sub3A_1166, %and3A_1171 : vector<16xi32>
        %add3A_1173 = vector.broadcast %mul3A_2 : i32 to vector<16xi32>
        %add3A_1174 = arith.addi %add3A_1173, %add3A_1144 : vector<16xi32>
        tpu.vector_store_idx %arg6[%shift_right_logical3A_1169, %and3A_1172], %add3A_1174 masked %ge3A_1147 : memref<202x128xi32, #tpu.memory_space<vmem>>[vector<16xi32>, vector<16xi32>], vector<16xi32>, vector<16xi1>
        %all_reduce_population_count3A_1175 = tpu.all_reduce %ge3A_1147 {dim = 0 : i64, kind = #tpu.reduction_kind<sum>} : vector<16xi1> -> vector<16xi32>
        %add3A_1176 = arith.addi %add3A_1135, %all_reduce_population_count3A_1175 : vector<16xi32>
        %get3A_1177 = arith.index_cast %sub3A_773 : i32 to index
        %get3A_1178 = arith.constant 80 : index
        %get3A_1179 = tpu.vector_load %arg5[%get3A_1177, %get3A_1178] {strides = array<i32>} : memref<200x128xi32, #tpu.memory_space<vmem>>, vector<16xi32>,
        %mul3A_1180 = arith.constant 128 : i32
        %mul3A_1181 = arith.muli %sub3A_773, %mul3A_1180 : i32
        %add3A_1182 = arith.constant 80 : i32
        %add3A_1183 = arith.addi %mul3A_1181, %add3A_1182 : i32
        %add3A_1184 = vector.broadcast %add3A_1183 : i32 to vector<16xi32>
        %add3A_1185 = arith.addi %add3A_1184, %iota3A : vector<16xi32>
        %ge3A_1186 = arith.constant 99000 : i32
        %ge3A_1187 = vector.broadcast %ge3A_1186 : i32 to vector<16xi32>
        %ge3A_1188 = arith.cmpi sge, %get3A_1179, %ge3A_1187 : vector<16xi32>
        %mul3A_1189 = arith.constant 800 : i32
        %mul3A_1190 = arith.muli %add3A, %mul3A_1189 : i32
        %add3A_1191 = vector.broadcast %mul3A_1190 : i32 to vector<16xi32>
        %add3A_1192 = arith.addi %add3A_1185, %add3A_1191 : vector<16xi32>
        %and3A_1193 = arith.constant 16383 : i32
        %and3A_1194 = vector.broadcast %and3A_1193 : i32 to vector<16xi32>
        %and3A_1195 = arith.andi %add3A_1192, %and3A_1194 : vector<16xi32>
        %select_n3A_1196 = arith.select %ge3A_1188, %and3A_1195, %get3A_1179 : vector<16xi1>, vector<16xi32>
        %swap3A_1197 = arith.index_cast %sub3A_773 : i32 to index
        %swap3A_1198 = arith.constant 80 : index
        %swap3A_1199 = tpu.vector_load %arg5[%swap3A_1197, %swap3A_1198] {strides = array<i32>} : memref<200x128xi32, #tpu.memory_space<vmem>>, vector<16xi32>,
        tpu.vector_store %arg5[%swap3A_1197, %swap3A_1198], %select_n3A_1196 {strides = array<i32>} : memref<200x128xi32, #tpu.memory_space<vmem>>, vector<16xi32>,
        %convert_element_type3A_1200 = arith.extui %ge3A_1188 : vector<16xi1> to vector<16xi32>
        %broadcast_in_dim3A_1201 = arith.constant true
        %broadcast_in_dim3A_1202 = vector.broadcast %broadcast_in_dim3A_1201 : i1 to vector<16xi1>
        %masked_cumsum3A_1203 = tpu.scan <sum>, %convert_element_type3A_1200 masked %broadcast_in_dim3A_1202 : vector<16xi32>, vector<16xi1> -> vector<16xi32>
        %add3A_1204 = arith.addi %add3A_1176, %masked_cumsum3A_1203 : vector<16xi32>
        %sub3A_1205 = arith.constant 1 : i32
        %sub3A_1206 = vector.broadcast %sub3A_1205 : i32 to vector<16xi32>
        %sub3A_1207 = arith.subi %add3A_1204, %sub3A_1206 : vector<16xi32>
        %shift_right_logical3A_1208 = arith.constant 7 : i32
        %shift_right_logical3A_1209 = vector.broadcast %shift_right_logical3A_1208 : i32 to vector<16xi32>
        %shift_right_logical3A_1210 = arith.shrui %sub3A_1207, %shift_right_logical3A_1209 : vector<16xi32>
        %and3A_1211 = arith.constant 127 : i32
        %and3A_1212 = vector.broadcast %and3A_1211 : i32 to vector<16xi32>
        %and3A_1213 = arith.andi %sub3A_1207, %and3A_1212 : vector<16xi32>
        %add3A_1214 = vector.broadcast %mul3A_2 : i32 to vector<16xi32>
        %add3A_1215 = arith.addi %add3A_1214, %add3A_1185 : vector<16xi32>
        tpu.vector_store_idx %arg6[%shift_right_logical3A_1210, %and3A_1213], %add3A_1215 masked %ge3A_1188 : memref<202x128xi32, #tpu.memory_space<vmem>>[vector<16xi32>, vector<16xi32>], vector<16xi32>, vector<16xi1>
        %all_reduce_population_count3A_1216 = tpu.all_reduce %ge3A_1188 {dim = 0 : i64, kind = #tpu.reduction_kind<sum>} : vector<16xi1> -> vector<16xi32>
        %add3A_1217 = arith.addi %add3A_1176, %all_reduce_population_count3A_1216 : vector<16xi32>
        %get3A_1218 = arith.index_cast %sub3A_773 : i32 to index
        %get3A_1219 = arith.constant 96 : index
        %get3A_1220 = tpu.vector_load %arg5[%get3A_1218, %get3A_1219] {strides = array<i32>} : memref<200x128xi32, #tpu.memory_space<vmem>>, vector<16xi32>,
        %mul3A_1221 = arith.constant 128 : i32
        %mul3A_1222 = arith.muli %sub3A_773, %mul3A_1221 : i32
        %add3A_1223 = arith.constant 96 : i32
        %add3A_1224 = arith.addi %mul3A_1222, %add3A_1223 : i32
        %add3A_1225 = vector.broadcast %add3A_1224 : i32 to vector<16xi32>
        %add3A_1226 = arith.addi %add3A_1225, %iota3A : vector<16xi32>
        %ge3A_1227 = arith.constant 99000 : i32
        %ge3A_1228 = vector.broadcast %ge3A_1227 : i32 to vector<16xi32>
        %ge3A_1229 = arith.cmpi sge, %get3A_1220, %ge3A_1228 : vector<16xi32>
        %mul3A_1230 = arith.constant 800 : i32
        %mul3A_1231 = arith.muli %add3A, %mul3A_1230 : i32
        %add3A_1232 = vector.broadcast %mul3A_1231 : i32 to vector<16xi32>
        %add3A_1233 = arith.addi %add3A_1226, %add3A_1232 : vector<16xi32>
        %and3A_1234 = arith.constant 16383 : i32
        %and3A_1235 = vector.broadcast %and3A_1234 : i32 to vector<16xi32>
        %and3A_1236 = arith.andi %add3A_1233, %and3A_1235 : vector<16xi32>
        %select_n3A_1237 = arith.select %ge3A_1229, %and3A_1236, %get3A_1220 : vector<16xi1>, vector<16xi32>
        %swap3A_1238 = arith.index_cast %sub3A_773 : i32 to index
        %swap3A_1239 = arith.constant 96 : index
        %swap3A_1240 = tpu.vector_load %arg5[%swap3A_1238, %swap3A_1239] {strides = array<i32>} : memref<200x128xi32, #tpu.memory_space<vmem>>, vector<16xi32>,
        tpu.vector_store %arg5[%swap3A_1238, %swap3A_1239], %select_n3A_1237 {strides = array<i32>} : memref<200x128xi32, #tpu.memory_space<vmem>>, vector<16xi32>,
        %convert_element_type3A_1241 = arith.extui %ge3A_1229 : vector<16xi1> to vector<16xi32>
        %broadcast_in_dim3A_1242 = arith.constant true
        %broadcast_in_dim3A_1243 = vector.broadcast %broadcast_in_dim3A_1242 : i1 to vector<16xi1>
        %masked_cumsum3A_1244 = tpu.scan <sum>, %convert_element_type3A_1241 masked %broadcast_in_dim3A_1243 : vector<16xi32>, vector<16xi1> -> vector<16xi32>
        %add3A_1245 = arith.addi %add3A_1217, %masked_cumsum3A_1244 : vector<16xi32>
        %sub3A_1246 = arith.constant 1 : i32
        %sub3A_1247 = vector.broadcast %sub3A_1246 : i32 to vector<16xi32>
        %sub3A_1248 = arith.subi %add3A_1245, %sub3A_1247 : vector<16xi32>
        %shift_right_logical3A_1249 = arith.constant 7 : i32
        %shift_right_logical3A_1250 = vector.broadcast %shift_right_logical3A_1249 : i32 to vector<16xi32>
        %shift_right_logical3A_1251 = arith.shrui %sub3A_1248, %shift_right_logical3A_1250 : vector<16xi32>
        %and3A_1252 = arith.constant 127 : i32
        %and3A_1253 = vector.broadcast %and3A_1252 : i32 to vector<16xi32>
        %and3A_1254 = arith.andi %sub3A_1248, %and3A_1253 : vector<16xi32>
        %add3A_1255 = vector.broadcast %mul3A_2 : i32 to vector<16xi32>
        %add3A_1256 = arith.addi %add3A_1255, %add3A_1226 : vector<16xi32>
        tpu.vector_store_idx %arg6[%shift_right_logical3A_1251, %and3A_1254], %add3A_1256 masked %ge3A_1229 : memref<202x128xi32, #tpu.memory_space<vmem>>[vector<16xi32>, vector<16xi32>], vector<16xi32>, vector<16xi1>
        %all_reduce_population_count3A_1257 = tpu.all_reduce %ge3A_1229 {dim = 0 : i64, kind = #tpu.reduction_kind<sum>} : vector<16xi1> -> vector<16xi32>
        %add3A_1258 = arith.addi %add3A_1217, %all_reduce_population_count3A_1257 : vector<16xi32>
        %get3A_1259 = arith.index_cast %sub3A_773 : i32 to index
        %get3A_1260 = arith.constant 112 : index
        %get3A_1261 = tpu.vector_load %arg5[%get3A_1259, %get3A_1260] {strides = array<i32>} : memref<200x128xi32, #tpu.memory_space<vmem>>, vector<16xi32>,
        %mul3A_1262 = arith.constant 128 : i32
        %mul3A_1263 = arith.muli %sub3A_773, %mul3A_1262 : i32
        %add3A_1264 = arith.constant 112 : i32
        %add3A_1265 = arith.addi %mul3A_1263, %add3A_1264 : i32
        %add3A_1266 = vector.broadcast %add3A_1265 : i32 to vector<16xi32>
        %add3A_1267 = arith.addi %add3A_1266, %iota3A : vector<16xi32>
        %ge3A_1268 = arith.constant 99000 : i32
        %ge3A_1269 = vector.broadcast %ge3A_1268 : i32 to vector<16xi32>
        %ge3A_1270 = arith.cmpi sge, %get3A_1261, %ge3A_1269 : vector<16xi32>
        %mul3A_1271 = arith.constant 800 : i32
        %mul3A_1272 = arith.muli %add3A, %mul3A_1271 : i32
        %add3A_1273 = vector.broadcast %mul3A_1272 : i32 to vector<16xi32>
        %add3A_1274 = arith.addi %add3A_1267, %add3A_1273 : vector<16xi32>
        %and3A_1275 = arith.constant 16383 : i32
        %and3A_1276 = vector.broadcast %and3A_1275 : i32 to vector<16xi32>
        %and3A_1277 = arith.andi %add3A_1274, %and3A_1276 : vector<16xi32>
        %select_n3A_1278 = arith.select %ge3A_1270, %and3A_1277, %get3A_1261 : vector<16xi1>, vector<16xi32>
        %swap3A_1279 = arith.index_cast %sub3A_773 : i32 to index
        %swap3A_1280 = arith.constant 112 : index
        %swap3A_1281 = tpu.vector_load %arg5[%swap3A_1279, %swap3A_1280] {strides = array<i32>} : memref<200x128xi32, #tpu.memory_space<vmem>>, vector<16xi32>,
        tpu.vector_store %arg5[%swap3A_1279, %swap3A_1280], %select_n3A_1278 {strides = array<i32>} : memref<200x128xi32, #tpu.memory_space<vmem>>, vector<16xi32>,
        %convert_element_type3A_1282 = arith.extui %ge3A_1270 : vector<16xi1> to vector<16xi32>
        %broadcast_in_dim3A_1283 = arith.constant true
        %broadcast_in_dim3A_1284 = vector.broadcast %broadcast_in_dim3A_1283 : i1 to vector<16xi1>
        %masked_cumsum3A_1285 = tpu.scan <sum>, %convert_element_type3A_1282 masked %broadcast_in_dim3A_1284 : vector<16xi32>, vector<16xi1> -> vector<16xi32>
        %add3A_1286 = arith.addi %add3A_1258, %masked_cumsum3A_1285 : vector<16xi32>
        %sub3A_1287 = arith.constant 1 : i32
        %sub3A_1288 = vector.broadcast %sub3A_1287 : i32 to vector<16xi32>
        %sub3A_1289 = arith.subi %add3A_1286, %sub3A_1288 : vector<16xi32>
        %shift_right_logical3A_1290 = arith.constant 7 : i32
        %shift_right_logical3A_1291 = vector.broadcast %shift_right_logical3A_1290 : i32 to vector<16xi32>
        %shift_right_logical3A_1292 = arith.shrui %sub3A_1289, %shift_right_logical3A_1291 : vector<16xi32>
        %and3A_1293 = arith.constant 127 : i32
        %and3A_1294 = vector.broadcast %and3A_1293 : i32 to vector<16xi32>
        %and3A_1295 = arith.andi %sub3A_1289, %and3A_1294 : vector<16xi32>
        %add3A_1296 = vector.broadcast %mul3A_2 : i32 to vector<16xi32>
        %add3A_1297 = arith.addi %add3A_1296, %add3A_1267 : vector<16xi32>
        tpu.vector_store_idx %arg6[%shift_right_logical3A_1292, %and3A_1295], %add3A_1297 masked %ge3A_1270 : memref<202x128xi32, #tpu.memory_space<vmem>>[vector<16xi32>, vector<16xi32>], vector<16xi32>, vector<16xi1>
        %all_reduce_population_count3A_1298 = tpu.all_reduce %ge3A_1270 {dim = 0 : i64, kind = #tpu.reduction_kind<sum>} : vector<16xi1> -> vector<16xi32>
        %add3A_1299 = arith.addi %add3A_1258, %all_reduce_population_count3A_1298 : vector<16xi32>
        scf.yield %add3A_1299 : vector<16xi32>
      } else {
        scf.yield %scan3A_732 : vector<16xi32>
      }
      %lt3A_779 = arith.constant 200 : i32
      %lt3A_780 = arith.cmpi slt, %sub3A_773, %lt3A_779 : i32
      %ge3A_781 = arith.constant 2 : i32
      %ge3A_782 = arith.cmpi sge, %add3A_736, %ge3A_781 : i32
      %and3A_783 = arith.andi %lt3A_780, %ge3A_782 : i1
      %convert_element_type3A_784 = arith.extui %and3A_783 : i1 to i32
      %cond3A_785 = arith.constant 0 : i32
      %cond3A_786 = arith.cmpi ne, %convert_element_type3A_784, %cond3A_785 : i32
      scf.if %cond3A_786 {
        %sub3A_972 = arith.constant 2 : i32
        %sub3A_973 = arith.subi %add3A_736, %sub3A_972 : i32
        %mul3A_974 = arith.constant 128 : i32
        %mul3A_975 = arith.muli %sub3A_973, %mul3A_974 : i32
        %add3A_976 = arith.addi %mul3A_2, %mul3A_975 : i32
        %dma_wait3A_977 = arith.constant 2 : i32
        %dma_wait3A_978 = arith.constant 0 : i32
        %dma_wait3A_979 = arith.constant 0 : i32
        %dma_wait3A_980 = tpu.memref_slice %arg7[%dma_wait3A_977, %dma_wait3A_978, %dma_wait3A_979] : memref<4x128x128xf32, #tpu.memory_space<vmem>> -> memref<1x128x128xf32, #tpu.memory_space<vmem>>
        %dma_wait3A_981 = tpu.memref_squeeze %dma_wait3A_980 : memref<1x128x128xf32, #tpu.memory_space<vmem>> -> memref<128x128xf32, #tpu.memory_space<vmem>>
        %dma_wait3A_982 = arith.constant 0 : i32
        %dma_wait3A_983 = tpu.memref_slice %arg4[%add3A_976, %dma_wait3A_982] : memref<819200x128xf32, #tpu.memory_space<hbm>> -> memref<128x128xf32, #tpu.memory_space<hbm>>
        %dma_wait3A_984 = arith.constant 0 : i32
        %dma_wait3A_985 = tpu.memref_slice %arg4[%add3A_976, %dma_wait3A_984] : memref<819200x128xf32, #tpu.memory_space<hbm>> -> memref<128x128xf32, #tpu.memory_space<hbm>>
        %dma_wait3A_986 = arith.constant 0 : i32
        %dma_wait3A_987 = arith.constant 0 : i32
        %dma_wait3A_988 = tpu.memref_slice %arg7[%dma_wait3A_977, %dma_wait3A_986, %dma_wait3A_987] : memref<4x128x128xf32, #tpu.memory_space<vmem>> -> memref<1x128x128xf32, #tpu.memory_space<vmem>>
        %dma_wait3A_989 = tpu.memref_squeeze %dma_wait3A_988 : memref<1x128x128xf32, #tpu.memory_space<vmem>> -> memref<128x128xf32, #tpu.memory_space<vmem>>
        tpu.wait_dma2 semaphore(%arg14 : memref<!tpu.dma_semaphore, #tpu.memory_space<semaphore_mem>>) src(%dma_wait3A_989 : memref<128x128xf32, #tpu.memory_space<vmem>>) dst(%dma_wait3A_985 : memref<128x128xf32, #tpu.memory_space<hbm>>)
      } else {
      }
      %lt3A_787 = arith.constant 200 : i32
      %lt3A_788 = arith.cmpi slt, %sub3A_773, %lt3A_787 : i32
      %convert_element_type3A_789 = arith.extui %lt3A_788 : i1 to i32
      %cond3A_790 = arith.constant 0 : i32
      %cond3A_791 = arith.cmpi ne, %convert_element_type3A_789, %cond3A_790 : i32
      scf.if %cond3A_791 {
        %dma_start3A_972 = arith.constant 2 : i32
        %dma_start3A_973 = arith.constant 0 : i32
        %dma_start3A_974 = arith.constant 0 : i32
        %dma_start3A_975 = tpu.memref_slice %arg7[%dma_start3A_972, %dma_start3A_973, %dma_start3A_974] : memref<4x128x128xf32, #tpu.memory_space<vmem>> -> memref<1x128x128xf32, #tpu.memory_space<vmem>>
        %dma_start3A_976 = tpu.memref_squeeze %dma_start3A_975 : memref<1x128x128xf32, #tpu.memory_space<vmem>> -> memref<128x128xf32, #tpu.memory_space<vmem>>
        %dma_start3A_977 = arith.constant 0 : i32
        %dma_start3A_978 = tpu.memref_slice %arg5[%sub3A_773, %dma_start3A_977] : memref<200x128xi32, #tpu.memory_space<vmem>> -> memref<1x128xi32, #tpu.memory_space<vmem>>
        %dma_start3A_979 = tpu.memref_squeeze %dma_start3A_978 : memref<1x128xi32, #tpu.memory_space<vmem>> -> memref<128xi32, #tpu.memory_space<vmem>>
        %dma_start3A_980 = arith.constant 0 : i32
        %dma_start3A_981 = arith.constant 0 : i32
        %dma_start3A_982 = tpu.memref_slice %arg3[%dma_start3A_980, %dma_start3A_981] : memref<99001x128xf32, #tpu.memory_space<hbm>> -> memref<99001x128xf32, #tpu.memory_space<hbm>>
        tpu.enqueue_indirect_dma source(%dma_start3A_982 : memref<99001x128xf32, #tpu.memory_space<hbm>>) target(%dma_start3A_976 : memref<128x128xf32, #tpu.memory_space<vmem>>) offsets(%dma_start3A_979 : memref<128xi32, #tpu.memory_space<vmem>>) semaphore(%arg10 : memref<!tpu.dma_semaphore, #tpu.memory_space<semaphore_mem>>)
      } else {
      }
      %mul3A_792 = arith.constant 4 : i32
      %mul3A_793 = arith.muli %scan3A_731, %mul3A_792 : i32
      %add3A_794 = arith.constant 1 : i32
      %add3A_795 = arith.addi %mul3A_793, %add3A_794 : i32
      %dma_wait3A_796 = arith.constant 1 : i32
      %dma_wait3A_797 = arith.constant 0 : i32
      %dma_wait3A_798 = arith.constant 0 : i32
      %dma_wait3A_799 = tpu.memref_slice %arg7[%dma_wait3A_796, %dma_wait3A_797, %dma_wait3A_798] : memref<4x128x128xf32, #tpu.memory_space<vmem>> -> memref<1x128x128xf32, #tpu.memory_space<vmem>>
      %dma_wait3A_800 = tpu.memref_squeeze %dma_wait3A_799 : memref<1x128x128xf32, #tpu.memory_space<vmem>> -> memref<128x128xf32, #tpu.memory_space<vmem>>
      %dma_wait3A_801 = arith.constant 0 : i32
      %dma_wait3A_802 = tpu.memref_slice %arg5[%add3A_795, %dma_wait3A_801] : memref<200x128xi32, #tpu.memory_space<vmem>> -> memref<1x128xi32, #tpu.memory_space<vmem>>
      %dma_wait3A_803 = tpu.memref_squeeze %dma_wait3A_802 : memref<1x128xi32, #tpu.memory_space<vmem>> -> memref<128xi32, #tpu.memory_space<vmem>>
      %dma_wait3A_804 = arith.constant 0 : i32
      %dma_wait3A_805 = arith.constant 0 : i32
      %dma_wait3A_806 = tpu.memref_slice %arg3[%dma_wait3A_804, %dma_wait3A_805] : memref<99001x128xf32, #tpu.memory_space<hbm>> -> memref<99001x128xf32, #tpu.memory_space<hbm>>
      tpu.wait_indirect_dma semaphore(%arg9 : memref<!tpu.dma_semaphore, #tpu.memory_space<semaphore_mem>>) src(%dma_wait3A_806 : memref<99001x128xf32, #tpu.memory_space<hbm>>) dst(%dma_wait3A_800 : memref<128x128xf32, #tpu.memory_space<vmem>>)
      %scan3A_807 = arith.constant 0 : i32
      %scan3A_808 = arith.constant 0 : i32
      %scan3A_809 = arith.constant 128 : i32
      %scan3A_810 = arith.addi %scan3A_808, %scan3A_809 : i32
      %scan3A_811 = arith.constant 2 : i32
      scf.for %scan3A_972 = %scan3A_808 to %scan3A_810 step %scan3A_811  : i32 {
        %get3A_973 = arith.constant 1 : i32
        %get3A_974 = arith.index_cast %get3A_973 : i32 to index
        %get3A_975 = arith.index_cast %scan3A_972 : i32 to index
        %get3A_976 = arith.constant 0 : index
        %get3A_977 = tpu.vector_load %arg7[%get3A_974, %get3A_975, %get3A_976] {strides = array<i32>} : memref<4x128x128xf32, #tpu.memory_space<vmem>>, vector<16xf32>,
        %mul3A_978 = arith.constant 11.3137083 : f32
        %mul3A_979 = vector.broadcast %mul3A_978 : f32 to vector<16xf32>
        %mul3A_980 = arith.mulf %get3A_977, %mul3A_979 : vector<16xf32>
        %swap3A_981 = arith.constant 1 : i32
        %swap3A_982 = arith.index_cast %swap3A_981 : i32 to index
        %swap3A_983 = arith.index_cast %scan3A_972 : i32 to index
        %swap3A_984 = arith.constant 0 : index
        %swap3A_985 = tpu.vector_load %arg7[%swap3A_982, %swap3A_983, %swap3A_984] {strides = array<i32>} : memref<4x128x128xf32, #tpu.memory_space<vmem>>, vector<16xf32>,
        tpu.vector_store %arg7[%swap3A_982, %swap3A_983, %swap3A_984], %mul3A_980 {strides = array<i32>} : memref<4x128x128xf32, #tpu.memory_space<vmem>>, vector<16xf32>,
        %get3A_986 = arith.constant 1 : i32
        %get3A_987 = arith.index_cast %get3A_986 : i32 to index
        %get3A_988 = arith.index_cast %scan3A_972 : i32 to index
        %get3A_989 = arith.constant 16 : index
        %get3A_990 = tpu.vector_load %arg7[%get3A_987, %get3A_988, %get3A_989] {strides = array<i32>} : memref<4x128x128xf32, #tpu.memory_space<vmem>>, vector<16xf32>,
        %mul3A_991 = arith.constant 11.3137083 : f32
        %mul3A_992 = vector.broadcast %mul3A_991 : f32 to vector<16xf32>
        %mul3A_993 = arith.mulf %get3A_990, %mul3A_992 : vector<16xf32>
        %swap3A_994 = arith.constant 1 : i32
        %swap3A_995 = arith.index_cast %swap3A_994 : i32 to index
        %swap3A_996 = arith.index_cast %scan3A_972 : i32 to index
        %swap3A_997 = arith.constant 16 : index
        %swap3A_998 = tpu.vector_load %arg7[%swap3A_995, %swap3A_996, %swap3A_997] {strides = array<i32>} : memref<4x128x128xf32, #tpu.memory_space<vmem>>, vector<16xf32>,
        tpu.vector_store %arg7[%swap3A_995, %swap3A_996, %swap3A_997], %mul3A_993 {strides = array<i32>} : memref<4x128x128xf32, #tpu.memory_space<vmem>>, vector<16xf32>,
        %get3A_999 = arith.constant 1 : i32
        %get3A_1000 = arith.index_cast %get3A_999 : i32 to index
        %get3A_1001 = arith.index_cast %scan3A_972 : i32 to index
        %get3A_1002 = arith.constant 32 : index
        %get3A_1003 = tpu.vector_load %arg7[%get3A_1000, %get3A_1001, %get3A_1002] {strides = array<i32>} : memref<4x128x128xf32, #tpu.memory_space<vmem>>, vector<16xf32>,
        %mul3A_1004 = arith.constant 11.3137083 : f32
        %mul3A_1005 = vector.broadcast %mul3A_1004 : f32 to vector<16xf32>
        %mul3A_1006 = arith.mulf %get3A_1003, %mul3A_1005 : vector<16xf32>
        %swap3A_1007 = arith.constant 1 : i32
        %swap3A_1008 = arith.index_cast %swap3A_1007 : i32 to index
        %swap3A_1009 = arith.index_cast %scan3A_972 : i32 to index
        %swap3A_1010 = arith.constant 32 : index
        %swap3A_1011 = tpu.vector_load %arg7[%swap3A_1008, %swap3A_1009, %swap3A_1010] {strides = array<i32>} : memref<4x128x128xf32, #tpu.memory_space<vmem>>, vector<16xf32>,
        tpu.vector_store %arg7[%swap3A_1008, %swap3A_1009, %swap3A_1010], %mul3A_1006 {strides = array<i32>} : memref<4x128x128xf32, #tpu.memory_space<vmem>>, vector<16xf32>,
        %get3A_1012 = arith.constant 1 : i32
        %get3A_1013 = arith.index_cast %get3A_1012 : i32 to index
        %get3A_1014 = arith.index_cast %scan3A_972 : i32 to index
        %get3A_1015 = arith.constant 48 : index
        %get3A_1016 = tpu.vector_load %arg7[%get3A_1013, %get3A_1014, %get3A_1015] {strides = array<i32>} : memref<4x128x128xf32, #tpu.memory_space<vmem>>, vector<16xf32>,
        %mul3A_1017 = arith.constant 11.3137083 : f32
        %mul3A_1018 = vector.broadcast %mul3A_1017 : f32 to vector<16xf32>
        %mul3A_1019 = arith.mulf %get3A_1016, %mul3A_1018 : vector<16xf32>
        %swap3A_1020 = arith.constant 1 : i32
        %swap3A_1021 = arith.index_cast %swap3A_1020 : i32 to index
        %swap3A_1022 = arith.index_cast %scan3A_972 : i32 to index
        %swap3A_1023 = arith.constant 48 : index
        %swap3A_1024 = tpu.vector_load %arg7[%swap3A_1021, %swap3A_1022, %swap3A_1023] {strides = array<i32>} : memref<4x128x128xf32, #tpu.memory_space<vmem>>, vector<16xf32>,
        tpu.vector_store %arg7[%swap3A_1021, %swap3A_1022, %swap3A_1023], %mul3A_1019 {strides = array<i32>} : memref<4x128x128xf32, #tpu.memory_space<vmem>>, vector<16xf32>,
        %get3A_1025 = arith.constant 1 : i32
        %get3A_1026 = arith.index_cast %get3A_1025 : i32 to index
        %get3A_1027 = arith.index_cast %scan3A_972 : i32 to index
        %get3A_1028 = arith.constant 64 : index
        %get3A_1029 = tpu.vector_load %arg7[%get3A_1026, %get3A_1027, %get3A_1028] {strides = array<i32>} : memref<4x128x128xf32, #tpu.memory_space<vmem>>, vector<16xf32>,
        %mul3A_1030 = arith.constant 11.3137083 : f32
        %mul3A_1031 = vector.broadcast %mul3A_1030 : f32 to vector<16xf32>
        %mul3A_1032 = arith.mulf %get3A_1029, %mul3A_1031 : vector<16xf32>
        %swap3A_1033 = arith.constant 1 : i32
        %swap3A_1034 = arith.index_cast %swap3A_1033 : i32 to index
        %swap3A_1035 = arith.index_cast %scan3A_972 : i32 to index
        %swap3A_1036 = arith.constant 64 : index
        %swap3A_1037 = tpu.vector_load %arg7[%swap3A_1034, %swap3A_1035, %swap3A_1036] {strides = array<i32>} : memref<4x128x128xf32, #tpu.memory_space<vmem>>, vector<16xf32>,
        tpu.vector_store %arg7[%swap3A_1034, %swap3A_1035, %swap3A_1036], %mul3A_1032 {strides = array<i32>} : memref<4x128x128xf32, #tpu.memory_space<vmem>>, vector<16xf32>,
        %get3A_1038 = arith.constant 1 : i32
        %get3A_1039 = arith.index_cast %get3A_1038 : i32 to index
        %get3A_1040 = arith.index_cast %scan3A_972 : i32 to index
        %get3A_1041 = arith.constant 80 : index
        %get3A_1042 = tpu.vector_load %arg7[%get3A_1039, %get3A_1040, %get3A_1041] {strides = array<i32>} : memref<4x128x128xf32, #tpu.memory_space<vmem>>, vector<16xf32>,
        %mul3A_1043 = arith.constant 11.3137083 : f32
        %mul3A_1044 = vector.broadcast %mul3A_1043 : f32 to vector<16xf32>
        %mul3A_1045 = arith.mulf %get3A_1042, %mul3A_1044 : vector<16xf32>
        %swap3A_1046 = arith.constant 1 : i32
        %swap3A_1047 = arith.index_cast %swap3A_1046 : i32 to index
        %swap3A_1048 = arith.index_cast %scan3A_972 : i32 to index
        %swap3A_1049 = arith.constant 80 : index
        %swap3A_1050 = tpu.vector_load %arg7[%swap3A_1047, %swap3A_1048, %swap3A_1049] {strides = array<i32>} : memref<4x128x128xf32, #tpu.memory_space<vmem>>, vector<16xf32>,
        tpu.vector_store %arg7[%swap3A_1047, %swap3A_1048, %swap3A_1049], %mul3A_1045 {strides = array<i32>} : memref<4x128x128xf32, #tpu.memory_space<vmem>>, vector<16xf32>,
        %get3A_1051 = arith.constant 1 : i32
        %get3A_1052 = arith.index_cast %get3A_1051 : i32 to index
        %get3A_1053 = arith.index_cast %scan3A_972 : i32 to index
        %get3A_1054 = arith.constant 96 : index
        %get3A_1055 = tpu.vector_load %arg7[%get3A_1052, %get3A_1053, %get3A_1054] {strides = array<i32>} : memref<4x128x128xf32, #tpu.memory_space<vmem>>, vector<16xf32>,
        %mul3A_1056 = arith.constant 11.3137083 : f32
        %mul3A_1057 = vector.broadcast %mul3A_1056 : f32 to vector<16xf32>
        %mul3A_1058 = arith.mulf %get3A_1055, %mul3A_1057 : vector<16xf32>
        %swap3A_1059 = arith.constant 1 : i32
        %swap3A_1060 = arith.index_cast %swap3A_1059 : i32 to index
        %swap3A_1061 = arith.index_cast %scan3A_972 : i32 to index
        %swap3A_1062 = arith.constant 96 : index
        %swap3A_1063 = tpu.vector_load %arg7[%swap3A_1060, %swap3A_1061, %swap3A_1062] {strides = array<i32>} : memref<4x128x128xf32, #tpu.memory_space<vmem>>, vector<16xf32>,
        tpu.vector_store %arg7[%swap3A_1060, %swap3A_1061, %swap3A_1062], %mul3A_1058 {strides = array<i32>} : memref<4x128x128xf32, #tpu.memory_space<vmem>>, vector<16xf32>,
        %get3A_1064 = arith.constant 1 : i32
        %get3A_1065 = arith.index_cast %get3A_1064 : i32 to index
        %get3A_1066 = arith.index_cast %scan3A_972 : i32 to index
        %get3A_1067 = arith.constant 112 : index
        %get3A_1068 = tpu.vector_load %arg7[%get3A_1065, %get3A_1066, %get3A_1067] {strides = array<i32>} : memref<4x128x128xf32, #tpu.memory_space<vmem>>, vector<16xf32>,
        %mul3A_1069 = arith.constant 11.3137083 : f32
        %mul3A_1070 = vector.broadcast %mul3A_1069 : f32 to vector<16xf32>
        %mul3A_1071 = arith.mulf %get3A_1068, %mul3A_1070 : vector<16xf32>
        %swap3A_1072 = arith.constant 1 : i32
        %swap3A_1073 = arith.index_cast %swap3A_1072 : i32 to index
        %swap3A_1074 = arith.index_cast %scan3A_972 : i32 to index
        %swap3A_1075 = arith.constant 112 : index
        %swap3A_1076 = tpu.vector_load %arg7[%swap3A_1073, %swap3A_1074, %swap3A_1075] {strides = array<i32>} : memref<4x128x128xf32, #tpu.memory_space<vmem>>, vector<16xf32>,
        tpu.vector_store %arg7[%swap3A_1073, %swap3A_1074, %swap3A_1075], %mul3A_1071 {strides = array<i32>} : memref<4x128x128xf32, #tpu.memory_space<vmem>>, vector<16xf32>,
        %scan3A_1077 = arith.constant 1 : i32
        %scan3A_1078 = arith.addi %scan3A_972, %scan3A_1077 : i32
        %get3A_1079 = arith.constant 1 : i32
        %get3A_1080 = arith.index_cast %get3A_1079 : i32 to index
        %get3A_1081 = arith.index_cast %scan3A_1078 : i32 to index
        %get3A_1082 = arith.constant 0 : index
        %get3A_1083 = tpu.vector_load %arg7[%get3A_1080, %get3A_1081, %get3A_1082] {strides = array<i32>} : memref<4x128x128xf32, #tpu.memory_space<vmem>>, vector<16xf32>,
        %mul3A_1084 = arith.constant 11.3137083 : f32
        %mul3A_1085 = vector.broadcast %mul3A_1084 : f32 to vector<16xf32>
        %mul3A_1086 = arith.mulf %get3A_1083, %mul3A_1085 : vector<16xf32>
        %swap3A_1087 = arith.constant 1 : i32
        %swap3A_1088 = arith.index_cast %swap3A_1087 : i32 to index
        %swap3A_1089 = arith.index_cast %scan3A_1078 : i32 to index
        %swap3A_1090 = arith.constant 0 : index
        %swap3A_1091 = tpu.vector_load %arg7[%swap3A_1088, %swap3A_1089, %swap3A_1090] {strides = array<i32>} : memref<4x128x128xf32, #tpu.memory_space<vmem>>, vector<16xf32>,
        tpu.vector_store %arg7[%swap3A_1088, %swap3A_1089, %swap3A_1090], %mul3A_1086 {strides = array<i32>} : memref<4x128x128xf32, #tpu.memory_space<vmem>>, vector<16xf32>,
        %get3A_1092 = arith.constant 1 : i32
        %get3A_1093 = arith.index_cast %get3A_1092 : i32 to index
        %get3A_1094 = arith.index_cast %scan3A_1078 : i32 to index
        %get3A_1095 = arith.constant 16 : index
        %get3A_1096 = tpu.vector_load %arg7[%get3A_1093, %get3A_1094, %get3A_1095] {strides = array<i32>} : memref<4x128x128xf32, #tpu.memory_space<vmem>>, vector<16xf32>,
        %mul3A_1097 = arith.constant 11.3137083 : f32
        %mul3A_1098 = vector.broadcast %mul3A_1097 : f32 to vector<16xf32>
        %mul3A_1099 = arith.mulf %get3A_1096, %mul3A_1098 : vector<16xf32>
        %swap3A_1100 = arith.constant 1 : i32
        %swap3A_1101 = arith.index_cast %swap3A_1100 : i32 to index
        %swap3A_1102 = arith.index_cast %scan3A_1078 : i32 to index
        %swap3A_1103 = arith.constant 16 : index
        %swap3A_1104 = tpu.vector_load %arg7[%swap3A_1101, %swap3A_1102, %swap3A_1103] {strides = array<i32>} : memref<4x128x128xf32, #tpu.memory_space<vmem>>, vector<16xf32>,
        tpu.vector_store %arg7[%swap3A_1101, %swap3A_1102, %swap3A_1103], %mul3A_1099 {strides = array<i32>} : memref<4x128x128xf32, #tpu.memory_space<vmem>>, vector<16xf32>,
        %get3A_1105 = arith.constant 1 : i32
        %get3A_1106 = arith.index_cast %get3A_1105 : i32 to index
        %get3A_1107 = arith.index_cast %scan3A_1078 : i32 to index
        %get3A_1108 = arith.constant 32 : index
        %get3A_1109 = tpu.vector_load %arg7[%get3A_1106, %get3A_1107, %get3A_1108] {strides = array<i32>} : memref<4x128x128xf32, #tpu.memory_space<vmem>>, vector<16xf32>,
        %mul3A_1110 = arith.constant 11.3137083 : f32
        %mul3A_1111 = vector.broadcast %mul3A_1110 : f32 to vector<16xf32>
        %mul3A_1112 = arith.mulf %get3A_1109, %mul3A_1111 : vector<16xf32>
        %swap3A_1113 = arith.constant 1 : i32
        %swap3A_1114 = arith.index_cast %swap3A_1113 : i32 to index
        %swap3A_1115 = arith.index_cast %scan3A_1078 : i32 to index
        %swap3A_1116 = arith.constant 32 : index
        %swap3A_1117 = tpu.vector_load %arg7[%swap3A_1114, %swap3A_1115, %swap3A_1116] {strides = array<i32>} : memref<4x128x128xf32, #tpu.memory_space<vmem>>, vector<16xf32>,
        tpu.vector_store %arg7[%swap3A_1114, %swap3A_1115, %swap3A_1116], %mul3A_1112 {strides = array<i32>} : memref<4x128x128xf32, #tpu.memory_space<vmem>>, vector<16xf32>,
        %get3A_1118 = arith.constant 1 : i32
        %get3A_1119 = arith.index_cast %get3A_1118 : i32 to index
        %get3A_1120 = arith.index_cast %scan3A_1078 : i32 to index
        %get3A_1121 = arith.constant 48 : index
        %get3A_1122 = tpu.vector_load %arg7[%get3A_1119, %get3A_1120, %get3A_1121] {strides = array<i32>} : memref<4x128x128xf32, #tpu.memory_space<vmem>>, vector<16xf32>,
        %mul3A_1123 = arith.constant 11.3137083 : f32
        %mul3A_1124 = vector.broadcast %mul3A_1123 : f32 to vector<16xf32>
        %mul3A_1125 = arith.mulf %get3A_1122, %mul3A_1124 : vector<16xf32>
        %swap3A_1126 = arith.constant 1 : i32
        %swap3A_1127 = arith.index_cast %swap3A_1126 : i32 to index
        %swap3A_1128 = arith.index_cast %scan3A_1078 : i32 to index
        %swap3A_1129 = arith.constant 48 : index
        %swap3A_1130 = tpu.vector_load %arg7[%swap3A_1127, %swap3A_1128, %swap3A_1129] {strides = array<i32>} : memref<4x128x128xf32, #tpu.memory_space<vmem>>, vector<16xf32>,
        tpu.vector_store %arg7[%swap3A_1127, %swap3A_1128, %swap3A_1129], %mul3A_1125 {strides = array<i32>} : memref<4x128x128xf32, #tpu.memory_space<vmem>>, vector<16xf32>,
        %get3A_1131 = arith.constant 1 : i32
        %get3A_1132 = arith.index_cast %get3A_1131 : i32 to index
        %get3A_1133 = arith.index_cast %scan3A_1078 : i32 to index
        %get3A_1134 = arith.constant 64 : index
        %get3A_1135 = tpu.vector_load %arg7[%get3A_1132, %get3A_1133, %get3A_1134] {strides = array<i32>} : memref<4x128x128xf32, #tpu.memory_space<vmem>>, vector<16xf32>,
        %mul3A_1136 = arith.constant 11.3137083 : f32
        %mul3A_1137 = vector.broadcast %mul3A_1136 : f32 to vector<16xf32>
        %mul3A_1138 = arith.mulf %get3A_1135, %mul3A_1137 : vector<16xf32>
        %swap3A_1139 = arith.constant 1 : i32
        %swap3A_1140 = arith.index_cast %swap3A_1139 : i32 to index
        %swap3A_1141 = arith.index_cast %scan3A_1078 : i32 to index
        %swap3A_1142 = arith.constant 64 : index
        %swap3A_1143 = tpu.vector_load %arg7[%swap3A_1140, %swap3A_1141, %swap3A_1142] {strides = array<i32>} : memref<4x128x128xf32, #tpu.memory_space<vmem>>, vector<16xf32>,
        tpu.vector_store %arg7[%swap3A_1140, %swap3A_1141, %swap3A_1142], %mul3A_1138 {strides = array<i32>} : memref<4x128x128xf32, #tpu.memory_space<vmem>>, vector<16xf32>,
        %get3A_1144 = arith.constant 1 : i32
        %get3A_1145 = arith.index_cast %get3A_1144 : i32 to index
        %get3A_1146 = arith.index_cast %scan3A_1078 : i32 to index
        %get3A_1147 = arith.constant 80 : index
        %get3A_1148 = tpu.vector_load %arg7[%get3A_1145, %get3A_1146, %get3A_1147] {strides = array<i32>} : memref<4x128x128xf32, #tpu.memory_space<vmem>>, vector<16xf32>,
        %mul3A_1149 = arith.constant 11.3137083 : f32
        %mul3A_1150 = vector.broadcast %mul3A_1149 : f32 to vector<16xf32>
        %mul3A_1151 = arith.mulf %get3A_1148, %mul3A_1150 : vector<16xf32>
        %swap3A_1152 = arith.constant 1 : i32
        %swap3A_1153 = arith.index_cast %swap3A_1152 : i32 to index
        %swap3A_1154 = arith.index_cast %scan3A_1078 : i32 to index
        %swap3A_1155 = arith.constant 80 : index
        %swap3A_1156 = tpu.vector_load %arg7[%swap3A_1153, %swap3A_1154, %swap3A_1155] {strides = array<i32>} : memref<4x128x128xf32, #tpu.memory_space<vmem>>, vector<16xf32>,
        tpu.vector_store %arg7[%swap3A_1153, %swap3A_1154, %swap3A_1155], %mul3A_1151 {strides = array<i32>} : memref<4x128x128xf32, #tpu.memory_space<vmem>>, vector<16xf32>,
        %get3A_1157 = arith.constant 1 : i32
        %get3A_1158 = arith.index_cast %get3A_1157 : i32 to index
        %get3A_1159 = arith.index_cast %scan3A_1078 : i32 to index
        %get3A_1160 = arith.constant 96 : index
        %get3A_1161 = tpu.vector_load %arg7[%get3A_1158, %get3A_1159, %get3A_1160] {strides = array<i32>} : memref<4x128x128xf32, #tpu.memory_space<vmem>>, vector<16xf32>,
        %mul3A_1162 = arith.constant 11.3137083 : f32
        %mul3A_1163 = vector.broadcast %mul3A_1162 : f32 to vector<16xf32>
        %mul3A_1164 = arith.mulf %get3A_1161, %mul3A_1163 : vector<16xf32>
        %swap3A_1165 = arith.constant 1 : i32
        %swap3A_1166 = arith.index_cast %swap3A_1165 : i32 to index
        %swap3A_1167 = arith.index_cast %scan3A_1078 : i32 to index
        %swap3A_1168 = arith.constant 96 : index
        %swap3A_1169 = tpu.vector_load %arg7[%swap3A_1166, %swap3A_1167, %swap3A_1168] {strides = array<i32>} : memref<4x128x128xf32, #tpu.memory_space<vmem>>, vector<16xf32>,
        tpu.vector_store %arg7[%swap3A_1166, %swap3A_1167, %swap3A_1168], %mul3A_1164 {strides = array<i32>} : memref<4x128x128xf32, #tpu.memory_space<vmem>>, vector<16xf32>,
        %get3A_1170 = arith.constant 1 : i32
        %get3A_1171 = arith.index_cast %get3A_1170 : i32 to index
        %get3A_1172 = arith.index_cast %scan3A_1078 : i32 to index
        %get3A_1173 = arith.constant 112 : index
        %get3A_1174 = tpu.vector_load %arg7[%get3A_1171, %get3A_1172, %get3A_1173] {strides = array<i32>} : memref<4x128x128xf32, #tpu.memory_space<vmem>>, vector<16xf32>,
        %mul3A_1175 = arith.constant 11.3137083 : f32
        %mul3A_1176 = vector.broadcast %mul3A_1175 : f32 to vector<16xf32>
        %mul3A_1177 = arith.mulf %get3A_1174, %mul3A_1176 : vector<16xf32>
        %swap3A_1178 = arith.constant 1 : i32
        %swap3A_1179 = arith.index_cast %swap3A_1178 : i32 to index
        %swap3A_1180 = arith.index_cast %scan3A_1078 : i32 to index
        %swap3A_1181 = arith.constant 112 : index
        %swap3A_1182 = tpu.vector_load %arg7[%swap3A_1179, %swap3A_1180, %swap3A_1181] {strides = array<i32>} : memref<4x128x128xf32, #tpu.memory_space<vmem>>, vector<16xf32>,
        tpu.vector_store %arg7[%swap3A_1179, %swap3A_1180, %swap3A_1181], %mul3A_1177 {strides = array<i32>} : memref<4x128x128xf32, #tpu.memory_space<vmem>>, vector<16xf32>,
      }
      %scan3A_812 = arith.constant 128 : i32
      %mul3A_813 = arith.constant 128 : i32
      %mul3A_814 = arith.muli %add3A_795, %mul3A_813 : i32
      %add3A_815 = arith.addi %mul3A_2, %mul3A_814 : i32
      %dma_start3A_816 = arith.constant 1 : i32
      %dma_start3A_817 = arith.constant 0 : i32
      %dma_start3A_818 = arith.constant 0 : i32
      %dma_start3A_819 = tpu.memref_slice %arg7[%dma_start3A_816, %dma_start3A_817, %dma_start3A_818] : memref<4x128x128xf32, #tpu.memory_space<vmem>> -> memref<1x128x128xf32, #tpu.memory_space<vmem>>
      %dma_start3A_820 = tpu.memref_squeeze %dma_start3A_819 : memref<1x128x128xf32, #tpu.memory_space<vmem>> -> memref<128x128xf32, #tpu.memory_space<vmem>>
      %dma_start3A_821 = arith.constant 0 : i32
      %dma_start3A_822 = tpu.memref_slice %arg4[%add3A_815, %dma_start3A_821] : memref<819200x128xf32, #tpu.memory_space<hbm>> -> memref<128x128xf32, #tpu.memory_space<hbm>>
      %dma_start3A_823 = arith.constant 0 : i32
      %dma_start3A_824 = tpu.memref_slice %arg4[%add3A_815, %dma_start3A_823] : memref<819200x128xf32, #tpu.memory_space<hbm>> -> memref<128x128xf32, #tpu.memory_space<hbm>>
      %dma_start3A_825 = arith.constant 0 : i32
      %dma_start3A_826 = arith.constant 0 : i32
      %dma_start3A_827 = tpu.memref_slice %arg7[%dma_start3A_816, %dma_start3A_825, %dma_start3A_826] : memref<4x128x128xf32, #tpu.memory_space<vmem>> -> memref<1x128x128xf32, #tpu.memory_space<vmem>>
      %dma_start3A_828 = tpu.memref_squeeze %dma_start3A_827 : memref<1x128x128xf32, #tpu.memory_space<vmem>> -> memref<128x128xf32, #tpu.memory_space<vmem>>
      tpu.enqueue_dma source(%dma_start3A_828 : memref<128x128xf32, #tpu.memory_space<vmem>>) target(%dma_start3A_824 : memref<128x128xf32, #tpu.memory_space<hbm>>) target_semaphore(%arg13 : memref<!tpu.dma_semaphore, #tpu.memory_space<semaphore_mem>>)
      %add3A_829 = arith.constant 4 : i32
      %add3A_830 = arith.addi %add3A_795, %add3A_829 : i32
      %sub3A_831 = arith.constant 2 : i32
      %sub3A_832 = arith.subi %add3A_830, %sub3A_831 : i32
      %lt3A_833 = arith.constant 200 : i32
      %lt3A_834 = arith.cmpi slt, %sub3A_832, %lt3A_833 : i32
      %convert_element_type3A_835 = arith.extui %lt3A_834 : i1 to i32
      %cond3A_836 = arith.constant 0 : i32
      %cond3A_837 = arith.cmpi ne, %convert_element_type3A_835, %cond3A_836 : i32
      %cond3A_838 = scf.if %cond3A_837 -> (vector<16xi32>) {
        %get3A_972 = arith.index_cast %sub3A_832 : i32 to index
        %get3A_973 = arith.constant 0 : index
        %get3A_974 = tpu.vector_load %arg5[%get3A_972, %get3A_973] {strides = array<i32>} : memref<200x128xi32, #tpu.memory_space<vmem>>, vector<16xi32>,
        %mul3A_975 = arith.constant 128 : i32
        %mul3A_976 = arith.muli %sub3A_832, %mul3A_975 : i32
        %add3A_977 = arith.constant 0 : i32
        %add3A_978 = arith.addi %mul3A_976, %add3A_977 : i32
        %add3A_979 = vector.broadcast %add3A_978 : i32 to vector<16xi32>
        %add3A_980 = arith.addi %add3A_979, %iota3A : vector<16xi32>
        %ge3A_981 = arith.constant 99000 : i32
        %ge3A_982 = vector.broadcast %ge3A_981 : i32 to vector<16xi32>
        %ge3A_983 = arith.cmpi sge, %get3A_974, %ge3A_982 : vector<16xi32>
        %mul3A_984 = arith.constant 800 : i32
        %mul3A_985 = arith.muli %add3A, %mul3A_984 : i32
        %add3A_986 = vector.broadcast %mul3A_985 : i32 to vector<16xi32>
        %add3A_987 = arith.addi %add3A_980, %add3A_986 : vector<16xi32>
        %and3A_988 = arith.constant 16383 : i32
        %and3A_989 = vector.broadcast %and3A_988 : i32 to vector<16xi32>
        %and3A_990 = arith.andi %add3A_987, %and3A_989 : vector<16xi32>
        %select_n3A_991 = arith.select %ge3A_983, %and3A_990, %get3A_974 : vector<16xi1>, vector<16xi32>
        %swap3A_992 = arith.index_cast %sub3A_832 : i32 to index
        %swap3A_993 = arith.constant 0 : index
        %swap3A_994 = tpu.vector_load %arg5[%swap3A_992, %swap3A_993] {strides = array<i32>} : memref<200x128xi32, #tpu.memory_space<vmem>>, vector<16xi32>,
        tpu.vector_store %arg5[%swap3A_992, %swap3A_993], %select_n3A_991 {strides = array<i32>} : memref<200x128xi32, #tpu.memory_space<vmem>>, vector<16xi32>,
        %convert_element_type3A_995 = arith.extui %ge3A_983 : vector<16xi1> to vector<16xi32>
        %broadcast_in_dim3A_996 = arith.constant true
        %broadcast_in_dim3A_997 = vector.broadcast %broadcast_in_dim3A_996 : i1 to vector<16xi1>
        %masked_cumsum3A_998 = tpu.scan <sum>, %convert_element_type3A_995 masked %broadcast_in_dim3A_997 : vector<16xi32>, vector<16xi1> -> vector<16xi32>
        %add3A_999 = arith.addi %cond3A_778, %masked_cumsum3A_998 : vector<16xi32>
        %sub3A_1000 = arith.constant 1 : i32
        %sub3A_1001 = vector.broadcast %sub3A_1000 : i32 to vector<16xi32>
        %sub3A_1002 = arith.subi %add3A_999, %sub3A_1001 : vector<16xi32>
        %shift_right_logical3A_1003 = arith.constant 7 : i32
        %shift_right_logical3A_1004 = vector.broadcast %shift_right_logical3A_1003 : i32 to vector<16xi32>
        %shift_right_logical3A_1005 = arith.shrui %sub3A_1002, %shift_right_logical3A_1004 : vector<16xi32>
        %and3A_1006 = arith.constant 127 : i32
        %and3A_1007 = vector.broadcast %and3A_1006 : i32 to vector<16xi32>
        %and3A_1008 = arith.andi %sub3A_1002, %and3A_1007 : vector<16xi32>
        %add3A_1009 = vector.broadcast %mul3A_2 : i32 to vector<16xi32>
        %add3A_1010 = arith.addi %add3A_1009, %add3A_980 : vector<16xi32>
        tpu.vector_store_idx %arg6[%shift_right_logical3A_1005, %and3A_1008], %add3A_1010 masked %ge3A_983 : memref<202x128xi32, #tpu.memory_space<vmem>>[vector<16xi32>, vector<16xi32>], vector<16xi32>, vector<16xi1>
        %all_reduce_population_count3A_1011 = tpu.all_reduce %ge3A_983 {dim = 0 : i64, kind = #tpu.reduction_kind<sum>} : vector<16xi1> -> vector<16xi32>
        %add3A_1012 = arith.addi %cond3A_778, %all_reduce_population_count3A_1011 : vector<16xi32>
        %get3A_1013 = arith.index_cast %sub3A_832 : i32 to index
        %get3A_1014 = arith.constant 16 : index
        %get3A_1015 = tpu.vector_load %arg5[%get3A_1013, %get3A_1014] {strides = array<i32>} : memref<200x128xi32, #tpu.memory_space<vmem>>, vector<16xi32>,
        %mul3A_1016 = arith.constant 128 : i32
        %mul3A_1017 = arith.muli %sub3A_832, %mul3A_1016 : i32
        %add3A_1018 = arith.constant 16 : i32
        %add3A_1019 = arith.addi %mul3A_1017, %add3A_1018 : i32
        %add3A_1020 = vector.broadcast %add3A_1019 : i32 to vector<16xi32>
        %add3A_1021 = arith.addi %add3A_1020, %iota3A : vector<16xi32>
        %ge3A_1022 = arith.constant 99000 : i32
        %ge3A_1023 = vector.broadcast %ge3A_1022 : i32 to vector<16xi32>
        %ge3A_1024 = arith.cmpi sge, %get3A_1015, %ge3A_1023 : vector<16xi32>
        %mul3A_1025 = arith.constant 800 : i32
        %mul3A_1026 = arith.muli %add3A, %mul3A_1025 : i32
        %add3A_1027 = vector.broadcast %mul3A_1026 : i32 to vector<16xi32>
        %add3A_1028 = arith.addi %add3A_1021, %add3A_1027 : vector<16xi32>
        %and3A_1029 = arith.constant 16383 : i32
        %and3A_1030 = vector.broadcast %and3A_1029 : i32 to vector<16xi32>
        %and3A_1031 = arith.andi %add3A_1028, %and3A_1030 : vector<16xi32>
        %select_n3A_1032 = arith.select %ge3A_1024, %and3A_1031, %get3A_1015 : vector<16xi1>, vector<16xi32>
        %swap3A_1033 = arith.index_cast %sub3A_832 : i32 to index
        %swap3A_1034 = arith.constant 16 : index
        %swap3A_1035 = tpu.vector_load %arg5[%swap3A_1033, %swap3A_1034] {strides = array<i32>} : memref<200x128xi32, #tpu.memory_space<vmem>>, vector<16xi32>,
        tpu.vector_store %arg5[%swap3A_1033, %swap3A_1034], %select_n3A_1032 {strides = array<i32>} : memref<200x128xi32, #tpu.memory_space<vmem>>, vector<16xi32>,
        %convert_element_type3A_1036 = arith.extui %ge3A_1024 : vector<16xi1> to vector<16xi32>
        %broadcast_in_dim3A_1037 = arith.constant true
        %broadcast_in_dim3A_1038 = vector.broadcast %broadcast_in_dim3A_1037 : i1 to vector<16xi1>
        %masked_cumsum3A_1039 = tpu.scan <sum>, %convert_element_type3A_1036 masked %broadcast_in_dim3A_1038 : vector<16xi32>, vector<16xi1> -> vector<16xi32>
        %add3A_1040 = arith.addi %add3A_1012, %masked_cumsum3A_1039 : vector<16xi32>
        %sub3A_1041 = arith.constant 1 : i32
        %sub3A_1042 = vector.broadcast %sub3A_1041 : i32 to vector<16xi32>
        %sub3A_1043 = arith.subi %add3A_1040, %sub3A_1042 : vector<16xi32>
        %shift_right_logical3A_1044 = arith.constant 7 : i32
        %shift_right_logical3A_1045 = vector.broadcast %shift_right_logical3A_1044 : i32 to vector<16xi32>
        %shift_right_logical3A_1046 = arith.shrui %sub3A_1043, %shift_right_logical3A_1045 : vector<16xi32>
        %and3A_1047 = arith.constant 127 : i32
        %and3A_1048 = vector.broadcast %and3A_1047 : i32 to vector<16xi32>
        %and3A_1049 = arith.andi %sub3A_1043, %and3A_1048 : vector<16xi32>
        %add3A_1050 = vector.broadcast %mul3A_2 : i32 to vector<16xi32>
        %add3A_1051 = arith.addi %add3A_1050, %add3A_1021 : vector<16xi32>
        tpu.vector_store_idx %arg6[%shift_right_logical3A_1046, %and3A_1049], %add3A_1051 masked %ge3A_1024 : memref<202x128xi32, #tpu.memory_space<vmem>>[vector<16xi32>, vector<16xi32>], vector<16xi32>, vector<16xi1>
        %all_reduce_population_count3A_1052 = tpu.all_reduce %ge3A_1024 {dim = 0 : i64, kind = #tpu.reduction_kind<sum>} : vector<16xi1> -> vector<16xi32>
        %add3A_1053 = arith.addi %add3A_1012, %all_reduce_population_count3A_1052 : vector<16xi32>
        %get3A_1054 = arith.index_cast %sub3A_832 : i32 to index
        %get3A_1055 = arith.constant 32 : index
        %get3A_1056 = tpu.vector_load %arg5[%get3A_1054, %get3A_1055] {strides = array<i32>} : memref<200x128xi32, #tpu.memory_space<vmem>>, vector<16xi32>,
        %mul3A_1057 = arith.constant 128 : i32
        %mul3A_1058 = arith.muli %sub3A_832, %mul3A_1057 : i32
        %add3A_1059 = arith.constant 32 : i32
        %add3A_1060 = arith.addi %mul3A_1058, %add3A_1059 : i32
        %add3A_1061 = vector.broadcast %add3A_1060 : i32 to vector<16xi32>
        %add3A_1062 = arith.addi %add3A_1061, %iota3A : vector<16xi32>
        %ge3A_1063 = arith.constant 99000 : i32
        %ge3A_1064 = vector.broadcast %ge3A_1063 : i32 to vector<16xi32>
        %ge3A_1065 = arith.cmpi sge, %get3A_1056, %ge3A_1064 : vector<16xi32>
        %mul3A_1066 = arith.constant 800 : i32
        %mul3A_1067 = arith.muli %add3A, %mul3A_1066 : i32
        %add3A_1068 = vector.broadcast %mul3A_1067 : i32 to vector<16xi32>
        %add3A_1069 = arith.addi %add3A_1062, %add3A_1068 : vector<16xi32>
        %and3A_1070 = arith.constant 16383 : i32
        %and3A_1071 = vector.broadcast %and3A_1070 : i32 to vector<16xi32>
        %and3A_1072 = arith.andi %add3A_1069, %and3A_1071 : vector<16xi32>
        %select_n3A_1073 = arith.select %ge3A_1065, %and3A_1072, %get3A_1056 : vector<16xi1>, vector<16xi32>
        %swap3A_1074 = arith.index_cast %sub3A_832 : i32 to index
        %swap3A_1075 = arith.constant 32 : index
        %swap3A_1076 = tpu.vector_load %arg5[%swap3A_1074, %swap3A_1075] {strides = array<i32>} : memref<200x128xi32, #tpu.memory_space<vmem>>, vector<16xi32>,
        tpu.vector_store %arg5[%swap3A_1074, %swap3A_1075], %select_n3A_1073 {strides = array<i32>} : memref<200x128xi32, #tpu.memory_space<vmem>>, vector<16xi32>,
        %convert_element_type3A_1077 = arith.extui %ge3A_1065 : vector<16xi1> to vector<16xi32>
        %broadcast_in_dim3A_1078 = arith.constant true
        %broadcast_in_dim3A_1079 = vector.broadcast %broadcast_in_dim3A_1078 : i1 to vector<16xi1>
        %masked_cumsum3A_1080 = tpu.scan <sum>, %convert_element_type3A_1077 masked %broadcast_in_dim3A_1079 : vector<16xi32>, vector<16xi1> -> vector<16xi32>
        %add3A_1081 = arith.addi %add3A_1053, %masked_cumsum3A_1080 : vector<16xi32>
        %sub3A_1082 = arith.constant 1 : i32
        %sub3A_1083 = vector.broadcast %sub3A_1082 : i32 to vector<16xi32>
        %sub3A_1084 = arith.subi %add3A_1081, %sub3A_1083 : vector<16xi32>
        %shift_right_logical3A_1085 = arith.constant 7 : i32
        %shift_right_logical3A_1086 = vector.broadcast %shift_right_logical3A_1085 : i32 to vector<16xi32>
        %shift_right_logical3A_1087 = arith.shrui %sub3A_1084, %shift_right_logical3A_1086 : vector<16xi32>
        %and3A_1088 = arith.constant 127 : i32
        %and3A_1089 = vector.broadcast %and3A_1088 : i32 to vector<16xi32>
        %and3A_1090 = arith.andi %sub3A_1084, %and3A_1089 : vector<16xi32>
        %add3A_1091 = vector.broadcast %mul3A_2 : i32 to vector<16xi32>
        %add3A_1092 = arith.addi %add3A_1091, %add3A_1062 : vector<16xi32>
        tpu.vector_store_idx %arg6[%shift_right_logical3A_1087, %and3A_1090], %add3A_1092 masked %ge3A_1065 : memref<202x128xi32, #tpu.memory_space<vmem>>[vector<16xi32>, vector<16xi32>], vector<16xi32>, vector<16xi1>
        %all_reduce_population_count3A_1093 = tpu.all_reduce %ge3A_1065 {dim = 0 : i64, kind = #tpu.reduction_kind<sum>} : vector<16xi1> -> vector<16xi32>
        %add3A_1094 = arith.addi %add3A_1053, %all_reduce_population_count3A_1093 : vector<16xi32>
        %get3A_1095 = arith.index_cast %sub3A_832 : i32 to index
        %get3A_1096 = arith.constant 48 : index
        %get3A_1097 = tpu.vector_load %arg5[%get3A_1095, %get3A_1096] {strides = array<i32>} : memref<200x128xi32, #tpu.memory_space<vmem>>, vector<16xi32>,
        %mul3A_1098 = arith.constant 128 : i32
        %mul3A_1099 = arith.muli %sub3A_832, %mul3A_1098 : i32
        %add3A_1100 = arith.constant 48 : i32
        %add3A_1101 = arith.addi %mul3A_1099, %add3A_1100 : i32
        %add3A_1102 = vector.broadcast %add3A_1101 : i32 to vector<16xi32>
        %add3A_1103 = arith.addi %add3A_1102, %iota3A : vector<16xi32>
        %ge3A_1104 = arith.constant 99000 : i32
        %ge3A_1105 = vector.broadcast %ge3A_1104 : i32 to vector<16xi32>
        %ge3A_1106 = arith.cmpi sge, %get3A_1097, %ge3A_1105 : vector<16xi32>
        %mul3A_1107 = arith.constant 800 : i32
        %mul3A_1108 = arith.muli %add3A, %mul3A_1107 : i32
        %add3A_1109 = vector.broadcast %mul3A_1108 : i32 to vector<16xi32>
        %add3A_1110 = arith.addi %add3A_1103, %add3A_1109 : vector<16xi32>
        %and3A_1111 = arith.constant 16383 : i32
        %and3A_1112 = vector.broadcast %and3A_1111 : i32 to vector<16xi32>
        %and3A_1113 = arith.andi %add3A_1110, %and3A_1112 : vector<16xi32>
        %select_n3A_1114 = arith.select %ge3A_1106, %and3A_1113, %get3A_1097 : vector<16xi1>, vector<16xi32>
        %swap3A_1115 = arith.index_cast %sub3A_832 : i32 to index
        %swap3A_1116 = arith.constant 48 : index
        %swap3A_1117 = tpu.vector_load %arg5[%swap3A_1115, %swap3A_1116] {strides = array<i32>} : memref<200x128xi32, #tpu.memory_space<vmem>>, vector<16xi32>,
        tpu.vector_store %arg5[%swap3A_1115, %swap3A_1116], %select_n3A_1114 {strides = array<i32>} : memref<200x128xi32, #tpu.memory_space<vmem>>, vector<16xi32>,
        %convert_element_type3A_1118 = arith.extui %ge3A_1106 : vector<16xi1> to vector<16xi32>
        %broadcast_in_dim3A_1119 = arith.constant true
        %broadcast_in_dim3A_1120 = vector.broadcast %broadcast_in_dim3A_1119 : i1 to vector<16xi1>
        %masked_cumsum3A_1121 = tpu.scan <sum>, %convert_element_type3A_1118 masked %broadcast_in_dim3A_1120 : vector<16xi32>, vector<16xi1> -> vector<16xi32>
        %add3A_1122 = arith.addi %add3A_1094, %masked_cumsum3A_1121 : vector<16xi32>
        %sub3A_1123 = arith.constant 1 : i32
        %sub3A_1124 = vector.broadcast %sub3A_1123 : i32 to vector<16xi32>
        %sub3A_1125 = arith.subi %add3A_1122, %sub3A_1124 : vector<16xi32>
        %shift_right_logical3A_1126 = arith.constant 7 : i32
        %shift_right_logical3A_1127 = vector.broadcast %shift_right_logical3A_1126 : i32 to vector<16xi32>
        %shift_right_logical3A_1128 = arith.shrui %sub3A_1125, %shift_right_logical3A_1127 : vector<16xi32>
        %and3A_1129 = arith.constant 127 : i32
        %and3A_1130 = vector.broadcast %and3A_1129 : i32 to vector<16xi32>
        %and3A_1131 = arith.andi %sub3A_1125, %and3A_1130 : vector<16xi32>
        %add3A_1132 = vector.broadcast %mul3A_2 : i32 to vector<16xi32>
        %add3A_1133 = arith.addi %add3A_1132, %add3A_1103 : vector<16xi32>
        tpu.vector_store_idx %arg6[%shift_right_logical3A_1128, %and3A_1131], %add3A_1133 masked %ge3A_1106 : memref<202x128xi32, #tpu.memory_space<vmem>>[vector<16xi32>, vector<16xi32>], vector<16xi32>, vector<16xi1>
        %all_reduce_population_count3A_1134 = tpu.all_reduce %ge3A_1106 {dim = 0 : i64, kind = #tpu.reduction_kind<sum>} : vector<16xi1> -> vector<16xi32>
        %add3A_1135 = arith.addi %add3A_1094, %all_reduce_population_count3A_1134 : vector<16xi32>
        %get3A_1136 = arith.index_cast %sub3A_832 : i32 to index
        %get3A_1137 = arith.constant 64 : index
        %get3A_1138 = tpu.vector_load %arg5[%get3A_1136, %get3A_1137] {strides = array<i32>} : memref<200x128xi32, #tpu.memory_space<vmem>>, vector<16xi32>,
        %mul3A_1139 = arith.constant 128 : i32
        %mul3A_1140 = arith.muli %sub3A_832, %mul3A_1139 : i32
        %add3A_1141 = arith.constant 64 : i32
        %add3A_1142 = arith.addi %mul3A_1140, %add3A_1141 : i32
        %add3A_1143 = vector.broadcast %add3A_1142 : i32 to vector<16xi32>
        %add3A_1144 = arith.addi %add3A_1143, %iota3A : vector<16xi32>
        %ge3A_1145 = arith.constant 99000 : i32
        %ge3A_1146 = vector.broadcast %ge3A_1145 : i32 to vector<16xi32>
        %ge3A_1147 = arith.cmpi sge, %get3A_1138, %ge3A_1146 : vector<16xi32>
        %mul3A_1148 = arith.constant 800 : i32
        %mul3A_1149 = arith.muli %add3A, %mul3A_1148 : i32
        %add3A_1150 = vector.broadcast %mul3A_1149 : i32 to vector<16xi32>
        %add3A_1151 = arith.addi %add3A_1144, %add3A_1150 : vector<16xi32>
        %and3A_1152 = arith.constant 16383 : i32
        %and3A_1153 = vector.broadcast %and3A_1152 : i32 to vector<16xi32>
        %and3A_1154 = arith.andi %add3A_1151, %and3A_1153 : vector<16xi32>
        %select_n3A_1155 = arith.select %ge3A_1147, %and3A_1154, %get3A_1138 : vector<16xi1>, vector<16xi32>
        %swap3A_1156 = arith.index_cast %sub3A_832 : i32 to index
        %swap3A_1157 = arith.constant 64 : index
        %swap3A_1158 = tpu.vector_load %arg5[%swap3A_1156, %swap3A_1157] {strides = array<i32>} : memref<200x128xi32, #tpu.memory_space<vmem>>, vector<16xi32>,
        tpu.vector_store %arg5[%swap3A_1156, %swap3A_1157], %select_n3A_1155 {strides = array<i32>} : memref<200x128xi32, #tpu.memory_space<vmem>>, vector<16xi32>,
        %convert_element_type3A_1159 = arith.extui %ge3A_1147 : vector<16xi1> to vector<16xi32>
        %broadcast_in_dim3A_1160 = arith.constant true
        %broadcast_in_dim3A_1161 = vector.broadcast %broadcast_in_dim3A_1160 : i1 to vector<16xi1>
        %masked_cumsum3A_1162 = tpu.scan <sum>, %convert_element_type3A_1159 masked %broadcast_in_dim3A_1161 : vector<16xi32>, vector<16xi1> -> vector<16xi32>
        %add3A_1163 = arith.addi %add3A_1135, %masked_cumsum3A_1162 : vector<16xi32>
        %sub3A_1164 = arith.constant 1 : i32
        %sub3A_1165 = vector.broadcast %sub3A_1164 : i32 to vector<16xi32>
        %sub3A_1166 = arith.subi %add3A_1163, %sub3A_1165 : vector<16xi32>
        %shift_right_logical3A_1167 = arith.constant 7 : i32
        %shift_right_logical3A_1168 = vector.broadcast %shift_right_logical3A_1167 : i32 to vector<16xi32>
        %shift_right_logical3A_1169 = arith.shrui %sub3A_1166, %shift_right_logical3A_1168 : vector<16xi32>
        %and3A_1170 = arith.constant 127 : i32
        %and3A_1171 = vector.broadcast %and3A_1170 : i32 to vector<16xi32>
        %and3A_1172 = arith.andi %sub3A_1166, %and3A_1171 : vector<16xi32>
        %add3A_1173 = vector.broadcast %mul3A_2 : i32 to vector<16xi32>
        %add3A_1174 = arith.addi %add3A_1173, %add3A_1144 : vector<16xi32>
        tpu.vector_store_idx %arg6[%shift_right_logical3A_1169, %and3A_1172], %add3A_1174 masked %ge3A_1147 : memref<202x128xi32, #tpu.memory_space<vmem>>[vector<16xi32>, vector<16xi32>], vector<16xi32>, vector<16xi1>
        %all_reduce_population_count3A_1175 = tpu.all_reduce %ge3A_1147 {dim = 0 : i64, kind = #tpu.reduction_kind<sum>} : vector<16xi1> -> vector<16xi32>
        %add3A_1176 = arith.addi %add3A_1135, %all_reduce_population_count3A_1175 : vector<16xi32>
        %get3A_1177 = arith.index_cast %sub3A_832 : i32 to index
        %get3A_1178 = arith.constant 80 : index
        %get3A_1179 = tpu.vector_load %arg5[%get3A_1177, %get3A_1178] {strides = array<i32>} : memref<200x128xi32, #tpu.memory_space<vmem>>, vector<16xi32>,
        %mul3A_1180 = arith.constant 128 : i32
        %mul3A_1181 = arith.muli %sub3A_832, %mul3A_1180 : i32
        %add3A_1182 = arith.constant 80 : i32
        %add3A_1183 = arith.addi %mul3A_1181, %add3A_1182 : i32
        %add3A_1184 = vector.broadcast %add3A_1183 : i32 to vector<16xi32>
        %add3A_1185 = arith.addi %add3A_1184, %iota3A : vector<16xi32>
        %ge3A_1186 = arith.constant 99000 : i32
        %ge3A_1187 = vector.broadcast %ge3A_1186 : i32 to vector<16xi32>
        %ge3A_1188 = arith.cmpi sge, %get3A_1179, %ge3A_1187 : vector<16xi32>
        %mul3A_1189 = arith.constant 800 : i32
        %mul3A_1190 = arith.muli %add3A, %mul3A_1189 : i32
        %add3A_1191 = vector.broadcast %mul3A_1190 : i32 to vector<16xi32>
        %add3A_1192 = arith.addi %add3A_1185, %add3A_1191 : vector<16xi32>
        %and3A_1193 = arith.constant 16383 : i32
        %and3A_1194 = vector.broadcast %and3A_1193 : i32 to vector<16xi32>
        %and3A_1195 = arith.andi %add3A_1192, %and3A_1194 : vector<16xi32>
        %select_n3A_1196 = arith.select %ge3A_1188, %and3A_1195, %get3A_1179 : vector<16xi1>, vector<16xi32>
        %swap3A_1197 = arith.index_cast %sub3A_832 : i32 to index
        %swap3A_1198 = arith.constant 80 : index
        %swap3A_1199 = tpu.vector_load %arg5[%swap3A_1197, %swap3A_1198] {strides = array<i32>} : memref<200x128xi32, #tpu.memory_space<vmem>>, vector<16xi32>,
        tpu.vector_store %arg5[%swap3A_1197, %swap3A_1198], %select_n3A_1196 {strides = array<i32>} : memref<200x128xi32, #tpu.memory_space<vmem>>, vector<16xi32>,
        %convert_element_type3A_1200 = arith.extui %ge3A_1188 : vector<16xi1> to vector<16xi32>
        %broadcast_in_dim3A_1201 = arith.constant true
        %broadcast_in_dim3A_1202 = vector.broadcast %broadcast_in_dim3A_1201 : i1 to vector<16xi1>
        %masked_cumsum3A_1203 = tpu.scan <sum>, %convert_element_type3A_1200 masked %broadcast_in_dim3A_1202 : vector<16xi32>, vector<16xi1> -> vector<16xi32>
        %add3A_1204 = arith.addi %add3A_1176, %masked_cumsum3A_1203 : vector<16xi32>
        %sub3A_1205 = arith.constant 1 : i32
        %sub3A_1206 = vector.broadcast %sub3A_1205 : i32 to vector<16xi32>
        %sub3A_1207 = arith.subi %add3A_1204, %sub3A_1206 : vector<16xi32>
        %shift_right_logical3A_1208 = arith.constant 7 : i32
        %shift_right_logical3A_1209 = vector.broadcast %shift_right_logical3A_1208 : i32 to vector<16xi32>
        %shift_right_logical3A_1210 = arith.shrui %sub3A_1207, %shift_right_logical3A_1209 : vector<16xi32>
        %and3A_1211 = arith.constant 127 : i32
        %and3A_1212 = vector.broadcast %and3A_1211 : i32 to vector<16xi32>
        %and3A_1213 = arith.andi %sub3A_1207, %and3A_1212 : vector<16xi32>
        %add3A_1214 = vector.broadcast %mul3A_2 : i32 to vector<16xi32>
        %add3A_1215 = arith.addi %add3A_1214, %add3A_1185 : vector<16xi32>
        tpu.vector_store_idx %arg6[%shift_right_logical3A_1210, %and3A_1213], %add3A_1215 masked %ge3A_1188 : memref<202x128xi32, #tpu.memory_space<vmem>>[vector<16xi32>, vector<16xi32>], vector<16xi32>, vector<16xi1>
        %all_reduce_population_count3A_1216 = tpu.all_reduce %ge3A_1188 {dim = 0 : i64, kind = #tpu.reduction_kind<sum>} : vector<16xi1> -> vector<16xi32>
        %add3A_1217 = arith.addi %add3A_1176, %all_reduce_population_count3A_1216 : vector<16xi32>
        %get3A_1218 = arith.index_cast %sub3A_832 : i32 to index
        %get3A_1219 = arith.constant 96 : index
        %get3A_1220 = tpu.vector_load %arg5[%get3A_1218, %get3A_1219] {strides = array<i32>} : memref<200x128xi32, #tpu.memory_space<vmem>>, vector<16xi32>,
        %mul3A_1221 = arith.constant 128 : i32
        %mul3A_1222 = arith.muli %sub3A_832, %mul3A_1221 : i32
        %add3A_1223 = arith.constant 96 : i32
        %add3A_1224 = arith.addi %mul3A_1222, %add3A_1223 : i32
        %add3A_1225 = vector.broadcast %add3A_1224 : i32 to vector<16xi32>
        %add3A_1226 = arith.addi %add3A_1225, %iota3A : vector<16xi32>
        %ge3A_1227 = arith.constant 99000 : i32
        %ge3A_1228 = vector.broadcast %ge3A_1227 : i32 to vector<16xi32>
        %ge3A_1229 = arith.cmpi sge, %get3A_1220, %ge3A_1228 : vector<16xi32>
        %mul3A_1230 = arith.constant 800 : i32
        %mul3A_1231 = arith.muli %add3A, %mul3A_1230 : i32
        %add3A_1232 = vector.broadcast %mul3A_1231 : i32 to vector<16xi32>
        %add3A_1233 = arith.addi %add3A_1226, %add3A_1232 : vector<16xi32>
        %and3A_1234 = arith.constant 16383 : i32
        %and3A_1235 = vector.broadcast %and3A_1234 : i32 to vector<16xi32>
        %and3A_1236 = arith.andi %add3A_1233, %and3A_1235 : vector<16xi32>
        %select_n3A_1237 = arith.select %ge3A_1229, %and3A_1236, %get3A_1220 : vector<16xi1>, vector<16xi32>
        %swap3A_1238 = arith.index_cast %sub3A_832 : i32 to index
        %swap3A_1239 = arith.constant 96 : index
        %swap3A_1240 = tpu.vector_load %arg5[%swap3A_1238, %swap3A_1239] {strides = array<i32>} : memref<200x128xi32, #tpu.memory_space<vmem>>, vector<16xi32>,
        tpu.vector_store %arg5[%swap3A_1238, %swap3A_1239], %select_n3A_1237 {strides = array<i32>} : memref<200x128xi32, #tpu.memory_space<vmem>>, vector<16xi32>,
        %convert_element_type3A_1241 = arith.extui %ge3A_1229 : vector<16xi1> to vector<16xi32>
        %broadcast_in_dim3A_1242 = arith.constant true
        %broadcast_in_dim3A_1243 = vector.broadcast %broadcast_in_dim3A_1242 : i1 to vector<16xi1>
        %masked_cumsum3A_1244 = tpu.scan <sum>, %convert_element_type3A_1241 masked %broadcast_in_dim3A_1243 : vector<16xi32>, vector<16xi1> -> vector<16xi32>
        %add3A_1245 = arith.addi %add3A_1217, %masked_cumsum3A_1244 : vector<16xi32>
        %sub3A_1246 = arith.constant 1 : i32
        %sub3A_1247 = vector.broadcast %sub3A_1246 : i32 to vector<16xi32>
        %sub3A_1248 = arith.subi %add3A_1245, %sub3A_1247 : vector<16xi32>
        %shift_right_logical3A_1249 = arith.constant 7 : i32
        %shift_right_logical3A_1250 = vector.broadcast %shift_right_logical3A_1249 : i32 to vector<16xi32>
        %shift_right_logical3A_1251 = arith.shrui %sub3A_1248, %shift_right_logical3A_1250 : vector<16xi32>
        %and3A_1252 = arith.constant 127 : i32
        %and3A_1253 = vector.broadcast %and3A_1252 : i32 to vector<16xi32>
        %and3A_1254 = arith.andi %sub3A_1248, %and3A_1253 : vector<16xi32>
        %add3A_1255 = vector.broadcast %mul3A_2 : i32 to vector<16xi32>
        %add3A_1256 = arith.addi %add3A_1255, %add3A_1226 : vector<16xi32>
        tpu.vector_store_idx %arg6[%shift_right_logical3A_1251, %and3A_1254], %add3A_1256 masked %ge3A_1229 : memref<202x128xi32, #tpu.memory_space<vmem>>[vector<16xi32>, vector<16xi32>], vector<16xi32>, vector<16xi1>
        %all_reduce_population_count3A_1257 = tpu.all_reduce %ge3A_1229 {dim = 0 : i64, kind = #tpu.reduction_kind<sum>} : vector<16xi1> -> vector<16xi32>
        %add3A_1258 = arith.addi %add3A_1217, %all_reduce_population_count3A_1257 : vector<16xi32>
        %get3A_1259 = arith.index_cast %sub3A_832 : i32 to index
        %get3A_1260 = arith.constant 112 : index
        %get3A_1261 = tpu.vector_load %arg5[%get3A_1259, %get3A_1260] {strides = array<i32>} : memref<200x128xi32, #tpu.memory_space<vmem>>, vector<16xi32>,
        %mul3A_1262 = arith.constant 128 : i32
        %mul3A_1263 = arith.muli %sub3A_832, %mul3A_1262 : i32
        %add3A_1264 = arith.constant 112 : i32
        %add3A_1265 = arith.addi %mul3A_1263, %add3A_1264 : i32
        %add3A_1266 = vector.broadcast %add3A_1265 : i32 to vector<16xi32>
        %add3A_1267 = arith.addi %add3A_1266, %iota3A : vector<16xi32>
        %ge3A_1268 = arith.constant 99000 : i32
        %ge3A_1269 = vector.broadcast %ge3A_1268 : i32 to vector<16xi32>
        %ge3A_1270 = arith.cmpi sge, %get3A_1261, %ge3A_1269 : vector<16xi32>
        %mul3A_1271 = arith.constant 800 : i32
        %mul3A_1272 = arith.muli %add3A, %mul3A_1271 : i32
        %add3A_1273 = vector.broadcast %mul3A_1272 : i32 to vector<16xi32>
        %add3A_1274 = arith.addi %add3A_1267, %add3A_1273 : vector<16xi32>
        %and3A_1275 = arith.constant 16383 : i32
        %and3A_1276 = vector.broadcast %and3A_1275 : i32 to vector<16xi32>
        %and3A_1277 = arith.andi %add3A_1274, %and3A_1276 : vector<16xi32>
        %select_n3A_1278 = arith.select %ge3A_1270, %and3A_1277, %get3A_1261 : vector<16xi1>, vector<16xi32>
        %swap3A_1279 = arith.index_cast %sub3A_832 : i32 to index
        %swap3A_1280 = arith.constant 112 : index
        %swap3A_1281 = tpu.vector_load %arg5[%swap3A_1279, %swap3A_1280] {strides = array<i32>} : memref<200x128xi32, #tpu.memory_space<vmem>>, vector<16xi32>,
        tpu.vector_store %arg5[%swap3A_1279, %swap3A_1280], %select_n3A_1278 {strides = array<i32>} : memref<200x128xi32, #tpu.memory_space<vmem>>, vector<16xi32>,
        %convert_element_type3A_1282 = arith.extui %ge3A_1270 : vector<16xi1> to vector<16xi32>
        %broadcast_in_dim3A_1283 = arith.constant true
        %broadcast_in_dim3A_1284 = vector.broadcast %broadcast_in_dim3A_1283 : i1 to vector<16xi1>
        %masked_cumsum3A_1285 = tpu.scan <sum>, %convert_element_type3A_1282 masked %broadcast_in_dim3A_1284 : vector<16xi32>, vector<16xi1> -> vector<16xi32>
        %add3A_1286 = arith.addi %add3A_1258, %masked_cumsum3A_1285 : vector<16xi32>
        %sub3A_1287 = arith.constant 1 : i32
        %sub3A_1288 = vector.broadcast %sub3A_1287 : i32 to vector<16xi32>
        %sub3A_1289 = arith.subi %add3A_1286, %sub3A_1288 : vector<16xi32>
        %shift_right_logical3A_1290 = arith.constant 7 : i32
        %shift_right_logical3A_1291 = vector.broadcast %shift_right_logical3A_1290 : i32 to vector<16xi32>
        %shift_right_logical3A_1292 = arith.shrui %sub3A_1289, %shift_right_logical3A_1291 : vector<16xi32>
        %and3A_1293 = arith.constant 127 : i32
        %and3A_1294 = vector.broadcast %and3A_1293 : i32 to vector<16xi32>
        %and3A_1295 = arith.andi %sub3A_1289, %and3A_1294 : vector<16xi32>
        %add3A_1296 = vector.broadcast %mul3A_2 : i32 to vector<16xi32>
        %add3A_1297 = arith.addi %add3A_1296, %add3A_1267 : vector<16xi32>
        tpu.vector_store_idx %arg6[%shift_right_logical3A_1292, %and3A_1295], %add3A_1297 masked %ge3A_1270 : memref<202x128xi32, #tpu.memory_space<vmem>>[vector<16xi32>, vector<16xi32>], vector<16xi32>, vector<16xi1>
        %all_reduce_population_count3A_1298 = tpu.all_reduce %ge3A_1270 {dim = 0 : i64, kind = #tpu.reduction_kind<sum>} : vector<16xi1> -> vector<16xi32>
        %add3A_1299 = arith.addi %add3A_1258, %all_reduce_population_count3A_1298 : vector<16xi32>
        scf.yield %add3A_1299 : vector<16xi32>
      } else {
        scf.yield %cond3A_778 : vector<16xi32>
      }
      %lt3A_839 = arith.constant 200 : i32
      %lt3A_840 = arith.cmpi slt, %sub3A_832, %lt3A_839 : i32
      %ge3A_841 = arith.constant 2 : i32
      %ge3A_842 = arith.cmpi sge, %add3A_795, %ge3A_841 : i32
      %and3A_843 = arith.andi %lt3A_840, %ge3A_842 : i1
      %convert_element_type3A_844 = arith.extui %and3A_843 : i1 to i32
      %cond3A_845 = arith.constant 0 : i32
      %cond3A_846 = arith.cmpi ne, %convert_element_type3A_844, %cond3A_845 : i32
      scf.if %cond3A_846 {
        %sub3A_972 = arith.constant 2 : i32
        %sub3A_973 = arith.subi %add3A_795, %sub3A_972 : i32
        %mul3A_974 = arith.constant 128 : i32
        %mul3A_975 = arith.muli %sub3A_973, %mul3A_974 : i32
        %add3A_976 = arith.addi %mul3A_2, %mul3A_975 : i32
        %dma_wait3A_977 = arith.constant 3 : i32
        %dma_wait3A_978 = arith.constant 0 : i32
        %dma_wait3A_979 = arith.constant 0 : i32
        %dma_wait3A_980 = tpu.memref_slice %arg7[%dma_wait3A_977, %dma_wait3A_978, %dma_wait3A_979] : memref<4x128x128xf32, #tpu.memory_space<vmem>> -> memref<1x128x128xf32, #tpu.memory_space<vmem>>
        %dma_wait3A_981 = tpu.memref_squeeze %dma_wait3A_980 : memref<1x128x128xf32, #tpu.memory_space<vmem>> -> memref<128x128xf32, #tpu.memory_space<vmem>>
        %dma_wait3A_982 = arith.constant 0 : i32
        %dma_wait3A_983 = tpu.memref_slice %arg4[%add3A_976, %dma_wait3A_982] : memref<819200x128xf32, #tpu.memory_space<hbm>> -> memref<128x128xf32, #tpu.memory_space<hbm>>
        %dma_wait3A_984 = arith.constant 0 : i32
        %dma_wait3A_985 = tpu.memref_slice %arg4[%add3A_976, %dma_wait3A_984] : memref<819200x128xf32, #tpu.memory_space<hbm>> -> memref<128x128xf32, #tpu.memory_space<hbm>>
        %dma_wait3A_986 = arith.constant 0 : i32
        %dma_wait3A_987 = arith.constant 0 : i32
        %dma_wait3A_988 = tpu.memref_slice %arg7[%dma_wait3A_977, %dma_wait3A_986, %dma_wait3A_987] : memref<4x128x128xf32, #tpu.memory_space<vmem>> -> memref<1x128x128xf32, #tpu.memory_space<vmem>>
        %dma_wait3A_989 = tpu.memref_squeeze %dma_wait3A_988 : memref<1x128x128xf32, #tpu.memory_space<vmem>> -> memref<128x128xf32, #tpu.memory_space<vmem>>
        tpu.wait_dma2 semaphore(%arg15 : memref<!tpu.dma_semaphore, #tpu.memory_space<semaphore_mem>>) src(%dma_wait3A_989 : memref<128x128xf32, #tpu.memory_space<vmem>>) dst(%dma_wait3A_985 : memref<128x128xf32, #tpu.memory_space<hbm>>)
      } else {
      }
      %lt3A_847 = arith.constant 200 : i32
      %lt3A_848 = arith.cmpi slt, %sub3A_832, %lt3A_847 : i32
      %convert_element_type3A_849 = arith.extui %lt3A_848 : i1 to i32
      %cond3A_850 = arith.constant 0 : i32
      %cond3A_851 = arith.cmpi ne, %convert_element_type3A_849, %cond3A_850 : i32
      scf.if %cond3A_851 {
        %dma_start3A_972 = arith.constant 3 : i32
        %dma_start3A_973 = arith.constant 0 : i32
        %dma_start3A_974 = arith.constant 0 : i32
        %dma_start3A_975 = tpu.memref_slice %arg7[%dma_start3A_972, %dma_start3A_973, %dma_start3A_974] : memref<4x128x128xf32, #tpu.memory_space<vmem>> -> memref<1x128x128xf32, #tpu.memory_space<vmem>>
        %dma_start3A_976 = tpu.memref_squeeze %dma_start3A_975 : memref<1x128x128xf32, #tpu.memory_space<vmem>> -> memref<128x128xf32, #tpu.memory_space<vmem>>
        %dma_start3A_977 = arith.constant 0 : i32
        %dma_start3A_978 = tpu.memref_slice %arg5[%sub3A_832, %dma_start3A_977] : memref<200x128xi32, #tpu.memory_space<vmem>> -> memref<1x128xi32, #tpu.memory_space<vmem>>
        %dma_start3A_979 = tpu.memref_squeeze %dma_start3A_978 : memref<1x128xi32, #tpu.memory_space<vmem>> -> memref<128xi32, #tpu.memory_space<vmem>>
        %dma_start3A_980 = arith.constant 0 : i32
        %dma_start3A_981 = arith.constant 0 : i32
        %dma_start3A_982 = tpu.memref_slice %arg3[%dma_start3A_980, %dma_start3A_981] : memref<99001x128xf32, #tpu.memory_space<hbm>> -> memref<99001x128xf32, #tpu.memory_space<hbm>>
        tpu.enqueue_indirect_dma source(%dma_start3A_982 : memref<99001x128xf32, #tpu.memory_space<hbm>>) target(%dma_start3A_976 : memref<128x128xf32, #tpu.memory_space<vmem>>) offsets(%dma_start3A_979 : memref<128xi32, #tpu.memory_space<vmem>>) semaphore(%arg11 : memref<!tpu.dma_semaphore, #tpu.memory_space<semaphore_mem>>)
      } else {
      }
      %mul3A_852 = arith.constant 4 : i32
      %mul3A_853 = arith.muli %scan3A_731, %mul3A_852 : i32
      %add3A_854 = arith.constant 2 : i32
      %add3A_855 = arith.addi %mul3A_853, %add3A_854 : i32
      %dma_wait3A_856 = arith.constant 2 : i32
      %dma_wait3A_857 = arith.constant 0 : i32
      %dma_wait3A_858 = arith.constant 0 : i32
      %dma_wait3A_859 = tpu.memref_slice %arg7[%dma_wait3A_856, %dma_wait3A_857, %dma_wait3A_858] : memref<4x128x128xf32, #tpu.memory_space<vmem>> -> memref<1x128x128xf32, #tpu.memory_space<vmem>>
      %dma_wait3A_860 = tpu.memref_squeeze %dma_wait3A_859 : memref<1x128x128xf32, #tpu.memory_space<vmem>> -> memref<128x128xf32, #tpu.memory_space<vmem>>
      %dma_wait3A_861 = arith.constant 0 : i32
      %dma_wait3A_862 = tpu.memref_slice %arg5[%add3A_855, %dma_wait3A_861] : memref<200x128xi32, #tpu.memory_space<vmem>> -> memref<1x128xi32, #tpu.memory_space<vmem>>
      %dma_wait3A_863 = tpu.memref_squeeze %dma_wait3A_862 : memref<1x128xi32, #tpu.memory_space<vmem>> -> memref<128xi32, #tpu.memory_space<vmem>>
      %dma_wait3A_864 = arith.constant 0 : i32
      %dma_wait3A_865 = arith.constant 0 : i32
      %dma_wait3A_866 = tpu.memref_slice %arg3[%dma_wait3A_864, %dma_wait3A_865] : memref<99001x128xf32, #tpu.memory_space<hbm>> -> memref<99001x128xf32, #tpu.memory_space<hbm>>
      tpu.wait_indirect_dma semaphore(%arg10 : memref<!tpu.dma_semaphore, #tpu.memory_space<semaphore_mem>>) src(%dma_wait3A_866 : memref<99001x128xf32, #tpu.memory_space<hbm>>) dst(%dma_wait3A_860 : memref<128x128xf32, #tpu.memory_space<vmem>>)
      %scan3A_867 = arith.constant 0 : i32
      %scan3A_868 = arith.constant 0 : i32
      %scan3A_869 = arith.constant 128 : i32
      %scan3A_870 = arith.addi %scan3A_868, %scan3A_869 : i32
      %scan3A_871 = arith.constant 2 : i32
      scf.for %scan3A_972 = %scan3A_868 to %scan3A_870 step %scan3A_871  : i32 {
        %get3A_973 = arith.constant 2 : i32
        %get3A_974 = arith.index_cast %get3A_973 : i32 to index
        %get3A_975 = arith.index_cast %scan3A_972 : i32 to index
        %get3A_976 = arith.constant 0 : index
        %get3A_977 = tpu.vector_load %arg7[%get3A_974, %get3A_975, %get3A_976] {strides = array<i32>} : memref<4x128x128xf32, #tpu.memory_space<vmem>>, vector<16xf32>,
        %mul3A_978 = arith.constant 11.3137083 : f32
        %mul3A_979 = vector.broadcast %mul3A_978 : f32 to vector<16xf32>
        %mul3A_980 = arith.mulf %get3A_977, %mul3A_979 : vector<16xf32>
        %swap3A_981 = arith.constant 2 : i32
        %swap3A_982 = arith.index_cast %swap3A_981 : i32 to index
        %swap3A_983 = arith.index_cast %scan3A_972 : i32 to index
        %swap3A_984 = arith.constant 0 : index
        %swap3A_985 = tpu.vector_load %arg7[%swap3A_982, %swap3A_983, %swap3A_984] {strides = array<i32>} : memref<4x128x128xf32, #tpu.memory_space<vmem>>, vector<16xf32>,
        tpu.vector_store %arg7[%swap3A_982, %swap3A_983, %swap3A_984], %mul3A_980 {strides = array<i32>} : memref<4x128x128xf32, #tpu.memory_space<vmem>>, vector<16xf32>,
        %get3A_986 = arith.constant 2 : i32
        %get3A_987 = arith.index_cast %get3A_986 : i32 to index
        %get3A_988 = arith.index_cast %scan3A_972 : i32 to index
        %get3A_989 = arith.constant 16 : index
        %get3A_990 = tpu.vector_load %arg7[%get3A_987, %get3A_988, %get3A_989] {strides = array<i32>} : memref<4x128x128xf32, #tpu.memory_space<vmem>>, vector<16xf32>,
        %mul3A_991 = arith.constant 11.3137083 : f32
        %mul3A_992 = vector.broadcast %mul3A_991 : f32 to vector<16xf32>
        %mul3A_993 = arith.mulf %get3A_990, %mul3A_992 : vector<16xf32>
        %swap3A_994 = arith.constant 2 : i32
        %swap3A_995 = arith.index_cast %swap3A_994 : i32 to index
        %swap3A_996 = arith.index_cast %scan3A_972 : i32 to index
        %swap3A_997 = arith.constant 16 : index
        %swap3A_998 = tpu.vector_load %arg7[%swap3A_995, %swap3A_996, %swap3A_997] {strides = array<i32>} : memref<4x128x128xf32, #tpu.memory_space<vmem>>, vector<16xf32>,
        tpu.vector_store %arg7[%swap3A_995, %swap3A_996, %swap3A_997], %mul3A_993 {strides = array<i32>} : memref<4x128x128xf32, #tpu.memory_space<vmem>>, vector<16xf32>,
        %get3A_999 = arith.constant 2 : i32
        %get3A_1000 = arith.index_cast %get3A_999 : i32 to index
        %get3A_1001 = arith.index_cast %scan3A_972 : i32 to index
        %get3A_1002 = arith.constant 32 : index
        %get3A_1003 = tpu.vector_load %arg7[%get3A_1000, %get3A_1001, %get3A_1002] {strides = array<i32>} : memref<4x128x128xf32, #tpu.memory_space<vmem>>, vector<16xf32>,
        %mul3A_1004 = arith.constant 11.3137083 : f32
        %mul3A_1005 = vector.broadcast %mul3A_1004 : f32 to vector<16xf32>
        %mul3A_1006 = arith.mulf %get3A_1003, %mul3A_1005 : vector<16xf32>
        %swap3A_1007 = arith.constant 2 : i32
        %swap3A_1008 = arith.index_cast %swap3A_1007 : i32 to index
        %swap3A_1009 = arith.index_cast %scan3A_972 : i32 to index
        %swap3A_1010 = arith.constant 32 : index
        %swap3A_1011 = tpu.vector_load %arg7[%swap3A_1008, %swap3A_1009, %swap3A_1010] {strides = array<i32>} : memref<4x128x128xf32, #tpu.memory_space<vmem>>, vector<16xf32>,
        tpu.vector_store %arg7[%swap3A_1008, %swap3A_1009, %swap3A_1010], %mul3A_1006 {strides = array<i32>} : memref<4x128x128xf32, #tpu.memory_space<vmem>>, vector<16xf32>,
        %get3A_1012 = arith.constant 2 : i32
        %get3A_1013 = arith.index_cast %get3A_1012 : i32 to index
        %get3A_1014 = arith.index_cast %scan3A_972 : i32 to index
        %get3A_1015 = arith.constant 48 : index
        %get3A_1016 = tpu.vector_load %arg7[%get3A_1013, %get3A_1014, %get3A_1015] {strides = array<i32>} : memref<4x128x128xf32, #tpu.memory_space<vmem>>, vector<16xf32>,
        %mul3A_1017 = arith.constant 11.3137083 : f32
        %mul3A_1018 = vector.broadcast %mul3A_1017 : f32 to vector<16xf32>
        %mul3A_1019 = arith.mulf %get3A_1016, %mul3A_1018 : vector<16xf32>
        %swap3A_1020 = arith.constant 2 : i32
        %swap3A_1021 = arith.index_cast %swap3A_1020 : i32 to index
        %swap3A_1022 = arith.index_cast %scan3A_972 : i32 to index
        %swap3A_1023 = arith.constant 48 : index
        %swap3A_1024 = tpu.vector_load %arg7[%swap3A_1021, %swap3A_1022, %swap3A_1023] {strides = array<i32>} : memref<4x128x128xf32, #tpu.memory_space<vmem>>, vector<16xf32>,
        tpu.vector_store %arg7[%swap3A_1021, %swap3A_1022, %swap3A_1023], %mul3A_1019 {strides = array<i32>} : memref<4x128x128xf32, #tpu.memory_space<vmem>>, vector<16xf32>,
        %get3A_1025 = arith.constant 2 : i32
        %get3A_1026 = arith.index_cast %get3A_1025 : i32 to index
        %get3A_1027 = arith.index_cast %scan3A_972 : i32 to index
        %get3A_1028 = arith.constant 64 : index
        %get3A_1029 = tpu.vector_load %arg7[%get3A_1026, %get3A_1027, %get3A_1028] {strides = array<i32>} : memref<4x128x128xf32, #tpu.memory_space<vmem>>, vector<16xf32>,
        %mul3A_1030 = arith.constant 11.3137083 : f32
        %mul3A_1031 = vector.broadcast %mul3A_1030 : f32 to vector<16xf32>
        %mul3A_1032 = arith.mulf %get3A_1029, %mul3A_1031 : vector<16xf32>
        %swap3A_1033 = arith.constant 2 : i32
        %swap3A_1034 = arith.index_cast %swap3A_1033 : i32 to index
        %swap3A_1035 = arith.index_cast %scan3A_972 : i32 to index
        %swap3A_1036 = arith.constant 64 : index
        %swap3A_1037 = tpu.vector_load %arg7[%swap3A_1034, %swap3A_1035, %swap3A_1036] {strides = array<i32>} : memref<4x128x128xf32, #tpu.memory_space<vmem>>, vector<16xf32>,
        tpu.vector_store %arg7[%swap3A_1034, %swap3A_1035, %swap3A_1036], %mul3A_1032 {strides = array<i32>} : memref<4x128x128xf32, #tpu.memory_space<vmem>>, vector<16xf32>,
        %get3A_1038 = arith.constant 2 : i32
        %get3A_1039 = arith.index_cast %get3A_1038 : i32 to index
        %get3A_1040 = arith.index_cast %scan3A_972 : i32 to index
        %get3A_1041 = arith.constant 80 : index
        %get3A_1042 = tpu.vector_load %arg7[%get3A_1039, %get3A_1040, %get3A_1041] {strides = array<i32>} : memref<4x128x128xf32, #tpu.memory_space<vmem>>, vector<16xf32>,
        %mul3A_1043 = arith.constant 11.3137083 : f32
        %mul3A_1044 = vector.broadcast %mul3A_1043 : f32 to vector<16xf32>
        %mul3A_1045 = arith.mulf %get3A_1042, %mul3A_1044 : vector<16xf32>
        %swap3A_1046 = arith.constant 2 : i32
        %swap3A_1047 = arith.index_cast %swap3A_1046 : i32 to index
        %swap3A_1048 = arith.index_cast %scan3A_972 : i32 to index
        %swap3A_1049 = arith.constant 80 : index
        %swap3A_1050 = tpu.vector_load %arg7[%swap3A_1047, %swap3A_1048, %swap3A_1049] {strides = array<i32>} : memref<4x128x128xf32, #tpu.memory_space<vmem>>, vector<16xf32>,
        tpu.vector_store %arg7[%swap3A_1047, %swap3A_1048, %swap3A_1049], %mul3A_1045 {strides = array<i32>} : memref<4x128x128xf32, #tpu.memory_space<vmem>>, vector<16xf32>,
        %get3A_1051 = arith.constant 2 : i32
        %get3A_1052 = arith.index_cast %get3A_1051 : i32 to index
        %get3A_1053 = arith.index_cast %scan3A_972 : i32 to index
        %get3A_1054 = arith.constant 96 : index
        %get3A_1055 = tpu.vector_load %arg7[%get3A_1052, %get3A_1053, %get3A_1054] {strides = array<i32>} : memref<4x128x128xf32, #tpu.memory_space<vmem>>, vector<16xf32>,
        %mul3A_1056 = arith.constant 11.3137083 : f32
        %mul3A_1057 = vector.broadcast %mul3A_1056 : f32 to vector<16xf32>
        %mul3A_1058 = arith.mulf %get3A_1055, %mul3A_1057 : vector<16xf32>
        %swap3A_1059 = arith.constant 2 : i32
        %swap3A_1060 = arith.index_cast %swap3A_1059 : i32 to index
        %swap3A_1061 = arith.index_cast %scan3A_972 : i32 to index
        %swap3A_1062 = arith.constant 96 : index
        %swap3A_1063 = tpu.vector_load %arg7[%swap3A_1060, %swap3A_1061, %swap3A_1062] {strides = array<i32>} : memref<4x128x128xf32, #tpu.memory_space<vmem>>, vector<16xf32>,
        tpu.vector_store %arg7[%swap3A_1060, %swap3A_1061, %swap3A_1062], %mul3A_1058 {strides = array<i32>} : memref<4x128x128xf32, #tpu.memory_space<vmem>>, vector<16xf32>,
        %get3A_1064 = arith.constant 2 : i32
        %get3A_1065 = arith.index_cast %get3A_1064 : i32 to index
        %get3A_1066 = arith.index_cast %scan3A_972 : i32 to index
        %get3A_1067 = arith.constant 112 : index
        %get3A_1068 = tpu.vector_load %arg7[%get3A_1065, %get3A_1066, %get3A_1067] {strides = array<i32>} : memref<4x128x128xf32, #tpu.memory_space<vmem>>, vector<16xf32>,
        %mul3A_1069 = arith.constant 11.3137083 : f32
        %mul3A_1070 = vector.broadcast %mul3A_1069 : f32 to vector<16xf32>
        %mul3A_1071 = arith.mulf %get3A_1068, %mul3A_1070 : vector<16xf32>
        %swap3A_1072 = arith.constant 2 : i32
        %swap3A_1073 = arith.index_cast %swap3A_1072 : i32 to index
        %swap3A_1074 = arith.index_cast %scan3A_972 : i32 to index
        %swap3A_1075 = arith.constant 112 : index
        %swap3A_1076 = tpu.vector_load %arg7[%swap3A_1073, %swap3A_1074, %swap3A_1075] {strides = array<i32>} : memref<4x128x128xf32, #tpu.memory_space<vmem>>, vector<16xf32>,
        tpu.vector_store %arg7[%swap3A_1073, %swap3A_1074, %swap3A_1075], %mul3A_1071 {strides = array<i32>} : memref<4x128x128xf32, #tpu.memory_space<vmem>>, vector<16xf32>,
        %scan3A_1077 = arith.constant 1 : i32
        %scan3A_1078 = arith.addi %scan3A_972, %scan3A_1077 : i32
        %get3A_1079 = arith.constant 2 : i32
        %get3A_1080 = arith.index_cast %get3A_1079 : i32 to index
        %get3A_1081 = arith.index_cast %scan3A_1078 : i32 to index
        %get3A_1082 = arith.constant 0 : index
        %get3A_1083 = tpu.vector_load %arg7[%get3A_1080, %get3A_1081, %get3A_1082] {strides = array<i32>} : memref<4x128x128xf32, #tpu.memory_space<vmem>>, vector<16xf32>,
        %mul3A_1084 = arith.constant 11.3137083 : f32
        %mul3A_1085 = vector.broadcast %mul3A_1084 : f32 to vector<16xf32>
        %mul3A_1086 = arith.mulf %get3A_1083, %mul3A_1085 : vector<16xf32>
        %swap3A_1087 = arith.constant 2 : i32
        %swap3A_1088 = arith.index_cast %swap3A_1087 : i32 to index
        %swap3A_1089 = arith.index_cast %scan3A_1078 : i32 to index
        %swap3A_1090 = arith.constant 0 : index
        %swap3A_1091 = tpu.vector_load %arg7[%swap3A_1088, %swap3A_1089, %swap3A_1090] {strides = array<i32>} : memref<4x128x128xf32, #tpu.memory_space<vmem>>, vector<16xf32>,
        tpu.vector_store %arg7[%swap3A_1088, %swap3A_1089, %swap3A_1090], %mul3A_1086 {strides = array<i32>} : memref<4x128x128xf32, #tpu.memory_space<vmem>>, vector<16xf32>,
        %get3A_1092 = arith.constant 2 : i32
        %get3A_1093 = arith.index_cast %get3A_1092 : i32 to index
        %get3A_1094 = arith.index_cast %scan3A_1078 : i32 to index
        %get3A_1095 = arith.constant 16 : index
        %get3A_1096 = tpu.vector_load %arg7[%get3A_1093, %get3A_1094, %get3A_1095] {strides = array<i32>} : memref<4x128x128xf32, #tpu.memory_space<vmem>>, vector<16xf32>,
        %mul3A_1097 = arith.constant 11.3137083 : f32
        %mul3A_1098 = vector.broadcast %mul3A_1097 : f32 to vector<16xf32>
        %mul3A_1099 = arith.mulf %get3A_1096, %mul3A_1098 : vector<16xf32>
        %swap3A_1100 = arith.constant 2 : i32
        %swap3A_1101 = arith.index_cast %swap3A_1100 : i32 to index
        %swap3A_1102 = arith.index_cast %scan3A_1078 : i32 to index
        %swap3A_1103 = arith.constant 16 : index
        %swap3A_1104 = tpu.vector_load %arg7[%swap3A_1101, %swap3A_1102, %swap3A_1103] {strides = array<i32>} : memref<4x128x128xf32, #tpu.memory_space<vmem>>, vector<16xf32>,
        tpu.vector_store %arg7[%swap3A_1101, %swap3A_1102, %swap3A_1103], %mul3A_1099 {strides = array<i32>} : memref<4x128x128xf32, #tpu.memory_space<vmem>>, vector<16xf32>,
        %get3A_1105 = arith.constant 2 : i32
        %get3A_1106 = arith.index_cast %get3A_1105 : i32 to index
        %get3A_1107 = arith.index_cast %scan3A_1078 : i32 to index
        %get3A_1108 = arith.constant 32 : index
        %get3A_1109 = tpu.vector_load %arg7[%get3A_1106, %get3A_1107, %get3A_1108] {strides = array<i32>} : memref<4x128x128xf32, #tpu.memory_space<vmem>>, vector<16xf32>,
        %mul3A_1110 = arith.constant 11.3137083 : f32
        %mul3A_1111 = vector.broadcast %mul3A_1110 : f32 to vector<16xf32>
        %mul3A_1112 = arith.mulf %get3A_1109, %mul3A_1111 : vector<16xf32>
        %swap3A_1113 = arith.constant 2 : i32
        %swap3A_1114 = arith.index_cast %swap3A_1113 : i32 to index
        %swap3A_1115 = arith.index_cast %scan3A_1078 : i32 to index
        %swap3A_1116 = arith.constant 32 : index
        %swap3A_1117 = tpu.vector_load %arg7[%swap3A_1114, %swap3A_1115, %swap3A_1116] {strides = array<i32>} : memref<4x128x128xf32, #tpu.memory_space<vmem>>, vector<16xf32>,
        tpu.vector_store %arg7[%swap3A_1114, %swap3A_1115, %swap3A_1116], %mul3A_1112 {strides = array<i32>} : memref<4x128x128xf32, #tpu.memory_space<vmem>>, vector<16xf32>,
        %get3A_1118 = arith.constant 2 : i32
        %get3A_1119 = arith.index_cast %get3A_1118 : i32 to index
        %get3A_1120 = arith.index_cast %scan3A_1078 : i32 to index
        %get3A_1121 = arith.constant 48 : index
        %get3A_1122 = tpu.vector_load %arg7[%get3A_1119, %get3A_1120, %get3A_1121] {strides = array<i32>} : memref<4x128x128xf32, #tpu.memory_space<vmem>>, vector<16xf32>,
        %mul3A_1123 = arith.constant 11.3137083 : f32
        %mul3A_1124 = vector.broadcast %mul3A_1123 : f32 to vector<16xf32>
        %mul3A_1125 = arith.mulf %get3A_1122, %mul3A_1124 : vector<16xf32>
        %swap3A_1126 = arith.constant 2 : i32
        %swap3A_1127 = arith.index_cast %swap3A_1126 : i32 to index
        %swap3A_1128 = arith.index_cast %scan3A_1078 : i32 to index
        %swap3A_1129 = arith.constant 48 : index
        %swap3A_1130 = tpu.vector_load %arg7[%swap3A_1127, %swap3A_1128, %swap3A_1129] {strides = array<i32>} : memref<4x128x128xf32, #tpu.memory_space<vmem>>, vector<16xf32>,
        tpu.vector_store %arg7[%swap3A_1127, %swap3A_1128, %swap3A_1129], %mul3A_1125 {strides = array<i32>} : memref<4x128x128xf32, #tpu.memory_space<vmem>>, vector<16xf32>,
        %get3A_1131 = arith.constant 2 : i32
        %get3A_1132 = arith.index_cast %get3A_1131 : i32 to index
        %get3A_1133 = arith.index_cast %scan3A_1078 : i32 to index
        %get3A_1134 = arith.constant 64 : index
        %get3A_1135 = tpu.vector_load %arg7[%get3A_1132, %get3A_1133, %get3A_1134] {strides = array<i32>} : memref<4x128x128xf32, #tpu.memory_space<vmem>>, vector<16xf32>,
        %mul3A_1136 = arith.constant 11.3137083 : f32
        %mul3A_1137 = vector.broadcast %mul3A_1136 : f32 to vector<16xf32>
        %mul3A_1138 = arith.mulf %get3A_1135, %mul3A_1137 : vector<16xf32>
        %swap3A_1139 = arith.constant 2 : i32
        %swap3A_1140 = arith.index_cast %swap3A_1139 : i32 to index
        %swap3A_1141 = arith.index_cast %scan3A_1078 : i32 to index
        %swap3A_1142 = arith.constant 64 : index
        %swap3A_1143 = tpu.vector_load %arg7[%swap3A_1140, %swap3A_1141, %swap3A_1142] {strides = array<i32>} : memref<4x128x128xf32, #tpu.memory_space<vmem>>, vector<16xf32>,
        tpu.vector_store %arg7[%swap3A_1140, %swap3A_1141, %swap3A_1142], %mul3A_1138 {strides = array<i32>} : memref<4x128x128xf32, #tpu.memory_space<vmem>>, vector<16xf32>,
        %get3A_1144 = arith.constant 2 : i32
        %get3A_1145 = arith.index_cast %get3A_1144 : i32 to index
        %get3A_1146 = arith.index_cast %scan3A_1078 : i32 to index
        %get3A_1147 = arith.constant 80 : index
        %get3A_1148 = tpu.vector_load %arg7[%get3A_1145, %get3A_1146, %get3A_1147] {strides = array<i32>} : memref<4x128x128xf32, #tpu.memory_space<vmem>>, vector<16xf32>,
        %mul3A_1149 = arith.constant 11.3137083 : f32
        %mul3A_1150 = vector.broadcast %mul3A_1149 : f32 to vector<16xf32>
        %mul3A_1151 = arith.mulf %get3A_1148, %mul3A_1150 : vector<16xf32>
        %swap3A_1152 = arith.constant 2 : i32
        %swap3A_1153 = arith.index_cast %swap3A_1152 : i32 to index
        %swap3A_1154 = arith.index_cast %scan3A_1078 : i32 to index
        %swap3A_1155 = arith.constant 80 : index
        %swap3A_1156 = tpu.vector_load %arg7[%swap3A_1153, %swap3A_1154, %swap3A_1155] {strides = array<i32>} : memref<4x128x128xf32, #tpu.memory_space<vmem>>, vector<16xf32>,
        tpu.vector_store %arg7[%swap3A_1153, %swap3A_1154, %swap3A_1155], %mul3A_1151 {strides = array<i32>} : memref<4x128x128xf32, #tpu.memory_space<vmem>>, vector<16xf32>,
        %get3A_1157 = arith.constant 2 : i32
        %get3A_1158 = arith.index_cast %get3A_1157 : i32 to index
        %get3A_1159 = arith.index_cast %scan3A_1078 : i32 to index
        %get3A_1160 = arith.constant 96 : index
        %get3A_1161 = tpu.vector_load %arg7[%get3A_1158, %get3A_1159, %get3A_1160] {strides = array<i32>} : memref<4x128x128xf32, #tpu.memory_space<vmem>>, vector<16xf32>,
        %mul3A_1162 = arith.constant 11.3137083 : f32
        %mul3A_1163 = vector.broadcast %mul3A_1162 : f32 to vector<16xf32>
        %mul3A_1164 = arith.mulf %get3A_1161, %mul3A_1163 : vector<16xf32>
        %swap3A_1165 = arith.constant 2 : i32
        %swap3A_1166 = arith.index_cast %swap3A_1165 : i32 to index
        %swap3A_1167 = arith.index_cast %scan3A_1078 : i32 to index
        %swap3A_1168 = arith.constant 96 : index
        %swap3A_1169 = tpu.vector_load %arg7[%swap3A_1166, %swap3A_1167, %swap3A_1168] {strides = array<i32>} : memref<4x128x128xf32, #tpu.memory_space<vmem>>, vector<16xf32>,
        tpu.vector_store %arg7[%swap3A_1166, %swap3A_1167, %swap3A_1168], %mul3A_1164 {strides = array<i32>} : memref<4x128x128xf32, #tpu.memory_space<vmem>>, vector<16xf32>,
        %get3A_1170 = arith.constant 2 : i32
        %get3A_1171 = arith.index_cast %get3A_1170 : i32 to index
        %get3A_1172 = arith.index_cast %scan3A_1078 : i32 to index
        %get3A_1173 = arith.constant 112 : index
        %get3A_1174 = tpu.vector_load %arg7[%get3A_1171, %get3A_1172, %get3A_1173] {strides = array<i32>} : memref<4x128x128xf32, #tpu.memory_space<vmem>>, vector<16xf32>,
        %mul3A_1175 = arith.constant 11.3137083 : f32
        %mul3A_1176 = vector.broadcast %mul3A_1175 : f32 to vector<16xf32>
        %mul3A_1177 = arith.mulf %get3A_1174, %mul3A_1176 : vector<16xf32>
        %swap3A_1178 = arith.constant 2 : i32
        %swap3A_1179 = arith.index_cast %swap3A_1178 : i32 to index
        %swap3A_1180 = arith.index_cast %scan3A_1078 : i32 to index
        %swap3A_1181 = arith.constant 112 : index
        %swap3A_1182 = tpu.vector_load %arg7[%swap3A_1179, %swap3A_1180, %swap3A_1181] {strides = array<i32>} : memref<4x128x128xf32, #tpu.memory_space<vmem>>, vector<16xf32>,
        tpu.vector_store %arg7[%swap3A_1179, %swap3A_1180, %swap3A_1181], %mul3A_1177 {strides = array<i32>} : memref<4x128x128xf32, #tpu.memory_space<vmem>>, vector<16xf32>,
      }
      %scan3A_872 = arith.constant 128 : i32
      %mul3A_873 = arith.constant 128 : i32
      %mul3A_874 = arith.muli %add3A_855, %mul3A_873 : i32
      %add3A_875 = arith.addi %mul3A_2, %mul3A_874 : i32
      %dma_start3A_876 = arith.constant 2 : i32
      %dma_start3A_877 = arith.constant 0 : i32
      %dma_start3A_878 = arith.constant 0 : i32
      %dma_start3A_879 = tpu.memref_slice %arg7[%dma_start3A_876, %dma_start3A_877, %dma_start3A_878] : memref<4x128x128xf32, #tpu.memory_space<vmem>> -> memref<1x128x128xf32, #tpu.memory_space<vmem>>
      %dma_start3A_880 = tpu.memref_squeeze %dma_start3A_879 : memref<1x128x128xf32, #tpu.memory_space<vmem>> -> memref<128x128xf32, #tpu.memory_space<vmem>>
      %dma_start3A_881 = arith.constant 0 : i32
      %dma_start3A_882 = tpu.memref_slice %arg4[%add3A_875, %dma_start3A_881] : memref<819200x128xf32, #tpu.memory_space<hbm>> -> memref<128x128xf32, #tpu.memory_space<hbm>>
      %dma_start3A_883 = arith.constant 0 : i32
      %dma_start3A_884 = tpu.memref_slice %arg4[%add3A_875, %dma_start3A_883] : memref<819200x128xf32, #tpu.memory_space<hbm>> -> memref<128x128xf32, #tpu.memory_space<hbm>>
      %dma_start3A_885 = arith.constant 0 : i32
      %dma_start3A_886 = arith.constant 0 : i32
      %dma_start3A_887 = tpu.memref_slice %arg7[%dma_start3A_876, %dma_start3A_885, %dma_start3A_886] : memref<4x128x128xf32, #tpu.memory_space<vmem>> -> memref<1x128x128xf32, #tpu.memory_space<vmem>>
      %dma_start3A_888 = tpu.memref_squeeze %dma_start3A_887 : memref<1x128x128xf32, #tpu.memory_space<vmem>> -> memref<128x128xf32, #tpu.memory_space<vmem>>
      tpu.enqueue_dma source(%dma_start3A_888 : memref<128x128xf32, #tpu.memory_space<vmem>>) target(%dma_start3A_884 : memref<128x128xf32, #tpu.memory_space<hbm>>) target_semaphore(%arg14 : memref<!tpu.dma_semaphore, #tpu.memory_space<semaphore_mem>>)
      %add3A_889 = arith.constant 4 : i32
      %add3A_890 = arith.addi %add3A_855, %add3A_889 : i32
      %sub3A_891 = arith.constant 2 : i32
      %sub3A_892 = arith.subi %add3A_890, %sub3A_891 : i32
      %lt3A_893 = arith.constant 200 : i32
      %lt3A_894 = arith.cmpi slt, %sub3A_892, %lt3A_893 : i32
      %convert_element_type3A_895 = arith.extui %lt3A_894 : i1 to i32
      %cond3A_896 = arith.constant 0 : i32
      %cond3A_897 = arith.cmpi ne, %convert_element_type3A_895, %cond3A_896 : i32
      %cond3A_898 = scf.if %cond3A_897 -> (vector<16xi32>) {
        %get3A_972 = arith.index_cast %sub3A_892 : i32 to index
        %get3A_973 = arith.constant 0 : index
        %get3A_974 = tpu.vector_load %arg5[%get3A_972, %get3A_973] {strides = array<i32>} : memref<200x128xi32, #tpu.memory_space<vmem>>, vector<16xi32>,
        %mul3A_975 = arith.constant 128 : i32
        %mul3A_976 = arith.muli %sub3A_892, %mul3A_975 : i32
        %add3A_977 = arith.constant 0 : i32
        %add3A_978 = arith.addi %mul3A_976, %add3A_977 : i32
        %add3A_979 = vector.broadcast %add3A_978 : i32 to vector<16xi32>
        %add3A_980 = arith.addi %add3A_979, %iota3A : vector<16xi32>
        %ge3A_981 = arith.constant 99000 : i32
        %ge3A_982 = vector.broadcast %ge3A_981 : i32 to vector<16xi32>
        %ge3A_983 = arith.cmpi sge, %get3A_974, %ge3A_982 : vector<16xi32>
        %mul3A_984 = arith.constant 800 : i32
        %mul3A_985 = arith.muli %add3A, %mul3A_984 : i32
        %add3A_986 = vector.broadcast %mul3A_985 : i32 to vector<16xi32>
        %add3A_987 = arith.addi %add3A_980, %add3A_986 : vector<16xi32>
        %and3A_988 = arith.constant 16383 : i32
        %and3A_989 = vector.broadcast %and3A_988 : i32 to vector<16xi32>
        %and3A_990 = arith.andi %add3A_987, %and3A_989 : vector<16xi32>
        %select_n3A_991 = arith.select %ge3A_983, %and3A_990, %get3A_974 : vector<16xi1>, vector<16xi32>
        %swap3A_992 = arith.index_cast %sub3A_892 : i32 to index
        %swap3A_993 = arith.constant 0 : index
        %swap3A_994 = tpu.vector_load %arg5[%swap3A_992, %swap3A_993] {strides = array<i32>} : memref<200x128xi32, #tpu.memory_space<vmem>>, vector<16xi32>,
        tpu.vector_store %arg5[%swap3A_992, %swap3A_993], %select_n3A_991 {strides = array<i32>} : memref<200x128xi32, #tpu.memory_space<vmem>>, vector<16xi32>,
        %convert_element_type3A_995 = arith.extui %ge3A_983 : vector<16xi1> to vector<16xi32>
        %broadcast_in_dim3A_996 = arith.constant true
        %broadcast_in_dim3A_997 = vector.broadcast %broadcast_in_dim3A_996 : i1 to vector<16xi1>
        %masked_cumsum3A_998 = tpu.scan <sum>, %convert_element_type3A_995 masked %broadcast_in_dim3A_997 : vector<16xi32>, vector<16xi1> -> vector<16xi32>
        %add3A_999 = arith.addi %cond3A_838, %masked_cumsum3A_998 : vector<16xi32>
        %sub3A_1000 = arith.constant 1 : i32
        %sub3A_1001 = vector.broadcast %sub3A_1000 : i32 to vector<16xi32>
        %sub3A_1002 = arith.subi %add3A_999, %sub3A_1001 : vector<16xi32>
        %shift_right_logical3A_1003 = arith.constant 7 : i32
        %shift_right_logical3A_1004 = vector.broadcast %shift_right_logical3A_1003 : i32 to vector<16xi32>
        %shift_right_logical3A_1005 = arith.shrui %sub3A_1002, %shift_right_logical3A_1004 : vector<16xi32>
        %and3A_1006 = arith.constant 127 : i32
        %and3A_1007 = vector.broadcast %and3A_1006 : i32 to vector<16xi32>
        %and3A_1008 = arith.andi %sub3A_1002, %and3A_1007 : vector<16xi32>
        %add3A_1009 = vector.broadcast %mul3A_2 : i32 to vector<16xi32>
        %add3A_1010 = arith.addi %add3A_1009, %add3A_980 : vector<16xi32>
        tpu.vector_store_idx %arg6[%shift_right_logical3A_1005, %and3A_1008], %add3A_1010 masked %ge3A_983 : memref<202x128xi32, #tpu.memory_space<vmem>>[vector<16xi32>, vector<16xi32>], vector<16xi32>, vector<16xi1>
        %all_reduce_population_count3A_1011 = tpu.all_reduce %ge3A_983 {dim = 0 : i64, kind = #tpu.reduction_kind<sum>} : vector<16xi1> -> vector<16xi32>
        %add3A_1012 = arith.addi %cond3A_838, %all_reduce_population_count3A_1011 : vector<16xi32>
        %get3A_1013 = arith.index_cast %sub3A_892 : i32 to index
        %get3A_1014 = arith.constant 16 : index
        %get3A_1015 = tpu.vector_load %arg5[%get3A_1013, %get3A_1014] {strides = array<i32>} : memref<200x128xi32, #tpu.memory_space<vmem>>, vector<16xi32>,
        %mul3A_1016 = arith.constant 128 : i32
        %mul3A_1017 = arith.muli %sub3A_892, %mul3A_1016 : i32
        %add3A_1018 = arith.constant 16 : i32
        %add3A_1019 = arith.addi %mul3A_1017, %add3A_1018 : i32
        %add3A_1020 = vector.broadcast %add3A_1019 : i32 to vector<16xi32>
        %add3A_1021 = arith.addi %add3A_1020, %iota3A : vector<16xi32>
        %ge3A_1022 = arith.constant 99000 : i32
        %ge3A_1023 = vector.broadcast %ge3A_1022 : i32 to vector<16xi32>
        %ge3A_1024 = arith.cmpi sge, %get3A_1015, %ge3A_1023 : vector<16xi32>
        %mul3A_1025 = arith.constant 800 : i32
        %mul3A_1026 = arith.muli %add3A, %mul3A_1025 : i32
        %add3A_1027 = vector.broadcast %mul3A_1026 : i32 to vector<16xi32>
        %add3A_1028 = arith.addi %add3A_1021, %add3A_1027 : vector<16xi32>
        %and3A_1029 = arith.constant 16383 : i32
        %and3A_1030 = vector.broadcast %and3A_1029 : i32 to vector<16xi32>
        %and3A_1031 = arith.andi %add3A_1028, %and3A_1030 : vector<16xi32>
        %select_n3A_1032 = arith.select %ge3A_1024, %and3A_1031, %get3A_1015 : vector<16xi1>, vector<16xi32>
        %swap3A_1033 = arith.index_cast %sub3A_892 : i32 to index
        %swap3A_1034 = arith.constant 16 : index
        %swap3A_1035 = tpu.vector_load %arg5[%swap3A_1033, %swap3A_1034] {strides = array<i32>} : memref<200x128xi32, #tpu.memory_space<vmem>>, vector<16xi32>,
        tpu.vector_store %arg5[%swap3A_1033, %swap3A_1034], %select_n3A_1032 {strides = array<i32>} : memref<200x128xi32, #tpu.memory_space<vmem>>, vector<16xi32>,
        %convert_element_type3A_1036 = arith.extui %ge3A_1024 : vector<16xi1> to vector<16xi32>
        %broadcast_in_dim3A_1037 = arith.constant true
        %broadcast_in_dim3A_1038 = vector.broadcast %broadcast_in_dim3A_1037 : i1 to vector<16xi1>
        %masked_cumsum3A_1039 = tpu.scan <sum>, %convert_element_type3A_1036 masked %broadcast_in_dim3A_1038 : vector<16xi32>, vector<16xi1> -> vector<16xi32>
        %add3A_1040 = arith.addi %add3A_1012, %masked_cumsum3A_1039 : vector<16xi32>
        %sub3A_1041 = arith.constant 1 : i32
        %sub3A_1042 = vector.broadcast %sub3A_1041 : i32 to vector<16xi32>
        %sub3A_1043 = arith.subi %add3A_1040, %sub3A_1042 : vector<16xi32>
        %shift_right_logical3A_1044 = arith.constant 7 : i32
        %shift_right_logical3A_1045 = vector.broadcast %shift_right_logical3A_1044 : i32 to vector<16xi32>
        %shift_right_logical3A_1046 = arith.shrui %sub3A_1043, %shift_right_logical3A_1045 : vector<16xi32>
        %and3A_1047 = arith.constant 127 : i32
        %and3A_1048 = vector.broadcast %and3A_1047 : i32 to vector<16xi32>
        %and3A_1049 = arith.andi %sub3A_1043, %and3A_1048 : vector<16xi32>
        %add3A_1050 = vector.broadcast %mul3A_2 : i32 to vector<16xi32>
        %add3A_1051 = arith.addi %add3A_1050, %add3A_1021 : vector<16xi32>
        tpu.vector_store_idx %arg6[%shift_right_logical3A_1046, %and3A_1049], %add3A_1051 masked %ge3A_1024 : memref<202x128xi32, #tpu.memory_space<vmem>>[vector<16xi32>, vector<16xi32>], vector<16xi32>, vector<16xi1>
        %all_reduce_population_count3A_1052 = tpu.all_reduce %ge3A_1024 {dim = 0 : i64, kind = #tpu.reduction_kind<sum>} : vector<16xi1> -> vector<16xi32>
        %add3A_1053 = arith.addi %add3A_1012, %all_reduce_population_count3A_1052 : vector<16xi32>
        %get3A_1054 = arith.index_cast %sub3A_892 : i32 to index
        %get3A_1055 = arith.constant 32 : index
        %get3A_1056 = tpu.vector_load %arg5[%get3A_1054, %get3A_1055] {strides = array<i32>} : memref<200x128xi32, #tpu.memory_space<vmem>>, vector<16xi32>,
        %mul3A_1057 = arith.constant 128 : i32
        %mul3A_1058 = arith.muli %sub3A_892, %mul3A_1057 : i32
        %add3A_1059 = arith.constant 32 : i32
        %add3A_1060 = arith.addi %mul3A_1058, %add3A_1059 : i32
        %add3A_1061 = vector.broadcast %add3A_1060 : i32 to vector<16xi32>
        %add3A_1062 = arith.addi %add3A_1061, %iota3A : vector<16xi32>
        %ge3A_1063 = arith.constant 99000 : i32
        %ge3A_1064 = vector.broadcast %ge3A_1063 : i32 to vector<16xi32>
        %ge3A_1065 = arith.cmpi sge, %get3A_1056, %ge3A_1064 : vector<16xi32>
        %mul3A_1066 = arith.constant 800 : i32
        %mul3A_1067 = arith.muli %add3A, %mul3A_1066 : i32
        %add3A_1068 = vector.broadcast %mul3A_1067 : i32 to vector<16xi32>
        %add3A_1069 = arith.addi %add3A_1062, %add3A_1068 : vector<16xi32>
        %and3A_1070 = arith.constant 16383 : i32
        %and3A_1071 = vector.broadcast %and3A_1070 : i32 to vector<16xi32>
        %and3A_1072 = arith.andi %add3A_1069, %and3A_1071 : vector<16xi32>
        %select_n3A_1073 = arith.select %ge3A_1065, %and3A_1072, %get3A_1056 : vector<16xi1>, vector<16xi32>
        %swap3A_1074 = arith.index_cast %sub3A_892 : i32 to index
        %swap3A_1075 = arith.constant 32 : index
        %swap3A_1076 = tpu.vector_load %arg5[%swap3A_1074, %swap3A_1075] {strides = array<i32>} : memref<200x128xi32, #tpu.memory_space<vmem>>, vector<16xi32>,
        tpu.vector_store %arg5[%swap3A_1074, %swap3A_1075], %select_n3A_1073 {strides = array<i32>} : memref<200x128xi32, #tpu.memory_space<vmem>>, vector<16xi32>,
        %convert_element_type3A_1077 = arith.extui %ge3A_1065 : vector<16xi1> to vector<16xi32>
        %broadcast_in_dim3A_1078 = arith.constant true
        %broadcast_in_dim3A_1079 = vector.broadcast %broadcast_in_dim3A_1078 : i1 to vector<16xi1>
        %masked_cumsum3A_1080 = tpu.scan <sum>, %convert_element_type3A_1077 masked %broadcast_in_dim3A_1079 : vector<16xi32>, vector<16xi1> -> vector<16xi32>
        %add3A_1081 = arith.addi %add3A_1053, %masked_cumsum3A_1080 : vector<16xi32>
        %sub3A_1082 = arith.constant 1 : i32
        %sub3A_1083 = vector.broadcast %sub3A_1082 : i32 to vector<16xi32>
        %sub3A_1084 = arith.subi %add3A_1081, %sub3A_1083 : vector<16xi32>
        %shift_right_logical3A_1085 = arith.constant 7 : i32
        %shift_right_logical3A_1086 = vector.broadcast %shift_right_logical3A_1085 : i32 to vector<16xi32>
        %shift_right_logical3A_1087 = arith.shrui %sub3A_1084, %shift_right_logical3A_1086 : vector<16xi32>
        %and3A_1088 = arith.constant 127 : i32
        %and3A_1089 = vector.broadcast %and3A_1088 : i32 to vector<16xi32>
        %and3A_1090 = arith.andi %sub3A_1084, %and3A_1089 : vector<16xi32>
        %add3A_1091 = vector.broadcast %mul3A_2 : i32 to vector<16xi32>
        %add3A_1092 = arith.addi %add3A_1091, %add3A_1062 : vector<16xi32>
        tpu.vector_store_idx %arg6[%shift_right_logical3A_1087, %and3A_1090], %add3A_1092 masked %ge3A_1065 : memref<202x128xi32, #tpu.memory_space<vmem>>[vector<16xi32>, vector<16xi32>], vector<16xi32>, vector<16xi1>
        %all_reduce_population_count3A_1093 = tpu.all_reduce %ge3A_1065 {dim = 0 : i64, kind = #tpu.reduction_kind<sum>} : vector<16xi1> -> vector<16xi32>
        %add3A_1094 = arith.addi %add3A_1053, %all_reduce_population_count3A_1093 : vector<16xi32>
        %get3A_1095 = arith.index_cast %sub3A_892 : i32 to index
        %get3A_1096 = arith.constant 48 : index
        %get3A_1097 = tpu.vector_load %arg5[%get3A_1095, %get3A_1096] {strides = array<i32>} : memref<200x128xi32, #tpu.memory_space<vmem>>, vector<16xi32>,
        %mul3A_1098 = arith.constant 128 : i32
        %mul3A_1099 = arith.muli %sub3A_892, %mul3A_1098 : i32
        %add3A_1100 = arith.constant 48 : i32
        %add3A_1101 = arith.addi %mul3A_1099, %add3A_1100 : i32
        %add3A_1102 = vector.broadcast %add3A_1101 : i32 to vector<16xi32>
        %add3A_1103 = arith.addi %add3A_1102, %iota3A : vector<16xi32>
        %ge3A_1104 = arith.constant 99000 : i32
        %ge3A_1105 = vector.broadcast %ge3A_1104 : i32 to vector<16xi32>
        %ge3A_1106 = arith.cmpi sge, %get3A_1097, %ge3A_1105 : vector<16xi32>
        %mul3A_1107 = arith.constant 800 : i32
        %mul3A_1108 = arith.muli %add3A, %mul3A_1107 : i32
        %add3A_1109 = vector.broadcast %mul3A_1108 : i32 to vector<16xi32>
        %add3A_1110 = arith.addi %add3A_1103, %add3A_1109 : vector<16xi32>
        %and3A_1111 = arith.constant 16383 : i32
        %and3A_1112 = vector.broadcast %and3A_1111 : i32 to vector<16xi32>
        %and3A_1113 = arith.andi %add3A_1110, %and3A_1112 : vector<16xi32>
        %select_n3A_1114 = arith.select %ge3A_1106, %and3A_1113, %get3A_1097 : vector<16xi1>, vector<16xi32>
        %swap3A_1115 = arith.index_cast %sub3A_892 : i32 to index
        %swap3A_1116 = arith.constant 48 : index
        %swap3A_1117 = tpu.vector_load %arg5[%swap3A_1115, %swap3A_1116] {strides = array<i32>} : memref<200x128xi32, #tpu.memory_space<vmem>>, vector<16xi32>,
        tpu.vector_store %arg5[%swap3A_1115, %swap3A_1116], %select_n3A_1114 {strides = array<i32>} : memref<200x128xi32, #tpu.memory_space<vmem>>, vector<16xi32>,
        %convert_element_type3A_1118 = arith.extui %ge3A_1106 : vector<16xi1> to vector<16xi32>
        %broadcast_in_dim3A_1119 = arith.constant true
        %broadcast_in_dim3A_1120 = vector.broadcast %broadcast_in_dim3A_1119 : i1 to vector<16xi1>
        %masked_cumsum3A_1121 = tpu.scan <sum>, %convert_element_type3A_1118 masked %broadcast_in_dim3A_1120 : vector<16xi32>, vector<16xi1> -> vector<16xi32>
        %add3A_1122 = arith.addi %add3A_1094, %masked_cumsum3A_1121 : vector<16xi32>
        %sub3A_1123 = arith.constant 1 : i32
        %sub3A_1124 = vector.broadcast %sub3A_1123 : i32 to vector<16xi32>
        %sub3A_1125 = arith.subi %add3A_1122, %sub3A_1124 : vector<16xi32>
        %shift_right_logical3A_1126 = arith.constant 7 : i32
        %shift_right_logical3A_1127 = vector.broadcast %shift_right_logical3A_1126 : i32 to vector<16xi32>
        %shift_right_logical3A_1128 = arith.shrui %sub3A_1125, %shift_right_logical3A_1127 : vector<16xi32>
        %and3A_1129 = arith.constant 127 : i32
        %and3A_1130 = vector.broadcast %and3A_1129 : i32 to vector<16xi32>
        %and3A_1131 = arith.andi %sub3A_1125, %and3A_1130 : vector<16xi32>
        %add3A_1132 = vector.broadcast %mul3A_2 : i32 to vector<16xi32>
        %add3A_1133 = arith.addi %add3A_1132, %add3A_1103 : vector<16xi32>
        tpu.vector_store_idx %arg6[%shift_right_logical3A_1128, %and3A_1131], %add3A_1133 masked %ge3A_1106 : memref<202x128xi32, #tpu.memory_space<vmem>>[vector<16xi32>, vector<16xi32>], vector<16xi32>, vector<16xi1>
        %all_reduce_population_count3A_1134 = tpu.all_reduce %ge3A_1106 {dim = 0 : i64, kind = #tpu.reduction_kind<sum>} : vector<16xi1> -> vector<16xi32>
        %add3A_1135 = arith.addi %add3A_1094, %all_reduce_population_count3A_1134 : vector<16xi32>
        %get3A_1136 = arith.index_cast %sub3A_892 : i32 to index
        %get3A_1137 = arith.constant 64 : index
        %get3A_1138 = tpu.vector_load %arg5[%get3A_1136, %get3A_1137] {strides = array<i32>} : memref<200x128xi32, #tpu.memory_space<vmem>>, vector<16xi32>,
        %mul3A_1139 = arith.constant 128 : i32
        %mul3A_1140 = arith.muli %sub3A_892, %mul3A_1139 : i32
        %add3A_1141 = arith.constant 64 : i32
        %add3A_1142 = arith.addi %mul3A_1140, %add3A_1141 : i32
        %add3A_1143 = vector.broadcast %add3A_1142 : i32 to vector<16xi32>
        %add3A_1144 = arith.addi %add3A_1143, %iota3A : vector<16xi32>
        %ge3A_1145 = arith.constant 99000 : i32
        %ge3A_1146 = vector.broadcast %ge3A_1145 : i32 to vector<16xi32>
        %ge3A_1147 = arith.cmpi sge, %get3A_1138, %ge3A_1146 : vector<16xi32>
        %mul3A_1148 = arith.constant 800 : i32
        %mul3A_1149 = arith.muli %add3A, %mul3A_1148 : i32
        %add3A_1150 = vector.broadcast %mul3A_1149 : i32 to vector<16xi32>
        %add3A_1151 = arith.addi %add3A_1144, %add3A_1150 : vector<16xi32>
        %and3A_1152 = arith.constant 16383 : i32
        %and3A_1153 = vector.broadcast %and3A_1152 : i32 to vector<16xi32>
        %and3A_1154 = arith.andi %add3A_1151, %and3A_1153 : vector<16xi32>
        %select_n3A_1155 = arith.select %ge3A_1147, %and3A_1154, %get3A_1138 : vector<16xi1>, vector<16xi32>
        %swap3A_1156 = arith.index_cast %sub3A_892 : i32 to index
        %swap3A_1157 = arith.constant 64 : index
        %swap3A_1158 = tpu.vector_load %arg5[%swap3A_1156, %swap3A_1157] {strides = array<i32>} : memref<200x128xi32, #tpu.memory_space<vmem>>, vector<16xi32>,
        tpu.vector_store %arg5[%swap3A_1156, %swap3A_1157], %select_n3A_1155 {strides = array<i32>} : memref<200x128xi32, #tpu.memory_space<vmem>>, vector<16xi32>,
        %convert_element_type3A_1159 = arith.extui %ge3A_1147 : vector<16xi1> to vector<16xi32>
        %broadcast_in_dim3A_1160 = arith.constant true
        %broadcast_in_dim3A_1161 = vector.broadcast %broadcast_in_dim3A_1160 : i1 to vector<16xi1>
        %masked_cumsum3A_1162 = tpu.scan <sum>, %convert_element_type3A_1159 masked %broadcast_in_dim3A_1161 : vector<16xi32>, vector<16xi1> -> vector<16xi32>
        %add3A_1163 = arith.addi %add3A_1135, %masked_cumsum3A_1162 : vector<16xi32>
        %sub3A_1164 = arith.constant 1 : i32
        %sub3A_1165 = vector.broadcast %sub3A_1164 : i32 to vector<16xi32>
        %sub3A_1166 = arith.subi %add3A_1163, %sub3A_1165 : vector<16xi32>
        %shift_right_logical3A_1167 = arith.constant 7 : i32
        %shift_right_logical3A_1168 = vector.broadcast %shift_right_logical3A_1167 : i32 to vector<16xi32>
        %shift_right_logical3A_1169 = arith.shrui %sub3A_1166, %shift_right_logical3A_1168 : vector<16xi32>
        %and3A_1170 = arith.constant 127 : i32
        %and3A_1171 = vector.broadcast %and3A_1170 : i32 to vector<16xi32>
        %and3A_1172 = arith.andi %sub3A_1166, %and3A_1171 : vector<16xi32>
        %add3A_1173 = vector.broadcast %mul3A_2 : i32 to vector<16xi32>
        %add3A_1174 = arith.addi %add3A_1173, %add3A_1144 : vector<16xi32>
        tpu.vector_store_idx %arg6[%shift_right_logical3A_1169, %and3A_1172], %add3A_1174 masked %ge3A_1147 : memref<202x128xi32, #tpu.memory_space<vmem>>[vector<16xi32>, vector<16xi32>], vector<16xi32>, vector<16xi1>
        %all_reduce_population_count3A_1175 = tpu.all_reduce %ge3A_1147 {dim = 0 : i64, kind = #tpu.reduction_kind<sum>} : vector<16xi1> -> vector<16xi32>
        %add3A_1176 = arith.addi %add3A_1135, %all_reduce_population_count3A_1175 : vector<16xi32>
        %get3A_1177 = arith.index_cast %sub3A_892 : i32 to index
        %get3A_1178 = arith.constant 80 : index
        %get3A_1179 = tpu.vector_load %arg5[%get3A_1177, %get3A_1178] {strides = array<i32>} : memref<200x128xi32, #tpu.memory_space<vmem>>, vector<16xi32>,
        %mul3A_1180 = arith.constant 128 : i32
        %mul3A_1181 = arith.muli %sub3A_892, %mul3A_1180 : i32
        %add3A_1182 = arith.constant 80 : i32
        %add3A_1183 = arith.addi %mul3A_1181, %add3A_1182 : i32
        %add3A_1184 = vector.broadcast %add3A_1183 : i32 to vector<16xi32>
        %add3A_1185 = arith.addi %add3A_1184, %iota3A : vector<16xi32>
        %ge3A_1186 = arith.constant 99000 : i32
        %ge3A_1187 = vector.broadcast %ge3A_1186 : i32 to vector<16xi32>
        %ge3A_1188 = arith.cmpi sge, %get3A_1179, %ge3A_1187 : vector<16xi32>
        %mul3A_1189 = arith.constant 800 : i32
        %mul3A_1190 = arith.muli %add3A, %mul3A_1189 : i32
        %add3A_1191 = vector.broadcast %mul3A_1190 : i32 to vector<16xi32>
        %add3A_1192 = arith.addi %add3A_1185, %add3A_1191 : vector<16xi32>
        %and3A_1193 = arith.constant 16383 : i32
        %and3A_1194 = vector.broadcast %and3A_1193 : i32 to vector<16xi32>
        %and3A_1195 = arith.andi %add3A_1192, %and3A_1194 : vector<16xi32>
        %select_n3A_1196 = arith.select %ge3A_1188, %and3A_1195, %get3A_1179 : vector<16xi1>, vector<16xi32>
        %swap3A_1197 = arith.index_cast %sub3A_892 : i32 to index
        %swap3A_1198 = arith.constant 80 : index
        %swap3A_1199 = tpu.vector_load %arg5[%swap3A_1197, %swap3A_1198] {strides = array<i32>} : memref<200x128xi32, #tpu.memory_space<vmem>>, vector<16xi32>,
        tpu.vector_store %arg5[%swap3A_1197, %swap3A_1198], %select_n3A_1196 {strides = array<i32>} : memref<200x128xi32, #tpu.memory_space<vmem>>, vector<16xi32>,
        %convert_element_type3A_1200 = arith.extui %ge3A_1188 : vector<16xi1> to vector<16xi32>
        %broadcast_in_dim3A_1201 = arith.constant true
        %broadcast_in_dim3A_1202 = vector.broadcast %broadcast_in_dim3A_1201 : i1 to vector<16xi1>
        %masked_cumsum3A_1203 = tpu.scan <sum>, %convert_element_type3A_1200 masked %broadcast_in_dim3A_1202 : vector<16xi32>, vector<16xi1> -> vector<16xi32>
        %add3A_1204 = arith.addi %add3A_1176, %masked_cumsum3A_1203 : vector<16xi32>
        %sub3A_1205 = arith.constant 1 : i32
        %sub3A_1206 = vector.broadcast %sub3A_1205 : i32 to vector<16xi32>
        %sub3A_1207 = arith.subi %add3A_1204, %sub3A_1206 : vector<16xi32>
        %shift_right_logical3A_1208 = arith.constant 7 : i32
        %shift_right_logical3A_1209 = vector.broadcast %shift_right_logical3A_1208 : i32 to vector<16xi32>
        %shift_right_logical3A_1210 = arith.shrui %sub3A_1207, %shift_right_logical3A_1209 : vector<16xi32>
        %and3A_1211 = arith.constant 127 : i32
        %and3A_1212 = vector.broadcast %and3A_1211 : i32 to vector<16xi32>
        %and3A_1213 = arith.andi %sub3A_1207, %and3A_1212 : vector<16xi32>
        %add3A_1214 = vector.broadcast %mul3A_2 : i32 to vector<16xi32>
        %add3A_1215 = arith.addi %add3A_1214, %add3A_1185 : vector<16xi32>
        tpu.vector_store_idx %arg6[%shift_right_logical3A_1210, %and3A_1213], %add3A_1215 masked %ge3A_1188 : memref<202x128xi32, #tpu.memory_space<vmem>>[vector<16xi32>, vector<16xi32>], vector<16xi32>, vector<16xi1>
        %all_reduce_population_count3A_1216 = tpu.all_reduce %ge3A_1188 {dim = 0 : i64, kind = #tpu.reduction_kind<sum>} : vector<16xi1> -> vector<16xi32>
        %add3A_1217 = arith.addi %add3A_1176, %all_reduce_population_count3A_1216 : vector<16xi32>
        %get3A_1218 = arith.index_cast %sub3A_892 : i32 to index
        %get3A_1219 = arith.constant 96 : index
        %get3A_1220 = tpu.vector_load %arg5[%get3A_1218, %get3A_1219] {strides = array<i32>} : memref<200x128xi32, #tpu.memory_space<vmem>>, vector<16xi32>,
        %mul3A_1221 = arith.constant 128 : i32
        %mul3A_1222 = arith.muli %sub3A_892, %mul3A_1221 : i32
        %add3A_1223 = arith.constant 96 : i32
        %add3A_1224 = arith.addi %mul3A_1222, %add3A_1223 : i32
        %add3A_1225 = vector.broadcast %add3A_1224 : i32 to vector<16xi32>
        %add3A_1226 = arith.addi %add3A_1225, %iota3A : vector<16xi32>
        %ge3A_1227 = arith.constant 99000 : i32
        %ge3A_1228 = vector.broadcast %ge3A_1227 : i32 to vector<16xi32>
        %ge3A_1229 = arith.cmpi sge, %get3A_1220, %ge3A_1228 : vector<16xi32>
        %mul3A_1230 = arith.constant 800 : i32
        %mul3A_1231 = arith.muli %add3A, %mul3A_1230 : i32
        %add3A_1232 = vector.broadcast %mul3A_1231 : i32 to vector<16xi32>
        %add3A_1233 = arith.addi %add3A_1226, %add3A_1232 : vector<16xi32>
        %and3A_1234 = arith.constant 16383 : i32
        %and3A_1235 = vector.broadcast %and3A_1234 : i32 to vector<16xi32>
        %and3A_1236 = arith.andi %add3A_1233, %and3A_1235 : vector<16xi32>
        %select_n3A_1237 = arith.select %ge3A_1229, %and3A_1236, %get3A_1220 : vector<16xi1>, vector<16xi32>
        %swap3A_1238 = arith.index_cast %sub3A_892 : i32 to index
        %swap3A_1239 = arith.constant 96 : index
        %swap3A_1240 = tpu.vector_load %arg5[%swap3A_1238, %swap3A_1239] {strides = array<i32>} : memref<200x128xi32, #tpu.memory_space<vmem>>, vector<16xi32>,
        tpu.vector_store %arg5[%swap3A_1238, %swap3A_1239], %select_n3A_1237 {strides = array<i32>} : memref<200x128xi32, #tpu.memory_space<vmem>>, vector<16xi32>,
        %convert_element_type3A_1241 = arith.extui %ge3A_1229 : vector<16xi1> to vector<16xi32>
        %broadcast_in_dim3A_1242 = arith.constant true
        %broadcast_in_dim3A_1243 = vector.broadcast %broadcast_in_dim3A_1242 : i1 to vector<16xi1>
        %masked_cumsum3A_1244 = tpu.scan <sum>, %convert_element_type3A_1241 masked %broadcast_in_dim3A_1243 : vector<16xi32>, vector<16xi1> -> vector<16xi32>
        %add3A_1245 = arith.addi %add3A_1217, %masked_cumsum3A_1244 : vector<16xi32>
        %sub3A_1246 = arith.constant 1 : i32
        %sub3A_1247 = vector.broadcast %sub3A_1246 : i32 to vector<16xi32>
        %sub3A_1248 = arith.subi %add3A_1245, %sub3A_1247 : vector<16xi32>
        %shift_right_logical3A_1249 = arith.constant 7 : i32
        %shift_right_logical3A_1250 = vector.broadcast %shift_right_logical3A_1249 : i32 to vector<16xi32>
        %shift_right_logical3A_1251 = arith.shrui %sub3A_1248, %shift_right_logical3A_1250 : vector<16xi32>
        %and3A_1252 = arith.constant 127 : i32
        %and3A_1253 = vector.broadcast %and3A_1252 : i32 to vector<16xi32>
        %and3A_1254 = arith.andi %sub3A_1248, %and3A_1253 : vector<16xi32>
        %add3A_1255 = vector.broadcast %mul3A_2 : i32 to vector<16xi32>
        %add3A_1256 = arith.addi %add3A_1255, %add3A_1226 : vector<16xi32>
        tpu.vector_store_idx %arg6[%shift_right_logical3A_1251, %and3A_1254], %add3A_1256 masked %ge3A_1229 : memref<202x128xi32, #tpu.memory_space<vmem>>[vector<16xi32>, vector<16xi32>], vector<16xi32>, vector<16xi1>
        %all_reduce_population_count3A_1257 = tpu.all_reduce %ge3A_1229 {dim = 0 : i64, kind = #tpu.reduction_kind<sum>} : vector<16xi1> -> vector<16xi32>
        %add3A_1258 = arith.addi %add3A_1217, %all_reduce_population_count3A_1257 : vector<16xi32>
        %get3A_1259 = arith.index_cast %sub3A_892 : i32 to index
        %get3A_1260 = arith.constant 112 : index
        %get3A_1261 = tpu.vector_load %arg5[%get3A_1259, %get3A_1260] {strides = array<i32>} : memref<200x128xi32, #tpu.memory_space<vmem>>, vector<16xi32>,
        %mul3A_1262 = arith.constant 128 : i32
        %mul3A_1263 = arith.muli %sub3A_892, %mul3A_1262 : i32
        %add3A_1264 = arith.constant 112 : i32
        %add3A_1265 = arith.addi %mul3A_1263, %add3A_1264 : i32
        %add3A_1266 = vector.broadcast %add3A_1265 : i32 to vector<16xi32>
        %add3A_1267 = arith.addi %add3A_1266, %iota3A : vector<16xi32>
        %ge3A_1268 = arith.constant 99000 : i32
        %ge3A_1269 = vector.broadcast %ge3A_1268 : i32 to vector<16xi32>
        %ge3A_1270 = arith.cmpi sge, %get3A_1261, %ge3A_1269 : vector<16xi32>
        %mul3A_1271 = arith.constant 800 : i32
        %mul3A_1272 = arith.muli %add3A, %mul3A_1271 : i32
        %add3A_1273 = vector.broadcast %mul3A_1272 : i32 to vector<16xi32>
        %add3A_1274 = arith.addi %add3A_1267, %add3A_1273 : vector<16xi32>
        %and3A_1275 = arith.constant 16383 : i32
        %and3A_1276 = vector.broadcast %and3A_1275 : i32 to vector<16xi32>
        %and3A_1277 = arith.andi %add3A_1274, %and3A_1276 : vector<16xi32>
        %select_n3A_1278 = arith.select %ge3A_1270, %and3A_1277, %get3A_1261 : vector<16xi1>, vector<16xi32>
        %swap3A_1279 = arith.index_cast %sub3A_892 : i32 to index
        %swap3A_1280 = arith.constant 112 : index
        %swap3A_1281 = tpu.vector_load %arg5[%swap3A_1279, %swap3A_1280] {strides = array<i32>} : memref<200x128xi32, #tpu.memory_space<vmem>>, vector<16xi32>,
        tpu.vector_store %arg5[%swap3A_1279, %swap3A_1280], %select_n3A_1278 {strides = array<i32>} : memref<200x128xi32, #tpu.memory_space<vmem>>, vector<16xi32>,
        %convert_element_type3A_1282 = arith.extui %ge3A_1270 : vector<16xi1> to vector<16xi32>
        %broadcast_in_dim3A_1283 = arith.constant true
        %broadcast_in_dim3A_1284 = vector.broadcast %broadcast_in_dim3A_1283 : i1 to vector<16xi1>
        %masked_cumsum3A_1285 = tpu.scan <sum>, %convert_element_type3A_1282 masked %broadcast_in_dim3A_1284 : vector<16xi32>, vector<16xi1> -> vector<16xi32>
        %add3A_1286 = arith.addi %add3A_1258, %masked_cumsum3A_1285 : vector<16xi32>
        %sub3A_1287 = arith.constant 1 : i32
        %sub3A_1288 = vector.broadcast %sub3A_1287 : i32 to vector<16xi32>
        %sub3A_1289 = arith.subi %add3A_1286, %sub3A_1288 : vector<16xi32>
        %shift_right_logical3A_1290 = arith.constant 7 : i32
        %shift_right_logical3A_1291 = vector.broadcast %shift_right_logical3A_1290 : i32 to vector<16xi32>
        %shift_right_logical3A_1292 = arith.shrui %sub3A_1289, %shift_right_logical3A_1291 : vector<16xi32>
        %and3A_1293 = arith.constant 127 : i32
        %and3A_1294 = vector.broadcast %and3A_1293 : i32 to vector<16xi32>
        %and3A_1295 = arith.andi %sub3A_1289, %and3A_1294 : vector<16xi32>
        %add3A_1296 = vector.broadcast %mul3A_2 : i32 to vector<16xi32>
        %add3A_1297 = arith.addi %add3A_1296, %add3A_1267 : vector<16xi32>
        tpu.vector_store_idx %arg6[%shift_right_logical3A_1292, %and3A_1295], %add3A_1297 masked %ge3A_1270 : memref<202x128xi32, #tpu.memory_space<vmem>>[vector<16xi32>, vector<16xi32>], vector<16xi32>, vector<16xi1>
        %all_reduce_population_count3A_1298 = tpu.all_reduce %ge3A_1270 {dim = 0 : i64, kind = #tpu.reduction_kind<sum>} : vector<16xi1> -> vector<16xi32>
        %add3A_1299 = arith.addi %add3A_1258, %all_reduce_population_count3A_1298 : vector<16xi32>
        scf.yield %add3A_1299 : vector<16xi32>
      } else {
        scf.yield %cond3A_838 : vector<16xi32>
      }
      %lt3A_899 = arith.constant 200 : i32
      %lt3A_900 = arith.cmpi slt, %sub3A_892, %lt3A_899 : i32
      %ge3A_901 = arith.constant 2 : i32
      %ge3A_902 = arith.cmpi sge, %add3A_855, %ge3A_901 : i32
      %and3A_903 = arith.andi %lt3A_900, %ge3A_902 : i1
      %convert_element_type3A_904 = arith.extui %and3A_903 : i1 to i32
      %cond3A_905 = arith.constant 0 : i32
      %cond3A_906 = arith.cmpi ne, %convert_element_type3A_904, %cond3A_905 : i32
      scf.if %cond3A_906 {
        %sub3A_972 = arith.constant 2 : i32
        %sub3A_973 = arith.subi %add3A_855, %sub3A_972 : i32
        %mul3A_974 = arith.constant 128 : i32
        %mul3A_975 = arith.muli %sub3A_973, %mul3A_974 : i32
        %add3A_976 = arith.addi %mul3A_2, %mul3A_975 : i32
        %dma_wait3A_977 = arith.constant 0 : i32
        %dma_wait3A_978 = arith.constant 0 : i32
        %dma_wait3A_979 = arith.constant 0 : i32
        %dma_wait3A_980 = tpu.memref_slice %arg7[%dma_wait3A_977, %dma_wait3A_978, %dma_wait3A_979] : memref<4x128x128xf32, #tpu.memory_space<vmem>> -> memref<1x128x128xf32, #tpu.memory_space<vmem>>
        %dma_wait3A_981 = tpu.memref_squeeze %dma_wait3A_980 : memref<1x128x128xf32, #tpu.memory_space<vmem>> -> memref<128x128xf32, #tpu.memory_space<vmem>>
        %dma_wait3A_982 = arith.constant 0 : i32
        %dma_wait3A_983 = tpu.memref_slice %arg4[%add3A_976, %dma_wait3A_982] : memref<819200x128xf32, #tpu.memory_space<hbm>> -> memref<128x128xf32, #tpu.memory_space<hbm>>
        %dma_wait3A_984 = arith.constant 0 : i32
        %dma_wait3A_985 = tpu.memref_slice %arg4[%add3A_976, %dma_wait3A_984] : memref<819200x128xf32, #tpu.memory_space<hbm>> -> memref<128x128xf32, #tpu.memory_space<hbm>>
        %dma_wait3A_986 = arith.constant 0 : i32
        %dma_wait3A_987 = arith.constant 0 : i32
        %dma_wait3A_988 = tpu.memref_slice %arg7[%dma_wait3A_977, %dma_wait3A_986, %dma_wait3A_987] : memref<4x128x128xf32, #tpu.memory_space<vmem>> -> memref<1x128x128xf32, #tpu.memory_space<vmem>>
        %dma_wait3A_989 = tpu.memref_squeeze %dma_wait3A_988 : memref<1x128x128xf32, #tpu.memory_space<vmem>> -> memref<128x128xf32, #tpu.memory_space<vmem>>
        tpu.wait_dma2 semaphore(%arg12 : memref<!tpu.dma_semaphore, #tpu.memory_space<semaphore_mem>>) src(%dma_wait3A_989 : memref<128x128xf32, #tpu.memory_space<vmem>>) dst(%dma_wait3A_985 : memref<128x128xf32, #tpu.memory_space<hbm>>)
      } else {
      }
      %lt3A_907 = arith.constant 200 : i32
      %lt3A_908 = arith.cmpi slt, %sub3A_892, %lt3A_907 : i32
      %convert_element_type3A_909 = arith.extui %lt3A_908 : i1 to i32
      %cond3A_910 = arith.constant 0 : i32
      %cond3A_911 = arith.cmpi ne, %convert_element_type3A_909, %cond3A_910 : i32
      scf.if %cond3A_911 {
        %dma_start3A_972 = arith.constant 0 : i32
        %dma_start3A_973 = arith.constant 0 : i32
        %dma_start3A_974 = arith.constant 0 : i32
        %dma_start3A_975 = tpu.memref_slice %arg7[%dma_start3A_972, %dma_start3A_973, %dma_start3A_974] : memref<4x128x128xf32, #tpu.memory_space<vmem>> -> memref<1x128x128xf32, #tpu.memory_space<vmem>>
        %dma_start3A_976 = tpu.memref_squeeze %dma_start3A_975 : memref<1x128x128xf32, #tpu.memory_space<vmem>> -> memref<128x128xf32, #tpu.memory_space<vmem>>
        %dma_start3A_977 = arith.constant 0 : i32
        %dma_start3A_978 = tpu.memref_slice %arg5[%sub3A_892, %dma_start3A_977] : memref<200x128xi32, #tpu.memory_space<vmem>> -> memref<1x128xi32, #tpu.memory_space<vmem>>
        %dma_start3A_979 = tpu.memref_squeeze %dma_start3A_978 : memref<1x128xi32, #tpu.memory_space<vmem>> -> memref<128xi32, #tpu.memory_space<vmem>>
        %dma_start3A_980 = arith.constant 0 : i32
        %dma_start3A_981 = arith.constant 0 : i32
        %dma_start3A_982 = tpu.memref_slice %arg3[%dma_start3A_980, %dma_start3A_981] : memref<99001x128xf32, #tpu.memory_space<hbm>> -> memref<99001x128xf32, #tpu.memory_space<hbm>>
        tpu.enqueue_indirect_dma source(%dma_start3A_982 : memref<99001x128xf32, #tpu.memory_space<hbm>>) target(%dma_start3A_976 : memref<128x128xf32, #tpu.memory_space<vmem>>) offsets(%dma_start3A_979 : memref<128xi32, #tpu.memory_space<vmem>>) semaphore(%arg8 : memref<!tpu.dma_semaphore, #tpu.memory_space<semaphore_mem>>)
      } else {
      }
      %mul3A_912 = arith.constant 4 : i32
      %mul3A_913 = arith.muli %scan3A_731, %mul3A_912 : i32
      %add3A_914 = arith.constant 3 : i32
      %add3A_915 = arith.addi %mul3A_913, %add3A_914 : i32
      %dma_wait3A_916 = arith.constant 3 : i32
      %dma_wait3A_917 = arith.constant 0 : i32
      %dma_wait3A_918 = arith.constant 0 : i32
      %dma_wait3A_919 = tpu.memref_slice %arg7[%dma_wait3A_916, %dma_wait3A_917, %dma_wait3A_918] : memref<4x128x128xf32, #tpu.memory_space<vmem>> -> memref<1x128x128xf32, #tpu.memory_space<vmem>>
      %dma_wait3A_920 = tpu.memref_squeeze %dma_wait3A_919 : memref<1x128x128xf32, #tpu.memory_space<vmem>> -> memref<128x128xf32, #tpu.memory_space<vmem>>
      %dma_wait3A_921 = arith.constant 0 : i32
      %dma_wait3A_922 = tpu.memref_slice %arg5[%add3A_915, %dma_wait3A_921] : memref<200x128xi32, #tpu.memory_space<vmem>> -> memref<1x128xi32, #tpu.memory_space<vmem>>
      %dma_wait3A_923 = tpu.memref_squeeze %dma_wait3A_922 : memref<1x128xi32, #tpu.memory_space<vmem>> -> memref<128xi32, #tpu.memory_space<vmem>>
      %dma_wait3A_924 = arith.constant 0 : i32
      %dma_wait3A_925 = arith.constant 0 : i32
      %dma_wait3A_926 = tpu.memref_slice %arg3[%dma_wait3A_924, %dma_wait3A_925] : memref<99001x128xf32, #tpu.memory_space<hbm>> -> memref<99001x128xf32, #tpu.memory_space<hbm>>
      tpu.wait_indirect_dma semaphore(%arg11 : memref<!tpu.dma_semaphore, #tpu.memory_space<semaphore_mem>>) src(%dma_wait3A_926 : memref<99001x128xf32, #tpu.memory_space<hbm>>) dst(%dma_wait3A_920 : memref<128x128xf32, #tpu.memory_space<vmem>>)
      %scan3A_927 = arith.constant 0 : i32
      %scan3A_928 = arith.constant 0 : i32
      %scan3A_929 = arith.constant 128 : i32
      %scan3A_930 = arith.addi %scan3A_928, %scan3A_929 : i32
      %scan3A_931 = arith.constant 2 : i32
      scf.for %scan3A_972 = %scan3A_928 to %scan3A_930 step %scan3A_931  : i32 {
        %get3A_973 = arith.constant 3 : i32
        %get3A_974 = arith.index_cast %get3A_973 : i32 to index
        %get3A_975 = arith.index_cast %scan3A_972 : i32 to index
        %get3A_976 = arith.constant 0 : index
        %get3A_977 = tpu.vector_load %arg7[%get3A_974, %get3A_975, %get3A_976] {strides = array<i32>} : memref<4x128x128xf32, #tpu.memory_space<vmem>>, vector<16xf32>,
        %mul3A_978 = arith.constant 11.3137083 : f32
        %mul3A_979 = vector.broadcast %mul3A_978 : f32 to vector<16xf32>
        %mul3A_980 = arith.mulf %get3A_977, %mul3A_979 : vector<16xf32>
        %swap3A_981 = arith.constant 3 : i32
        %swap3A_982 = arith.index_cast %swap3A_981 : i32 to index
        %swap3A_983 = arith.index_cast %scan3A_972 : i32 to index
        %swap3A_984 = arith.constant 0 : index
        %swap3A_985 = tpu.vector_load %arg7[%swap3A_982, %swap3A_983, %swap3A_984] {strides = array<i32>} : memref<4x128x128xf32, #tpu.memory_space<vmem>>, vector<16xf32>,
        tpu.vector_store %arg7[%swap3A_982, %swap3A_983, %swap3A_984], %mul3A_980 {strides = array<i32>} : memref<4x128x128xf32, #tpu.memory_space<vmem>>, vector<16xf32>,
        %get3A_986 = arith.constant 3 : i32
        %get3A_987 = arith.index_cast %get3A_986 : i32 to index
        %get3A_988 = arith.index_cast %scan3A_972 : i32 to index
        %get3A_989 = arith.constant 16 : index
        %get3A_990 = tpu.vector_load %arg7[%get3A_987, %get3A_988, %get3A_989] {strides = array<i32>} : memref<4x128x128xf32, #tpu.memory_space<vmem>>, vector<16xf32>,
        %mul3A_991 = arith.constant 11.3137083 : f32
        %mul3A_992 = vector.broadcast %mul3A_991 : f32 to vector<16xf32>
        %mul3A_993 = arith.mulf %get3A_990, %mul3A_992 : vector<16xf32>
        %swap3A_994 = arith.constant 3 : i32
        %swap3A_995 = arith.index_cast %swap3A_994 : i32 to index
        %swap3A_996 = arith.index_cast %scan3A_972 : i32 to index
        %swap3A_997 = arith.constant 16 : index
        %swap3A_998 = tpu.vector_load %arg7[%swap3A_995, %swap3A_996, %swap3A_997] {strides = array<i32>} : memref<4x128x128xf32, #tpu.memory_space<vmem>>, vector<16xf32>,
        tpu.vector_store %arg7[%swap3A_995, %swap3A_996, %swap3A_997], %mul3A_993 {strides = array<i32>} : memref<4x128x128xf32, #tpu.memory_space<vmem>>, vector<16xf32>,
        %get3A_999 = arith.constant 3 : i32
        %get3A_1000 = arith.index_cast %get3A_999 : i32 to index
        %get3A_1001 = arith.index_cast %scan3A_972 : i32 to index
        %get3A_1002 = arith.constant 32 : index
        %get3A_1003 = tpu.vector_load %arg7[%get3A_1000, %get3A_1001, %get3A_1002] {strides = array<i32>} : memref<4x128x128xf32, #tpu.memory_space<vmem>>, vector<16xf32>,
        %mul3A_1004 = arith.constant 11.3137083 : f32
        %mul3A_1005 = vector.broadcast %mul3A_1004 : f32 to vector<16xf32>
        %mul3A_1006 = arith.mulf %get3A_1003, %mul3A_1005 : vector<16xf32>
        %swap3A_1007 = arith.constant 3 : i32
        %swap3A_1008 = arith.index_cast %swap3A_1007 : i32 to index
        %swap3A_1009 = arith.index_cast %scan3A_972 : i32 to index
        %swap3A_1010 = arith.constant 32 : index
        %swap3A_1011 = tpu.vector_load %arg7[%swap3A_1008, %swap3A_1009, %swap3A_1010] {strides = array<i32>} : memref<4x128x128xf32, #tpu.memory_space<vmem>>, vector<16xf32>,
        tpu.vector_store %arg7[%swap3A_1008, %swap3A_1009, %swap3A_1010], %mul3A_1006 {strides = array<i32>} : memref<4x128x128xf32, #tpu.memory_space<vmem>>, vector<16xf32>,
        %get3A_1012 = arith.constant 3 : i32
        %get3A_1013 = arith.index_cast %get3A_1012 : i32 to index
        %get3A_1014 = arith.index_cast %scan3A_972 : i32 to index
        %get3A_1015 = arith.constant 48 : index
        %get3A_1016 = tpu.vector_load %arg7[%get3A_1013, %get3A_1014, %get3A_1015] {strides = array<i32>} : memref<4x128x128xf32, #tpu.memory_space<vmem>>, vector<16xf32>,
        %mul3A_1017 = arith.constant 11.3137083 : f32
        %mul3A_1018 = vector.broadcast %mul3A_1017 : f32 to vector<16xf32>
        %mul3A_1019 = arith.mulf %get3A_1016, %mul3A_1018 : vector<16xf32>
        %swap3A_1020 = arith.constant 3 : i32
        %swap3A_1021 = arith.index_cast %swap3A_1020 : i32 to index
        %swap3A_1022 = arith.index_cast %scan3A_972 : i32 to index
        %swap3A_1023 = arith.constant 48 : index
        %swap3A_1024 = tpu.vector_load %arg7[%swap3A_1021, %swap3A_1022, %swap3A_1023] {strides = array<i32>} : memref<4x128x128xf32, #tpu.memory_space<vmem>>, vector<16xf32>,
        tpu.vector_store %arg7[%swap3A_1021, %swap3A_1022, %swap3A_1023], %mul3A_1019 {strides = array<i32>} : memref<4x128x128xf32, #tpu.memory_space<vmem>>, vector<16xf32>,
        %get3A_1025 = arith.constant 3 : i32
        %get3A_1026 = arith.index_cast %get3A_1025 : i32 to index
        %get3A_1027 = arith.index_cast %scan3A_972 : i32 to index
        %get3A_1028 = arith.constant 64 : index
        %get3A_1029 = tpu.vector_load %arg7[%get3A_1026, %get3A_1027, %get3A_1028] {strides = array<i32>} : memref<4x128x128xf32, #tpu.memory_space<vmem>>, vector<16xf32>,
        %mul3A_1030 = arith.constant 11.3137083 : f32
        %mul3A_1031 = vector.broadcast %mul3A_1030 : f32 to vector<16xf32>
        %mul3A_1032 = arith.mulf %get3A_1029, %mul3A_1031 : vector<16xf32>
        %swap3A_1033 = arith.constant 3 : i32
        %swap3A_1034 = arith.index_cast %swap3A_1033 : i32 to index
        %swap3A_1035 = arith.index_cast %scan3A_972 : i32 to index
        %swap3A_1036 = arith.constant 64 : index
        %swap3A_1037 = tpu.vector_load %arg7[%swap3A_1034, %swap3A_1035, %swap3A_1036] {strides = array<i32>} : memref<4x128x128xf32, #tpu.memory_space<vmem>>, vector<16xf32>,
        tpu.vector_store %arg7[%swap3A_1034, %swap3A_1035, %swap3A_1036], %mul3A_1032 {strides = array<i32>} : memref<4x128x128xf32, #tpu.memory_space<vmem>>, vector<16xf32>,
        %get3A_1038 = arith.constant 3 : i32
        %get3A_1039 = arith.index_cast %get3A_1038 : i32 to index
        %get3A_1040 = arith.index_cast %scan3A_972 : i32 to index
        %get3A_1041 = arith.constant 80 : index
        %get3A_1042 = tpu.vector_load %arg7[%get3A_1039, %get3A_1040, %get3A_1041] {strides = array<i32>} : memref<4x128x128xf32, #tpu.memory_space<vmem>>, vector<16xf32>,
        %mul3A_1043 = arith.constant 11.3137083 : f32
        %mul3A_1044 = vector.broadcast %mul3A_1043 : f32 to vector<16xf32>
        %mul3A_1045 = arith.mulf %get3A_1042, %mul3A_1044 : vector<16xf32>
        %swap3A_1046 = arith.constant 3 : i32
        %swap3A_1047 = arith.index_cast %swap3A_1046 : i32 to index
        %swap3A_1048 = arith.index_cast %scan3A_972 : i32 to index
        %swap3A_1049 = arith.constant 80 : index
        %swap3A_1050 = tpu.vector_load %arg7[%swap3A_1047, %swap3A_1048, %swap3A_1049] {strides = array<i32>} : memref<4x128x128xf32, #tpu.memory_space<vmem>>, vector<16xf32>,
        tpu.vector_store %arg7[%swap3A_1047, %swap3A_1048, %swap3A_1049], %mul3A_1045 {strides = array<i32>} : memref<4x128x128xf32, #tpu.memory_space<vmem>>, vector<16xf32>,
        %get3A_1051 = arith.constant 3 : i32
        %get3A_1052 = arith.index_cast %get3A_1051 : i32 to index
        %get3A_1053 = arith.index_cast %scan3A_972 : i32 to index
        %get3A_1054 = arith.constant 96 : index
        %get3A_1055 = tpu.vector_load %arg7[%get3A_1052, %get3A_1053, %get3A_1054] {strides = array<i32>} : memref<4x128x128xf32, #tpu.memory_space<vmem>>, vector<16xf32>,
        %mul3A_1056 = arith.constant 11.3137083 : f32
        %mul3A_1057 = vector.broadcast %mul3A_1056 : f32 to vector<16xf32>
        %mul3A_1058 = arith.mulf %get3A_1055, %mul3A_1057 : vector<16xf32>
        %swap3A_1059 = arith.constant 3 : i32
        %swap3A_1060 = arith.index_cast %swap3A_1059 : i32 to index
        %swap3A_1061 = arith.index_cast %scan3A_972 : i32 to index
        %swap3A_1062 = arith.constant 96 : index
        %swap3A_1063 = tpu.vector_load %arg7[%swap3A_1060, %swap3A_1061, %swap3A_1062] {strides = array<i32>} : memref<4x128x128xf32, #tpu.memory_space<vmem>>, vector<16xf32>,
        tpu.vector_store %arg7[%swap3A_1060, %swap3A_1061, %swap3A_1062], %mul3A_1058 {strides = array<i32>} : memref<4x128x128xf32, #tpu.memory_space<vmem>>, vector<16xf32>,
        %get3A_1064 = arith.constant 3 : i32
        %get3A_1065 = arith.index_cast %get3A_1064 : i32 to index
        %get3A_1066 = arith.index_cast %scan3A_972 : i32 to index
        %get3A_1067 = arith.constant 112 : index
        %get3A_1068 = tpu.vector_load %arg7[%get3A_1065, %get3A_1066, %get3A_1067] {strides = array<i32>} : memref<4x128x128xf32, #tpu.memory_space<vmem>>, vector<16xf32>,
        %mul3A_1069 = arith.constant 11.3137083 : f32
        %mul3A_1070 = vector.broadcast %mul3A_1069 : f32 to vector<16xf32>
        %mul3A_1071 = arith.mulf %get3A_1068, %mul3A_1070 : vector<16xf32>
        %swap3A_1072 = arith.constant 3 : i32
        %swap3A_1073 = arith.index_cast %swap3A_1072 : i32 to index
        %swap3A_1074 = arith.index_cast %scan3A_972 : i32 to index
        %swap3A_1075 = arith.constant 112 : index
        %swap3A_1076 = tpu.vector_load %arg7[%swap3A_1073, %swap3A_1074, %swap3A_1075] {strides = array<i32>} : memref<4x128x128xf32, #tpu.memory_space<vmem>>, vector<16xf32>,
        tpu.vector_store %arg7[%swap3A_1073, %swap3A_1074, %swap3A_1075], %mul3A_1071 {strides = array<i32>} : memref<4x128x128xf32, #tpu.memory_space<vmem>>, vector<16xf32>,
        %scan3A_1077 = arith.constant 1 : i32
        %scan3A_1078 = arith.addi %scan3A_972, %scan3A_1077 : i32
        %get3A_1079 = arith.constant 3 : i32
        %get3A_1080 = arith.index_cast %get3A_1079 : i32 to index
        %get3A_1081 = arith.index_cast %scan3A_1078 : i32 to index
        %get3A_1082 = arith.constant 0 : index
        %get3A_1083 = tpu.vector_load %arg7[%get3A_1080, %get3A_1081, %get3A_1082] {strides = array<i32>} : memref<4x128x128xf32, #tpu.memory_space<vmem>>, vector<16xf32>,
        %mul3A_1084 = arith.constant 11.3137083 : f32
        %mul3A_1085 = vector.broadcast %mul3A_1084 : f32 to vector<16xf32>
        %mul3A_1086 = arith.mulf %get3A_1083, %mul3A_1085 : vector<16xf32>
        %swap3A_1087 = arith.constant 3 : i32
        %swap3A_1088 = arith.index_cast %swap3A_1087 : i32 to index
        %swap3A_1089 = arith.index_cast %scan3A_1078 : i32 to index
        %swap3A_1090 = arith.constant 0 : index
        %swap3A_1091 = tpu.vector_load %arg7[%swap3A_1088, %swap3A_1089, %swap3A_1090] {strides = array<i32>} : memref<4x128x128xf32, #tpu.memory_space<vmem>>, vector<16xf32>,
        tpu.vector_store %arg7[%swap3A_1088, %swap3A_1089, %swap3A_1090], %mul3A_1086 {strides = array<i32>} : memref<4x128x128xf32, #tpu.memory_space<vmem>>, vector<16xf32>,
        %get3A_1092 = arith.constant 3 : i32
        %get3A_1093 = arith.index_cast %get3A_1092 : i32 to index
        %get3A_1094 = arith.index_cast %scan3A_1078 : i32 to index
        %get3A_1095 = arith.constant 16 : index
        %get3A_1096 = tpu.vector_load %arg7[%get3A_1093, %get3A_1094, %get3A_1095] {strides = array<i32>} : memref<4x128x128xf32, #tpu.memory_space<vmem>>, vector<16xf32>,
        %mul3A_1097 = arith.constant 11.3137083 : f32
        %mul3A_1098 = vector.broadcast %mul3A_1097 : f32 to vector<16xf32>
        %mul3A_1099 = arith.mulf %get3A_1096, %mul3A_1098 : vector<16xf32>
        %swap3A_1100 = arith.constant 3 : i32
        %swap3A_1101 = arith.index_cast %swap3A_1100 : i32 to index
        %swap3A_1102 = arith.index_cast %scan3A_1078 : i32 to index
        %swap3A_1103 = arith.constant 16 : index
        %swap3A_1104 = tpu.vector_load %arg7[%swap3A_1101, %swap3A_1102, %swap3A_1103] {strides = array<i32>} : memref<4x128x128xf32, #tpu.memory_space<vmem>>, vector<16xf32>,
        tpu.vector_store %arg7[%swap3A_1101, %swap3A_1102, %swap3A_1103], %mul3A_1099 {strides = array<i32>} : memref<4x128x128xf32, #tpu.memory_space<vmem>>, vector<16xf32>,
        %get3A_1105 = arith.constant 3 : i32
        %get3A_1106 = arith.index_cast %get3A_1105 : i32 to index
        %get3A_1107 = arith.index_cast %scan3A_1078 : i32 to index
        %get3A_1108 = arith.constant 32 : index
        %get3A_1109 = tpu.vector_load %arg7[%get3A_1106, %get3A_1107, %get3A_1108] {strides = array<i32>} : memref<4x128x128xf32, #tpu.memory_space<vmem>>, vector<16xf32>,
        %mul3A_1110 = arith.constant 11.3137083 : f32
        %mul3A_1111 = vector.broadcast %mul3A_1110 : f32 to vector<16xf32>
        %mul3A_1112 = arith.mulf %get3A_1109, %mul3A_1111 : vector<16xf32>
        %swap3A_1113 = arith.constant 3 : i32
        %swap3A_1114 = arith.index_cast %swap3A_1113 : i32 to index
        %swap3A_1115 = arith.index_cast %scan3A_1078 : i32 to index
        %swap3A_1116 = arith.constant 32 : index
        %swap3A_1117 = tpu.vector_load %arg7[%swap3A_1114, %swap3A_1115, %swap3A_1116] {strides = array<i32>} : memref<4x128x128xf32, #tpu.memory_space<vmem>>, vector<16xf32>,
        tpu.vector_store %arg7[%swap3A_1114, %swap3A_1115, %swap3A_1116], %mul3A_1112 {strides = array<i32>} : memref<4x128x128xf32, #tpu.memory_space<vmem>>, vector<16xf32>,
        %get3A_1118 = arith.constant 3 : i32
        %get3A_1119 = arith.index_cast %get3A_1118 : i32 to index
        %get3A_1120 = arith.index_cast %scan3A_1078 : i32 to index
        %get3A_1121 = arith.constant 48 : index
        %get3A_1122 = tpu.vector_load %arg7[%get3A_1119, %get3A_1120, %get3A_1121] {strides = array<i32>} : memref<4x128x128xf32, #tpu.memory_space<vmem>>, vector<16xf32>,
        %mul3A_1123 = arith.constant 11.3137083 : f32
        %mul3A_1124 = vector.broadcast %mul3A_1123 : f32 to vector<16xf32>
        %mul3A_1125 = arith.mulf %get3A_1122, %mul3A_1124 : vector<16xf32>
        %swap3A_1126 = arith.constant 3 : i32
        %swap3A_1127 = arith.index_cast %swap3A_1126 : i32 to index
        %swap3A_1128 = arith.index_cast %scan3A_1078 : i32 to index
        %swap3A_1129 = arith.constant 48 : index
        %swap3A_1130 = tpu.vector_load %arg7[%swap3A_1127, %swap3A_1128, %swap3A_1129] {strides = array<i32>} : memref<4x128x128xf32, #tpu.memory_space<vmem>>, vector<16xf32>,
        tpu.vector_store %arg7[%swap3A_1127, %swap3A_1128, %swap3A_1129], %mul3A_1125 {strides = array<i32>} : memref<4x128x128xf32, #tpu.memory_space<vmem>>, vector<16xf32>,
        %get3A_1131 = arith.constant 3 : i32
        %get3A_1132 = arith.index_cast %get3A_1131 : i32 to index
        %get3A_1133 = arith.index_cast %scan3A_1078 : i32 to index
        %get3A_1134 = arith.constant 64 : index
        %get3A_1135 = tpu.vector_load %arg7[%get3A_1132, %get3A_1133, %get3A_1134] {strides = array<i32>} : memref<4x128x128xf32, #tpu.memory_space<vmem>>, vector<16xf32>,
        %mul3A_1136 = arith.constant 11.3137083 : f32
        %mul3A_1137 = vector.broadcast %mul3A_1136 : f32 to vector<16xf32>
        %mul3A_1138 = arith.mulf %get3A_1135, %mul3A_1137 : vector<16xf32>
        %swap3A_1139 = arith.constant 3 : i32
        %swap3A_1140 = arith.index_cast %swap3A_1139 : i32 to index
        %swap3A_1141 = arith.index_cast %scan3A_1078 : i32 to index
        %swap3A_1142 = arith.constant 64 : index
        %swap3A_1143 = tpu.vector_load %arg7[%swap3A_1140, %swap3A_1141, %swap3A_1142] {strides = array<i32>} : memref<4x128x128xf32, #tpu.memory_space<vmem>>, vector<16xf32>,
        tpu.vector_store %arg7[%swap3A_1140, %swap3A_1141, %swap3A_1142], %mul3A_1138 {strides = array<i32>} : memref<4x128x128xf32, #tpu.memory_space<vmem>>, vector<16xf32>,
        %get3A_1144 = arith.constant 3 : i32
        %get3A_1145 = arith.index_cast %get3A_1144 : i32 to index
        %get3A_1146 = arith.index_cast %scan3A_1078 : i32 to index
        %get3A_1147 = arith.constant 80 : index
        %get3A_1148 = tpu.vector_load %arg7[%get3A_1145, %get3A_1146, %get3A_1147] {strides = array<i32>} : memref<4x128x128xf32, #tpu.memory_space<vmem>>, vector<16xf32>,
        %mul3A_1149 = arith.constant 11.3137083 : f32
        %mul3A_1150 = vector.broadcast %mul3A_1149 : f32 to vector<16xf32>
        %mul3A_1151 = arith.mulf %get3A_1148, %mul3A_1150 : vector<16xf32>
        %swap3A_1152 = arith.constant 3 : i32
        %swap3A_1153 = arith.index_cast %swap3A_1152 : i32 to index
        %swap3A_1154 = arith.index_cast %scan3A_1078 : i32 to index
        %swap3A_1155 = arith.constant 80 : index
        %swap3A_1156 = tpu.vector_load %arg7[%swap3A_1153, %swap3A_1154, %swap3A_1155] {strides = array<i32>} : memref<4x128x128xf32, #tpu.memory_space<vmem>>, vector<16xf32>,
        tpu.vector_store %arg7[%swap3A_1153, %swap3A_1154, %swap3A_1155], %mul3A_1151 {strides = array<i32>} : memref<4x128x128xf32, #tpu.memory_space<vmem>>, vector<16xf32>,
        %get3A_1157 = arith.constant 3 : i32
        %get3A_1158 = arith.index_cast %get3A_1157 : i32 to index
        %get3A_1159 = arith.index_cast %scan3A_1078 : i32 to index
        %get3A_1160 = arith.constant 96 : index
        %get3A_1161 = tpu.vector_load %arg7[%get3A_1158, %get3A_1159, %get3A_1160] {strides = array<i32>} : memref<4x128x128xf32, #tpu.memory_space<vmem>>, vector<16xf32>,
        %mul3A_1162 = arith.constant 11.3137083 : f32
        %mul3A_1163 = vector.broadcast %mul3A_1162 : f32 to vector<16xf32>
        %mul3A_1164 = arith.mulf %get3A_1161, %mul3A_1163 : vector<16xf32>
        %swap3A_1165 = arith.constant 3 : i32
        %swap3A_1166 = arith.index_cast %swap3A_1165 : i32 to index
        %swap3A_1167 = arith.index_cast %scan3A_1078 : i32 to index
        %swap3A_1168 = arith.constant 96 : index
        %swap3A_1169 = tpu.vector_load %arg7[%swap3A_1166, %swap3A_1167, %swap3A_1168] {strides = array<i32>} : memref<4x128x128xf32, #tpu.memory_space<vmem>>, vector<16xf32>,
        tpu.vector_store %arg7[%swap3A_1166, %swap3A_1167, %swap3A_1168], %mul3A_1164 {strides = array<i32>} : memref<4x128x128xf32, #tpu.memory_space<vmem>>, vector<16xf32>,
        %get3A_1170 = arith.constant 3 : i32
        %get3A_1171 = arith.index_cast %get3A_1170 : i32 to index
        %get3A_1172 = arith.index_cast %scan3A_1078 : i32 to index
        %get3A_1173 = arith.constant 112 : index
        %get3A_1174 = tpu.vector_load %arg7[%get3A_1171, %get3A_1172, %get3A_1173] {strides = array<i32>} : memref<4x128x128xf32, #tpu.memory_space<vmem>>, vector<16xf32>,
        %mul3A_1175 = arith.constant 11.3137083 : f32
        %mul3A_1176 = vector.broadcast %mul3A_1175 : f32 to vector<16xf32>
        %mul3A_1177 = arith.mulf %get3A_1174, %mul3A_1176 : vector<16xf32>
        %swap3A_1178 = arith.constant 3 : i32
        %swap3A_1179 = arith.index_cast %swap3A_1178 : i32 to index
        %swap3A_1180 = arith.index_cast %scan3A_1078 : i32 to index
        %swap3A_1181 = arith.constant 112 : index
        %swap3A_1182 = tpu.vector_load %arg7[%swap3A_1179, %swap3A_1180, %swap3A_1181] {strides = array<i32>} : memref<4x128x128xf32, #tpu.memory_space<vmem>>, vector<16xf32>,
        tpu.vector_store %arg7[%swap3A_1179, %swap3A_1180, %swap3A_1181], %mul3A_1177 {strides = array<i32>} : memref<4x128x128xf32, #tpu.memory_space<vmem>>, vector<16xf32>,
      }
      %scan3A_932 = arith.constant 128 : i32
      %mul3A_933 = arith.constant 128 : i32
      %mul3A_934 = arith.muli %add3A_915, %mul3A_933 : i32
      %add3A_935 = arith.addi %mul3A_2, %mul3A_934 : i32
      %dma_start3A_936 = arith.constant 3 : i32
      %dma_start3A_937 = arith.constant 0 : i32
      %dma_start3A_938 = arith.constant 0 : i32
      %dma_start3A_939 = tpu.memref_slice %arg7[%dma_start3A_936, %dma_start3A_937, %dma_start3A_938] : memref<4x128x128xf32, #tpu.memory_space<vmem>> -> memref<1x128x128xf32, #tpu.memory_space<vmem>>
      %dma_start3A_940 = tpu.memref_squeeze %dma_start3A_939 : memref<1x128x128xf32, #tpu.memory_space<vmem>> -> memref<128x128xf32, #tpu.memory_space<vmem>>
      %dma_start3A_941 = arith.constant 0 : i32
      %dma_start3A_942 = tpu.memref_slice %arg4[%add3A_935, %dma_start3A_941] : memref<819200x128xf32, #tpu.memory_space<hbm>> -> memref<128x128xf32, #tpu.memory_space<hbm>>
      %dma_start3A_943 = arith.constant 0 : i32
      %dma_start3A_944 = tpu.memref_slice %arg4[%add3A_935, %dma_start3A_943] : memref<819200x128xf32, #tpu.memory_space<hbm>> -> memref<128x128xf32, #tpu.memory_space<hbm>>
      %dma_start3A_945 = arith.constant 0 : i32
      %dma_start3A_946 = arith.constant 0 : i32
      %dma_start3A_947 = tpu.memref_slice %arg7[%dma_start3A_936, %dma_start3A_945, %dma_start3A_946] : memref<4x128x128xf32, #tpu.memory_space<vmem>> -> memref<1x128x128xf32, #tpu.memory_space<vmem>>
      %dma_start3A_948 = tpu.memref_squeeze %dma_start3A_947 : memref<1x128x128xf32, #tpu.memory_space<vmem>> -> memref<128x128xf32, #tpu.memory_space<vmem>>
      tpu.enqueue_dma source(%dma_start3A_948 : memref<128x128xf32, #tpu.memory_space<vmem>>) target(%dma_start3A_944 : memref<128x128xf32, #tpu.memory_space<hbm>>) target_semaphore(%arg15 : memref<!tpu.dma_semaphore, #tpu.memory_space<semaphore_mem>>)
      %add3A_949 = arith.constant 4 : i32
      %add3A_950 = arith.addi %add3A_915, %add3A_949 : i32
      %sub3A_951 = arith.constant 2 : i32
      %sub3A_952 = arith.subi %add3A_950, %sub3A_951 : i32
      %lt3A_953 = arith.constant 200 : i32
      %lt3A_954 = arith.cmpi slt, %sub3A_952, %lt3A_953 : i32
      %convert_element_type3A_955 = arith.extui %lt3A_954 : i1 to i32
      %cond3A_956 = arith.constant 0 : i32
      %cond3A_957 = arith.cmpi ne, %convert_element_type3A_955, %cond3A_956 : i32
      %cond3A_958 = scf.if %cond3A_957 -> (vector<16xi32>) {
        %get3A_972 = arith.index_cast %sub3A_952 : i32 to index
        %get3A_973 = arith.constant 0 : index
        %get3A_974 = tpu.vector_load %arg5[%get3A_972, %get3A_973] {strides = array<i32>} : memref<200x128xi32, #tpu.memory_space<vmem>>, vector<16xi32>,
        %mul3A_975 = arith.constant 128 : i32
        %mul3A_976 = arith.muli %sub3A_952, %mul3A_975 : i32
        %add3A_977 = arith.constant 0 : i32
        %add3A_978 = arith.addi %mul3A_976, %add3A_977 : i32
        %add3A_979 = vector.broadcast %add3A_978 : i32 to vector<16xi32>
        %add3A_980 = arith.addi %add3A_979, %iota3A : vector<16xi32>
        %ge3A_981 = arith.constant 99000 : i32
        %ge3A_982 = vector.broadcast %ge3A_981 : i32 to vector<16xi32>
        %ge3A_983 = arith.cmpi sge, %get3A_974, %ge3A_982 : vector<16xi32>
        %mul3A_984 = arith.constant 800 : i32
        %mul3A_985 = arith.muli %add3A, %mul3A_984 : i32
        %add3A_986 = vector.broadcast %mul3A_985 : i32 to vector<16xi32>
        %add3A_987 = arith.addi %add3A_980, %add3A_986 : vector<16xi32>
        %and3A_988 = arith.constant 16383 : i32
        %and3A_989 = vector.broadcast %and3A_988 : i32 to vector<16xi32>
        %and3A_990 = arith.andi %add3A_987, %and3A_989 : vector<16xi32>
        %select_n3A_991 = arith.select %ge3A_983, %and3A_990, %get3A_974 : vector<16xi1>, vector<16xi32>
        %swap3A_992 = arith.index_cast %sub3A_952 : i32 to index
        %swap3A_993 = arith.constant 0 : index
        %swap3A_994 = tpu.vector_load %arg5[%swap3A_992, %swap3A_993] {strides = array<i32>} : memref<200x128xi32, #tpu.memory_space<vmem>>, vector<16xi32>,
        tpu.vector_store %arg5[%swap3A_992, %swap3A_993], %select_n3A_991 {strides = array<i32>} : memref<200x128xi32, #tpu.memory_space<vmem>>, vector<16xi32>,
        %convert_element_type3A_995 = arith.extui %ge3A_983 : vector<16xi1> to vector<16xi32>
        %broadcast_in_dim3A_996 = arith.constant true
        %broadcast_in_dim3A_997 = vector.broadcast %broadcast_in_dim3A_996 : i1 to vector<16xi1>
        %masked_cumsum3A_998 = tpu.scan <sum>, %convert_element_type3A_995 masked %broadcast_in_dim3A_997 : vector<16xi32>, vector<16xi1> -> vector<16xi32>
        %add3A_999 = arith.addi %cond3A_898, %masked_cumsum3A_998 : vector<16xi32>
        %sub3A_1000 = arith.constant 1 : i32
        %sub3A_1001 = vector.broadcast %sub3A_1000 : i32 to vector<16xi32>
        %sub3A_1002 = arith.subi %add3A_999, %sub3A_1001 : vector<16xi32>
        %shift_right_logical3A_1003 = arith.constant 7 : i32
        %shift_right_logical3A_1004 = vector.broadcast %shift_right_logical3A_1003 : i32 to vector<16xi32>
        %shift_right_logical3A_1005 = arith.shrui %sub3A_1002, %shift_right_logical3A_1004 : vector<16xi32>
        %and3A_1006 = arith.constant 127 : i32
        %and3A_1007 = vector.broadcast %and3A_1006 : i32 to vector<16xi32>
        %and3A_1008 = arith.andi %sub3A_1002, %and3A_1007 : vector<16xi32>
        %add3A_1009 = vector.broadcast %mul3A_2 : i32 to vector<16xi32>
        %add3A_1010 = arith.addi %add3A_1009, %add3A_980 : vector<16xi32>
        tpu.vector_store_idx %arg6[%shift_right_logical3A_1005, %and3A_1008], %add3A_1010 masked %ge3A_983 : memref<202x128xi32, #tpu.memory_space<vmem>>[vector<16xi32>, vector<16xi32>], vector<16xi32>, vector<16xi1>
        %all_reduce_population_count3A_1011 = tpu.all_reduce %ge3A_983 {dim = 0 : i64, kind = #tpu.reduction_kind<sum>} : vector<16xi1> -> vector<16xi32>
        %add3A_1012 = arith.addi %cond3A_898, %all_reduce_population_count3A_1011 : vector<16xi32>
        %get3A_1013 = arith.index_cast %sub3A_952 : i32 to index
        %get3A_1014 = arith.constant 16 : index
        %get3A_1015 = tpu.vector_load %arg5[%get3A_1013, %get3A_1014] {strides = array<i32>} : memref<200x128xi32, #tpu.memory_space<vmem>>, vector<16xi32>,
        %mul3A_1016 = arith.constant 128 : i32
        %mul3A_1017 = arith.muli %sub3A_952, %mul3A_1016 : i32
        %add3A_1018 = arith.constant 16 : i32
        %add3A_1019 = arith.addi %mul3A_1017, %add3A_1018 : i32
        %add3A_1020 = vector.broadcast %add3A_1019 : i32 to vector<16xi32>
        %add3A_1021 = arith.addi %add3A_1020, %iota3A : vector<16xi32>
        %ge3A_1022 = arith.constant 99000 : i32
        %ge3A_1023 = vector.broadcast %ge3A_1022 : i32 to vector<16xi32>
        %ge3A_1024 = arith.cmpi sge, %get3A_1015, %ge3A_1023 : vector<16xi32>
        %mul3A_1025 = arith.constant 800 : i32
        %mul3A_1026 = arith.muli %add3A, %mul3A_1025 : i32
        %add3A_1027 = vector.broadcast %mul3A_1026 : i32 to vector<16xi32>
        %add3A_1028 = arith.addi %add3A_1021, %add3A_1027 : vector<16xi32>
        %and3A_1029 = arith.constant 16383 : i32
        %and3A_1030 = vector.broadcast %and3A_1029 : i32 to vector<16xi32>
        %and3A_1031 = arith.andi %add3A_1028, %and3A_1030 : vector<16xi32>
        %select_n3A_1032 = arith.select %ge3A_1024, %and3A_1031, %get3A_1015 : vector<16xi1>, vector<16xi32>
        %swap3A_1033 = arith.index_cast %sub3A_952 : i32 to index
        %swap3A_1034 = arith.constant 16 : index
        %swap3A_1035 = tpu.vector_load %arg5[%swap3A_1033, %swap3A_1034] {strides = array<i32>} : memref<200x128xi32, #tpu.memory_space<vmem>>, vector<16xi32>,
        tpu.vector_store %arg5[%swap3A_1033, %swap3A_1034], %select_n3A_1032 {strides = array<i32>} : memref<200x128xi32, #tpu.memory_space<vmem>>, vector<16xi32>,
        %convert_element_type3A_1036 = arith.extui %ge3A_1024 : vector<16xi1> to vector<16xi32>
        %broadcast_in_dim3A_1037 = arith.constant true
        %broadcast_in_dim3A_1038 = vector.broadcast %broadcast_in_dim3A_1037 : i1 to vector<16xi1>
        %masked_cumsum3A_1039 = tpu.scan <sum>, %convert_element_type3A_1036 masked %broadcast_in_dim3A_1038 : vector<16xi32>, vector<16xi1> -> vector<16xi32>
        %add3A_1040 = arith.addi %add3A_1012, %masked_cumsum3A_1039 : vector<16xi32>
        %sub3A_1041 = arith.constant 1 : i32
        %sub3A_1042 = vector.broadcast %sub3A_1041 : i32 to vector<16xi32>
        %sub3A_1043 = arith.subi %add3A_1040, %sub3A_1042 : vector<16xi32>
        %shift_right_logical3A_1044 = arith.constant 7 : i32
        %shift_right_logical3A_1045 = vector.broadcast %shift_right_logical3A_1044 : i32 to vector<16xi32>
        %shift_right_logical3A_1046 = arith.shrui %sub3A_1043, %shift_right_logical3A_1045 : vector<16xi32>
        %and3A_1047 = arith.constant 127 : i32
        %and3A_1048 = vector.broadcast %and3A_1047 : i32 to vector<16xi32>
        %and3A_1049 = arith.andi %sub3A_1043, %and3A_1048 : vector<16xi32>
        %add3A_1050 = vector.broadcast %mul3A_2 : i32 to vector<16xi32>
        %add3A_1051 = arith.addi %add3A_1050, %add3A_1021 : vector<16xi32>
        tpu.vector_store_idx %arg6[%shift_right_logical3A_1046, %and3A_1049], %add3A_1051 masked %ge3A_1024 : memref<202x128xi32, #tpu.memory_space<vmem>>[vector<16xi32>, vector<16xi32>], vector<16xi32>, vector<16xi1>
        %all_reduce_population_count3A_1052 = tpu.all_reduce %ge3A_1024 {dim = 0 : i64, kind = #tpu.reduction_kind<sum>} : vector<16xi1> -> vector<16xi32>
        %add3A_1053 = arith.addi %add3A_1012, %all_reduce_population_count3A_1052 : vector<16xi32>
        %get3A_1054 = arith.index_cast %sub3A_952 : i32 to index
        %get3A_1055 = arith.constant 32 : index
        %get3A_1056 = tpu.vector_load %arg5[%get3A_1054, %get3A_1055] {strides = array<i32>} : memref<200x128xi32, #tpu.memory_space<vmem>>, vector<16xi32>,
        %mul3A_1057 = arith.constant 128 : i32
        %mul3A_1058 = arith.muli %sub3A_952, %mul3A_1057 : i32
        %add3A_1059 = arith.constant 32 : i32
        %add3A_1060 = arith.addi %mul3A_1058, %add3A_1059 : i32
        %add3A_1061 = vector.broadcast %add3A_1060 : i32 to vector<16xi32>
        %add3A_1062 = arith.addi %add3A_1061, %iota3A : vector<16xi32>
        %ge3A_1063 = arith.constant 99000 : i32
        %ge3A_1064 = vector.broadcast %ge3A_1063 : i32 to vector<16xi32>
        %ge3A_1065 = arith.cmpi sge, %get3A_1056, %ge3A_1064 : vector<16xi32>
        %mul3A_1066 = arith.constant 800 : i32
        %mul3A_1067 = arith.muli %add3A, %mul3A_1066 : i32
        %add3A_1068 = vector.broadcast %mul3A_1067 : i32 to vector<16xi32>
        %add3A_1069 = arith.addi %add3A_1062, %add3A_1068 : vector<16xi32>
        %and3A_1070 = arith.constant 16383 : i32
        %and3A_1071 = vector.broadcast %and3A_1070 : i32 to vector<16xi32>
        %and3A_1072 = arith.andi %add3A_1069, %and3A_1071 : vector<16xi32>
        %select_n3A_1073 = arith.select %ge3A_1065, %and3A_1072, %get3A_1056 : vector<16xi1>, vector<16xi32>
        %swap3A_1074 = arith.index_cast %sub3A_952 : i32 to index
        %swap3A_1075 = arith.constant 32 : index
        %swap3A_1076 = tpu.vector_load %arg5[%swap3A_1074, %swap3A_1075] {strides = array<i32>} : memref<200x128xi32, #tpu.memory_space<vmem>>, vector<16xi32>,
        tpu.vector_store %arg5[%swap3A_1074, %swap3A_1075], %select_n3A_1073 {strides = array<i32>} : memref<200x128xi32, #tpu.memory_space<vmem>>, vector<16xi32>,
        %convert_element_type3A_1077 = arith.extui %ge3A_1065 : vector<16xi1> to vector<16xi32>
        %broadcast_in_dim3A_1078 = arith.constant true
        %broadcast_in_dim3A_1079 = vector.broadcast %broadcast_in_dim3A_1078 : i1 to vector<16xi1>
        %masked_cumsum3A_1080 = tpu.scan <sum>, %convert_element_type3A_1077 masked %broadcast_in_dim3A_1079 : vector<16xi32>, vector<16xi1> -> vector<16xi32>
        %add3A_1081 = arith.addi %add3A_1053, %masked_cumsum3A_1080 : vector<16xi32>
        %sub3A_1082 = arith.constant 1 : i32
        %sub3A_1083 = vector.broadcast %sub3A_1082 : i32 to vector<16xi32>
        %sub3A_1084 = arith.subi %add3A_1081, %sub3A_1083 : vector<16xi32>
        %shift_right_logical3A_1085 = arith.constant 7 : i32
        %shift_right_logical3A_1086 = vector.broadcast %shift_right_logical3A_1085 : i32 to vector<16xi32>
        %shift_right_logical3A_1087 = arith.shrui %sub3A_1084, %shift_right_logical3A_1086 : vector<16xi32>
        %and3A_1088 = arith.constant 127 : i32
        %and3A_1089 = vector.broadcast %and3A_1088 : i32 to vector<16xi32>
        %and3A_1090 = arith.andi %sub3A_1084, %and3A_1089 : vector<16xi32>
        %add3A_1091 = vector.broadcast %mul3A_2 : i32 to vector<16xi32>
        %add3A_1092 = arith.addi %add3A_1091, %add3A_1062 : vector<16xi32>
        tpu.vector_store_idx %arg6[%shift_right_logical3A_1087, %and3A_1090], %add3A_1092 masked %ge3A_1065 : memref<202x128xi32, #tpu.memory_space<vmem>>[vector<16xi32>, vector<16xi32>], vector<16xi32>, vector<16xi1>
        %all_reduce_population_count3A_1093 = tpu.all_reduce %ge3A_1065 {dim = 0 : i64, kind = #tpu.reduction_kind<sum>} : vector<16xi1> -> vector<16xi32>
        %add3A_1094 = arith.addi %add3A_1053, %all_reduce_population_count3A_1093 : vector<16xi32>
        %get3A_1095 = arith.index_cast %sub3A_952 : i32 to index
        %get3A_1096 = arith.constant 48 : index
        %get3A_1097 = tpu.vector_load %arg5[%get3A_1095, %get3A_1096] {strides = array<i32>} : memref<200x128xi32, #tpu.memory_space<vmem>>, vector<16xi32>,
        %mul3A_1098 = arith.constant 128 : i32
        %mul3A_1099 = arith.muli %sub3A_952, %mul3A_1098 : i32
        %add3A_1100 = arith.constant 48 : i32
        %add3A_1101 = arith.addi %mul3A_1099, %add3A_1100 : i32
        %add3A_1102 = vector.broadcast %add3A_1101 : i32 to vector<16xi32>
        %add3A_1103 = arith.addi %add3A_1102, %iota3A : vector<16xi32>
        %ge3A_1104 = arith.constant 99000 : i32
        %ge3A_1105 = vector.broadcast %ge3A_1104 : i32 to vector<16xi32>
        %ge3A_1106 = arith.cmpi sge, %get3A_1097, %ge3A_1105 : vector<16xi32>
        %mul3A_1107 = arith.constant 800 : i32
        %mul3A_1108 = arith.muli %add3A, %mul3A_1107 : i32
        %add3A_1109 = vector.broadcast %mul3A_1108 : i32 to vector<16xi32>
        %add3A_1110 = arith.addi %add3A_1103, %add3A_1109 : vector<16xi32>
        %and3A_1111 = arith.constant 16383 : i32
        %and3A_1112 = vector.broadcast %and3A_1111 : i32 to vector<16xi32>
        %and3A_1113 = arith.andi %add3A_1110, %and3A_1112 : vector<16xi32>
        %select_n3A_1114 = arith.select %ge3A_1106, %and3A_1113, %get3A_1097 : vector<16xi1>, vector<16xi32>
        %swap3A_1115 = arith.index_cast %sub3A_952 : i32 to index
        %swap3A_1116 = arith.constant 48 : index
        %swap3A_1117 = tpu.vector_load %arg5[%swap3A_1115, %swap3A_1116] {strides = array<i32>} : memref<200x128xi32, #tpu.memory_space<vmem>>, vector<16xi32>,
        tpu.vector_store %arg5[%swap3A_1115, %swap3A_1116], %select_n3A_1114 {strides = array<i32>} : memref<200x128xi32, #tpu.memory_space<vmem>>, vector<16xi32>,
        %convert_element_type3A_1118 = arith.extui %ge3A_1106 : vector<16xi1> to vector<16xi32>
        %broadcast_in_dim3A_1119 = arith.constant true
        %broadcast_in_dim3A_1120 = vector.broadcast %broadcast_in_dim3A_1119 : i1 to vector<16xi1>
        %masked_cumsum3A_1121 = tpu.scan <sum>, %convert_element_type3A_1118 masked %broadcast_in_dim3A_1120 : vector<16xi32>, vector<16xi1> -> vector<16xi32>
        %add3A_1122 = arith.addi %add3A_1094, %masked_cumsum3A_1121 : vector<16xi32>
        %sub3A_1123 = arith.constant 1 : i32
        %sub3A_1124 = vector.broadcast %sub3A_1123 : i32 to vector<16xi32>
        %sub3A_1125 = arith.subi %add3A_1122, %sub3A_1124 : vector<16xi32>
        %shift_right_logical3A_1126 = arith.constant 7 : i32
        %shift_right_logical3A_1127 = vector.broadcast %shift_right_logical3A_1126 : i32 to vector<16xi32>
        %shift_right_logical3A_1128 = arith.shrui %sub3A_1125, %shift_right_logical3A_1127 : vector<16xi32>
        %and3A_1129 = arith.constant 127 : i32
        %and3A_1130 = vector.broadcast %and3A_1129 : i32 to vector<16xi32>
        %and3A_1131 = arith.andi %sub3A_1125, %and3A_1130 : vector<16xi32>
        %add3A_1132 = vector.broadcast %mul3A_2 : i32 to vector<16xi32>
        %add3A_1133 = arith.addi %add3A_1132, %add3A_1103 : vector<16xi32>
        tpu.vector_store_idx %arg6[%shift_right_logical3A_1128, %and3A_1131], %add3A_1133 masked %ge3A_1106 : memref<202x128xi32, #tpu.memory_space<vmem>>[vector<16xi32>, vector<16xi32>], vector<16xi32>, vector<16xi1>
        %all_reduce_population_count3A_1134 = tpu.all_reduce %ge3A_1106 {dim = 0 : i64, kind = #tpu.reduction_kind<sum>} : vector<16xi1> -> vector<16xi32>
        %add3A_1135 = arith.addi %add3A_1094, %all_reduce_population_count3A_1134 : vector<16xi32>
        %get3A_1136 = arith.index_cast %sub3A_952 : i32 to index
        %get3A_1137 = arith.constant 64 : index
        %get3A_1138 = tpu.vector_load %arg5[%get3A_1136, %get3A_1137] {strides = array<i32>} : memref<200x128xi32, #tpu.memory_space<vmem>>, vector<16xi32>,
        %mul3A_1139 = arith.constant 128 : i32
        %mul3A_1140 = arith.muli %sub3A_952, %mul3A_1139 : i32
        %add3A_1141 = arith.constant 64 : i32
        %add3A_1142 = arith.addi %mul3A_1140, %add3A_1141 : i32
        %add3A_1143 = vector.broadcast %add3A_1142 : i32 to vector<16xi32>
        %add3A_1144 = arith.addi %add3A_1143, %iota3A : vector<16xi32>
        %ge3A_1145 = arith.constant 99000 : i32
        %ge3A_1146 = vector.broadcast %ge3A_1145 : i32 to vector<16xi32>
        %ge3A_1147 = arith.cmpi sge, %get3A_1138, %ge3A_1146 : vector<16xi32>
        %mul3A_1148 = arith.constant 800 : i32
        %mul3A_1149 = arith.muli %add3A, %mul3A_1148 : i32
        %add3A_1150 = vector.broadcast %mul3A_1149 : i32 to vector<16xi32>
        %add3A_1151 = arith.addi %add3A_1144, %add3A_1150 : vector<16xi32>
        %and3A_1152 = arith.constant 16383 : i32
        %and3A_1153 = vector.broadcast %and3A_1152 : i32 to vector<16xi32>
        %and3A_1154 = arith.andi %add3A_1151, %and3A_1153 : vector<16xi32>
        %select_n3A_1155 = arith.select %ge3A_1147, %and3A_1154, %get3A_1138 : vector<16xi1>, vector<16xi32>
        %swap3A_1156 = arith.index_cast %sub3A_952 : i32 to index
        %swap3A_1157 = arith.constant 64 : index
        %swap3A_1158 = tpu.vector_load %arg5[%swap3A_1156, %swap3A_1157] {strides = array<i32>} : memref<200x128xi32, #tpu.memory_space<vmem>>, vector<16xi32>,
        tpu.vector_store %arg5[%swap3A_1156, %swap3A_1157], %select_n3A_1155 {strides = array<i32>} : memref<200x128xi32, #tpu.memory_space<vmem>>, vector<16xi32>,
        %convert_element_type3A_1159 = arith.extui %ge3A_1147 : vector<16xi1> to vector<16xi32>
        %broadcast_in_dim3A_1160 = arith.constant true
        %broadcast_in_dim3A_1161 = vector.broadcast %broadcast_in_dim3A_1160 : i1 to vector<16xi1>
        %masked_cumsum3A_1162 = tpu.scan <sum>, %convert_element_type3A_1159 masked %broadcast_in_dim3A_1161 : vector<16xi32>, vector<16xi1> -> vector<16xi32>
        %add3A_1163 = arith.addi %add3A_1135, %masked_cumsum3A_1162 : vector<16xi32>
        %sub3A_1164 = arith.constant 1 : i32
        %sub3A_1165 = vector.broadcast %sub3A_1164 : i32 to vector<16xi32>
        %sub3A_1166 = arith.subi %add3A_1163, %sub3A_1165 : vector<16xi32>
        %shift_right_logical3A_1167 = arith.constant 7 : i32
        %shift_right_logical3A_1168 = vector.broadcast %shift_right_logical3A_1167 : i32 to vector<16xi32>
        %shift_right_logical3A_1169 = arith.shrui %sub3A_1166, %shift_right_logical3A_1168 : vector<16xi32>
        %and3A_1170 = arith.constant 127 : i32
        %and3A_1171 = vector.broadcast %and3A_1170 : i32 to vector<16xi32>
        %and3A_1172 = arith.andi %sub3A_1166, %and3A_1171 : vector<16xi32>
        %add3A_1173 = vector.broadcast %mul3A_2 : i32 to vector<16xi32>
        %add3A_1174 = arith.addi %add3A_1173, %add3A_1144 : vector<16xi32>
        tpu.vector_store_idx %arg6[%shift_right_logical3A_1169, %and3A_1172], %add3A_1174 masked %ge3A_1147 : memref<202x128xi32, #tpu.memory_space<vmem>>[vector<16xi32>, vector<16xi32>], vector<16xi32>, vector<16xi1>
        %all_reduce_population_count3A_1175 = tpu.all_reduce %ge3A_1147 {dim = 0 : i64, kind = #tpu.reduction_kind<sum>} : vector<16xi1> -> vector<16xi32>
        %add3A_1176 = arith.addi %add3A_1135, %all_reduce_population_count3A_1175 : vector<16xi32>
        %get3A_1177 = arith.index_cast %sub3A_952 : i32 to index
        %get3A_1178 = arith.constant 80 : index
        %get3A_1179 = tpu.vector_load %arg5[%get3A_1177, %get3A_1178] {strides = array<i32>} : memref<200x128xi32, #tpu.memory_space<vmem>>, vector<16xi32>,
        %mul3A_1180 = arith.constant 128 : i32
        %mul3A_1181 = arith.muli %sub3A_952, %mul3A_1180 : i32
        %add3A_1182 = arith.constant 80 : i32
        %add3A_1183 = arith.addi %mul3A_1181, %add3A_1182 : i32
        %add3A_1184 = vector.broadcast %add3A_1183 : i32 to vector<16xi32>
        %add3A_1185 = arith.addi %add3A_1184, %iota3A : vector<16xi32>
        %ge3A_1186 = arith.constant 99000 : i32
        %ge3A_1187 = vector.broadcast %ge3A_1186 : i32 to vector<16xi32>
        %ge3A_1188 = arith.cmpi sge, %get3A_1179, %ge3A_1187 : vector<16xi32>
        %mul3A_1189 = arith.constant 800 : i32
        %mul3A_1190 = arith.muli %add3A, %mul3A_1189 : i32
        %add3A_1191 = vector.broadcast %mul3A_1190 : i32 to vector<16xi32>
        %add3A_1192 = arith.addi %add3A_1185, %add3A_1191 : vector<16xi32>
        %and3A_1193 = arith.constant 16383 : i32
        %and3A_1194 = vector.broadcast %and3A_1193 : i32 to vector<16xi32>
        %and3A_1195 = arith.andi %add3A_1192, %and3A_1194 : vector<16xi32>
        %select_n3A_1196 = arith.select %ge3A_1188, %and3A_1195, %get3A_1179 : vector<16xi1>, vector<16xi32>
        %swap3A_1197 = arith.index_cast %sub3A_952 : i32 to index
        %swap3A_1198 = arith.constant 80 : index
        %swap3A_1199 = tpu.vector_load %arg5[%swap3A_1197, %swap3A_1198] {strides = array<i32>} : memref<200x128xi32, #tpu.memory_space<vmem>>, vector<16xi32>,
        tpu.vector_store %arg5[%swap3A_1197, %swap3A_1198], %select_n3A_1196 {strides = array<i32>} : memref<200x128xi32, #tpu.memory_space<vmem>>, vector<16xi32>,
        %convert_element_type3A_1200 = arith.extui %ge3A_1188 : vector<16xi1> to vector<16xi32>
        %broadcast_in_dim3A_1201 = arith.constant true
        %broadcast_in_dim3A_1202 = vector.broadcast %broadcast_in_dim3A_1201 : i1 to vector<16xi1>
        %masked_cumsum3A_1203 = tpu.scan <sum>, %convert_element_type3A_1200 masked %broadcast_in_dim3A_1202 : vector<16xi32>, vector<16xi1> -> vector<16xi32>
        %add3A_1204 = arith.addi %add3A_1176, %masked_cumsum3A_1203 : vector<16xi32>
        %sub3A_1205 = arith.constant 1 : i32
        %sub3A_1206 = vector.broadcast %sub3A_1205 : i32 to vector<16xi32>
        %sub3A_1207 = arith.subi %add3A_1204, %sub3A_1206 : vector<16xi32>
        %shift_right_logical3A_1208 = arith.constant 7 : i32
        %shift_right_logical3A_1209 = vector.broadcast %shift_right_logical3A_1208 : i32 to vector<16xi32>
        %shift_right_logical3A_1210 = arith.shrui %sub3A_1207, %shift_right_logical3A_1209 : vector<16xi32>
        %and3A_1211 = arith.constant 127 : i32
        %and3A_1212 = vector.broadcast %and3A_1211 : i32 to vector<16xi32>
        %and3A_1213 = arith.andi %sub3A_1207, %and3A_1212 : vector<16xi32>
        %add3A_1214 = vector.broadcast %mul3A_2 : i32 to vector<16xi32>
        %add3A_1215 = arith.addi %add3A_1214, %add3A_1185 : vector<16xi32>
        tpu.vector_store_idx %arg6[%shift_right_logical3A_1210, %and3A_1213], %add3A_1215 masked %ge3A_1188 : memref<202x128xi32, #tpu.memory_space<vmem>>[vector<16xi32>, vector<16xi32>], vector<16xi32>, vector<16xi1>
        %all_reduce_population_count3A_1216 = tpu.all_reduce %ge3A_1188 {dim = 0 : i64, kind = #tpu.reduction_kind<sum>} : vector<16xi1> -> vector<16xi32>
        %add3A_1217 = arith.addi %add3A_1176, %all_reduce_population_count3A_1216 : vector<16xi32>
        %get3A_1218 = arith.index_cast %sub3A_952 : i32 to index
        %get3A_1219 = arith.constant 96 : index
        %get3A_1220 = tpu.vector_load %arg5[%get3A_1218, %get3A_1219] {strides = array<i32>} : memref<200x128xi32, #tpu.memory_space<vmem>>, vector<16xi32>,
        %mul3A_1221 = arith.constant 128 : i32
        %mul3A_1222 = arith.muli %sub3A_952, %mul3A_1221 : i32
        %add3A_1223 = arith.constant 96 : i32
        %add3A_1224 = arith.addi %mul3A_1222, %add3A_1223 : i32
        %add3A_1225 = vector.broadcast %add3A_1224 : i32 to vector<16xi32>
        %add3A_1226 = arith.addi %add3A_1225, %iota3A : vector<16xi32>
        %ge3A_1227 = arith.constant 99000 : i32
        %ge3A_1228 = vector.broadcast %ge3A_1227 : i32 to vector<16xi32>
        %ge3A_1229 = arith.cmpi sge, %get3A_1220, %ge3A_1228 : vector<16xi32>
        %mul3A_1230 = arith.constant 800 : i32
        %mul3A_1231 = arith.muli %add3A, %mul3A_1230 : i32
        %add3A_1232 = vector.broadcast %mul3A_1231 : i32 to vector<16xi32>
        %add3A_1233 = arith.addi %add3A_1226, %add3A_1232 : vector<16xi32>
        %and3A_1234 = arith.constant 16383 : i32
        %and3A_1235 = vector.broadcast %and3A_1234 : i32 to vector<16xi32>
        %and3A_1236 = arith.andi %add3A_1233, %and3A_1235 : vector<16xi32>
        %select_n3A_1237 = arith.select %ge3A_1229, %and3A_1236, %get3A_1220 : vector<16xi1>, vector<16xi32>
        %swap3A_1238 = arith.index_cast %sub3A_952 : i32 to index
        %swap3A_1239 = arith.constant 96 : index
        %swap3A_1240 = tpu.vector_load %arg5[%swap3A_1238, %swap3A_1239] {strides = array<i32>} : memref<200x128xi32, #tpu.memory_space<vmem>>, vector<16xi32>,
        tpu.vector_store %arg5[%swap3A_1238, %swap3A_1239], %select_n3A_1237 {strides = array<i32>} : memref<200x128xi32, #tpu.memory_space<vmem>>, vector<16xi32>,
        %convert_element_type3A_1241 = arith.extui %ge3A_1229 : vector<16xi1> to vector<16xi32>
        %broadcast_in_dim3A_1242 = arith.constant true
        %broadcast_in_dim3A_1243 = vector.broadcast %broadcast_in_dim3A_1242 : i1 to vector<16xi1>
        %masked_cumsum3A_1244 = tpu.scan <sum>, %convert_element_type3A_1241 masked %broadcast_in_dim3A_1243 : vector<16xi32>, vector<16xi1> -> vector<16xi32>
        %add3A_1245 = arith.addi %add3A_1217, %masked_cumsum3A_1244 : vector<16xi32>
        %sub3A_1246 = arith.constant 1 : i32
        %sub3A_1247 = vector.broadcast %sub3A_1246 : i32 to vector<16xi32>
        %sub3A_1248 = arith.subi %add3A_1245, %sub3A_1247 : vector<16xi32>
        %shift_right_logical3A_1249 = arith.constant 7 : i32
        %shift_right_logical3A_1250 = vector.broadcast %shift_right_logical3A_1249 : i32 to vector<16xi32>
        %shift_right_logical3A_1251 = arith.shrui %sub3A_1248, %shift_right_logical3A_1250 : vector<16xi32>
        %and3A_1252 = arith.constant 127 : i32
        %and3A_1253 = vector.broadcast %and3A_1252 : i32 to vector<16xi32>
        %and3A_1254 = arith.andi %sub3A_1248, %and3A_1253 : vector<16xi32>
        %add3A_1255 = vector.broadcast %mul3A_2 : i32 to vector<16xi32>
        %add3A_1256 = arith.addi %add3A_1255, %add3A_1226 : vector<16xi32>
        tpu.vector_store_idx %arg6[%shift_right_logical3A_1251, %and3A_1254], %add3A_1256 masked %ge3A_1229 : memref<202x128xi32, #tpu.memory_space<vmem>>[vector<16xi32>, vector<16xi32>], vector<16xi32>, vector<16xi1>
        %all_reduce_population_count3A_1257 = tpu.all_reduce %ge3A_1229 {dim = 0 : i64, kind = #tpu.reduction_kind<sum>} : vector<16xi1> -> vector<16xi32>
        %add3A_1258 = arith.addi %add3A_1217, %all_reduce_population_count3A_1257 : vector<16xi32>
        %get3A_1259 = arith.index_cast %sub3A_952 : i32 to index
        %get3A_1260 = arith.constant 112 : index
        %get3A_1261 = tpu.vector_load %arg5[%get3A_1259, %get3A_1260] {strides = array<i32>} : memref<200x128xi32, #tpu.memory_space<vmem>>, vector<16xi32>,
        %mul3A_1262 = arith.constant 128 : i32
        %mul3A_1263 = arith.muli %sub3A_952, %mul3A_1262 : i32
        %add3A_1264 = arith.constant 112 : i32
        %add3A_1265 = arith.addi %mul3A_1263, %add3A_1264 : i32
        %add3A_1266 = vector.broadcast %add3A_1265 : i32 to vector<16xi32>
        %add3A_1267 = arith.addi %add3A_1266, %iota3A : vector<16xi32>
        %ge3A_1268 = arith.constant 99000 : i32
        %ge3A_1269 = vector.broadcast %ge3A_1268 : i32 to vector<16xi32>
        %ge3A_1270 = arith.cmpi sge, %get3A_1261, %ge3A_1269 : vector<16xi32>
        %mul3A_1271 = arith.constant 800 : i32
        %mul3A_1272 = arith.muli %add3A, %mul3A_1271 : i32
        %add3A_1273 = vector.broadcast %mul3A_1272 : i32 to vector<16xi32>
        %add3A_1274 = arith.addi %add3A_1267, %add3A_1273 : vector<16xi32>
        %and3A_1275 = arith.constant 16383 : i32
        %and3A_1276 = vector.broadcast %and3A_1275 : i32 to vector<16xi32>
        %and3A_1277 = arith.andi %add3A_1274, %and3A_1276 : vector<16xi32>
        %select_n3A_1278 = arith.select %ge3A_1270, %and3A_1277, %get3A_1261 : vector<16xi1>, vector<16xi32>
        %swap3A_1279 = arith.index_cast %sub3A_952 : i32 to index
        %swap3A_1280 = arith.constant 112 : index
        %swap3A_1281 = tpu.vector_load %arg5[%swap3A_1279, %swap3A_1280] {strides = array<i32>} : memref<200x128xi32, #tpu.memory_space<vmem>>, vector<16xi32>,
        tpu.vector_store %arg5[%swap3A_1279, %swap3A_1280], %select_n3A_1278 {strides = array<i32>} : memref<200x128xi32, #tpu.memory_space<vmem>>, vector<16xi32>,
        %convert_element_type3A_1282 = arith.extui %ge3A_1270 : vector<16xi1> to vector<16xi32>
        %broadcast_in_dim3A_1283 = arith.constant true
        %broadcast_in_dim3A_1284 = vector.broadcast %broadcast_in_dim3A_1283 : i1 to vector<16xi1>
        %masked_cumsum3A_1285 = tpu.scan <sum>, %convert_element_type3A_1282 masked %broadcast_in_dim3A_1284 : vector<16xi32>, vector<16xi1> -> vector<16xi32>
        %add3A_1286 = arith.addi %add3A_1258, %masked_cumsum3A_1285 : vector<16xi32>
        %sub3A_1287 = arith.constant 1 : i32
        %sub3A_1288 = vector.broadcast %sub3A_1287 : i32 to vector<16xi32>
        %sub3A_1289 = arith.subi %add3A_1286, %sub3A_1288 : vector<16xi32>
        %shift_right_logical3A_1290 = arith.constant 7 : i32
        %shift_right_logical3A_1291 = vector.broadcast %shift_right_logical3A_1290 : i32 to vector<16xi32>
        %shift_right_logical3A_1292 = arith.shrui %sub3A_1289, %shift_right_logical3A_1291 : vector<16xi32>
        %and3A_1293 = arith.constant 127 : i32
        %and3A_1294 = vector.broadcast %and3A_1293 : i32 to vector<16xi32>
        %and3A_1295 = arith.andi %sub3A_1289, %and3A_1294 : vector<16xi32>
        %add3A_1296 = vector.broadcast %mul3A_2 : i32 to vector<16xi32>
        %add3A_1297 = arith.addi %add3A_1296, %add3A_1267 : vector<16xi32>
        tpu.vector_store_idx %arg6[%shift_right_logical3A_1292, %and3A_1295], %add3A_1297 masked %ge3A_1270 : memref<202x128xi32, #tpu.memory_space<vmem>>[vector<16xi32>, vector<16xi32>], vector<16xi32>, vector<16xi1>
        %all_reduce_population_count3A_1298 = tpu.all_reduce %ge3A_1270 {dim = 0 : i64, kind = #tpu.reduction_kind<sum>} : vector<16xi1> -> vector<16xi32>
        %add3A_1299 = arith.addi %add3A_1258, %all_reduce_population_count3A_1298 : vector<16xi32>
        scf.yield %add3A_1299 : vector<16xi32>
      } else {
        scf.yield %cond3A_898 : vector<16xi32>
      }
      %lt3A_959 = arith.constant 200 : i32
      %lt3A_960 = arith.cmpi slt, %sub3A_952, %lt3A_959 : i32
      %ge3A_961 = arith.constant 2 : i32
      %ge3A_962 = arith.cmpi sge, %add3A_915, %ge3A_961 : i32
      %and3A_963 = arith.andi %lt3A_960, %ge3A_962 : i1
      %convert_element_type3A_964 = arith.extui %and3A_963 : i1 to i32
      %cond3A_965 = arith.constant 0 : i32
      %cond3A_966 = arith.cmpi ne, %convert_element_type3A_964, %cond3A_965 : i32
      scf.if %cond3A_966 {
        %sub3A_972 = arith.constant 2 : i32
        %sub3A_973 = arith.subi %add3A_915, %sub3A_972 : i32
        %mul3A_974 = arith.constant 128 : i32
        %mul3A_975 = arith.muli %sub3A_973, %mul3A_974 : i32
        %add3A_976 = arith.addi %mul3A_2, %mul3A_975 : i32
        %dma_wait3A_977 = arith.constant 1 : i32
        %dma_wait3A_978 = arith.constant 0 : i32
        %dma_wait3A_979 = arith.constant 0 : i32
        %dma_wait3A_980 = tpu.memref_slice %arg7[%dma_wait3A_977, %dma_wait3A_978, %dma_wait3A_979] : memref<4x128x128xf32, #tpu.memory_space<vmem>> -> memref<1x128x128xf32, #tpu.memory_space<vmem>>
        %dma_wait3A_981 = tpu.memref_squeeze %dma_wait3A_980 : memref<1x128x128xf32, #tpu.memory_space<vmem>> -> memref<128x128xf32, #tpu.memory_space<vmem>>
        %dma_wait3A_982 = arith.constant 0 : i32
        %dma_wait3A_983 = tpu.memref_slice %arg4[%add3A_976, %dma_wait3A_982] : memref<819200x128xf32, #tpu.memory_space<hbm>> -> memref<128x128xf32, #tpu.memory_space<hbm>>
        %dma_wait3A_984 = arith.constant 0 : i32
        %dma_wait3A_985 = tpu.memref_slice %arg4[%add3A_976, %dma_wait3A_984] : memref<819200x128xf32, #tpu.memory_space<hbm>> -> memref<128x128xf32, #tpu.memory_space<hbm>>
        %dma_wait3A_986 = arith.constant 0 : i32
        %dma_wait3A_987 = arith.constant 0 : i32
        %dma_wait3A_988 = tpu.memref_slice %arg7[%dma_wait3A_977, %dma_wait3A_986, %dma_wait3A_987] : memref<4x128x128xf32, #tpu.memory_space<vmem>> -> memref<1x128x128xf32, #tpu.memory_space<vmem>>
        %dma_wait3A_989 = tpu.memref_squeeze %dma_wait3A_988 : memref<1x128x128xf32, #tpu.memory_space<vmem>> -> memref<128x128xf32, #tpu.memory_space<vmem>>
        tpu.wait_dma2 semaphore(%arg13 : memref<!tpu.dma_semaphore, #tpu.memory_space<semaphore_mem>>) src(%dma_wait3A_989 : memref<128x128xf32, #tpu.memory_space<vmem>>) dst(%dma_wait3A_985 : memref<128x128xf32, #tpu.memory_space<hbm>>)
      } else {
      }
      %lt3A_967 = arith.constant 200 : i32
      %lt3A_968 = arith.cmpi slt, %sub3A_952, %lt3A_967 : i32
      %convert_element_type3A_969 = arith.extui %lt3A_968 : i1 to i32
      %cond3A_970 = arith.constant 0 : i32
      %cond3A_971 = arith.cmpi ne, %convert_element_type3A_969, %cond3A_970 : i32
      scf.if %cond3A_971 {
        %dma_start3A_972 = arith.constant 1 : i32
        %dma_start3A_973 = arith.constant 0 : i32
        %dma_start3A_974 = arith.constant 0 : i32
        %dma_start3A_975 = tpu.memref_slice %arg7[%dma_start3A_972, %dma_start3A_973, %dma_start3A_974] : memref<4x128x128xf32, #tpu.memory_space<vmem>> -> memref<1x128x128xf32, #tpu.memory_space<vmem>>
        %dma_start3A_976 = tpu.memref_squeeze %dma_start3A_975 : memref<1x128x128xf32, #tpu.memory_space<vmem>> -> memref<128x128xf32, #tpu.memory_space<vmem>>
        %dma_start3A_977 = arith.constant 0 : i32
        %dma_start3A_978 = tpu.memref_slice %arg5[%sub3A_952, %dma_start3A_977] : memref<200x128xi32, #tpu.memory_space<vmem>> -> memref<1x128xi32, #tpu.memory_space<vmem>>
        %dma_start3A_979 = tpu.memref_squeeze %dma_start3A_978 : memref<1x128xi32, #tpu.memory_space<vmem>> -> memref<128xi32, #tpu.memory_space<vmem>>
        %dma_start3A_980 = arith.constant 0 : i32
        %dma_start3A_981 = arith.constant 0 : i32
        %dma_start3A_982 = tpu.memref_slice %arg3[%dma_start3A_980, %dma_start3A_981] : memref<99001x128xf32, #tpu.memory_space<hbm>> -> memref<99001x128xf32, #tpu.memory_space<hbm>>
        tpu.enqueue_indirect_dma source(%dma_start3A_982 : memref<99001x128xf32, #tpu.memory_space<hbm>>) target(%dma_start3A_976 : memref<128x128xf32, #tpu.memory_space<vmem>>) offsets(%dma_start3A_979 : memref<128xi32, #tpu.memory_space<vmem>>) semaphore(%arg9 : memref<!tpu.dma_semaphore, #tpu.memory_space<semaphore_mem>>)
      } else {
      }
      scf.yield %cond3A_958 : vector<16xi32>
    }
    %scan3A_661 = arith.constant 50 : i32
    %reduce_max3A = arith.constant true
    %reduce_max3A_662 = vector.broadcast %reduce_max3A : i1 to vector<16xi1>
    %reduce_max3A_663 = arith.constant -2147483648 : i32
    %reduce_max3A_664 = vector.broadcast %reduce_max3A_663 : i32 to vector<16xi32>
    %reduce_max3A_665 = arith.xori %scan3A_660, %reduce_max3A_664 : vector<16xi32>
    %reduce_max3A_666 = tpu.scan <max>, %reduce_max3A_665 masked %reduce_max3A_662 : vector<16xi32>, vector<16xi1> -> vector<16xi32>
    %reduce_max3A_667 = arith.xori %reduce_max3A_666, %reduce_max3A_664 : vector<16xi32>
    %reduce_max3A_668 = vector.extract %reduce_max3A_667[15] : i32 from vector<16xi32>
    %add3A_669 = arith.constant 25088 : i32
    %add3A_670 = arith.addi %mul3A_2, %add3A_669 : i32
    %dma_wait3A = arith.constant 0 : i32
    %dma_wait3A_671 = arith.constant 0 : i32
    %dma_wait3A_672 = arith.constant 0 : i32
    %dma_wait3A_673 = tpu.memref_slice %arg7[%dma_wait3A, %dma_wait3A_671, %dma_wait3A_672] : memref<4x128x128xf32, #tpu.memory_space<vmem>> -> memref<1x128x128xf32, #tpu.memory_space<vmem>>
    %dma_wait3A_674 = tpu.memref_squeeze %dma_wait3A_673 : memref<1x128x128xf32, #tpu.memory_space<vmem>> -> memref<128x128xf32, #tpu.memory_space<vmem>>
    %dma_wait3A_675 = arith.constant 0 : i32
    %dma_wait3A_676 = tpu.memref_slice %arg4[%add3A_670, %dma_wait3A_675] : memref<819200x128xf32, #tpu.memory_space<hbm>> -> memref<128x128xf32, #tpu.memory_space<hbm>>
    %dma_wait3A_677 = arith.constant 0 : i32
    %dma_wait3A_678 = tpu.memref_slice %arg4[%add3A_670, %dma_wait3A_677] : memref<819200x128xf32, #tpu.memory_space<hbm>> -> memref<128x128xf32, #tpu.memory_space<hbm>>
    %dma_wait3A_679 = arith.constant 0 : i32
    %dma_wait3A_680 = arith.constant 0 : i32
    %dma_wait3A_681 = tpu.memref_slice %arg7[%dma_wait3A, %dma_wait3A_679, %dma_wait3A_680] : memref<4x128x128xf32, #tpu.memory_space<vmem>> -> memref<1x128x128xf32, #tpu.memory_space<vmem>>
    %dma_wait3A_682 = tpu.memref_squeeze %dma_wait3A_681 : memref<1x128x128xf32, #tpu.memory_space<vmem>> -> memref<128x128xf32, #tpu.memory_space<vmem>>
    tpu.wait_dma2 semaphore(%arg12 : memref<!tpu.dma_semaphore, #tpu.memory_space<semaphore_mem>>) src(%dma_wait3A_682 : memref<128x128xf32, #tpu.memory_space<vmem>>) dst(%dma_wait3A_678 : memref<128x128xf32, #tpu.memory_space<hbm>>)
    %add3A_683 = arith.constant 25216 : i32
    %add3A_684 = arith.addi %mul3A_2, %add3A_683 : i32
    %dma_wait3A_685 = arith.constant 1 : i32
    %dma_wait3A_686 = arith.constant 0 : i32
    %dma_wait3A_687 = arith.constant 0 : i32
    %dma_wait3A_688 = tpu.memref_slice %arg7[%dma_wait3A_685, %dma_wait3A_686, %dma_wait3A_687] : memref<4x128x128xf32, #tpu.memory_space<vmem>> -> memref<1x128x128xf32, #tpu.memory_space<vmem>>
    %dma_wait3A_689 = tpu.memref_squeeze %dma_wait3A_688 : memref<1x128x128xf32, #tpu.memory_space<vmem>> -> memref<128x128xf32, #tpu.memory_space<vmem>>
    %dma_wait3A_690 = arith.constant 0 : i32
    %dma_wait3A_691 = tpu.memref_slice %arg4[%add3A_684, %dma_wait3A_690] : memref<819200x128xf32, #tpu.memory_space<hbm>> -> memref<128x128xf32, #tpu.memory_space<hbm>>
    %dma_wait3A_692 = arith.constant 0 : i32
    %dma_wait3A_693 = tpu.memref_slice %arg4[%add3A_684, %dma_wait3A_692] : memref<819200x128xf32, #tpu.memory_space<hbm>> -> memref<128x128xf32, #tpu.memory_space<hbm>>
    %dma_wait3A_694 = arith.constant 0 : i32
    %dma_wait3A_695 = arith.constant 0 : i32
    %dma_wait3A_696 = tpu.memref_slice %arg7[%dma_wait3A_685, %dma_wait3A_694, %dma_wait3A_695] : memref<4x128x128xf32, #tpu.memory_space<vmem>> -> memref<1x128x128xf32, #tpu.memory_space<vmem>>
    %dma_wait3A_697 = tpu.memref_squeeze %dma_wait3A_696 : memref<1x128x128xf32, #tpu.memory_space<vmem>> -> memref<128x128xf32, #tpu.memory_space<vmem>>
    tpu.wait_dma2 semaphore(%arg13 : memref<!tpu.dma_semaphore, #tpu.memory_space<semaphore_mem>>) src(%dma_wait3A_697 : memref<128x128xf32, #tpu.memory_space<vmem>>) dst(%dma_wait3A_693 : memref<128x128xf32, #tpu.memory_space<hbm>>)
    %add3A_698 = arith.constant 25344 : i32
    %add3A_699 = arith.addi %mul3A_2, %add3A_698 : i32
    %dma_wait3A_700 = arith.constant 2 : i32
    %dma_wait3A_701 = arith.constant 0 : i32
    %dma_wait3A_702 = arith.constant 0 : i32
    %dma_wait3A_703 = tpu.memref_slice %arg7[%dma_wait3A_700, %dma_wait3A_701, %dma_wait3A_702] : memref<4x128x128xf32, #tpu.memory_space<vmem>> -> memref<1x128x128xf32, #tpu.memory_space<vmem>>
    %dma_wait3A_704 = tpu.memref_squeeze %dma_wait3A_703 : memref<1x128x128xf32, #tpu.memory_space<vmem>> -> memref<128x128xf32, #tpu.memory_space<vmem>>
    %dma_wait3A_705 = arith.constant 0 : i32
    %dma_wait3A_706 = tpu.memref_slice %arg4[%add3A_699, %dma_wait3A_705] : memref<819200x128xf32, #tpu.memory_space<hbm>> -> memref<128x128xf32, #tpu.memory_space<hbm>>
    %dma_wait3A_707 = arith.constant 0 : i32
    %dma_wait3A_708 = tpu.memref_slice %arg4[%add3A_699, %dma_wait3A_707] : memref<819200x128xf32, #tpu.memory_space<hbm>> -> memref<128x128xf32, #tpu.memory_space<hbm>>
    %dma_wait3A_709 = arith.constant 0 : i32
    %dma_wait3A_710 = arith.constant 0 : i32
    %dma_wait3A_711 = tpu.memref_slice %arg7[%dma_wait3A_700, %dma_wait3A_709, %dma_wait3A_710] : memref<4x128x128xf32, #tpu.memory_space<vmem>> -> memref<1x128x128xf32, #tpu.memory_space<vmem>>
    %dma_wait3A_712 = tpu.memref_squeeze %dma_wait3A_711 : memref<1x128x128xf32, #tpu.memory_space<vmem>> -> memref<128x128xf32, #tpu.memory_space<vmem>>
    tpu.wait_dma2 semaphore(%arg14 : memref<!tpu.dma_semaphore, #tpu.memory_space<semaphore_mem>>) src(%dma_wait3A_712 : memref<128x128xf32, #tpu.memory_space<vmem>>) dst(%dma_wait3A_708 : memref<128x128xf32, #tpu.memory_space<hbm>>)
    %add3A_713 = arith.constant 25472 : i32
    %add3A_714 = arith.addi %mul3A_2, %add3A_713 : i32
    %dma_wait3A_715 = arith.constant 3 : i32
    %dma_wait3A_716 = arith.constant 0 : i32
    %dma_wait3A_717 = arith.constant 0 : i32
    %dma_wait3A_718 = tpu.memref_slice %arg7[%dma_wait3A_715, %dma_wait3A_716, %dma_wait3A_717] : memref<4x128x128xf32, #tpu.memory_space<vmem>> -> memref<1x128x128xf32, #tpu.memory_space<vmem>>
    %dma_wait3A_719 = tpu.memref_squeeze %dma_wait3A_718 : memref<1x128x128xf32, #tpu.memory_space<vmem>> -> memref<128x128xf32, #tpu.memory_space<vmem>>
    %dma_wait3A_720 = arith.constant 0 : i32
    %dma_wait3A_721 = tpu.memref_slice %arg4[%add3A_714, %dma_wait3A_720] : memref<819200x128xf32, #tpu.memory_space<hbm>> -> memref<128x128xf32, #tpu.memory_space<hbm>>
    %dma_wait3A_722 = arith.constant 0 : i32
    %dma_wait3A_723 = tpu.memref_slice %arg4[%add3A_714, %dma_wait3A_722] : memref<819200x128xf32, #tpu.memory_space<hbm>> -> memref<128x128xf32, #tpu.memory_space<hbm>>
    %dma_wait3A_724 = arith.constant 0 : i32
    %dma_wait3A_725 = arith.constant 0 : i32
    %dma_wait3A_726 = tpu.memref_slice %arg7[%dma_wait3A_715, %dma_wait3A_724, %dma_wait3A_725] : memref<4x128x128xf32, #tpu.memory_space<vmem>> -> memref<1x128x128xf32, #tpu.memory_space<vmem>>
    %dma_wait3A_727 = tpu.memref_squeeze %dma_wait3A_726 : memref<1x128x128xf32, #tpu.memory_space<vmem>> -> memref<128x128xf32, #tpu.memory_space<vmem>>
    tpu.wait_dma2 semaphore(%arg15 : memref<!tpu.dma_semaphore, #tpu.memory_space<semaphore_mem>>) src(%dma_wait3A_727 : memref<128x128xf32, #tpu.memory_space<vmem>>) dst(%dma_wait3A_723 : memref<128x128xf32, #tpu.memory_space<hbm>>)
    %gt3A = arith.constant 0 : i32
    %gt3A_728 = arith.cmpi sgt, %reduce_max3A_668, %gt3A : i32
    %convert_element_type3A_729 = arith.extui %gt3A_728 : i1 to i32
    %cond3A = arith.constant 0 : i32
    %cond3A_730 = arith.cmpi ne, %convert_element_type3A_729, %cond3A : i32
    scf.if %cond3A_730 {
      %sub3A_731 = arith.constant 1 : i32
      %sub3A_732 = arith.subi %reduce_max3A_668, %sub3A_731 : i32
      %shift_right_logical3A_733 = arith.constant 7 : i32
      %shift_right_logical3A_734 = arith.shrui %sub3A_732, %shift_right_logical3A_733 : i32
      %broadcast_in_dim3A_735 = vector.broadcast %shift_right_logical3A_734 : i32 to vector<16xi32>
      %sub3A_736 = arith.constant 1 : i32
      %sub3A_737 = arith.subi %reduce_max3A_668, %sub3A_736 : i32
      %and3A_738 = arith.constant 127 : i32
      %and3A_739 = arith.andi %sub3A_737, %and3A_738 : i32
      %broadcast_in_dim3A_740 = vector.broadcast %and3A_739 : i32 to vector<16xi32>
      %gather3A = tpu.vector_load_idx %arg6[%broadcast_in_dim3A_735, %broadcast_in_dim3A_740] : memref<202x128xi32, #tpu.memory_space<vmem>>[vector<16xi32>, vector<16xi32>], vector<16xi32>,
      %add3A_741 = arith.constant 0 : i32
      %add3A_742 = arith.addi %reduce_max3A_668, %add3A_741 : i32
      %add3A_743 = vector.broadcast %add3A_742 : i32 to vector<16xi32>
      %add3A_744 = arith.addi %add3A_743, %iota3A : vector<16xi32>
      %shift_right_logical3A_745 = arith.constant 7 : i32
      %shift_right_logical3A_746 = vector.broadcast %shift_right_logical3A_745 : i32 to vector<16xi32>
      %shift_right_logical3A_747 = arith.shrui %add3A_744, %shift_right_logical3A_746 : vector<16xi32>
      %and3A_748 = arith.constant 127 : i32
      %and3A_749 = vector.broadcast %and3A_748 : i32 to vector<16xi32>
      %and3A_750 = arith.andi %add3A_744, %and3A_749 : vector<16xi32>
      tpu.vector_store_idx %arg6[%shift_right_logical3A_747, %and3A_750], %gather3A : memref<202x128xi32, #tpu.memory_space<vmem>>[vector<16xi32>, vector<16xi32>], vector<16xi32>,
      %add3A_751 = arith.constant 16 : i32
      %add3A_752 = arith.addi %reduce_max3A_668, %add3A_751 : i32
      %add3A_753 = vector.broadcast %add3A_752 : i32 to vector<16xi32>
      %add3A_754 = arith.addi %add3A_753, %iota3A : vector<16xi32>
      %shift_right_logical3A_755 = arith.constant 7 : i32
      %shift_right_logical3A_756 = vector.broadcast %shift_right_logical3A_755 : i32 to vector<16xi32>
      %shift_right_logical3A_757 = arith.shrui %add3A_754, %shift_right_logical3A_756 : vector<16xi32>
      %and3A_758 = arith.constant 127 : i32
      %and3A_759 = vector.broadcast %and3A_758 : i32 to vector<16xi32>
      %and3A_760 = arith.andi %add3A_754, %and3A_759 : vector<16xi32>
      tpu.vector_store_idx %arg6[%shift_right_logical3A_757, %and3A_760], %gather3A : memref<202x128xi32, #tpu.memory_space<vmem>>[vector<16xi32>, vector<16xi32>], vector<16xi32>,
      %add3A_761 = arith.constant 32 : i32
      %add3A_762 = arith.addi %reduce_max3A_668, %add3A_761 : i32
      %add3A_763 = vector.broadcast %add3A_762 : i32 to vector<16xi32>
      %add3A_764 = arith.addi %add3A_763, %iota3A : vector<16xi32>
      %shift_right_logical3A_765 = arith.constant 7 : i32
      %shift_right_logical3A_766 = vector.broadcast %shift_right_logical3A_765 : i32 to vector<16xi32>
      %shift_right_logical3A_767 = arith.shrui %add3A_764, %shift_right_logical3A_766 : vector<16xi32>
      %and3A_768 = arith.constant 127 : i32
      %and3A_769 = vector.broadcast %and3A_768 : i32 to vector<16xi32>
      %and3A_770 = arith.andi %add3A_764, %and3A_769 : vector<16xi32>
      tpu.vector_store_idx %arg6[%shift_right_logical3A_767, %and3A_770], %gather3A : memref<202x128xi32, #tpu.memory_space<vmem>>[vector<16xi32>, vector<16xi32>], vector<16xi32>,
      %add3A_771 = arith.constant 48 : i32
      %add3A_772 = arith.addi %reduce_max3A_668, %add3A_771 : i32
      %add3A_773 = vector.broadcast %add3A_772 : i32 to vector<16xi32>
      %add3A_774 = arith.addi %add3A_773, %iota3A : vector<16xi32>
      %shift_right_logical3A_775 = arith.constant 7 : i32
      %shift_right_logical3A_776 = vector.broadcast %shift_right_logical3A_775 : i32 to vector<16xi32>
      %shift_right_logical3A_777 = arith.shrui %add3A_774, %shift_right_logical3A_776 : vector<16xi32>
      %and3A_778 = arith.constant 127 : i32
      %and3A_779 = vector.broadcast %and3A_778 : i32 to vector<16xi32>
      %and3A_780 = arith.andi %add3A_774, %and3A_779 : vector<16xi32>
      tpu.vector_store_idx %arg6[%shift_right_logical3A_777, %and3A_780], %gather3A : memref<202x128xi32, #tpu.memory_space<vmem>>[vector<16xi32>, vector<16xi32>], vector<16xi32>,
      %add3A_781 = arith.constant 64 : i32
      %add3A_782 = arith.addi %reduce_max3A_668, %add3A_781 : i32
      %add3A_783 = vector.broadcast %add3A_782 : i32 to vector<16xi32>
      %add3A_784 = arith.addi %add3A_783, %iota3A : vector<16xi32>
      %shift_right_logical3A_785 = arith.constant 7 : i32
      %shift_right_logical3A_786 = vector.broadcast %shift_right_logical3A_785 : i32 to vector<16xi32>
      %shift_right_logical3A_787 = arith.shrui %add3A_784, %shift_right_logical3A_786 : vector<16xi32>
      %and3A_788 = arith.constant 127 : i32
      %and3A_789 = vector.broadcast %and3A_788 : i32 to vector<16xi32>
      %and3A_790 = arith.andi %add3A_784, %and3A_789 : vector<16xi32>
      tpu.vector_store_idx %arg6[%shift_right_logical3A_787, %and3A_790], %gather3A : memref<202x128xi32, #tpu.memory_space<vmem>>[vector<16xi32>, vector<16xi32>], vector<16xi32>,
      %add3A_791 = arith.constant 80 : i32
      %add3A_792 = arith.addi %reduce_max3A_668, %add3A_791 : i32
      %add3A_793 = vector.broadcast %add3A_792 : i32 to vector<16xi32>
      %add3A_794 = arith.addi %add3A_793, %iota3A : vector<16xi32>
      %shift_right_logical3A_795 = arith.constant 7 : i32
      %shift_right_logical3A_796 = vector.broadcast %shift_right_logical3A_795 : i32 to vector<16xi32>
      %shift_right_logical3A_797 = arith.shrui %add3A_794, %shift_right_logical3A_796 : vector<16xi32>
      %and3A_798 = arith.constant 127 : i32
      %and3A_799 = vector.broadcast %and3A_798 : i32 to vector<16xi32>
      %and3A_800 = arith.andi %add3A_794, %and3A_799 : vector<16xi32>
      tpu.vector_store_idx %arg6[%shift_right_logical3A_797, %and3A_800], %gather3A : memref<202x128xi32, #tpu.memory_space<vmem>>[vector<16xi32>, vector<16xi32>], vector<16xi32>,
      %add3A_801 = arith.constant 96 : i32
      %add3A_802 = arith.addi %reduce_max3A_668, %add3A_801 : i32
      %add3A_803 = vector.broadcast %add3A_802 : i32 to vector<16xi32>
      %add3A_804 = arith.addi %add3A_803, %iota3A : vector<16xi32>
      %shift_right_logical3A_805 = arith.constant 7 : i32
      %shift_right_logical3A_806 = vector.broadcast %shift_right_logical3A_805 : i32 to vector<16xi32>
      %shift_right_logical3A_807 = arith.shrui %add3A_804, %shift_right_logical3A_806 : vector<16xi32>
      %and3A_808 = arith.constant 127 : i32
      %and3A_809 = vector.broadcast %and3A_808 : i32 to vector<16xi32>
      %and3A_810 = arith.andi %add3A_804, %and3A_809 : vector<16xi32>
      tpu.vector_store_idx %arg6[%shift_right_logical3A_807, %and3A_810], %gather3A : memref<202x128xi32, #tpu.memory_space<vmem>>[vector<16xi32>, vector<16xi32>], vector<16xi32>,
      %add3A_811 = arith.constant 112 : i32
      %add3A_812 = arith.addi %reduce_max3A_668, %add3A_811 : i32
      %add3A_813 = vector.broadcast %add3A_812 : i32 to vector<16xi32>
      %add3A_814 = arith.addi %add3A_813, %iota3A : vector<16xi32>
      %shift_right_logical3A_815 = arith.constant 7 : i32
      %shift_right_logical3A_816 = vector.broadcast %shift_right_logical3A_815 : i32 to vector<16xi32>
      %shift_right_logical3A_817 = arith.shrui %add3A_814, %shift_right_logical3A_816 : vector<16xi32>
      %and3A_818 = arith.constant 127 : i32
      %and3A_819 = vector.broadcast %and3A_818 : i32 to vector<16xi32>
      %and3A_820 = arith.andi %add3A_814, %and3A_819 : vector<16xi32>
      tpu.vector_store_idx %arg6[%shift_right_logical3A_817, %and3A_820], %gather3A : memref<202x128xi32, #tpu.memory_space<vmem>>[vector<16xi32>, vector<16xi32>], vector<16xi32>,
      %run_scoped3A = arith.constant 0 : i32
      "tpu.region"() ({
        %run_scoped3A_1093 = tpu.sem_alloc : memref<!tpu.dma_semaphore, #tpu.memory_space<semaphore_mem>>
        %dma_start3A_1094 = arith.constant 0 : i32
        %dma_start3A_1095 = arith.constant 0 : i32
        %dma_start3A_1096 = tpu.memref_slice %arg7[%run_scoped3A, %dma_start3A_1094, %dma_start3A_1095] : memref<4x128x128xf32, #tpu.memory_space<vmem>> -> memref<1x128x128xf32, #tpu.memory_space<vmem>>
        %dma_start3A_1097 = tpu.memref_squeeze %dma_start3A_1096 : memref<1x128x128xf32, #tpu.memory_space<vmem>> -> memref<128x128xf32, #tpu.memory_space<vmem>>
        %dma_start3A_1098 = arith.constant 0 : i32
        %dma_start3A_1099 = arith.constant 0 : i32
        %dma_start3A_1100 = tpu.memref_slice %dma_start3A_1097[%dma_start3A_1098, %dma_start3A_1099] : memref<128x128xf32, #tpu.memory_space<vmem>> -> memref<1x128xf32, #tpu.memory_space<vmem>>
        %dma_start3A_1101 = arith.constant 99000 : i32
        %dma_start3A_1102 = arith.constant 0 : i32
        %dma_start3A_1103 = tpu.memref_slice %arg3[%dma_start3A_1101, %dma_start3A_1102] : memref<99001x128xf32, #tpu.memory_space<hbm>> -> memref<1x128xf32, #tpu.memory_space<hbm>>
        %dma_start3A_1104 = arith.constant 0 : i32
        %dma_start3A_1105 = arith.constant 0 : i32
        %dma_start3A_1106 = tpu.memref_slice %arg7[%run_scoped3A, %dma_start3A_1104, %dma_start3A_1105] : memref<4x128x128xf32, #tpu.memory_space<vmem>> -> memref<1x128x128xf32, #tpu.memory_space<vmem>>
        %dma_start3A_1107 = tpu.memref_squeeze %dma_start3A_1106 : memref<1x128x128xf32, #tpu.memory_space<vmem>> -> memref<128x128xf32, #tpu.memory_space<vmem>>
        %dma_start3A_1108 = arith.constant 0 : i32
        %dma_start3A_1109 = arith.constant 0 : i32
        %dma_start3A_1110 = tpu.memref_slice %dma_start3A_1107[%dma_start3A_1108, %dma_start3A_1109] : memref<128x128xf32, #tpu.memory_space<vmem>> -> memref<1x128xf32, #tpu.memory_space<vmem>>
        %dma_start3A_1111 = arith.constant 99000 : i32
        %dma_start3A_1112 = arith.constant 0 : i32
        %dma_start3A_1113 = tpu.memref_slice %arg3[%dma_start3A_1111, %dma_start3A_1112] : memref<99001x128xf32, #tpu.memory_space<hbm>> -> memref<1x128xf32, #tpu.memory_space<hbm>>
        tpu.enqueue_dma source(%dma_start3A_1113 : memref<1x128xf32, #tpu.memory_space<hbm>>) target(%dma_start3A_1110 : memref<1x128xf32, #tpu.memory_space<vmem>>) target_semaphore(%run_scoped3A_1093 : memref<!tpu.dma_semaphore, #tpu.memory_space<semaphore_mem>>)
        %dma_wait3A_1114 = arith.constant 0 : i32
        %dma_wait3A_1115 = arith.constant 0 : i32
        %dma_wait3A_1116 = tpu.memref_slice %arg7[%run_scoped3A, %dma_wait3A_1114, %dma_wait3A_1115] : memref<4x128x128xf32, #tpu.memory_space<vmem>> -> memref<1x128x128xf32, #tpu.memory_space<vmem>>
        %dma_wait3A_1117 = tpu.memref_squeeze %dma_wait3A_1116 : memref<1x128x128xf32, #tpu.memory_space<vmem>> -> memref<128x128xf32, #tpu.memory_space<vmem>>
        %dma_wait3A_1118 = arith.constant 0 : i32
        %dma_wait3A_1119 = arith.constant 0 : i32
        %dma_wait3A_1120 = tpu.memref_slice %dma_wait3A_1117[%dma_wait3A_1118, %dma_wait3A_1119] : memref<128x128xf32, #tpu.memory_space<vmem>> -> memref<1x128xf32, #tpu.memory_space<vmem>>
        %dma_wait3A_1121 = arith.constant 99000 : i32
        %dma_wait3A_1122 = arith.constant 0 : i32
        %dma_wait3A_1123 = tpu.memref_slice %arg3[%dma_wait3A_1121, %dma_wait3A_1122] : memref<99001x128xf32, #tpu.memory_space<hbm>> -> memref<1x128xf32, #tpu.memory_space<hbm>>
        %dma_wait3A_1124 = arith.constant 0 : i32
        %dma_wait3A_1125 = arith.constant 0 : i32
        %dma_wait3A_1126 = tpu.memref_slice %arg7[%run_scoped3A, %dma_wait3A_1124, %dma_wait3A_1125] : memref<4x128x128xf32, #tpu.memory_space<vmem>> -> memref<1x128x128xf32, #tpu.memory_space<vmem>>
        %dma_wait3A_1127 = tpu.memref_squeeze %dma_wait3A_1126 : memref<1x128x128xf32, #tpu.memory_space<vmem>> -> memref<128x128xf32, #tpu.memory_space<vmem>>
        %dma_wait3A_1128 = arith.constant 0 : i32
        %dma_wait3A_1129 = arith.constant 0 : i32
        %dma_wait3A_1130 = tpu.memref_slice %dma_wait3A_1127[%dma_wait3A_1128, %dma_wait3A_1129] : memref<128x128xf32, #tpu.memory_space<vmem>> -> memref<1x128xf32, #tpu.memory_space<vmem>>
        %dma_wait3A_1131 = arith.constant 99000 : i32
        %dma_wait3A_1132 = arith.constant 0 : i32
        %dma_wait3A_1133 = tpu.memref_slice %arg3[%dma_wait3A_1131, %dma_wait3A_1132] : memref<99001x128xf32, #tpu.memory_space<hbm>> -> memref<1x128xf32, #tpu.memory_space<hbm>>
        tpu.wait_dma2 semaphore(%run_scoped3A_1093 : memref<!tpu.dma_semaphore, #tpu.memory_space<semaphore_mem>>) src(%dma_wait3A_1133 : memref<1x128xf32, #tpu.memory_space<hbm>>) dst(%dma_wait3A_1130 : memref<1x128xf32, #tpu.memory_space<vmem>>)
        tpu.yield
      }) : () -> ()
      %scan3A_821 = arith.constant 0 : i32
      %scan3A_822 = arith.constant 1 : i32
      %scan3A_823 = arith.constant 126 : i32
      %scan3A_824 = arith.addi %scan3A_822, %scan3A_823 : i32
      %scan3A_825 = arith.constant 2 : i32
      scf.for %scan3A_1093 = %scan3A_822 to %scan3A_824 step %scan3A_825  : i32 {
        %get3A_1094 = arith.constant 0 : i32
        %get3A_1095 = arith.constant 0 : i32
        %get3A_1096 = arith.index_cast %get3A_1094 : i32 to index
        %get3A_1097 = arith.index_cast %get3A_1095 : i32 to index
        %get3A_1098 = arith.constant 0 : index
        %get3A_1099 = tpu.vector_load %arg7[%get3A_1096, %get3A_1097, %get3A_1098] {strides = array<i32>} : memref<4x128x128xf32, #tpu.memory_space<vmem>>, vector<16xf32>,
        %mul3A_1100 = arith.constant 11.3137083 : f32
        %mul3A_1101 = vector.broadcast %mul3A_1100 : f32 to vector<16xf32>
        %mul3A_1102 = arith.mulf %get3A_1099, %mul3A_1101 : vector<16xf32>
        %swap3A_1103 = arith.constant 0 : i32
        %swap3A_1104 = arith.index_cast %swap3A_1103 : i32 to index
        %swap3A_1105 = arith.index_cast %scan3A_1093 : i32 to index
        %swap3A_1106 = arith.constant 0 : index
        %swap3A_1107 = tpu.vector_load %arg7[%swap3A_1104, %swap3A_1105, %swap3A_1106] {strides = array<i32>} : memref<4x128x128xf32, #tpu.memory_space<vmem>>, vector<16xf32>,
        tpu.vector_store %arg7[%swap3A_1104, %swap3A_1105, %swap3A_1106], %mul3A_1102 {strides = array<i32>} : memref<4x128x128xf32, #tpu.memory_space<vmem>>, vector<16xf32>,
        %get3A_1108 = arith.constant 0 : i32
        %get3A_1109 = arith.constant 0 : i32
        %get3A_1110 = arith.index_cast %get3A_1108 : i32 to index
        %get3A_1111 = arith.index_cast %get3A_1109 : i32 to index
        %get3A_1112 = arith.constant 16 : index
        %get3A_1113 = tpu.vector_load %arg7[%get3A_1110, %get3A_1111, %get3A_1112] {strides = array<i32>} : memref<4x128x128xf32, #tpu.memory_space<vmem>>, vector<16xf32>,
        %mul3A_1114 = arith.constant 11.3137083 : f32
        %mul3A_1115 = vector.broadcast %mul3A_1114 : f32 to vector<16xf32>
        %mul3A_1116 = arith.mulf %get3A_1113, %mul3A_1115 : vector<16xf32>
        %swap3A_1117 = arith.constant 0 : i32
        %swap3A_1118 = arith.index_cast %swap3A_1117 : i32 to index
        %swap3A_1119 = arith.index_cast %scan3A_1093 : i32 to index
        %swap3A_1120 = arith.constant 16 : index
        %swap3A_1121 = tpu.vector_load %arg7[%swap3A_1118, %swap3A_1119, %swap3A_1120] {strides = array<i32>} : memref<4x128x128xf32, #tpu.memory_space<vmem>>, vector<16xf32>,
        tpu.vector_store %arg7[%swap3A_1118, %swap3A_1119, %swap3A_1120], %mul3A_1116 {strides = array<i32>} : memref<4x128x128xf32, #tpu.memory_space<vmem>>, vector<16xf32>,
        %get3A_1122 = arith.constant 0 : i32
        %get3A_1123 = arith.constant 0 : i32
        %get3A_1124 = arith.index_cast %get3A_1122 : i32 to index
        %get3A_1125 = arith.index_cast %get3A_1123 : i32 to index
        %get3A_1126 = arith.constant 32 : index
        %get3A_1127 = tpu.vector_load %arg7[%get3A_1124, %get3A_1125, %get3A_1126] {strides = array<i32>} : memref<4x128x128xf32, #tpu.memory_space<vmem>>, vector<16xf32>,
        %mul3A_1128 = arith.constant 11.3137083 : f32
        %mul3A_1129 = vector.broadcast %mul3A_1128 : f32 to vector<16xf32>
        %mul3A_1130 = arith.mulf %get3A_1127, %mul3A_1129 : vector<16xf32>
        %swap3A_1131 = arith.constant 0 : i32
        %swap3A_1132 = arith.index_cast %swap3A_1131 : i32 to index
        %swap3A_1133 = arith.index_cast %scan3A_1093 : i32 to index
        %swap3A_1134 = arith.constant 32 : index
        %swap3A_1135 = tpu.vector_load %arg7[%swap3A_1132, %swap3A_1133, %swap3A_1134] {strides = array<i32>} : memref<4x128x128xf32, #tpu.memory_space<vmem>>, vector<16xf32>,
        tpu.vector_store %arg7[%swap3A_1132, %swap3A_1133, %swap3A_1134], %mul3A_1130 {strides = array<i32>} : memref<4x128x128xf32, #tpu.memory_space<vmem>>, vector<16xf32>,
        %get3A_1136 = arith.constant 0 : i32
        %get3A_1137 = arith.constant 0 : i32
        %get3A_1138 = arith.index_cast %get3A_1136 : i32 to index
        %get3A_1139 = arith.index_cast %get3A_1137 : i32 to index
        %get3A_1140 = arith.constant 48 : index
        %get3A_1141 = tpu.vector_load %arg7[%get3A_1138, %get3A_1139, %get3A_1140] {strides = array<i32>} : memref<4x128x128xf32, #tpu.memory_space<vmem>>, vector<16xf32>,
        %mul3A_1142 = arith.constant 11.3137083 : f32
        %mul3A_1143 = vector.broadcast %mul3A_1142 : f32 to vector<16xf32>
        %mul3A_1144 = arith.mulf %get3A_1141, %mul3A_1143 : vector<16xf32>
        %swap3A_1145 = arith.constant 0 : i32
        %swap3A_1146 = arith.index_cast %swap3A_1145 : i32 to index
        %swap3A_1147 = arith.index_cast %scan3A_1093 : i32 to index
        %swap3A_1148 = arith.constant 48 : index
        %swap3A_1149 = tpu.vector_load %arg7[%swap3A_1146, %swap3A_1147, %swap3A_1148] {strides = array<i32>} : memref<4x128x128xf32, #tpu.memory_space<vmem>>, vector<16xf32>,
        tpu.vector_store %arg7[%swap3A_1146, %swap3A_1147, %swap3A_1148], %mul3A_1144 {strides = array<i32>} : memref<4x128x128xf32, #tpu.memory_space<vmem>>, vector<16xf32>,
        %get3A_1150 = arith.constant 0 : i32
        %get3A_1151 = arith.constant 0 : i32
        %get3A_1152 = arith.index_cast %get3A_1150 : i32 to index
        %get3A_1153 = arith.index_cast %get3A_1151 : i32 to index
        %get3A_1154 = arith.constant 64 : index
        %get3A_1155 = tpu.vector_load %arg7[%get3A_1152, %get3A_1153, %get3A_1154] {strides = array<i32>} : memref<4x128x128xf32, #tpu.memory_space<vmem>>, vector<16xf32>,
        %mul3A_1156 = arith.constant 11.3137083 : f32
        %mul3A_1157 = vector.broadcast %mul3A_1156 : f32 to vector<16xf32>
        %mul3A_1158 = arith.mulf %get3A_1155, %mul3A_1157 : vector<16xf32>
        %swap3A_1159 = arith.constant 0 : i32
        %swap3A_1160 = arith.index_cast %swap3A_1159 : i32 to index
        %swap3A_1161 = arith.index_cast %scan3A_1093 : i32 to index
        %swap3A_1162 = arith.constant 64 : index
        %swap3A_1163 = tpu.vector_load %arg7[%swap3A_1160, %swap3A_1161, %swap3A_1162] {strides = array<i32>} : memref<4x128x128xf32, #tpu.memory_space<vmem>>, vector<16xf32>,
        tpu.vector_store %arg7[%swap3A_1160, %swap3A_1161, %swap3A_1162], %mul3A_1158 {strides = array<i32>} : memref<4x128x128xf32, #tpu.memory_space<vmem>>, vector<16xf32>,
        %get3A_1164 = arith.constant 0 : i32
        %get3A_1165 = arith.constant 0 : i32
        %get3A_1166 = arith.index_cast %get3A_1164 : i32 to index
        %get3A_1167 = arith.index_cast %get3A_1165 : i32 to index
        %get3A_1168 = arith.constant 80 : index
        %get3A_1169 = tpu.vector_load %arg7[%get3A_1166, %get3A_1167, %get3A_1168] {strides = array<i32>} : memref<4x128x128xf32, #tpu.memory_space<vmem>>, vector<16xf32>,
        %mul3A_1170 = arith.constant 11.3137083 : f32
        %mul3A_1171 = vector.broadcast %mul3A_1170 : f32 to vector<16xf32>
        %mul3A_1172 = arith.mulf %get3A_1169, %mul3A_1171 : vector<16xf32>
        %swap3A_1173 = arith.constant 0 : i32
        %swap3A_1174 = arith.index_cast %swap3A_1173 : i32 to index
        %swap3A_1175 = arith.index_cast %scan3A_1093 : i32 to index
        %swap3A_1176 = arith.constant 80 : index
        %swap3A_1177 = tpu.vector_load %arg7[%swap3A_1174, %swap3A_1175, %swap3A_1176] {strides = array<i32>} : memref<4x128x128xf32, #tpu.memory_space<vmem>>, vector<16xf32>,
        tpu.vector_store %arg7[%swap3A_1174, %swap3A_1175, %swap3A_1176], %mul3A_1172 {strides = array<i32>} : memref<4x128x128xf32, #tpu.memory_space<vmem>>, vector<16xf32>,
        %get3A_1178 = arith.constant 0 : i32
        %get3A_1179 = arith.constant 0 : i32
        %get3A_1180 = arith.index_cast %get3A_1178 : i32 to index
        %get3A_1181 = arith.index_cast %get3A_1179 : i32 to index
        %get3A_1182 = arith.constant 96 : index
        %get3A_1183 = tpu.vector_load %arg7[%get3A_1180, %get3A_1181, %get3A_1182] {strides = array<i32>} : memref<4x128x128xf32, #tpu.memory_space<vmem>>, vector<16xf32>,
        %mul3A_1184 = arith.constant 11.3137083 : f32
        %mul3A_1185 = vector.broadcast %mul3A_1184 : f32 to vector<16xf32>
        %mul3A_1186 = arith.mulf %get3A_1183, %mul3A_1185 : vector<16xf32>
        %swap3A_1187 = arith.constant 0 : i32
        %swap3A_1188 = arith.index_cast %swap3A_1187 : i32 to index
        %swap3A_1189 = arith.index_cast %scan3A_1093 : i32 to index
        %swap3A_1190 = arith.constant 96 : index
        %swap3A_1191 = tpu.vector_load %arg7[%swap3A_1188, %swap3A_1189, %swap3A_1190] {strides = array<i32>} : memref<4x128x128xf32, #tpu.memory_space<vmem>>, vector<16xf32>,
        tpu.vector_store %arg7[%swap3A_1188, %swap3A_1189, %swap3A_1190], %mul3A_1186 {strides = array<i32>} : memref<4x128x128xf32, #tpu.memory_space<vmem>>, vector<16xf32>,
        %get3A_1192 = arith.constant 0 : i32
        %get3A_1193 = arith.constant 0 : i32
        %get3A_1194 = arith.index_cast %get3A_1192 : i32 to index
        %get3A_1195 = arith.index_cast %get3A_1193 : i32 to index
        %get3A_1196 = arith.constant 112 : index
        %get3A_1197 = tpu.vector_load %arg7[%get3A_1194, %get3A_1195, %get3A_1196] {strides = array<i32>} : memref<4x128x128xf32, #tpu.memory_space<vmem>>, vector<16xf32>,
        %mul3A_1198 = arith.constant 11.3137083 : f32
        %mul3A_1199 = vector.broadcast %mul3A_1198 : f32 to vector<16xf32>
        %mul3A_1200 = arith.mulf %get3A_1197, %mul3A_1199 : vector<16xf32>
        %swap3A_1201 = arith.constant 0 : i32
        %swap3A_1202 = arith.index_cast %swap3A_1201 : i32 to index
        %swap3A_1203 = arith.index_cast %scan3A_1093 : i32 to index
        %swap3A_1204 = arith.constant 112 : index
        %swap3A_1205 = tpu.vector_load %arg7[%swap3A_1202, %swap3A_1203, %swap3A_1204] {strides = array<i32>} : memref<4x128x128xf32, #tpu.memory_space<vmem>>, vector<16xf32>,
        tpu.vector_store %arg7[%swap3A_1202, %swap3A_1203, %swap3A_1204], %mul3A_1200 {strides = array<i32>} : memref<4x128x128xf32, #tpu.memory_space<vmem>>, vector<16xf32>,
        %scan3A_1206 = arith.constant 1 : i32
        %scan3A_1207 = arith.addi %scan3A_1093, %scan3A_1206 : i32
        %get3A_1208 = arith.constant 0 : i32
        %get3A_1209 = arith.constant 0 : i32
        %get3A_1210 = arith.index_cast %get3A_1208 : i32 to index
        %get3A_1211 = arith.index_cast %get3A_1209 : i32 to index
        %get3A_1212 = arith.constant 0 : index
        %get3A_1213 = tpu.vector_load %arg7[%get3A_1210, %get3A_1211, %get3A_1212] {strides = array<i32>} : memref<4x128x128xf32, #tpu.memory_space<vmem>>, vector<16xf32>,
        %mul3A_1214 = arith.constant 11.3137083 : f32
        %mul3A_1215 = vector.broadcast %mul3A_1214 : f32 to vector<16xf32>
        %mul3A_1216 = arith.mulf %get3A_1213, %mul3A_1215 : vector<16xf32>
        %swap3A_1217 = arith.constant 0 : i32
        %swap3A_1218 = arith.index_cast %swap3A_1217 : i32 to index
        %swap3A_1219 = arith.index_cast %scan3A_1207 : i32 to index
        %swap3A_1220 = arith.constant 0 : index
        %swap3A_1221 = tpu.vector_load %arg7[%swap3A_1218, %swap3A_1219, %swap3A_1220] {strides = array<i32>} : memref<4x128x128xf32, #tpu.memory_space<vmem>>, vector<16xf32>,
        tpu.vector_store %arg7[%swap3A_1218, %swap3A_1219, %swap3A_1220], %mul3A_1216 {strides = array<i32>} : memref<4x128x128xf32, #tpu.memory_space<vmem>>, vector<16xf32>,
        %get3A_1222 = arith.constant 0 : i32
        %get3A_1223 = arith.constant 0 : i32
        %get3A_1224 = arith.index_cast %get3A_1222 : i32 to index
        %get3A_1225 = arith.index_cast %get3A_1223 : i32 to index
        %get3A_1226 = arith.constant 16 : index
        %get3A_1227 = tpu.vector_load %arg7[%get3A_1224, %get3A_1225, %get3A_1226] {strides = array<i32>} : memref<4x128x128xf32, #tpu.memory_space<vmem>>, vector<16xf32>,
        %mul3A_1228 = arith.constant 11.3137083 : f32
        %mul3A_1229 = vector.broadcast %mul3A_1228 : f32 to vector<16xf32>
        %mul3A_1230 = arith.mulf %get3A_1227, %mul3A_1229 : vector<16xf32>
        %swap3A_1231 = arith.constant 0 : i32
        %swap3A_1232 = arith.index_cast %swap3A_1231 : i32 to index
        %swap3A_1233 = arith.index_cast %scan3A_1207 : i32 to index
        %swap3A_1234 = arith.constant 16 : index
        %swap3A_1235 = tpu.vector_load %arg7[%swap3A_1232, %swap3A_1233, %swap3A_1234] {strides = array<i32>} : memref<4x128x128xf32, #tpu.memory_space<vmem>>, vector<16xf32>,
        tpu.vector_store %arg7[%swap3A_1232, %swap3A_1233, %swap3A_1234], %mul3A_1230 {strides = array<i32>} : memref<4x128x128xf32, #tpu.memory_space<vmem>>, vector<16xf32>,
        %get3A_1236 = arith.constant 0 : i32
        %get3A_1237 = arith.constant 0 : i32
        %get3A_1238 = arith.index_cast %get3A_1236 : i32 to index
        %get3A_1239 = arith.index_cast %get3A_1237 : i32 to index
        %get3A_1240 = arith.constant 32 : index
        %get3A_1241 = tpu.vector_load %arg7[%get3A_1238, %get3A_1239, %get3A_1240] {strides = array<i32>} : memref<4x128x128xf32, #tpu.memory_space<vmem>>, vector<16xf32>,
        %mul3A_1242 = arith.constant 11.3137083 : f32
        %mul3A_1243 = vector.broadcast %mul3A_1242 : f32 to vector<16xf32>
        %mul3A_1244 = arith.mulf %get3A_1241, %mul3A_1243 : vector<16xf32>
        %swap3A_1245 = arith.constant 0 : i32
        %swap3A_1246 = arith.index_cast %swap3A_1245 : i32 to index
        %swap3A_1247 = arith.index_cast %scan3A_1207 : i32 to index
        %swap3A_1248 = arith.constant 32 : index
        %swap3A_1249 = tpu.vector_load %arg7[%swap3A_1246, %swap3A_1247, %swap3A_1248] {strides = array<i32>} : memref<4x128x128xf32, #tpu.memory_space<vmem>>, vector<16xf32>,
        tpu.vector_store %arg7[%swap3A_1246, %swap3A_1247, %swap3A_1248], %mul3A_1244 {strides = array<i32>} : memref<4x128x128xf32, #tpu.memory_space<vmem>>, vector<16xf32>,
        %get3A_1250 = arith.constant 0 : i32
        %get3A_1251 = arith.constant 0 : i32
        %get3A_1252 = arith.index_cast %get3A_1250 : i32 to index
        %get3A_1253 = arith.index_cast %get3A_1251 : i32 to index
        %get3A_1254 = arith.constant 48 : index
        %get3A_1255 = tpu.vector_load %arg7[%get3A_1252, %get3A_1253, %get3A_1254] {strides = array<i32>} : memref<4x128x128xf32, #tpu.memory_space<vmem>>, vector<16xf32>,
        %mul3A_1256 = arith.constant 11.3137083 : f32
        %mul3A_1257 = vector.broadcast %mul3A_1256 : f32 to vector<16xf32>
        %mul3A_1258 = arith.mulf %get3A_1255, %mul3A_1257 : vector<16xf32>
        %swap3A_1259 = arith.constant 0 : i32
        %swap3A_1260 = arith.index_cast %swap3A_1259 : i32 to index
        %swap3A_1261 = arith.index_cast %scan3A_1207 : i32 to index
        %swap3A_1262 = arith.constant 48 : index
        %swap3A_1263 = tpu.vector_load %arg7[%swap3A_1260, %swap3A_1261, %swap3A_1262] {strides = array<i32>} : memref<4x128x128xf32, #tpu.memory_space<vmem>>, vector<16xf32>,
        tpu.vector_store %arg7[%swap3A_1260, %swap3A_1261, %swap3A_1262], %mul3A_1258 {strides = array<i32>} : memref<4x128x128xf32, #tpu.memory_space<vmem>>, vector<16xf32>,
        %get3A_1264 = arith.constant 0 : i32
        %get3A_1265 = arith.constant 0 : i32
        %get3A_1266 = arith.index_cast %get3A_1264 : i32 to index
        %get3A_1267 = arith.index_cast %get3A_1265 : i32 to index
        %get3A_1268 = arith.constant 64 : index
        %get3A_1269 = tpu.vector_load %arg7[%get3A_1266, %get3A_1267, %get3A_1268] {strides = array<i32>} : memref<4x128x128xf32, #tpu.memory_space<vmem>>, vector<16xf32>,
        %mul3A_1270 = arith.constant 11.3137083 : f32
        %mul3A_1271 = vector.broadcast %mul3A_1270 : f32 to vector<16xf32>
        %mul3A_1272 = arith.mulf %get3A_1269, %mul3A_1271 : vector<16xf32>
        %swap3A_1273 = arith.constant 0 : i32
        %swap3A_1274 = arith.index_cast %swap3A_1273 : i32 to index
        %swap3A_1275 = arith.index_cast %scan3A_1207 : i32 to index
        %swap3A_1276 = arith.constant 64 : index
        %swap3A_1277 = tpu.vector_load %arg7[%swap3A_1274, %swap3A_1275, %swap3A_1276] {strides = array<i32>} : memref<4x128x128xf32, #tpu.memory_space<vmem>>, vector<16xf32>,
        tpu.vector_store %arg7[%swap3A_1274, %swap3A_1275, %swap3A_1276], %mul3A_1272 {strides = array<i32>} : memref<4x128x128xf32, #tpu.memory_space<vmem>>, vector<16xf32>,
        %get3A_1278 = arith.constant 0 : i32
        %get3A_1279 = arith.constant 0 : i32
        %get3A_1280 = arith.index_cast %get3A_1278 : i32 to index
        %get3A_1281 = arith.index_cast %get3A_1279 : i32 to index
        %get3A_1282 = arith.constant 80 : index
        %get3A_1283 = tpu.vector_load %arg7[%get3A_1280, %get3A_1281, %get3A_1282] {strides = array<i32>} : memref<4x128x128xf32, #tpu.memory_space<vmem>>, vector<16xf32>,
        %mul3A_1284 = arith.constant 11.3137083 : f32
        %mul3A_1285 = vector.broadcast %mul3A_1284 : f32 to vector<16xf32>
        %mul3A_1286 = arith.mulf %get3A_1283, %mul3A_1285 : vector<16xf32>
        %swap3A_1287 = arith.constant 0 : i32
        %swap3A_1288 = arith.index_cast %swap3A_1287 : i32 to index
        %swap3A_1289 = arith.index_cast %scan3A_1207 : i32 to index
        %swap3A_1290 = arith.constant 80 : index
        %swap3A_1291 = tpu.vector_load %arg7[%swap3A_1288, %swap3A_1289, %swap3A_1290] {strides = array<i32>} : memref<4x128x128xf32, #tpu.memory_space<vmem>>, vector<16xf32>,
        tpu.vector_store %arg7[%swap3A_1288, %swap3A_1289, %swap3A_1290], %mul3A_1286 {strides = array<i32>} : memref<4x128x128xf32, #tpu.memory_space<vmem>>, vector<16xf32>,
        %get3A_1292 = arith.constant 0 : i32
        %get3A_1293 = arith.constant 0 : i32
        %get3A_1294 = arith.index_cast %get3A_1292 : i32 to index
        %get3A_1295 = arith.index_cast %get3A_1293 : i32 to index
        %get3A_1296 = arith.constant 96 : index
        %get3A_1297 = tpu.vector_load %arg7[%get3A_1294, %get3A_1295, %get3A_1296] {strides = array<i32>} : memref<4x128x128xf32, #tpu.memory_space<vmem>>, vector<16xf32>,
        %mul3A_1298 = arith.constant 11.3137083 : f32
        %mul3A_1299 = vector.broadcast %mul3A_1298 : f32 to vector<16xf32>
        %mul3A_1300 = arith.mulf %get3A_1297, %mul3A_1299 : vector<16xf32>
        %swap3A_1301 = arith.constant 0 : i32
        %swap3A_1302 = arith.index_cast %swap3A_1301 : i32 to index
        %swap3A_1303 = arith.index_cast %scan3A_1207 : i32 to index
        %swap3A_1304 = arith.constant 96 : index
        %swap3A_1305 = tpu.vector_load %arg7[%swap3A_1302, %swap3A_1303, %swap3A_1304] {strides = array<i32>} : memref<4x128x128xf32, #tpu.memory_space<vmem>>, vector<16xf32>,
        tpu.vector_store %arg7[%swap3A_1302, %swap3A_1303, %swap3A_1304], %mul3A_1300 {strides = array<i32>} : memref<4x128x128xf32, #tpu.memory_space<vmem>>, vector<16xf32>,
        %get3A_1306 = arith.constant 0 : i32
        %get3A_1307 = arith.constant 0 : i32
        %get3A_1308 = arith.index_cast %get3A_1306 : i32 to index
        %get3A_1309 = arith.index_cast %get3A_1307 : i32 to index
        %get3A_1310 = arith.constant 112 : index
        %get3A_1311 = tpu.vector_load %arg7[%get3A_1308, %get3A_1309, %get3A_1310] {strides = array<i32>} : memref<4x128x128xf32, #tpu.memory_space<vmem>>, vector<16xf32>,
        %mul3A_1312 = arith.constant 11.3137083 : f32
        %mul3A_1313 = vector.broadcast %mul3A_1312 : f32 to vector<16xf32>
        %mul3A_1314 = arith.mulf %get3A_1311, %mul3A_1313 : vector<16xf32>
        %swap3A_1315 = arith.constant 0 : i32
        %swap3A_1316 = arith.index_cast %swap3A_1315 : i32 to index
        %swap3A_1317 = arith.index_cast %scan3A_1207 : i32 to index
        %swap3A_1318 = arith.constant 112 : index
        %swap3A_1319 = tpu.vector_load %arg7[%swap3A_1316, %swap3A_1317, %swap3A_1318] {strides = array<i32>} : memref<4x128x128xf32, #tpu.memory_space<vmem>>, vector<16xf32>,
        tpu.vector_store %arg7[%swap3A_1316, %swap3A_1317, %swap3A_1318], %mul3A_1314 {strides = array<i32>} : memref<4x128x128xf32, #tpu.memory_space<vmem>>, vector<16xf32>,
      }
      %scan3A_826 = arith.constant 126 : i32
      %scan3A_827 = arith.addi %scan3A_822, %scan3A_826 : i32
      %get3A_828 = arith.constant 0 : i32
      %get3A_829 = arith.constant 0 : i32
      %get3A_830 = arith.index_cast %get3A_828 : i32 to index
      %get3A_831 = arith.index_cast %get3A_829 : i32 to index
      %get3A_832 = arith.constant 0 : index
      %get3A_833 = tpu.vector_load %arg7[%get3A_830, %get3A_831, %get3A_832] {strides = array<i32>} : memref<4x128x128xf32, #tpu.memory_space<vmem>>, vector<16xf32>,
      %mul3A_834 = arith.constant 11.3137083 : f32
      %mul3A_835 = vector.broadcast %mul3A_834 : f32 to vector<16xf32>
      %mul3A_836 = arith.mulf %get3A_833, %mul3A_835 : vector<16xf32>
      %swap3A_837 = arith.constant 0 : i32
      %swap3A_838 = arith.index_cast %swap3A_837 : i32 to index
      %swap3A_839 = arith.index_cast %scan3A_827 : i32 to index
      %swap3A_840 = arith.constant 0 : index
      %swap3A_841 = tpu.vector_load %arg7[%swap3A_838, %swap3A_839, %swap3A_840] {strides = array<i32>} : memref<4x128x128xf32, #tpu.memory_space<vmem>>, vector<16xf32>,
      tpu.vector_store %arg7[%swap3A_838, %swap3A_839, %swap3A_840], %mul3A_836 {strides = array<i32>} : memref<4x128x128xf32, #tpu.memory_space<vmem>>, vector<16xf32>,
      %get3A_842 = arith.constant 0 : i32
      %get3A_843 = arith.constant 0 : i32
      %get3A_844 = arith.index_cast %get3A_842 : i32 to index
      %get3A_845 = arith.index_cast %get3A_843 : i32 to index
      %get3A_846 = arith.constant 16 : index
      %get3A_847 = tpu.vector_load %arg7[%get3A_844, %get3A_845, %get3A_846] {strides = array<i32>} : memref<4x128x128xf32, #tpu.memory_space<vmem>>, vector<16xf32>,
      %mul3A_848 = arith.constant 11.3137083 : f32
      %mul3A_849 = vector.broadcast %mul3A_848 : f32 to vector<16xf32>
      %mul3A_850 = arith.mulf %get3A_847, %mul3A_849 : vector<16xf32>
      %swap3A_851 = arith.constant 0 : i32
      %swap3A_852 = arith.index_cast %swap3A_851 : i32 to index
      %swap3A_853 = arith.index_cast %scan3A_827 : i32 to index
      %swap3A_854 = arith.constant 16 : index
      %swap3A_855 = tpu.vector_load %arg7[%swap3A_852, %swap3A_853, %swap3A_854] {strides = array<i32>} : memref<4x128x128xf32, #tpu.memory_space<vmem>>, vector<16xf32>,
      tpu.vector_store %arg7[%swap3A_852, %swap3A_853, %swap3A_854], %mul3A_850 {strides = array<i32>} : memref<4x128x128xf32, #tpu.memory_space<vmem>>, vector<16xf32>,
      %get3A_856 = arith.constant 0 : i32
      %get3A_857 = arith.constant 0 : i32
      %get3A_858 = arith.index_cast %get3A_856 : i32 to index
      %get3A_859 = arith.index_cast %get3A_857 : i32 to index
      %get3A_860 = arith.constant 32 : index
      %get3A_861 = tpu.vector_load %arg7[%get3A_858, %get3A_859, %get3A_860] {strides = array<i32>} : memref<4x128x128xf32, #tpu.memory_space<vmem>>, vector<16xf32>,
      %mul3A_862 = arith.constant 11.3137083 : f32
      %mul3A_863 = vector.broadcast %mul3A_862 : f32 to vector<16xf32>
      %mul3A_864 = arith.mulf %get3A_861, %mul3A_863 : vector<16xf32>
      %swap3A_865 = arith.constant 0 : i32
      %swap3A_866 = arith.index_cast %swap3A_865 : i32 to index
      %swap3A_867 = arith.index_cast %scan3A_827 : i32 to index
      %swap3A_868 = arith.constant 32 : index
      %swap3A_869 = tpu.vector_load %arg7[%swap3A_866, %swap3A_867, %swap3A_868] {strides = array<i32>} : memref<4x128x128xf32, #tpu.memory_space<vmem>>, vector<16xf32>,
      tpu.vector_store %arg7[%swap3A_866, %swap3A_867, %swap3A_868], %mul3A_864 {strides = array<i32>} : memref<4x128x128xf32, #tpu.memory_space<vmem>>, vector<16xf32>,
      %get3A_870 = arith.constant 0 : i32
      %get3A_871 = arith.constant 0 : i32
      %get3A_872 = arith.index_cast %get3A_870 : i32 to index
      %get3A_873 = arith.index_cast %get3A_871 : i32 to index
      %get3A_874 = arith.constant 48 : index
      %get3A_875 = tpu.vector_load %arg7[%get3A_872, %get3A_873, %get3A_874] {strides = array<i32>} : memref<4x128x128xf32, #tpu.memory_space<vmem>>, vector<16xf32>,
      %mul3A_876 = arith.constant 11.3137083 : f32
      %mul3A_877 = vector.broadcast %mul3A_876 : f32 to vector<16xf32>
      %mul3A_878 = arith.mulf %get3A_875, %mul3A_877 : vector<16xf32>
      %swap3A_879 = arith.constant 0 : i32
      %swap3A_880 = arith.index_cast %swap3A_879 : i32 to index
      %swap3A_881 = arith.index_cast %scan3A_827 : i32 to index
      %swap3A_882 = arith.constant 48 : index
      %swap3A_883 = tpu.vector_load %arg7[%swap3A_880, %swap3A_881, %swap3A_882] {strides = array<i32>} : memref<4x128x128xf32, #tpu.memory_space<vmem>>, vector<16xf32>,
      tpu.vector_store %arg7[%swap3A_880, %swap3A_881, %swap3A_882], %mul3A_878 {strides = array<i32>} : memref<4x128x128xf32, #tpu.memory_space<vmem>>, vector<16xf32>,
      %get3A_884 = arith.constant 0 : i32
      %get3A_885 = arith.constant 0 : i32
      %get3A_886 = arith.index_cast %get3A_884 : i32 to index
      %get3A_887 = arith.index_cast %get3A_885 : i32 to index
      %get3A_888 = arith.constant 64 : index
      %get3A_889 = tpu.vector_load %arg7[%get3A_886, %get3A_887, %get3A_888] {strides = array<i32>} : memref<4x128x128xf32, #tpu.memory_space<vmem>>, vector<16xf32>,
      %mul3A_890 = arith.constant 11.3137083 : f32
      %mul3A_891 = vector.broadcast %mul3A_890 : f32 to vector<16xf32>
      %mul3A_892 = arith.mulf %get3A_889, %mul3A_891 : vector<16xf32>
      %swap3A_893 = arith.constant 0 : i32
      %swap3A_894 = arith.index_cast %swap3A_893 : i32 to index
      %swap3A_895 = arith.index_cast %scan3A_827 : i32 to index
      %swap3A_896 = arith.constant 64 : index
      %swap3A_897 = tpu.vector_load %arg7[%swap3A_894, %swap3A_895, %swap3A_896] {strides = array<i32>} : memref<4x128x128xf32, #tpu.memory_space<vmem>>, vector<16xf32>,
      tpu.vector_store %arg7[%swap3A_894, %swap3A_895, %swap3A_896], %mul3A_892 {strides = array<i32>} : memref<4x128x128xf32, #tpu.memory_space<vmem>>, vector<16xf32>,
      %get3A_898 = arith.constant 0 : i32
      %get3A_899 = arith.constant 0 : i32
      %get3A_900 = arith.index_cast %get3A_898 : i32 to index
      %get3A_901 = arith.index_cast %get3A_899 : i32 to index
      %get3A_902 = arith.constant 80 : index
      %get3A_903 = tpu.vector_load %arg7[%get3A_900, %get3A_901, %get3A_902] {strides = array<i32>} : memref<4x128x128xf32, #tpu.memory_space<vmem>>, vector<16xf32>,
      %mul3A_904 = arith.constant 11.3137083 : f32
      %mul3A_905 = vector.broadcast %mul3A_904 : f32 to vector<16xf32>
      %mul3A_906 = arith.mulf %get3A_903, %mul3A_905 : vector<16xf32>
      %swap3A_907 = arith.constant 0 : i32
      %swap3A_908 = arith.index_cast %swap3A_907 : i32 to index
      %swap3A_909 = arith.index_cast %scan3A_827 : i32 to index
      %swap3A_910 = arith.constant 80 : index
      %swap3A_911 = tpu.vector_load %arg7[%swap3A_908, %swap3A_909, %swap3A_910] {strides = array<i32>} : memref<4x128x128xf32, #tpu.memory_space<vmem>>, vector<16xf32>,
      tpu.vector_store %arg7[%swap3A_908, %swap3A_909, %swap3A_910], %mul3A_906 {strides = array<i32>} : memref<4x128x128xf32, #tpu.memory_space<vmem>>, vector<16xf32>,
      %get3A_912 = arith.constant 0 : i32
      %get3A_913 = arith.constant 0 : i32
      %get3A_914 = arith.index_cast %get3A_912 : i32 to index
      %get3A_915 = arith.index_cast %get3A_913 : i32 to index
      %get3A_916 = arith.constant 96 : index
      %get3A_917 = tpu.vector_load %arg7[%get3A_914, %get3A_915, %get3A_916] {strides = array<i32>} : memref<4x128x128xf32, #tpu.memory_space<vmem>>, vector<16xf32>,
      %mul3A_918 = arith.constant 11.3137083 : f32
      %mul3A_919 = vector.broadcast %mul3A_918 : f32 to vector<16xf32>
      %mul3A_920 = arith.mulf %get3A_917, %mul3A_919 : vector<16xf32>
      %swap3A_921 = arith.constant 0 : i32
      %swap3A_922 = arith.index_cast %swap3A_921 : i32 to index
      %swap3A_923 = arith.index_cast %scan3A_827 : i32 to index
      %swap3A_924 = arith.constant 96 : index
      %swap3A_925 = tpu.vector_load %arg7[%swap3A_922, %swap3A_923, %swap3A_924] {strides = array<i32>} : memref<4x128x128xf32, #tpu.memory_space<vmem>>, vector<16xf32>,
      tpu.vector_store %arg7[%swap3A_922, %swap3A_923, %swap3A_924], %mul3A_920 {strides = array<i32>} : memref<4x128x128xf32, #tpu.memory_space<vmem>>, vector<16xf32>,
      %get3A_926 = arith.constant 0 : i32
      %get3A_927 = arith.constant 0 : i32
      %get3A_928 = arith.index_cast %get3A_926 : i32 to index
      %get3A_929 = arith.index_cast %get3A_927 : i32 to index
      %get3A_930 = arith.constant 112 : index
      %get3A_931 = tpu.vector_load %arg7[%get3A_928, %get3A_929, %get3A_930] {strides = array<i32>} : memref<4x128x128xf32, #tpu.memory_space<vmem>>, vector<16xf32>,
      %mul3A_932 = arith.constant 11.3137083 : f32
      %mul3A_933 = vector.broadcast %mul3A_932 : f32 to vector<16xf32>
      %mul3A_934 = arith.mulf %get3A_931, %mul3A_933 : vector<16xf32>
      %swap3A_935 = arith.constant 0 : i32
      %swap3A_936 = arith.index_cast %swap3A_935 : i32 to index
      %swap3A_937 = arith.index_cast %scan3A_827 : i32 to index
      %swap3A_938 = arith.constant 112 : index
      %swap3A_939 = tpu.vector_load %arg7[%swap3A_936, %swap3A_937, %swap3A_938] {strides = array<i32>} : memref<4x128x128xf32, #tpu.memory_space<vmem>>, vector<16xf32>,
      tpu.vector_store %arg7[%swap3A_936, %swap3A_937, %swap3A_938], %mul3A_934 {strides = array<i32>} : memref<4x128x128xf32, #tpu.memory_space<vmem>>, vector<16xf32>,
      %scan3A_940 = arith.constant 127 : i32
      %get3A_941 = arith.constant 0 : i32
      %get3A_942 = arith.constant 0 : i32
      %get3A_943 = arith.index_cast %get3A_941 : i32 to index
      %get3A_944 = arith.index_cast %get3A_942 : i32 to index
      %get3A_945 = arith.constant 0 : index
      %get3A_946 = tpu.vector_load %arg7[%get3A_943, %get3A_944, %get3A_945] {strides = array<i32>} : memref<4x128x128xf32, #tpu.memory_space<vmem>>, vector<16xf32>,
      %mul3A_947 = arith.constant 11.3137083 : f32
      %mul3A_948 = vector.broadcast %mul3A_947 : f32 to vector<16xf32>
      %mul3A_949 = arith.mulf %get3A_946, %mul3A_948 : vector<16xf32>
      %swap3A_950 = arith.constant 0 : i32
      %swap3A_951 = arith.constant 0 : i32
      %swap3A_952 = arith.index_cast %swap3A_950 : i32 to index
      %swap3A_953 = arith.index_cast %swap3A_951 : i32 to index
      %swap3A_954 = arith.constant 0 : index
      %swap3A_955 = tpu.vector_load %arg7[%swap3A_952, %swap3A_953, %swap3A_954] {strides = array<i32>} : memref<4x128x128xf32, #tpu.memory_space<vmem>>, vector<16xf32>,
      tpu.vector_store %arg7[%swap3A_952, %swap3A_953, %swap3A_954], %mul3A_949 {strides = array<i32>} : memref<4x128x128xf32, #tpu.memory_space<vmem>>, vector<16xf32>,
      %get3A_956 = arith.constant 0 : i32
      %get3A_957 = arith.constant 0 : i32
      %get3A_958 = arith.index_cast %get3A_956 : i32 to index
      %get3A_959 = arith.index_cast %get3A_957 : i32 to index
      %get3A_960 = arith.constant 16 : index
      %get3A_961 = tpu.vector_load %arg7[%get3A_958, %get3A_959, %get3A_960] {strides = array<i32>} : memref<4x128x128xf32, #tpu.memory_space<vmem>>, vector<16xf32>,
      %mul3A_962 = arith.constant 11.3137083 : f32
      %mul3A_963 = vector.broadcast %mul3A_962 : f32 to vector<16xf32>
      %mul3A_964 = arith.mulf %get3A_961, %mul3A_963 : vector<16xf32>
      %swap3A_965 = arith.constant 0 : i32
      %swap3A_966 = arith.constant 0 : i32
      %swap3A_967 = arith.index_cast %swap3A_965 : i32 to index
      %swap3A_968 = arith.index_cast %swap3A_966 : i32 to index
      %swap3A_969 = arith.constant 16 : index
      %swap3A_970 = tpu.vector_load %arg7[%swap3A_967, %swap3A_968, %swap3A_969] {strides = array<i32>} : memref<4x128x128xf32, #tpu.memory_space<vmem>>, vector<16xf32>,
      tpu.vector_store %arg7[%swap3A_967, %swap3A_968, %swap3A_969], %mul3A_964 {strides = array<i32>} : memref<4x128x128xf32, #tpu.memory_space<vmem>>, vector<16xf32>,
      %get3A_971 = arith.constant 0 : i32
      %get3A_972 = arith.constant 0 : i32
      %get3A_973 = arith.index_cast %get3A_971 : i32 to index
      %get3A_974 = arith.index_cast %get3A_972 : i32 to index
      %get3A_975 = arith.constant 32 : index
      %get3A_976 = tpu.vector_load %arg7[%get3A_973, %get3A_974, %get3A_975] {strides = array<i32>} : memref<4x128x128xf32, #tpu.memory_space<vmem>>, vector<16xf32>,
      %mul3A_977 = arith.constant 11.3137083 : f32
      %mul3A_978 = vector.broadcast %mul3A_977 : f32 to vector<16xf32>
      %mul3A_979 = arith.mulf %get3A_976, %mul3A_978 : vector<16xf32>
      %swap3A_980 = arith.constant 0 : i32
      %swap3A_981 = arith.constant 0 : i32
      %swap3A_982 = arith.index_cast %swap3A_980 : i32 to index
      %swap3A_983 = arith.index_cast %swap3A_981 : i32 to index
      %swap3A_984 = arith.constant 32 : index
      %swap3A_985 = tpu.vector_load %arg7[%swap3A_982, %swap3A_983, %swap3A_984] {strides = array<i32>} : memref<4x128x128xf32, #tpu.memory_space<vmem>>, vector<16xf32>,
      tpu.vector_store %arg7[%swap3A_982, %swap3A_983, %swap3A_984], %mul3A_979 {strides = array<i32>} : memref<4x128x128xf32, #tpu.memory_space<vmem>>, vector<16xf32>,
      %get3A_986 = arith.constant 0 : i32
      %get3A_987 = arith.constant 0 : i32
      %get3A_988 = arith.index_cast %get3A_986 : i32 to index
      %get3A_989 = arith.index_cast %get3A_987 : i32 to index
      %get3A_990 = arith.constant 48 : index
      %get3A_991 = tpu.vector_load %arg7[%get3A_988, %get3A_989, %get3A_990] {strides = array<i32>} : memref<4x128x128xf32, #tpu.memory_space<vmem>>, vector<16xf32>,
      %mul3A_992 = arith.constant 11.3137083 : f32
      %mul3A_993 = vector.broadcast %mul3A_992 : f32 to vector<16xf32>
      %mul3A_994 = arith.mulf %get3A_991, %mul3A_993 : vector<16xf32>
      %swap3A_995 = arith.constant 0 : i32
      %swap3A_996 = arith.constant 0 : i32
      %swap3A_997 = arith.index_cast %swap3A_995 : i32 to index
      %swap3A_998 = arith.index_cast %swap3A_996 : i32 to index
      %swap3A_999 = arith.constant 48 : index
      %swap3A_1000 = tpu.vector_load %arg7[%swap3A_997, %swap3A_998, %swap3A_999] {strides = array<i32>} : memref<4x128x128xf32, #tpu.memory_space<vmem>>, vector<16xf32>,
      tpu.vector_store %arg7[%swap3A_997, %swap3A_998, %swap3A_999], %mul3A_994 {strides = array<i32>} : memref<4x128x128xf32, #tpu.memory_space<vmem>>, vector<16xf32>,
      %get3A_1001 = arith.constant 0 : i32
      %get3A_1002 = arith.constant 0 : i32
      %get3A_1003 = arith.index_cast %get3A_1001 : i32 to index
      %get3A_1004 = arith.index_cast %get3A_1002 : i32 to index
      %get3A_1005 = arith.constant 64 : index
      %get3A_1006 = tpu.vector_load %arg7[%get3A_1003, %get3A_1004, %get3A_1005] {strides = array<i32>} : memref<4x128x128xf32, #tpu.memory_space<vmem>>, vector<16xf32>,
      %mul3A_1007 = arith.constant 11.3137083 : f32
      %mul3A_1008 = vector.broadcast %mul3A_1007 : f32 to vector<16xf32>
      %mul3A_1009 = arith.mulf %get3A_1006, %mul3A_1008 : vector<16xf32>
      %swap3A_1010 = arith.constant 0 : i32
      %swap3A_1011 = arith.constant 0 : i32
      %swap3A_1012 = arith.index_cast %swap3A_1010 : i32 to index
      %swap3A_1013 = arith.index_cast %swap3A_1011 : i32 to index
      %swap3A_1014 = arith.constant 64 : index
      %swap3A_1015 = tpu.vector_load %arg7[%swap3A_1012, %swap3A_1013, %swap3A_1014] {strides = array<i32>} : memref<4x128x128xf32, #tpu.memory_space<vmem>>, vector<16xf32>,
      tpu.vector_store %arg7[%swap3A_1012, %swap3A_1013, %swap3A_1014], %mul3A_1009 {strides = array<i32>} : memref<4x128x128xf32, #tpu.memory_space<vmem>>, vector<16xf32>,
      %get3A_1016 = arith.constant 0 : i32
      %get3A_1017 = arith.constant 0 : i32
      %get3A_1018 = arith.index_cast %get3A_1016 : i32 to index
      %get3A_1019 = arith.index_cast %get3A_1017 : i32 to index
      %get3A_1020 = arith.constant 80 : index
      %get3A_1021 = tpu.vector_load %arg7[%get3A_1018, %get3A_1019, %get3A_1020] {strides = array<i32>} : memref<4x128x128xf32, #tpu.memory_space<vmem>>, vector<16xf32>,
      %mul3A_1022 = arith.constant 11.3137083 : f32
      %mul3A_1023 = vector.broadcast %mul3A_1022 : f32 to vector<16xf32>
      %mul3A_1024 = arith.mulf %get3A_1021, %mul3A_1023 : vector<16xf32>
      %swap3A_1025 = arith.constant 0 : i32
      %swap3A_1026 = arith.constant 0 : i32
      %swap3A_1027 = arith.index_cast %swap3A_1025 : i32 to index
      %swap3A_1028 = arith.index_cast %swap3A_1026 : i32 to index
      %swap3A_1029 = arith.constant 80 : index
      %swap3A_1030 = tpu.vector_load %arg7[%swap3A_1027, %swap3A_1028, %swap3A_1029] {strides = array<i32>} : memref<4x128x128xf32, #tpu.memory_space<vmem>>, vector<16xf32>,
      tpu.vector_store %arg7[%swap3A_1027, %swap3A_1028, %swap3A_1029], %mul3A_1024 {strides = array<i32>} : memref<4x128x128xf32, #tpu.memory_space<vmem>>, vector<16xf32>,
      %get3A_1031 = arith.constant 0 : i32
      %get3A_1032 = arith.constant 0 : i32
      %get3A_1033 = arith.index_cast %get3A_1031 : i32 to index
      %get3A_1034 = arith.index_cast %get3A_1032 : i32 to index
      %get3A_1035 = arith.constant 96 : index
      %get3A_1036 = tpu.vector_load %arg7[%get3A_1033, %get3A_1034, %get3A_1035] {strides = array<i32>} : memref<4x128x128xf32, #tpu.memory_space<vmem>>, vector<16xf32>,
      %mul3A_1037 = arith.constant 11.3137083 : f32
      %mul3A_1038 = vector.broadcast %mul3A_1037 : f32 to vector<16xf32>
      %mul3A_1039 = arith.mulf %get3A_1036, %mul3A_1038 : vector<16xf32>
      %swap3A_1040 = arith.constant 0 : i32
      %swap3A_1041 = arith.constant 0 : i32
      %swap3A_1042 = arith.index_cast %swap3A_1040 : i32 to index
      %swap3A_1043 = arith.index_cast %swap3A_1041 : i32 to index
      %swap3A_1044 = arith.constant 96 : index
      %swap3A_1045 = tpu.vector_load %arg7[%swap3A_1042, %swap3A_1043, %swap3A_1044] {strides = array<i32>} : memref<4x128x128xf32, #tpu.memory_space<vmem>>, vector<16xf32>,
      tpu.vector_store %arg7[%swap3A_1042, %swap3A_1043, %swap3A_1044], %mul3A_1039 {strides = array<i32>} : memref<4x128x128xf32, #tpu.memory_space<vmem>>, vector<16xf32>,
      %get3A_1046 = arith.constant 0 : i32
      %get3A_1047 = arith.constant 0 : i32
      %get3A_1048 = arith.index_cast %get3A_1046 : i32 to index
      %get3A_1049 = arith.index_cast %get3A_1047 : i32 to index
      %get3A_1050 = arith.constant 112 : index
      %get3A_1051 = tpu.vector_load %arg7[%get3A_1048, %get3A_1049, %get3A_1050] {strides = array<i32>} : memref<4x128x128xf32, #tpu.memory_space<vmem>>, vector<16xf32>,
      %mul3A_1052 = arith.constant 11.3137083 : f32
      %mul3A_1053 = vector.broadcast %mul3A_1052 : f32 to vector<16xf32>
      %mul3A_1054 = arith.mulf %get3A_1051, %mul3A_1053 : vector<16xf32>
      %swap3A_1055 = arith.constant 0 : i32
      %swap3A_1056 = arith.constant 0 : i32
      %swap3A_1057 = arith.index_cast %swap3A_1055 : i32 to index
      %swap3A_1058 = arith.index_cast %swap3A_1056 : i32 to index
      %swap3A_1059 = arith.constant 112 : index
      %swap3A_1060 = tpu.vector_load %arg7[%swap3A_1057, %swap3A_1058, %swap3A_1059] {strides = array<i32>} : memref<4x128x128xf32, #tpu.memory_space<vmem>>, vector<16xf32>,
      tpu.vector_store %arg7[%swap3A_1057, %swap3A_1058, %swap3A_1059], %mul3A_1054 {strides = array<i32>} : memref<4x128x128xf32, #tpu.memory_space<vmem>>, vector<16xf32>,
      %add3A_1061 = arith.constant 128 : i32
      %add3A_1062 = arith.addi %reduce_max3A_668, %add3A_1061 : i32
      %sub3A_1063 = arith.constant 1 : i32
      %sub3A_1064 = arith.subi %add3A_1062, %sub3A_1063 : i32
      %jit3A = arith.constant 128 : i32
      %div3A = arith.divsi %sub3A_1064, %jit3A : i32
      %sign3A = arith.constant 0 : i32
      %sign3A_1065 = arith.cmpi sgt, %sub3A_1064, %sign3A : i32
      %sign3A_1066 = arith.extui %sign3A_1065 : i1 to i32
      %sign3A_1067 = arith.constant 0 : i32
      %sign3A_1068 = arith.cmpi slt, %sub3A_1064, %sign3A_1067 : i32
      %sign3A_1069 = arith.extui %sign3A_1068 : i1 to i32
      %sign3A_1070 = arith.subi %sign3A_1066, %sign3A_1069 : i32
      %sign3A_1071 = arith.constant 0 : i32
      %sign3A_1072 = arith.cmpi sgt, %jit3A, %sign3A_1071 : i32
      %sign3A_1073 = arith.extui %sign3A_1072 : i1 to i32
      %sign3A_1074 = arith.constant 0 : i32
      %sign3A_1075 = arith.cmpi slt, %jit3A, %sign3A_1074 : i32
      %sign3A_1076 = arith.extui %sign3A_1075 : i1 to i32
      %sign3A_1077 = arith.subi %sign3A_1073, %sign3A_1076 : i32
      %ne3A = arith.cmpi ne, %sign3A_1070, %sign3A_1077 : i32
      %rem3A = arith.remsi %sub3A_1064, %jit3A : i32
      %ne3A_1078 = arith.constant 0 : i32
      %ne3A_1079 = arith.cmpi ne, %rem3A, %ne3A_1078 : i32
      %and3A_1080 = arith.andi %ne3A, %ne3A_1079 : i1
      %sub3A_1081 = arith.constant 1 : i32
      %sub3A_1082 = arith.subi %div3A, %sub3A_1081 : i32
      %select_n3A_1083 = arith.select %and3A_1080, %sub3A_1082, %div3A : i32
      %while3A = arith.constant 0 : i32
      %while3A_1084 = arith.constant 0 : i32
      %while3A_1085 = arith.subi %select_n3A_1083, %while3A_1084 : i32
      %while3A_1086 = arith.addi %while3A_1084, %while3A_1085 : i32
      %while3A_1087 = arith.constant 1 : i32
      %while3A_1088 = arith.divsi %while3A_1085, %while3A_1087 : i32
      %while3A_1089 = arith.muli %while3A_1088, %while3A_1087 : i32
      %while3A_1090 = arith.addi %while3A_1084, %while3A_1089 : i32
      %while3A_1091 = arith.constant 1 : i32
      scf.for %while3A_1093 = %while3A_1084 to %while3A_1090 step %while3A_1091  : i32 {
        %dma_start3A_1094 = arith.constant 0 : i32
        %dma_start3A_1095 = arith.constant 0 : i32
        %dma_start3A_1096 = arith.constant 0 : i32
        %dma_start3A_1097 = tpu.memref_slice %arg7[%dma_start3A_1094, %dma_start3A_1095, %dma_start3A_1096] : memref<4x128x128xf32, #tpu.memory_space<vmem>> -> memref<1x128x128xf32, #tpu.memory_space<vmem>>
        %dma_start3A_1098 = tpu.memref_squeeze %dma_start3A_1097 : memref<1x128x128xf32, #tpu.memory_space<vmem>> -> memref<128x128xf32, #tpu.memory_space<vmem>>
        %dma_start3A_1099 = arith.constant 0 : i32
        %dma_start3A_1100 = tpu.memref_slice %arg6[%while3A_1093, %dma_start3A_1099] : memref<202x128xi32, #tpu.memory_space<vmem>> -> memref<1x128xi32, #tpu.memory_space<vmem>>
        %dma_start3A_1101 = tpu.memref_squeeze %dma_start3A_1100 : memref<1x128xi32, #tpu.memory_space<vmem>> -> memref<128xi32, #tpu.memory_space<vmem>>
        %dma_start3A_1102 = arith.constant 0 : i32
        %dma_start3A_1103 = arith.constant 0 : i32
        %dma_start3A_1104 = tpu.memref_slice %arg4[%dma_start3A_1102, %dma_start3A_1103] : memref<819200x128xf32, #tpu.memory_space<hbm>> -> memref<819200x128xf32, #tpu.memory_space<hbm>>
        tpu.enqueue_indirect_dma source(%dma_start3A_1098 : memref<128x128xf32, #tpu.memory_space<vmem>>) target(%dma_start3A_1104 : memref<819200x128xf32, #tpu.memory_space<hbm>>) offsets(%dma_start3A_1101 : memref<128xi32, #tpu.memory_space<vmem>>) semaphore(%arg16 : memref<!tpu.dma_semaphore, #tpu.memory_space<semaphore_mem>>)
        %dma_wait3A_1105 = arith.constant 0 : i32
        %dma_wait3A_1106 = arith.constant 0 : i32
        %dma_wait3A_1107 = arith.constant 0 : i32
        %dma_wait3A_1108 = tpu.memref_slice %arg7[%dma_wait3A_1105, %dma_wait3A_1106, %dma_wait3A_1107] : memref<4x128x128xf32, #tpu.memory_space<vmem>> -> memref<1x128x128xf32, #tpu.memory_space<vmem>>
        %dma_wait3A_1109 = tpu.memref_squeeze %dma_wait3A_1108 : memref<1x128x128xf32, #tpu.memory_space<vmem>> -> memref<128x128xf32, #tpu.memory_space<vmem>>
        %dma_wait3A_1110 = arith.constant 0 : i32
        %dma_wait3A_1111 = tpu.memref_slice %arg6[%while3A_1093, %dma_wait3A_1110] : memref<202x128xi32, #tpu.memory_space<vmem>> -> memref<1x128xi32, #tpu.memory_space<vmem>>
        %dma_wait3A_1112 = tpu.memref_squeeze %dma_wait3A_1111 : memref<1x128xi32, #tpu.memory_space<vmem>> -> memref<128xi32, #tpu.memory_space<vmem>>
        %dma_wait3A_1113 = arith.constant 0 : i32
        %dma_wait3A_1114 = arith.constant 0 : i32
        %dma_wait3A_1115 = tpu.memref_slice %arg4[%dma_wait3A_1113, %dma_wait3A_1114] : memref<819200x128xf32, #tpu.memory_space<hbm>> -> memref<819200x128xf32, #tpu.memory_space<hbm>>
        tpu.wait_indirect_dma semaphore(%arg16 : memref<!tpu.dma_semaphore, #tpu.memory_space<semaphore_mem>>) src(%dma_wait3A_1109 : memref<128x128xf32, #tpu.memory_space<vmem>>) dst(%dma_wait3A_1115 : memref<819200x128xf32, #tpu.memory_space<hbm>>)
      }
      %while3A_1092 = arith.constant 1 : i32
      scf.for %while3A_1093 = %while3A_1090 to %while3A_1086 step %while3A_1092  : i32 {
        %dma_start3A_1094 = arith.constant 0 : i32
        %dma_start3A_1095 = arith.constant 0 : i32
        %dma_start3A_1096 = arith.constant 0 : i32
        %dma_start3A_1097 = tpu.memref_slice %arg7[%dma_start3A_1094, %dma_start3A_1095, %dma_start3A_1096] : memref<4x128x128xf32, #tpu.memory_space<vmem>> -> memref<1x128x128xf32, #tpu.memory_space<vmem>>
        %dma_start3A_1098 = tpu.memref_squeeze %dma_start3A_1097 : memref<1x128x128xf32, #tpu.memory_space<vmem>> -> memref<128x128xf32, #tpu.memory_space<vmem>>
        %dma_start3A_1099 = arith.constant 0 : i32
        %dma_start3A_1100 = tpu.memref_slice %arg6[%while3A_1093, %dma_start3A_1099] : memref<202x128xi32, #tpu.memory_space<vmem>> -> memref<1x128xi32, #tpu.memory_space<vmem>>
        %dma_start3A_1101 = tpu.memref_squeeze %dma_start3A_1100 : memref<1x128xi32, #tpu.memory_space<vmem>> -> memref<128xi32, #tpu.memory_space<vmem>>
        %dma_start3A_1102 = arith.constant 0 : i32
        %dma_start3A_1103 = arith.constant 0 : i32
        %dma_start3A_1104 = tpu.memref_slice %arg4[%dma_start3A_1102, %dma_start3A_1103] : memref<819200x128xf32, #tpu.memory_space<hbm>> -> memref<819200x128xf32, #tpu.memory_space<hbm>>
        tpu.enqueue_indirect_dma source(%dma_start3A_1098 : memref<128x128xf32, #tpu.memory_space<vmem>>) target(%dma_start3A_1104 : memref<819200x128xf32, #tpu.memory_space<hbm>>) offsets(%dma_start3A_1101 : memref<128xi32, #tpu.memory_space<vmem>>) semaphore(%arg16 : memref<!tpu.dma_semaphore, #tpu.memory_space<semaphore_mem>>)
        %dma_wait3A_1105 = arith.constant 0 : i32
        %dma_wait3A_1106 = arith.constant 0 : i32
        %dma_wait3A_1107 = arith.constant 0 : i32
        %dma_wait3A_1108 = tpu.memref_slice %arg7[%dma_wait3A_1105, %dma_wait3A_1106, %dma_wait3A_1107] : memref<4x128x128xf32, #tpu.memory_space<vmem>> -> memref<1x128x128xf32, #tpu.memory_space<vmem>>
        %dma_wait3A_1109 = tpu.memref_squeeze %dma_wait3A_1108 : memref<1x128x128xf32, #tpu.memory_space<vmem>> -> memref<128x128xf32, #tpu.memory_space<vmem>>
        %dma_wait3A_1110 = arith.constant 0 : i32
        %dma_wait3A_1111 = tpu.memref_slice %arg6[%while3A_1093, %dma_wait3A_1110] : memref<202x128xi32, #tpu.memory_space<vmem>> -> memref<1x128xi32, #tpu.memory_space<vmem>>
        %dma_wait3A_1112 = tpu.memref_squeeze %dma_wait3A_1111 : memref<1x128xi32, #tpu.memory_space<vmem>> -> memref<128xi32, #tpu.memory_space<vmem>>
        %dma_wait3A_1113 = arith.constant 0 : i32
        %dma_wait3A_1114 = arith.constant 0 : i32
        %dma_wait3A_1115 = tpu.memref_slice %arg4[%dma_wait3A_1113, %dma_wait3A_1114] : memref<819200x128xf32, #tpu.memory_space<hbm>> -> memref<819200x128xf32, #tpu.memory_space<hbm>>
        tpu.wait_indirect_dma semaphore(%arg16 : memref<!tpu.dma_semaphore, #tpu.memory_space<semaphore_mem>>) src(%dma_wait3A_1109 : memref<128x128xf32, #tpu.memory_space<vmem>>) dst(%dma_wait3A_1115 : memref<819200x128xf32, #tpu.memory_space<hbm>>)
      }
    } else {
    }
    return
  }
}

</mosaic_0001>

<sc_bundles>
// kernel: _embed.3.cloned.1.call-start
scs
__scs_entry_jumppad:
0x0: {  	(pc) =	sbr.rel $0x88, $3  }
0x1: {  	(tag) =	ssettag $0x0;
	lr =	simm.s32 $0x1  }
0x2: {  	[smem:$0x3F9F] =	sst lr;
	_ =	strace $0xD0000000  }
0x3: {  	_ = 	snop  }
0x4: {  	_ = 	snop  }
0x5: {  	_ = 	snop  }
0x6: {  	_ = 	snop  }
0x7: {  	_ = 	snop  }
__scs_overlays_trampoline_lowered:
0x8: {  	[smem:$0x3FAE] =	sst s0  }
0x9: {  	[smem:$0x3FAF] =	sst s1  }
0xa: {  	[smem:$0x3FB0] =	sst s2  }
0xb: {  	[smem:$0x3FB1] =	sst s3  }
0xc: {  	[smem:$0x3FB2] =	sst s4  }
0xd: {  	[smem:$0x3FB3] =	sst s5  }
0xe: {  	[smem:$0x3FB4] =	sst s6  }
0xf: {  	[smem:$0x3FB5] =	sst s7  }
0x10: {  	[smem:$0x3FB6] =	sst s8  }
0x11: {  	[smem:$0x3FB7] =	sst s9;
	s0 =	simm.s32 @!p0 $0x0  }
0x12: {  	s1 =	sld [smem:$0x3F9D];
	s0 =	simm.s32 @p0 $0x1  }
0x13: {  	[smem:$0x3FB8] =	sst s0;
	s0 =	simm.s32 @!p1 $0x0  }
0x14: {  	s2 =	sld [smem:$0x3F9C];
	s0 =	simm.s32 @p1 $0x1  }
0x15: {  	[smem:$0x3FB9] =	sst s0;
	s0 =	simm.s32 @!p2 $0x0  }
0x16: {  	s3 =	sld [smem:$0x3FDB];
	s0 =	simm.s32 @p2 $0x1  }
0x17: {  	s4 =	simm.s32 $0x1BF5;
	[smem:$0x3FBB] =	sst s0  }
0x18: {  	s0 =	sld [smem:$0x3F9E];
	_ =	swait.ge [sflag:s4], $0x0  }
0x19: {  	s7 =	sld [smem:$0x3F9F]  }
0x1a: {  	s8 =	sadd.s32 $0xFFFFE003, lr  }
0x1b: {  	s9 =	sadd.s32 $0xFFFFFEF7, lr;
	s5 =	simm.s32 $0xFFFFFFFF;
	p2 =	slt.u32 s8, $0xFFFFF086  }
0x1c: {  	p1 =	slt.u32 s9, $0xF7A;
	s5 =	simm.s32 @!p2 $0x0  }
0x1d: {  	s5 =	simm.s32 @p1 $0x1;
	p0 =	seq.s32 s7, s2  }
0x1e: {  	s7 =	smul.u32 @!p0 $0xF7A, s2;
	p2 =	seq.s32 @!p0 s5, $0x0  }
0x1f: {  	s9 =	smul.u32 $0xF7A, s1;
	s8 =	simm.s32 @!p0 $0x1BF5;
	p2 =	por !p2, p0  }
0x20: {  	[sflag:s8] =	ssyncset.s32 @!p0 $0xFFFFF086;
	s6 =	sadd.s32 @!p0 s3, s7;
	s7 =	simm.s32 @!p0 $0x108  }
0x21: {  	s3 =	sadd.s32 s3, s9;
	s6 =	sadd.s32 @!p0 $0x88, s6;
	s7 =	simm.s32 @p2 $0x1082  }
0x22: {  	[simem:s7], [sflag:s8] =	dma.local @!p0 [hbm:s6], $0xF7A  }
0x23: {  	s9 =	sor.u32 $0xD0000000, s2;
	s6 =	simm.s32 $0x108;
	_ =	swait.ge @!p0 [sflag:s8], $0x0  }
0x24: {  	s3 =	sadd.s32 $0x88, s3;
	s6 =	simm.s32 @!p1 $0x1082;
	[sflag:s4] =	ssyncset.s32 $0xFFFFF086  }
0x25: {  	[simem:s6], [sflag:s4] =	dma.local [hbm:s3], $0xF7A  }
0x26: {  	[smem:$0x3F9F] =	sst s1;
	(tag) =	ssettag s2;
	_ =	strace s9  }
0x27: {  	s1 =	sld [smem:$0x3FAF]  }
0x28: {  	s2 =	sld [smem:$0x3FB0]  }
0x29: {  	s4 =	sld [smem:$0x3FB2]  }
0x2a: {  	p0 =	seq.s32 s5, $0x0;
	s5 =	sld [smem:$0x3FB3]  }
0x2b: {  	s6 =	sld [smem:$0x3FB4]  }
0x2c: {  	s7 =	sld [smem:$0x3FB5]  }
0x2d: {  	s3 =	simm.s32 $0x108;
	s8 =	sld [smem:$0x3FB6]  }
0x2e: {  	s3 =	simm.s32 @!p0 $0x1082;
	s9 =	sld [smem:$0x3FB7]  }
0x2f: {  	lr =	sadd.s32 s0, s3;
	s0 =	sld [smem:$0x3FAE]  }
0x30: {  	s3 =	sld [smem:$0x3FB1]  }
0x31: {  	[smem:$0x3FBA] =	sst s10  }
0x32: {  	s10 =	sld [smem:$0x3FB8];
	_ =	sdelay $0x3  }
0x33: {  	p0 =	seq.s32 s10, $0x1;
	s10 =	sld [smem:$0x3FBA];
	_ =	sdelay $0x3  }
0x34: {  	[smem:$0x3FBA] =	sst s10  }
0x35: {  	s10 =	sld [smem:$0x3FB9];
	_ =	sdelay $0x3  }
0x36: {  	p1 =	seq.s32 s10, $0x1;
	s10 =	sld [smem:$0x3FBA];
	_ =	sdelay $0x3  }
0x37: {  	[smem:$0x3FBA] =	sst s10  }
0x38: {  	s10 =	sld [smem:$0x3FBB]  }
0x39: {  	_ = 	snop;
	(pc) =	sbr.ind lr, $3  }
0x3a: {  	_ = 	snop  }
0x3b: {  	_ = 	snop  }
0x3c: {  	p2 =	seq.s32 s10, $0x1;
	s10 =	sld [smem:$0x3FBA]  }
0x3d: {  	_ =	shalt  }
0x3e: {  	_ =	shalt  }
0x3f: {  	_ =	shalt  }
0x40: {  	_ =	shalt  }
0x41: {  	_ =	shalt  }
0x42: {  	_ =	shalt  }
0x43: {  	_ =	shalt  }
0x44: {  	_ =	shalt  }
0x45: {  	_ =	shalt  }
0x46: {  	_ =	shalt  }
0x47: {  	_ =	shalt  }
0x48: {  	_ =	shalt  }
0x49: {  	_ =	shalt  }
0x4a: {  	_ =	shalt  }
0x4b: {  	_ =	shalt  }
0x4c: {  	_ =	shalt  }
0x4d: {  	_ =	shalt  }
0x4e: {  	_ =	shalt  }
0x4f: {  	_ =	shalt  }
0x50: {  	_ =	shalt  }
0x51: {  	_ =	shalt  }
0x52: {  	_ =	shalt  }
0x53: {  	_ =	shalt  }
0x54: {  	_ =	shalt  }
0x55: {  	_ =	shalt  }
0x56: {  	_ =	shalt  }
0x57: {  	_ =	shalt  }
0x58: {  	_ =	shalt  }
0x59: {  	_ =	shalt  }
0x5a: {  	_ =	shalt  }
0x5b: {  	_ =	shalt  }
0x5c: {  	_ =	shalt  }
0x5d: {  	_ =	shalt  }
0x5e: {  	_ =	shalt  }
0x5f: {  	_ =	shalt  }
0x60: {  	_ =	shalt  }
0x61: {  	_ =	shalt  }
0x62: {  	_ =	shalt  }
0x63: {  	_ =	shalt  }
0x64: {  	_ =	shalt  }
0x65: {  	_ =	shalt  }
0x66: {  	_ =	shalt  }
0x67: {  	_ =	shalt  }
0x68: {  	_ =	shalt  }
0x69: {  	_ =	shalt  }
0x6a: {  	_ =	shalt  }
0x6b: {  	_ =	shalt  }
0x6c: {  	_ =	shalt  }
0x6d: {  	_ =	shalt  }
0x6e: {  	_ =	shalt  }
0x6f: {  	_ =	shalt  }
0x70: {  	_ =	shalt  }
0x71: {  	_ =	shalt  }
0x72: {  	_ =	shalt  }
0x73: {  	_ =	shalt  }
0x74: {  	_ =	shalt  }
0x75: {  	_ =	shalt  }
0x76: {  	_ =	shalt  }
0x77: {  	_ =	shalt  }
0x78: {  	_ =	shalt  }
0x79: {  	_ =	shalt  }
0x7a: {  	_ =	shalt  }
0x7b: {  	_ =	shalt  }
0x7c: {  	_ =	shalt  }
0x7d: {  	_ =	shalt  }
0x7e: {  	_ =	shalt  }
0x7f: {  	_ =	shalt  }
0x80: {  	_ =	shalt  }
0x81: {  	_ =	shalt  }
0x82: {  	_ =	shalt  }
0x83: {  	_ =	shalt  }
0x84: {  	_ =	shalt  }
0x85: {  	_ =	shalt  }
0x86: {  	_ =	shalt  }
0x87: {  	_ =	shalt  }
.Lfunc_end0:
.L_simem_size_0:
called_computation_lowered:
.L_overlay_start_0:
0x88: {  	s2 =	sld [smem:$0x3FD9]  }
0x89: {  	s3 =	sld [smem:$0x3FFE];
	_ =	sdelay $0x1  }
0x8a: {  	s1 =	srdreg.scid  }
0x8b: {  	s0 =	sand.u32 $0x1, s1  }
0x8c: {  	s18 =	sshll.u32 s0, $0xA;
	s2 =	sadd.s32 s3, s2  }
0x8d: {  	s2 =	sadd.s32 s2, s18  }
0x8e: {  	[smem:$0x3FC6] =	sst s2  }
0x8f: {  	_ = 	snop  }
0x90: {  	s2 =	sld [smem:$0x3FC9]  }
0x91: {  	s19 =	sld [smem:$0x3FC8]  }
0x92: {  	s4 =	sld [smem:$0x3FD0];
	(tm) =	ssettm $0x1  }
0x93: {  	s5 =	sld [smem:$0x3FFB];
	_ =	sdelay $0x3  }
0x94: {  	_ =	strace s5  }
0x95: {  	s5 =	sld [smem:$0x3FFC];
	_ =	sdelay $0x3  }
0x96: {  	_ =	strace s5  }
0x97: {  	s5 =	sld [smem:$0x3FFD];
	_ =	sdelay $0x3  }
0x98: {  	_ =	strace s5  }
0x99: {  	_ =	strace $0x8FFFFFFF  }
0x9a: {  	s20 =	sld [smem:$0x3FDB];
	_ =	sdelay $0x1  }
0x9b: {  	s6 =	simm.s32 $_scs_section_size  }
0x9c: {  	s7 =	simm.s32 $_size__tile_overlayer_lowered;
	s8 =	simm.s32 $_tile_overlayer_lowered  }
0x9d: {  	s23 =	simm.s32 $0x1BFF;
	s22 =	sshll.u32 s8, $0x1;
	s5 =	sadd.s32 s6, s20  }
0x9e: {  	s9 =	simm.s32 $0x0;
	s21 =	sshll.u32 s7, $0x1;
	s7 =	sadd.s32 s22, s5  }
0x9f: {  	[timem:s9], [sflag:s23] =	dma.local [hbm:s7], s21  }
0xa0: {  	_ =	swait.ge [sflag:s23], s21  }
0xa1: {  	s6 =	ssub.s32 $0x0, s21;
	[sflag:s23] =	ssyncset.done $0x0  }
0xa2: {  	[sflag:s23] =	ssyncadd.s32 s6;
	_ =	sdelay $0x1  }
0xa3: {  	s24 =	simm.s32 $0x1B8B  }
0xa4: {  	_ =	swait.ge [sflag:s24], $0x1  }
0xa5: {  	[sflag:s24] =	ssyncset.done $0x0  }
0xa6: {  	s25 =	simm.s32 $0x1B8E;
	[sflag:s24] =	ssyncadd.s32 $0xFFFFFFFF  }
0xa7: {  	s26 =	simm.s32 $execute0_lowered;
	[smem:$0x3FD2] =	sst s25  }
0xa8: {  	s6 =	sshll.u32 s26, $0x1;
	_ =	strace $0x80000046;
	[dreg:$0x1] =	wrdreg $0xFFFFFFFF  }
0xa9: {  	s28 =	simm.s32 $_size_execute0_lowered;
	s5 =	sadd.s32 s5, s6;
	[dreg:$0x0] =	wrdreg $0x0  }
0xaa: {  	s6 =	sshll.u32 s28, $0x1;
	[dreg:$0x2] =	wrdreg s5  }
0xab: {  	[dreg:$0x3] =	wrdreg s6  }
0xac: {  	[dreg:$0x4] =	wrdreg $0xC0  }
0xad: {  	_ =	task [dreg:s9], $0x5FFFF  }
0xae: {  	[dreg:$0x1] =	wrdreg $0xFFFFFFFF  }
0xaf: {  	[dreg:$0x0] =	wrdreg $0x60  }
0xb0: {  	[dreg:$0x2] =	wrdreg s2  }
0xb1: {  	[dreg:$0x3] =	wrdreg s19  }
0xb2: {  	[dreg:$0x4] =	wrdreg s4  }
0xb3: {  	[dreg:$0x5] =	wrdreg $0x9  }
0xb4: {  	_ =	task.clear_ibuf [dreg:s9], $0x6FFFF;
	_ =	strace $0x90000046  }
0xb5: {  	s29 =	simm.s32 $0x9;
	_ =	strace $0x80000048  }
0xb6: {  	_ =	swait.ge [sflag:s29], $0x1  }
0xb7: {  	[sflag:s29] =	ssyncadd.s32 $0xFFFFFFFF  }
0xb8: {  	_ =	strace $0x90000048  }
0xb9: {  	_ =	sfence  }
0xba: {  	s30 =	sld [smem:$0x0];
	_ =	sdelay $0x2  }
0xbb: {  	s31 =	sshll.u32 s1, $0xD;
	s1 =	sshrl.u32 s1, $0x2  }
0xbc: {  	s3 =	sand.u32 $0x4000, s31;
	s1 =	sadd.s32 s1, s30  }
0xbd: {  	s0 =	sor.u32 s3, s0;
	s1 =	sshll.u32 s1, $0x11  }
0xbe: {  	s0 =	sor.u32 s1, s0  }
0xbf: {  	s0 =	sadd.s32 $0x8F2B, s0  }
0xc0: {  	[sflag:s0] =	ssyncadd.remote.s32 $0x1  }
0xc1: {  	_ =	sfence.sel $0xFFFF  }
0xc2: {  	[dreg:$0x0] =	wrdreg $0xFFFFFFFF;
	(pc) =	sbr.abs _section_cstart, $3  }
0xc3: {  	[dreg:$0x1] =	wrdreg $0xFFFFFFFF  }
0xc4: {  	_ =	task.clear_ibuf [dreg:s9], $0x2FFFF;
	_ =	strace $0x9FFFFFFF  }
0xc5: {  	(tm) =	ssettm $0x7FFFFFFF  }
tec
execute0_lowered:
.L_overlay_start_1:
0x0: {  	(tag) =	ssettag $0x1  }
0x1: {  	v0 =	vlaneseq.u32  }
0x2: {  	s0 =	srdreg.scid;
	s1 =	stileid.u32;
	v35 =	vimm.s32 $0x0;
	v6 =	vor.u32 $0x10, v0;
	v8 =	vor.u32 $0x20, v0  }
0x3: {  	s0 =	sand.u32 $0x1, s0;
	s1 =	sshll.u32 s1, $0x1;
	v10 =	vor.u32 $0x30, v0;
	v12 =	vor.u32 $0x40, v0;
	v14 =	vor.u32 $0x50, v0  }
0x4: {  	v16 =	vor.u32 $0x60, v0;
	v18 =	vor.u32 $0x70, v0;
	v20 =	vor.u32 $0x80, v0;
	s5 =	sor.u32 s0, s1  }
0x5: {  	v22 =	vor.u32 $0x90, v0;
	v24 =	vor.u32 $0xA0, v0;
	v26 =	vor.u32 $0xB0, v0;
	s21 =	smul.u32 $0x320, s5  }
0x6: {  	v28 =	vor.u32 $0xC0, v0;
	v30 =	vor.u32 $0xD0, v0;
	v32 =	vor.u32 $0xE0, v0;
	s2 =	smul.u32 $0x6400, s5  }
0x7: {  	v34 =	vor.u32 $0xF0, v0;
	v1 =	vmov s21;
	v2 =	vor.u32 s21, v0  }
0x8: {  	v3 =	vmov s2;
	v5 =	vor.u32 s21, v6;
	v4 =	vor.u32 s2, v0  }
0x9: {  	v6 =	vor.u32 s2, v6;
	v7 =	vadd.s32 s21, v8;
	v9 =	vadd.s32 s21, v10  }
0xa: {  	v8 =	vor.u32 s2, v8;
	v11 =	vadd.s32 s21, v12;
	v10 =	vor.u32 s2, v10  }
0xb: {  	v12 =	vor.u32 s2, v12;
	v13 =	vadd.s32 s21, v14;
	v15 =	vadd.s32 s21, v16  }
0xc: {  	s6 =	rddreg [dreg:$0x0];
	v14 =	vor.u32 s2, v14;
	v17 =	vadd.s32 s21, v18;
	v16 =	vor.u32 s2, v16  }
0xd: {  	s3 =	rddreg [dreg:$0x2];
	s4 =	simm.s32 $0x0;
	s10 =	simm.s32 $0xA;
	v18 =	vor.u32 s2, v18;
	v19 =	vadd.s32 s21, v20;
	v21 =	vadd.s32 s21, v22  }
0xe: {  	s11 =	simm.s32 $0x6400;
	s12 =	simm.s32 $0x80;
	s13 =	simm.s32 $0xCC00;
	v20 =	vor.u32 s2, v20;
	v23 =	vadd.s32 s21, v24;
	v22 =	vor.u32 s2, v22  }
0xf: {  	s14 =	simm.s32 $0x10C00;
	s15 =	simm.s32 $0x1;
	s16 =	simm.s32 $0x14C00;
	v24 =	vor.u32 s2, v24;
	v25 =	vadd.s32 s21, v26;
	v27 =	vadd.s32 s21, v28  }
0x10: {  	s17 =	simm.s32 $0x2;
	s18 =	simm.s32 $0x18C00;
	s19 =	simm.s32 $0x3;
	v26 =	vor.u32 s2, v26;
	v29 =	vadd.s32 s21, v30;
	v28 =	vor.u32 s2, v28  }
0x11: {  	s20 =	simm.s32 $0x4;
	s22 =	simm.s32 $0x6;
	s23 =	simm.s32 $0x7;
	v30 =	vor.u32 s2, v30;
	v31 =	vadd.s32 s21, v32;
	v32 =	vor.u32 s2, v32  }
0x12: {  	s24 =	simm.s32 $0x8;
	s25 =	simm.s32 $0x9;
	s26 =	simm.s32 $0x0;
	v33 =	vadd.s32 s21, v34;
	v34 =	vor.u32 s2, v34;
	v2 =	vand.u32 $0x3FEF, v2  }
.Ltmp0:
0x13: {  	[smem:$0x7FF] =	sst s4;
	s0 =	ssub.s32 $0x2, s0;
	v5 =	vand.u32 $0x3FFF, v5;
	v7 =	vand.u32 $0x3FEF, v7;
	v9 =	vand.u32 $0x3FFF, v9;
	(pc) =	sbr.rel .LBB2_1-.Ltmp0, $4  }
0x14: {  	s1 =	rddreg [dreg:$0x1];
	s7 =	sshrl.u32 s0, $0x1;
	s5 =	smul.u32 $0x320000, s5;
	v11 =	vand.u32 $0x3FEF, v11;
	v13 =	vand.u32 $0x3FFF, v13;
	v15 =	vand.u32 $0x3FEF, v15  }
0x15: {  	_ =	strace $0x80000047;
	s8 =	sadd.s32 $0x182B80, s1;
	s0 =	ssub.s32 s0, s7;
	v17 =	vand.u32 $0x3FFF, v17;
	v19 =	vand.u32 $0x3FEF, v19;
	v21 =	vand.u32 $0x3FFF, v21  }
0x16: {  	[dreg:$0x4] =	wrdreg s8;
	s31 =	sshrl.u32 s2, $0x3;
	s7 =	sor.u32 $0x4000, s5;
	v23 =	vand.u32 $0x3FEF, v23;
	v25 =	vand.u32 $0x3FFF, v25;
	v27 =	vand.u32 $0x3FEF, v27  }
0x17: {  	s9 =	smax.u32 s0, $0x1;
	s21 =	simm.s32 $0x5;
	s6 =	sadd.s32 s6, s31;
	v29 =	vand.u32 $0x3FFF, v29;
	v31 =	vand.u32 $0x3FEF, v31;
	v33 =	vand.u32 $0x3FFF, v33  }
.LBB2_20:
0x18: {  	[sflag:s25] =	ssyncadd.s32 $0xFFFFC000  }
.LBB2_21:
0x19: {  	s26 =	sadd.s32 $0x1, s26  }
0x1a: {  	p0 =	sne.s32 s26, s9  }
.Ltmp1:
0x1b: {  	_ = 	snop;
	(pc) =	sbr.rel @!p0 .LBB2_22-.Ltmp1, $1  }
0x1c: {  	_ =	sdelay $0x3  }
.LBB2_1:
0x1d: {  	[tilespmem:s4], [sflag:$0xA] =	stream.linear.gather [hbm4b:s6+s4], $0x6400, $0x38;
	[tilespmem:$0x1CC00] =	vst v63  }
0x1e: {  	_ =	swait.ge [sflag:s10], $0x6400  }
0x1f: {  	[sflag:s10] =	ssyncset.done $0x0  }
0x20: {  	[sflag:s10] =	ssyncadd.s32 $0xFFFF9C00  }
0x21: {  	v36 =	vld [tilespmem:$0x0];
	_ =	sdelay $0x4  }
0x22: {  	vm0 =	vgt.s32 v36, $0x182B7  }
0x23: {  	v37 =	vsel vm0, $0x1, v35  }
0x24: {  	(xrf0) =	vadd.scan.msk.s32 $0xffff, v37;
	_ =	sdelay $0x5  }
0x25: {  	v37, _, _ =	vpop (xrf0)  }
0x26: {  	v37 =	vadd.s32 $0xFFFFFFFF, v37;
	_ =	sdelay $0x2  }
0x27: {  	v36 =	vsel vm0, v2, v36  }
0x28: {  	[tilespmem:$0x0] =	vst v36  }
0x29: {  	[tilespmem:v37+s11+$0x0] =	vst.idx.msk vm0, v4  }
0x2a: {  	v52 =	vld [tilespmem:$0x10];
	_ =	sdelay $0x4  }
0x2b: {  	vm1 =	vgt.s32 v52, $0x182B7  }
0x2c: {  	v53 =	vsel vm1, $0x1, v35  }
0x2d: {  	(xrf0) =	vadd.scan.msk.s32 $0xffff, v53;
	_ =	sdelay $0x4  }
0x2e: {  	v54 =	vmpcnt.ones.xlane vm0  }
0x2f: {  	v38, _, _ =	vpop (xrf0)  }
0x30: {  	v38 =	vadd.s32 v38, v54  }
0x31: {  	v38 =	vadd.s32 $0xFFFFFFFF, v38;
	_ =	sdelay $0x2  }
0x32: {  	v36 =	vsel vm1, v5, v52  }
0x33: {  	[tilespmem:$0x10] =	vst v36  }
0x34: {  	[tilespmem:v38+s11+$0x0] =	vst.idx.msk vm1, v6  }
0x35: {  	v55 =	vld [tilespmem:$0x20];
	_ =	sdelay $0x4  }
0x36: {  	vm14 =	vgt.s32 v55, $0x182B7  }
0x37: {  	v56 =	vsel vm14, $0x1, v35  }
0x38: {  	(xrf0) =	vadd.scan.msk.s32 $0xffff, v56;
	_ =	sdelay $0x3  }
0x39: {  	v57 =	vmpcnt.ones.xlane vm1;
	_ =	sdelay $0x1  }
0x3a: {  	v37 =	vadd.s32 v54, v57;
	v58, _, _ =	vpop (xrf0)  }
0x3b: {  	v38 =	vadd.s32 v58, v37  }
0x3c: {  	v38 =	vadd.s32 $0xFFFFFFFF, v38;
	_ =	sdelay $0x2  }
0x3d: {  	v36 =	vsel vm14, v7, v55  }
0x3e: {  	[tilespmem:$0x20] =	vst v36  }
0x3f: {  	[tilespmem:v38+s11+$0x0] =	vst.idx.msk vm14, v8  }
0x40: {  	v59 =	vld [tilespmem:$0x30];
	_ =	sdelay $0x4  }
0x41: {  	vm15 =	vgt.s32 v59, $0x182B7  }
0x42: {  	v60 =	vsel vm15, $0x1, v35  }
0x43: {  	(xrf0) =	vadd.scan.msk.s32 $0xffff, v60;
	_ =	sdelay $0x3  }
0x44: {  	v61 =	vmpcnt.ones.xlane vm14;
	_ =	sdelay $0x1  }
0x45: {  	v37 =	vadd.s32 v37, v61;
	v62, _, _ =	vpop (xrf0)  }
0x46: {  	v38 =	vadd.s32 v62, v37  }
0x47: {  	v38 =	vadd.s32 $0xFFFFFFFF, v38;
	_ =	sdelay $0x2  }
0x48: {  	v36 =	vsel vm15, v9, v59  }
0x49: {  	[tilespmem:$0x30] =	vst v36  }
0x4a: {  	[tilespmem:v38+s11+$0x0] =	vst.idx.msk vm15, v10  }
0x4b: {  	v63 =	vld [tilespmem:$0x40];
	_ =	sdelay $0x4  }
0x4c: {  	vm4 =	vgt.s32 v63, $0x182B7  }
0x4d: {  	v40 =	vsel vm4, $0x1, v35  }
0x4e: {  	(xrf0) =	vadd.scan.msk.s32 $0xffff, v40;
	_ =	sdelay $0x3  }
0x4f: {  	v41 =	vmpcnt.ones.xlane vm15;
	_ =	sdelay $0x1  }
0x50: {  	v37 =	vadd.s32 v37, v41;
	v42, _, _ =	vpop (xrf0)  }
0x51: {  	v38 =	vadd.s32 v42, v37  }
0x52: {  	v38 =	vadd.s32 $0xFFFFFFFF, v38;
	_ =	sdelay $0x2  }
0x53: {  	v36 =	vsel vm4, v11, v63  }
0x54: {  	[tilespmem:$0x40] =	vst v36  }
0x55: {  	[tilespmem:v38+s11+$0x0] =	vst.idx.msk vm4, v12  }
0x56: {  	v43 =	vld [tilespmem:$0x50];
	_ =	sdelay $0x4  }
0x57: {  	vm5 =	vgt.s32 v43, $0x182B7  }
0x58: {  	v44 =	vsel vm5, $0x1, v35  }
0x59: {  	(xrf0) =	vadd.scan.msk.s32 $0xffff, v44;
	_ =	sdelay $0x3  }
0x5a: {  	v45 =	vmpcnt.ones.xlane vm4;
	_ =	sdelay $0x1  }
0x5b: {  	v37 =	vadd.s32 v37, v45;
	v46, _, _ =	vpop (xrf0)  }
0x5c: {  	v38 =	vadd.s32 v46, v37  }
0x5d: {  	v38 =	vadd.s32 $0xFFFFFFFF, v38;
	_ =	sdelay $0x2  }
0x5e: {  	v36 =	vsel vm5, v13, v43  }
0x5f: {  	[tilespmem:$0x50] =	vst v36  }
0x60: {  	[tilespmem:v38+s11+$0x0] =	vst.idx.msk vm5, v14  }
0x61: {  	v47 =	vld [tilespmem:$0x60];
	_ =	sdelay $0x4  }
0x62: {  	vm6 =	vgt.s32 v47, $0x182B7  }
0x63: {  	v48 =	vsel vm6, $0x1, v35  }
0x64: {  	(xrf0) =	vadd.scan.msk.s32 $0xffff, v48;
	_ =	sdelay $0x3  }
0x65: {  	v49 =	vmpcnt.ones.xlane vm5;
	_ =	sdelay $0x1  }
0x66: {  	v37 =	vadd.s32 v37, v49;
	v50, _, _ =	vpop (xrf0)  }
0x67: {  	v38 =	vadd.s32 v50, v37  }
0x68: {  	v38 =	vadd.s32 $0xFFFFFFFF, v38;
	_ =	sdelay $0x2  }
0x69: {  	v36 =	vsel vm6, v15, v47  }
0x6a: {  	[tilespmem:$0x60] =	vst v36  }
0x6b: {  	[tilespmem:v38+s11+$0x0] =	vst.idx.msk vm6, v16  }
0x6c: {  	v51 =	vld [tilespmem:$0x70];
	_ =	sdelay $0x4  }
0x6d: {  	vm7 =	vgt.s32 v51, $0x182B7  }
0x6e: {  	v52 =	vsel vm7, $0x1, v35  }
0x6f: {  	(xrf0) =	vadd.scan.msk.s32 $0xffff, v52;
	_ =	sdelay $0x3  }
0x70: {  	v53 =	vmpcnt.ones.xlane vm6;
	_ =	sdelay $0x1  }
0x71: {  	v37 =	vadd.s32 v37, v53;
	v54, _, _ =	vpop (xrf0)  }
0x72: {  	v38 =	vadd.s32 v54, v37  }
0x73: {  	v38 =	vadd.s32 $0xFFFFFFFF, v38;
	_ =	sdelay $0x2  }
0x74: {  	v36 =	vsel vm7, v17, v51  }
0x75: {  	[tilespmem:$0x70] =	vst v36  }
0x76: {  	[tilespmem:v38+s11+$0x0] =	vst.idx.msk vm7, v18  }
0x77: {  	[tilespmem:s13], [sflag:$0x1] =	stream.indirect.gather [hbm4b:s1+s12], $0x80, s4, s12, $0xb8;
	[tilespmem:$0x1CC00] =	vst v63  }
0x78: {  	v55 =	vld [tilespmem:$0x80];
	_ =	sdelay $0x4  }
0x79: {  	vm8 =	vgt.s32 v55, $0x182B7  }
0x7a: {  	v56 =	vsel vm8, $0x1, v35  }
0x7b: {  	(xrf0) =	vadd.scan.msk.s32 $0xffff, v56;
	_ =	sdelay $0x3  }
0x7c: {  	v57 =	vmpcnt.ones.xlane vm7;
	_ =	sdelay $0x1  }
0x7d: {  	v37 =	vadd.s32 v37, v57;
	v58, _, _ =	vpop (xrf0)  }
0x7e: {  	v38 =	vadd.s32 v58, v37  }
0x7f: {  	v38 =	vadd.s32 $0xFFFFFFFF, v38;
	_ =	sdelay $0x2  }
0x80: {  	v36 =	vsel vm8, v19, v55  }
0x81: {  	[tilespmem:$0x80] =	vst v36  }
0x82: {  	[tilespmem:v38+s11+$0x0] =	vst.idx.msk vm8, v20  }
0x83: {  	v59 =	vld [tilespmem:$0x90];
	_ =	sdelay $0x4  }
0x84: {  	vm9 =	vgt.s32 v59, $0x182B7  }
0x85: {  	v60 =	vsel vm9, $0x1, v35  }
0x86: {  	(xrf0) =	vadd.scan.msk.s32 $0xffff, v60;
	_ =	sdelay $0x3  }
0x87: {  	v61 =	vmpcnt.ones.xlane vm8;
	_ =	sdelay $0x1  }
0x88: {  	v37 =	vadd.s32 v37, v61;
	v62, _, _ =	vpop (xrf0)  }
0x89: {  	v38 =	vadd.s32 v62, v37  }
0x8a: {  	v38 =	vadd.s32 $0xFFFFFFFF, v38;
	_ =	sdelay $0x2  }
0x8b: {  	v36 =	vsel vm9, v21, v59  }
0x8c: {  	[tilespmem:$0x90] =	vst v36  }
0x8d: {  	[tilespmem:v38+s11+$0x0] =	vst.idx.msk vm9, v22  }
0x8e: {  	v63 =	vld [tilespmem:$0xA0];
	_ =	sdelay $0x4  }
0x8f: {  	vm10 =	vgt.s32 v63, $0x182B7  }
0x90: {  	v40 =	vsel vm10, $0x1, v35  }
0x91: {  	(xrf0) =	vadd.scan.msk.s32 $0xffff, v40;
	_ =	sdelay $0x3  }
0x92: {  	v41 =	vmpcnt.ones.xlane vm9;
	_ =	sdelay $0x1  }
0x93: {  	v37 =	vadd.s32 v37, v41;
	v42, _, _ =	vpop (xrf0)  }
0x94: {  	v38 =	vadd.s32 v42, v37  }
0x95: {  	v38 =	vadd.s32 $0xFFFFFFFF, v38;
	_ =	sdelay $0x2  }
0x96: {  	v36 =	vsel vm10, v23, v63  }
0x97: {  	[tilespmem:$0xA0] =	vst v36  }
0x98: {  	[tilespmem:v38+s11+$0x0] =	vst.idx.msk vm10, v24  }
0x99: {  	v43 =	vld [tilespmem:$0xB0];
	_ =	sdelay $0x4  }
0x9a: {  	vm11 =	vgt.s32 v43, $0x182B7  }
0x9b: {  	v44 =	vsel vm11, $0x1, v35  }
0x9c: {  	(xrf0) =	vadd.scan.msk.s32 $0xffff, v44;
	_ =	sdelay $0x3  }
0x9d: {  	v45 =	vmpcnt.ones.xlane vm10;
	_ =	sdelay $0x1  }
0x9e: {  	v37 =	vadd.s32 v37, v45;
	v46, _, _ =	vpop (xrf0)  }
0x9f: {  	v38 =	vadd.s32 v46, v37  }
0xa0: {  	v38 =	vadd.s32 $0xFFFFFFFF, v38;
	_ =	sdelay $0x2  }
0xa1: {  	v36 =	vsel vm11, v25, v43  }
0xa2: {  	[tilespmem:$0xB0] =	vst v36  }
0xa3: {  	[tilespmem:v38+s11+$0x0] =	vst.idx.msk vm11, v26  }
0xa4: {  	v47 =	vld [tilespmem:$0xC0];
	_ =	sdelay $0x4  }
0xa5: {  	vm12 =	vgt.s32 v47, $0x182B7  }
0xa6: {  	v48 =	vsel vm12, $0x1, v35  }
0xa7: {  	(xrf0) =	vadd.scan.msk.s32 $0xffff, v48;
	_ =	sdelay $0x3  }
0xa8: {  	v49 =	vmpcnt.ones.xlane vm11;
	_ =	sdelay $0x1  }
0xa9: {  	v37 =	vadd.s32 v37, v49;
	v50, _, _ =	vpop (xrf0)  }
0xaa: {  	v38 =	vadd.s32 v50, v37  }
0xab: {  	v38 =	vadd.s32 $0xFFFFFFFF, v38;
	_ =	sdelay $0x2  }
0xac: {  	v36 =	vsel vm12, v27, v47  }
0xad: {  	[tilespmem:$0xC0] =	vst v36  }
0xae: {  	[tilespmem:v38+s11+$0x0] =	vst.idx.msk vm12, v28  }
0xaf: {  	v51 =	vld [tilespmem:$0xD0];
	_ =	sdelay $0x4  }
0xb0: {  	vm13 =	vgt.s32 v51, $0x182B7  }
0xb1: {  	v52 =	vsel vm13, $0x1, v35  }
0xb2: {  	(xrf0) =	vadd.scan.msk.s32 $0xffff, v52;
	_ =	sdelay $0x3  }
0xb3: {  	v53 =	vmpcnt.ones.xlane vm12;
	_ =	sdelay $0x1  }
0xb4: {  	v37 =	vadd.s32 v37, v53;
	v54, _, _ =	vpop (xrf0)  }
0xb5: {  	v38 =	vadd.s32 v54, v37  }
0xb6: {  	v38 =	vadd.s32 $0xFFFFFFFF, v38;
	_ =	sdelay $0x2  }
0xb7: {  	v36 =	vsel vm13, v29, v51  }
0xb8: {  	[tilespmem:$0xD0] =	vst v36  }
0xb9: {  	[tilespmem:v38+s11+$0x0] =	vst.idx.msk vm13, v30  }
0xba: {  	v55 =	vld [tilespmem:$0xE0];
	_ =	sdelay $0x4  }
0xbb: {  	vm14 =	vgt.s32 v55, $0x182B7  }
0xbc: {  	v56 =	vsel vm14, $0x1, v35  }
0xbd: {  	(xrf0) =	vadd.scan.msk.s32 $0xffff, v56;
	_ =	sdelay $0x3  }
0xbe: {  	v57 =	vmpcnt.ones.xlane vm13;
	_ =	sdelay $0x1  }
0xbf: {  	v37 =	vadd.s32 v37, v57;
	v58, _, _ =	vpop (xrf0)  }
0xc0: {  	v38 =	vadd.s32 v58, v37  }
0xc1: {  	v38 =	vadd.s32 $0xFFFFFFFF, v38;
	_ =	sdelay $0x2  }
0xc2: {  	v36 =	vsel vm14, v31, v55  }
0xc3: {  	[tilespmem:$0xE0] =	vst v36  }
0xc4: {  	[tilespmem:v38+s11+$0x0] =	vst.idx.msk vm14, v32  }
0xc5: {  	v59 =	vld [tilespmem:$0xF0];
	_ =	sdelay $0x4  }
0xc6: {  	vm15 =	vgt.s32 v59, $0x182B7  }
0xc7: {  	v60 =	vsel vm15, $0x1, v35  }
0xc8: {  	(xrf0) =	vadd.scan.msk.s32 $0xffff, v60;
	_ =	sdelay $0x3  }
0xc9: {  	v61 =	vmpcnt.ones.xlane vm14;
	_ =	sdelay $0x1  }
0xca: {  	v37 =	vadd.s32 v37, v61;
	v62, _, _ =	vpop (xrf0)  }
0xcb: {  	v38 =	vadd.s32 v62, v37  }
0xcc: {  	v38 =	vadd.s32 $0xFFFFFFFF, v38;
	_ =	sdelay $0x2  }
0xcd: {  	v36 =	vsel vm15, v33, v59  }
0xce: {  	v63 =	vmpcnt.ones.xlane vm15;
	[tilespmem:$0xF0] =	vst v36  }
0xcf: {  	s28 =	simm.s32 $0x0;
	[tilespmem:v38+s11+$0x0] =	vst.idx.msk vm15, v34  }
0xd0: {  	v36 =	vadd.s32 v37, v63;
	[tilespmem:s14], [sflag:$0x2] =	stream.indirect.gather [hbm4b:s1+s12], $0x80, s12, s12, $0xb8;
	[tilespmem:$0x1CC00] =	vst v63  }
.LBB2_2:
0xd1: {  	_ =	swait.ge [sflag:s15], $0x4000  }
0xd2: {  	[sflag:s15] =	ssyncset.done $0x0  }
0xd3: {  	s2 =	simm.s32 $0xCC80;
	[sflag:s15] =	ssyncadd.s32 $0xFFFFC000  }
0xd4: {  	v37 =	vld [tilespmem:s2+$0xFFFFFF80]  }
0xd5: {  	v38 =	vld [tilespmem:s2+$0xFFFFFF90]  }
0xd6: {  	v39 =	vld [tilespmem:s2+$0xFFFFFFA0]  }
0xd7: {  	v40 =	vld [tilespmem:s2+$0xFFFFFFB0]  }
0xd8: {  	v41 =	vld [tilespmem:s2+$0xFFFFFFC0]  }
0xd9: {  	v42 =	vld [tilespmem:s2+$0xFFFFFFD0];
	v37 =	vmul.f32 $1.131370830e+01, v37  }
0xda: {  	v43 =	vld [tilespmem:s2+$0xFFFFFFE0];
	v38 =	vmul.f32 $1.131370830e+01, v38  }
0xdb: {  	v55 =	vld [tilespmem:s2+$0x0];
	v54 =	vmul.f32 $1.131370830e+01, v39;
	[tilespmem:s2+$0xFFFFFF80] =	vst v37  }
0xdc: {  	v57 =	vld [tilespmem:s2+$0x10];
	v56 =	vmul.f32 $1.131370830e+01, v40;
	[tilespmem:s2+$0xFFFFFF90] =	vst v38  }
0xdd: {  	v59 =	vld [tilespmem:s2+$0x20];
	v58 =	vmul.f32 $1.131370830e+01, v41;
	[tilespmem:s2+$0xFFFFFFA0] =	vst v54  }
0xde: {  	v44 =	vld [tilespmem:s2+$0x30];
	v60 =	vmul.f32 $1.131370830e+01, v42;
	[tilespmem:s2+$0xFFFFFFB0] =	vst v56  }
0xdf: {  	v61 =	vmul.f32 $1.131370830e+01, v43;
	[tilespmem:s2+$0xFFFFFFC0] =	vst v58;
	v37 =	vld [tilespmem:s2+$0x40]  }
0xe0: {  	v62 =	vmul.f32 $1.131370830e+01, v55;
	v39 =	vld [tilespmem:s2+$0x50];
	[tilespmem:s2+$0xFFFFFFD0] =	vst v60  }
0xe1: {  	v63 =	vmul.f32 $1.131370830e+01, v57;
	v40 =	vld [tilespmem:s2+$0x60];
	[tilespmem:s2+$0xFFFFFFE0] =	vst v61  }
0xe2: {  	v42 =	vmul.f32 $1.131370830e+01, v59;
	v41 =	vld [tilespmem:s2+$0x70];
	[tilespmem:s2+$0x0] =	vst v62  }
0xe3: {  	s0 =	simm.s32 $0x0;
	s29 =	simm.s32 $0xCD80;
	v43 =	vmul.f32 $1.131370830e+01, v44;
	v38 =	vld [tilespmem:s2+$0xFFFFFFF0];
	[tilespmem:s2+$0x10] =	vst v63  }
.LBB2_3:
0xe4: {  	v44 =	vld [tilespmem:s29+$0xFFFFFF80];
	[tilespmem:s2+$0x20] =	vst v42;
	v37 =	vmul.f32 $1.131370830e+01, v37  }
0xe5: {  	v42 =	vld [tilespmem:s29+$0xFFFFFF90];
	[tilespmem:s2+$0x30] =	vst v43;
	v39 =	vmul.f32 $1.131370830e+01, v39  }
0xe6: {  	v43 =	vld [tilespmem:s29+$0xFFFFFFA0];
	[tilespmem:s2+$0x40] =	vst v37;
	v37 =	vmul.f32 $1.131370830e+01, v40  }
0xe7: {  	v40 =	vld [tilespmem:s29+$0xFFFFFFB0];
	[tilespmem:s2+$0x50] =	vst v39;
	v39 =	vmul.f32 $1.131370830e+01, v41  }
0xe8: {  	v41 =	vld [tilespmem:s29+$0xFFFFFFC0];
	v38 =	vmul.f32 $1.131370830e+01, v38;
	[tilespmem:s2+$0x60] =	vst v37  }
0xe9: {  	v37 =	vmul.f32 $1.131370830e+01, v44;
	v44 =	vld [tilespmem:s29+$0xFFFFFFD0];
	[tilespmem:s2+$0x70] =	vst v39  }
0xea: {  	v39 =	vmul.f32 $1.131370830e+01, v42;
	v42 =	vld [tilespmem:s29+$0xFFFFFFE0];
	[tilespmem:s2+$0xFFFFFFF0] =	vst v38;
	s2 =	smov.u32 s29  }
0xeb: {  	[tilespmem:s29+$0xFFFFFF80] =	vst v37;
	v37 =	vmul.f32 $1.131370830e+01, v43;
	v38 =	vld [tilespmem:s29+$0x0]  }
0xec: {  	[tilespmem:s29+$0xFFFFFF90] =	vst v39;
	v39 =	vmul.f32 $1.131370830e+01, v40;
	v40 =	vld [tilespmem:s29+$0x10]  }
0xed: {  	s0 =	sadd.s32 $0x2, s0;
	[tilespmem:s29+$0xFFFFFFA0] =	vst v37;
	v37 =	vmul.f32 $1.131370830e+01, v41;
	v41 =	vld [tilespmem:s29+$0x20]  }
0xee: {  	p0 =	slt.u32 s0, $0x7E;
	[tilespmem:s29+$0xFFFFFFB0] =	vst v39;
	v39 =	vmul.f32 $1.131370830e+01, v44;
	v43 =	vld [tilespmem:s29+$0x30]  }
.Ltmp2:
0xef: {  	[tilespmem:s29+$0xFFFFFFC0] =	vst v37;
	v42 =	vmul.f32 $1.131370830e+01, v42;
	v37 =	vld [tilespmem:s29+$0x40];
	(pc) =	sbr.rel @p0 .LBB2_3-.Ltmp2, $4  }
0xf0: {  	[tilespmem:s29+$0xFFFFFFD0] =	vst v39;
	v38 =	vmul.f32 $1.131370830e+01, v38;
	v39 =	vld [tilespmem:s29+$0x50]  }
0xf1: {  	[tilespmem:s29+$0xFFFFFFE0] =	vst v42;
	v44 =	vmul.f32 $1.131370830e+01, v40;
	v40 =	vld [tilespmem:s29+$0x60]  }
0xf2: {  	[tilespmem:s29+$0x0] =	vst v38;
	v42 =	vmul.f32 $1.131370830e+01, v41;
	v41 =	vld [tilespmem:s29+$0x70]  }
0xf3: {  	s29 =	sadd.s32 $0x100, s29;
	v38 =	vld [tilespmem:s2+$0xFFFFFFF0];
	[tilespmem:s2+$0x10] =	vst v44;
	v43 =	vmul.f32 $1.131370830e+01, v43  }
0xf4: {  	[tilespmem:s2+$0x20] =	vst v42;
	v37 =	vmul.f32 $1.131370830e+01, v37  }
0xf5: {  	[tilespmem:s2+$0x30] =	vst v43;
	v39 =	vmul.f32 $1.131370830e+01, v39  }
0xf6: {  	[tilespmem:s2+$0x40] =	vst v37;
	v52 =	vmul.f32 $1.131370830e+01, v40  }
0xf7: {  	s30 =	sshll.u32 s28, $0x10;
	[tilespmem:s2+$0x50] =	vst v39;
	v53 =	vmul.f32 $1.131370830e+01, v41  }
0xf8: {  	s29 =	sshll.u32 s28, $0x2;
	s0 =	sadd.s32 s5, s30;
	v38 =	vmul.f32 $1.131370830e+01, v38;
	[tilespmem:s2+$0x60] =	vst v52  }
0xf9: {  	s31 =	sor.u32 $0x2, s29;
	s0 =	sshrl.u32 s0, $0x3;
	[tilespmem:s2+$0x70] =	vst v53  }
0xfa: {  	s0 =	sadd.s32 s3, s0;
	[tilespmem:s2+$0xFFFFFFF0] =	vst v38;
	s2 =	sshll.u32 s31, $0x7  }
0xfb: {  	[hbm4b:s0+s4] =	stream.linear.scatter [tilespmem:s13], [sflag:$0x5], $0x4000, $0x38;
	[tilespmem:$0x1CC00] =	vst v63  }
0xfc: {  	v37 =	vld [tilespmem:s2+$0x0];
	_ =	sdelay $0x4  }
0xfd: {  	vm0 =	vgt.s32 v37, $0x182B7  }
0xfe: {  	v54 =	vsel vm0, $0x1, v35  }
0xff: {  	(xrf0) =	vadd.scan.msk.s32 $0xffff, v54;
	_ =	sdelay $0x5  }
0x100: {  	v38, _, _ =	vpop (xrf0)  }
0x101: {  	v38 =	vadd.s32 v38, v36  }
0x102: {  	v55 =	vor.u32 s2, v0;
	v38 =	vadd.s32 $0xFFFFFFFF, v38  }
0x103: {  	v56 =	vadd.s32 v1, v55  }
0x104: {  	v40 =	vand.u32 $0x3FEF, v56  }
0x105: {  	v37 =	vsel vm0, v40, v37  }
0x106: {  	v57 =	vadd.s32 v3, v55;
	[tilespmem:s2+$0x0] =	vst v37  }
0x107: {  	[tilespmem:v38+s11+$0x0] =	vst.idx.msk vm0, v57  }
0x108: {  	v37 =	vld [tilespmem:s2+$0x10];
	_ =	sdelay $0x4  }
0x109: {  	vm1 =	vgt.s32 v37, $0x182B7  }
0x10a: {  	v58 =	vsel vm1, $0x1, v35  }
0x10b: {  	(xrf0) =	vadd.scan.msk.s32 $0xffff, v58;
	_ =	sdelay $0x3  }
0x10c: {  	v59 =	vmpcnt.ones.xlane vm0;
	_ =	sdelay $0x1  }
0x10d: {  	v60 =	vadd.s32 v36, v59;
	v61, _, _ =	vpop (xrf0)  }
0x10e: {  	s8 =	sor.u32 $0x10, s2;
	v38 =	vadd.s32 v61, v60  }
0x10f: {  	v62 =	vor.u32 s8, v0;
	v38 =	vadd.s32 $0xFFFFFFFF, v38  }
0x110: {  	v63 =	vadd.s32 v1, v62  }
0x111: {  	v40 =	vand.u32 $0x3FFF, v63  }
0x112: {  	v37 =	vsel vm1, v40, v37  }
0x113: {  	v40 =	vadd.s32 v3, v62;
	[tilespmem:s2+$0x10] =	vst v37  }
0x114: {  	[tilespmem:v38+s11+$0x0] =	vst.idx.msk vm1, v40  }
0x115: {  	v37 =	vld [tilespmem:s2+$0x20];
	_ =	sdelay $0x4  }
0x116: {  	vm11 =	vgt.s32 v37, $0x182B7  }
0x117: {  	v41 =	vsel vm11, $0x1, v35  }
0x118: {  	(xrf0) =	vadd.scan.msk.s32 $0xffff, v41;
	_ =	sdelay $0x3  }
0x119: {  	v42 =	vmpcnt.ones.xlane vm1;
	_ =	sdelay $0x1  }
0x11a: {  	v36 =	vadd.s32 v60, v42;
	v43, _, _ =	vpop (xrf0)  }
0x11b: {  	s8 =	sor.u32 $0x20, s2;
	v38 =	vadd.s32 v43, v36  }
0x11c: {  	v44 =	vor.u32 s8, v0;
	v38 =	vadd.s32 $0xFFFFFFFF, v38  }
0x11d: {  	v45 =	vadd.s32 v1, v44  }
0x11e: {  	v40 =	vand.u32 $0x3FEF, v45  }
0x11f: {  	v37 =	vsel vm11, v40, v37  }
0x120: {  	v46 =	vadd.s32 v3, v44;
	[tilespmem:s2+$0x20] =	vst v37  }
0x121: {  	[tilespmem:v38+s11+$0x0] =	vst.idx.msk vm11, v46  }
0x122: {  	v37 =	vld [tilespmem:s2+$0x30];
	_ =	sdelay $0x4  }
0x123: {  	vm12 =	vgt.s32 v37, $0x182B7  }
0x124: {  	v47 =	vsel vm12, $0x1, v35  }
0x125: {  	(xrf0) =	vadd.scan.msk.s32 $0xffff, v47;
	_ =	sdelay $0x3  }
0x126: {  	v48 =	vmpcnt.ones.xlane vm11;
	_ =	sdelay $0x1  }
0x127: {  	v36 =	vadd.s32 v36, v48;
	v49, _, _ =	vpop (xrf0)  }
0x128: {  	s8 =	sor.u32 $0x30, s2;
	v38 =	vadd.s32 v49, v36  }
0x129: {  	v50 =	vor.u32 s8, v0;
	v38 =	vadd.s32 $0xFFFFFFFF, v38  }
0x12a: {  	v51 =	vadd.s32 v1, v50  }
0x12b: {  	v40 =	vand.u32 $0x3FFF, v51  }
0x12c: {  	v37 =	vsel vm12, v40, v37  }
0x12d: {  	v52 =	vadd.s32 v3, v50;
	[tilespmem:s2+$0x30] =	vst v37  }
0x12e: {  	[tilespmem:v38+s11+$0x0] =	vst.idx.msk vm12, v52  }
0x12f: {  	v37 =	vld [tilespmem:s2+$0x40];
	_ =	sdelay $0x4  }
0x130: {  	vm13 =	vgt.s32 v37, $0x182B7  }
0x131: {  	v53 =	vsel vm13, $0x1, v35  }
0x132: {  	(xrf0) =	vadd.scan.msk.s32 $0xffff, v53;
	_ =	sdelay $0x3  }
0x133: {  	v54 =	vmpcnt.ones.xlane vm12;
	_ =	sdelay $0x1  }
0x134: {  	v36 =	vadd.s32 v36, v54;
	v55, _, _ =	vpop (xrf0)  }
0x135: {  	s8 =	sor.u32 $0x40, s2;
	v38 =	vadd.s32 v55, v36  }
0x136: {  	v56 =	vor.u32 s8, v0;
	v38 =	vadd.s32 $0xFFFFFFFF, v38  }
0x137: {  	v57 =	vadd.s32 v1, v56  }
0x138: {  	v40 =	vand.u32 $0x3FEF, v57  }
0x139: {  	v37 =	vsel vm13, v40, v37  }
0x13a: {  	v58 =	vadd.s32 v3, v56;
	[tilespmem:s2+$0x40] =	vst v37  }
0x13b: {  	[tilespmem:v38+s11+$0x0] =	vst.idx.msk vm13, v58  }
0x13c: {  	v37 =	vld [tilespmem:s2+$0x50];
	_ =	sdelay $0x4  }
0x13d: {  	vm14 =	vgt.s32 v37, $0x182B7  }
0x13e: {  	v59 =	vsel vm14, $0x1, v35  }
0x13f: {  	(xrf0) =	vadd.scan.msk.s32 $0xffff, v59;
	_ =	sdelay $0x3  }
0x140: {  	v60 =	vmpcnt.ones.xlane vm13;
	_ =	sdelay $0x1  }
0x141: {  	v36 =	vadd.s32 v36, v60;
	v61, _, _ =	vpop (xrf0)  }
0x142: {  	s8 =	sor.u32 $0x50, s2;
	v38 =	vadd.s32 v61, v36  }
0x143: {  	v62 =	vor.u32 s8, v0;
	v38 =	vadd.s32 $0xFFFFFFFF, v38  }
0x144: {  	v63 =	vadd.s32 v1, v62  }
0x145: {  	v40 =	vand.u32 $0x3FFF, v63  }
0x146: {  	v37 =	vsel vm14, v40, v37  }
0x147: {  	v44 =	vadd.s32 v3, v62;
	[tilespmem:s2+$0x50] =	vst v37  }
0x148: {  	[tilespmem:v38+s11+$0x0] =	vst.idx.msk vm14, v44  }
0x149: {  	v37 =	vld [tilespmem:s2+$0x60];
	_ =	sdelay $0x4  }
0x14a: {  	vm2 =	vgt.s32 v37, $0x182B7  }
0x14b: {  	v45 =	vsel vm2, $0x1, v35  }
0x14c: {  	(xrf0) =	vadd.scan.msk.s32 $0xffff, v45;
	_ =	sdelay $0x3  }
0x14d: {  	v46 =	vmpcnt.ones.xlane vm14;
	_ =	sdelay $0x1  }
0x14e: {  	v36 =	vadd.s32 v36, v46;
	v47, _, _ =	vpop (xrf0)  }
0x14f: {  	s8 =	sor.u32 $0x60, s2;
	v38 =	vadd.s32 v47, v36  }
0x150: {  	v48 =	vor.u32 s8, v0;
	v38 =	vadd.s32 $0xFFFFFFFF, v38  }
0x151: {  	v49 =	vadd.s32 v1, v48  }
0x152: {  	v40 =	vand.u32 $0x3FEF, v49  }
0x153: {  	v37 =	vsel vm2, v40, v37  }
0x154: {  	v50 =	vadd.s32 v3, v48;
	[tilespmem:s2+$0x60] =	vst v37  }
0x155: {  	[tilespmem:v38+s11+$0x0] =	vst.idx.msk vm2, v50  }
0x156: {  	v37 =	vld [tilespmem:s2+$0x70];
	_ =	sdelay $0x4  }
0x157: {  	vm15 =	vgt.s32 v37, $0x182B7  }
0x158: {  	v51 =	vsel vm15, $0x1, v35  }
0x159: {  	(xrf0) =	vadd.scan.msk.s32 $0xffff, v51;
	_ =	sdelay $0x3  }
0x15a: {  	v52 =	vmpcnt.ones.xlane vm2;
	_ =	sdelay $0x1  }
0x15b: {  	v36 =	vadd.s32 v36, v52;
	v53, _, _ =	vpop (xrf0)  }
0x15c: {  	s8 =	sor.u32 $0x70, s2;
	v38 =	vadd.s32 v53, v36  }
0x15d: {  	v54 =	vor.u32 s8, v0;
	v38 =	vadd.s32 $0xFFFFFFFF, v38  }
0x15e: {  	v55 =	vadd.s32 v1, v54  }
0x15f: {  	v40 =	vand.u32 $0x3FFF, v55  }
0x160: {  	v37 =	vsel vm15, v40, v37  }
0x161: {  	p0 =	seq.s32 s28, $0x0;
	v56 =	vadd.s32 v3, v54;
	[tilespmem:s2+$0x70] =	vst v37  }
0x162: {  	s0 =	simm.s32 @!p0 $0x7;
	[tilespmem:v38+s11+$0x0] =	vst.idx.msk vm15, v56  }
0x163: {  	_ =	swait.ge @!p0 [sflag:s0], $0x4000  }
0x164: {  	[sflag:s0] =	ssyncset.done @!p0 $0x0  }
0x165: {  	s8 =	sand.u32 $0x3FFFFF80, s2;
	[sflag:s0] =	ssyncadd.s32 @!p0 $0xFFFFC000  }
0x166: {  	[tilespmem:s16], [sflag:$0x3] =	stream.indirect.gather [hbm4b:s1+s12], $0x80, s8, s12, $0xb8;
	[tilespmem:$0x1CC00] =	vst v63  }
0x167: {  	_ =	swait.ge [sflag:s17], $0x4000  }
0x168: {  	[sflag:s17] =	ssyncset.done $0x0  }
0x169: {  	s2 =	simm.s32 $0x10C00;
	[sflag:s17] =	ssyncadd.s32 $0xFFFFC000  }
0x16a: {  	v57 =	vld [tilespmem:s2+$0xA0]  }
0x16b: {  	v58 =	vld [tilespmem:s2+$0x40]  }
0x16c: {  	v59 =	vld [tilespmem:s2+$0xE0]  }
0x16d: {  	v60 =	vld [tilespmem:s2+$0xD0]  }
0x16e: {  	v61 =	vld [tilespmem:s2+$0x20]  }
0x16f: {  	v37 =	vld [tilespmem:s2+$0x90]  }
0x170: {  	v44 =	vld [tilespmem:s2+$0x10]  }
0x171: {  	v45 =	vld [tilespmem:s2+$0xC0]  }
0x172: {  	v46 =	vld [tilespmem:s2+$0x0];
	v38 =	vmul.f32 $1.131370830e+01, v57  }
0x173: {  	v48 =	vld [tilespmem:s2+$0x50];
	v41 =	vmul.f32 $1.131370830e+01, v60  }
0x174: {  	v47 =	vld [tilespmem:s2+$0xB0];
	v62 =	vmul.f32 $1.131370830e+01, v58;
	[tilespmem:s2+$0xA0] =	vst v38  }
0x175: {  	v42 =	vld [tilespmem:s2+$0xF0];
	v63 =	vmul.f32 $1.131370830e+01, v59;
	[tilespmem:s2+$0xD0] =	vst v41  }
0x176: {  	v40 =	vld [tilespmem:s2+$0x80];
	v43 =	vmul.f32 $1.131370830e+01, v61;
	[tilespmem:s2+$0x40] =	vst v62  }
0x177: {  	v49 =	vmpcnt.ones.xlane vm15;
	v50 =	vmul.f32 $1.131370830e+01, v45;
	[tilespmem:s2+$0xE0] =	vst v63;
	v41 =	vld [tilespmem:s2+$0x70]  }
0x178: {  	v45 =	vmul.f32 $1.131370830e+01, v46;
	v46 =	vmul.f32 $1.131370830e+01, v48;
	[tilespmem:s2+$0x20] =	vst v43;
	v43 =	vld [tilespmem:s2+$0x60]  }
0x179: {  	v36 =	vadd.s32 v36, v49;
	s0 =	simm.s32 $0x0;
	s8 =	simm.s32 $0x10D00;
	v39 =	vmul.f32 $1.131370830e+01, v47;
	v38 =	vmul.f32 $1.131370830e+01, v44;
	[tilespmem:s2+$0xC0] =	vst v50;
	v44 =	vld [tilespmem:s2+$0x30]  }
.LBB2_5:
0x17a: {  	v47 =	vld [tilespmem:s8+$0xA0];
	s0 =	sadd.s32 $0x2, s0;
	[tilespmem:s2+$0x0] =	vst v45;
	v37 =	vmul.f32 $1.131370830e+01, v37;
	v42 =	vmul.f32 $1.131370830e+01, v42  }
0x17b: {  	v45 =	vld [tilespmem:s8+$0x40];
	p1 =	slt.u32 s0, $0x7E;
	[tilespmem:s2+$0x50] =	vst v46;
	v40 =	vmul.f32 $1.131370830e+01, v40  }
0x17c: {  	v46 =	vld [tilespmem:s8+$0xE0];
	v41 =	vmul.f32 $1.131370830e+01, v41;
	[tilespmem:s2+$0xF0] =	vst v42  }
0x17d: {  	v48 =	vld [tilespmem:s8+$0x20];
	v42 =	vmul.f32 $1.131370830e+01, v43;
	[tilespmem:s2+$0x80] =	vst v40  }
0x17e: {  	v40 =	vld [tilespmem:s8+$0xD0];
	v43 =	vmul.f32 $1.131370830e+01, v44;
	[tilespmem:s2+$0x90] =	vst v37  }
0x17f: {  	v37 =	vld [tilespmem:s8+$0x90];
	v44 =	vmul.f32 $1.131370830e+01, v47;
	[tilespmem:s2+$0x10] =	vst v38  }
0x180: {  	v38 =	vld [tilespmem:s8+$0x10];
	[tilespmem:s2+$0x30] =	vst v43  }
0x181: {  	v43 =	vld [tilespmem:s8+$0xC0];
	v46 =	vmul.f32 $1.131370830e+01, v46;
	[tilespmem:s2+$0xB0] =	vst v39  }
0x182: {  	v39 =	vld [tilespmem:s8+$0x0];
	[tilespmem:s2+$0x70] =	vst v41  }
0x183: {  	v47 =	vld [tilespmem:s8+$0xB0];
	v40 =	vmul.f32 $1.131370830e+01, v40;
	[tilespmem:s2+$0x60] =	vst v42;
	s2 =	smov.u32 s8  }
0x184: {  	v49 =	vld [tilespmem:s8+$0x50];
	[tilespmem:s8+$0xA0] =	vst v44  }
.Ltmp3:
0x185: {  	v41 =	vmul.f32 $1.131370830e+01, v45;
	[tilespmem:s8+$0xD0] =	vst v40;
	v42 =	vld [tilespmem:s8+$0xF0];
	(pc) =	sbr.rel @p1 .LBB2_5-.Ltmp3, $4  }
0x186: {  	v40 =	vld [tilespmem:s8+$0x80];
	v44 =	vmul.f32 $1.131370830e+01, v43;
	[tilespmem:s8+$0xE0] =	vst v46  }
0x187: {  	v46 =	vmul.f32 $1.131370830e+01, v48;
	[tilespmem:s8+$0x40] =	vst v41;
	v41 =	vld [tilespmem:s8+$0x70]  }
0x188: {  	v38 =	vmul.f32 $1.131370830e+01, v38;
	v45 =	vmul.f32 $1.131370830e+01, v39;
	v43 =	vld [tilespmem:s8+$0x60];
	[tilespmem:s8+$0xC0] =	vst v44  }
0x189: {  	v39 =	vmul.f32 $1.131370830e+01, v47;
	s8 =	sadd.s32 $0x100, s8;
	[tilespmem:s2+$0x20] =	vst v46;
	v44 =	vld [tilespmem:s2+$0x30];
	v46 =	vmul.f32 $1.131370830e+01, v49  }
0x18a: {  	[tilespmem:s2+$0x0] =	vst v45  }
0x18b: {  	[tilespmem:s2+$0x10] =	vst v38  }
0x18c: {  	v42 =	vmul.f32 $1.131370830e+01, v42;
	[tilespmem:s2+$0x50] =	vst v46  }
0x18d: {  	v37 =	vmul.f32 $1.131370830e+01, v37;
	[tilespmem:s2+$0xB0] =	vst v39  }
0x18e: {  	v40 =	vmul.f32 $1.131370830e+01, v40;
	[tilespmem:s2+$0xF0] =	vst v42  }
0x18f: {  	[tilespmem:s2+$0x90] =	vst v37;
	v52 =	vmul.f32 $1.131370830e+01, v41  }
0x190: {  	[tilespmem:s2+$0x80] =	vst v40;
	v53 =	vmul.f32 $1.131370830e+01, v43  }
0x191: {  	s0 =	sadd.s32 s30, s7;
	v51 =	vmul.f32 $1.131370830e+01, v44;
	[tilespmem:s2+$0x70] =	vst v52  }
0x192: {  	s30 =	sor.u32 $0x3, s29;
	s0 =	sshrl.u32 s0, $0x3;
	[tilespmem:s2+$0x60] =	vst v53  }
0x193: {  	s0 =	sadd.s32 s3, s0;
	[tilespmem:s2+$0x30] =	vst v51;
	s2 =	sshll.u32 s30, $0x7  }
0x194: {  	[hbm4b:s0+s4] =	stream.linear.scatter [tilespmem:s14], [sflag:$0x6], $0x4000, $0x38;
	[tilespmem:$0x1CC00] =	vst v63  }
0x195: {  	v37 =	vld [tilespmem:s2+$0x0];
	_ =	sdelay $0x4  }
0x196: {  	vm0 =	vgt.s32 v37, $0x182B7  }
0x197: {  	v54 =	vsel vm0, $0x1, v35  }
0x198: {  	(xrf0) =	vadd.scan.msk.s32 $0xffff, v54;
	_ =	sdelay $0x5  }
0x199: {  	v38, _, _ =	vpop (xrf0)  }
0x19a: {  	v38 =	vadd.s32 v38, v36  }
0x19b: {  	v55 =	vor.u32 s2, v0;
	v38 =	vadd.s32 $0xFFFFFFFF, v38  }
0x19c: {  	v56 =	vadd.s32 v1, v55  }
0x19d: {  	v40 =	vand.u32 $0x3FEF, v56  }
0x19e: {  	v37 =	vsel vm0, v40, v37  }
0x19f: {  	v57 =	vadd.s32 v3, v55;
	[tilespmem:s2+$0x0] =	vst v37  }
0x1a0: {  	[tilespmem:v38+s11+$0x0] =	vst.idx.msk vm0, v57  }
0x1a1: {  	v37 =	vld [tilespmem:s2+$0x10];
	_ =	sdelay $0x4  }
0x1a2: {  	vm1 =	vgt.s32 v37, $0x182B7  }
0x1a3: {  	v58 =	vsel vm1, $0x1, v35  }
0x1a4: {  	(xrf0) =	vadd.scan.msk.s32 $0xffff, v58;
	_ =	sdelay $0x3  }
0x1a5: {  	v59 =	vmpcnt.ones.xlane vm0;
	_ =	sdelay $0x1  }
0x1a6: {  	v60 =	vadd.s32 v36, v59;
	v61, _, _ =	vpop (xrf0)  }
0x1a7: {  	s8 =	sor.u32 $0x10, s2;
	v38 =	vadd.s32 v61, v60  }
0x1a8: {  	v62 =	vor.u32 s8, v0;
	v38 =	vadd.s32 $0xFFFFFFFF, v38  }
0x1a9: {  	v63 =	vadd.s32 v1, v62  }
0x1aa: {  	v40 =	vand.u32 $0x3FFF, v63  }
0x1ab: {  	v37 =	vsel vm1, v40, v37  }
0x1ac: {  	v40 =	vadd.s32 v3, v62;
	[tilespmem:s2+$0x10] =	vst v37  }
0x1ad: {  	[tilespmem:v38+s11+$0x0] =	vst.idx.msk vm1, v40  }
0x1ae: {  	v37 =	vld [tilespmem:s2+$0x20];
	_ =	sdelay $0x4  }
0x1af: {  	vm11 =	vgt.s32 v37, $0x182B7  }
0x1b0: {  	v41 =	vsel vm11, $0x1, v35  }
0x1b1: {  	(xrf0) =	vadd.scan.msk.s32 $0xffff, v41;
	_ =	sdelay $0x3  }
0x1b2: {  	v42 =	vmpcnt.ones.xlane vm1;
	_ =	sdelay $0x1  }
0x1b3: {  	v36 =	vadd.s32 v60, v42;
	v43, _, _ =	vpop (xrf0)  }
0x1b4: {  	s8 =	sor.u32 $0x20, s2;
	v38 =	vadd.s32 v43, v36  }
0x1b5: {  	v44 =	vor.u32 s8, v0;
	v38 =	vadd.s32 $0xFFFFFFFF, v38  }
0x1b6: {  	v45 =	vadd.s32 v1, v44  }
0x1b7: {  	v40 =	vand.u32 $0x3FEF, v45  }
0x1b8: {  	v37 =	vsel vm11, v40, v37  }
0x1b9: {  	v46 =	vadd.s32 v3, v44;
	[tilespmem:s2+$0x20] =	vst v37  }
0x1ba: {  	[tilespmem:v38+s11+$0x0] =	vst.idx.msk vm11, v46  }
0x1bb: {  	v37 =	vld [tilespmem:s2+$0x30];
	_ =	sdelay $0x4  }
0x1bc: {  	vm12 =	vgt.s32 v37, $0x182B7  }
0x1bd: {  	v47 =	vsel vm12, $0x1, v35  }
0x1be: {  	(xrf0) =	vadd.scan.msk.s32 $0xffff, v47;
	_ =	sdelay $0x3  }
0x1bf: {  	v48 =	vmpcnt.ones.xlane vm11;
	_ =	sdelay $0x1  }
0x1c0: {  	v36 =	vadd.s32 v36, v48;
	v49, _, _ =	vpop (xrf0)  }
0x1c1: {  	s8 =	sor.u32 $0x30, s2;
	v38 =	vadd.s32 v49, v36  }
0x1c2: {  	v50 =	vor.u32 s8, v0;
	v38 =	vadd.s32 $0xFFFFFFFF, v38  }
0x1c3: {  	v51 =	vadd.s32 v1, v50  }
0x1c4: {  	v40 =	vand.u32 $0x3FFF, v51  }
0x1c5: {  	v37 =	vsel vm12, v40, v37  }
0x1c6: {  	v52 =	vadd.s32 v3, v50;
	[tilespmem:s2+$0x30] =	vst v37  }
0x1c7: {  	[tilespmem:v38+s11+$0x0] =	vst.idx.msk vm12, v52  }
0x1c8: {  	v37 =	vld [tilespmem:s2+$0x40];
	_ =	sdelay $0x4  }
0x1c9: {  	vm13 =	vgt.s32 v37, $0x182B7  }
0x1ca: {  	v53 =	vsel vm13, $0x1, v35  }
0x1cb: {  	(xrf0) =	vadd.scan.msk.s32 $0xffff, v53;
	_ =	sdelay $0x3  }
0x1cc: {  	v54 =	vmpcnt.ones.xlane vm12;
	_ =	sdelay $0x1  }
0x1cd: {  	v36 =	vadd.s32 v36, v54;
	v55, _, _ =	vpop (xrf0)  }
0x1ce: {  	s8 =	sor.u32 $0x40, s2;
	v38 =	vadd.s32 v55, v36  }
0x1cf: {  	v56 =	vor.u32 s8, v0;
	v38 =	vadd.s32 $0xFFFFFFFF, v38  }
0x1d0: {  	v57 =	vadd.s32 v1, v56  }
0x1d1: {  	v40 =	vand.u32 $0x3FEF, v57  }
0x1d2: {  	v37 =	vsel vm13, v40, v37  }
0x1d3: {  	v58 =	vadd.s32 v3, v56;
	[tilespmem:s2+$0x40] =	vst v37  }
0x1d4: {  	[tilespmem:v38+s11+$0x0] =	vst.idx.msk vm13, v58  }
0x1d5: {  	v37 =	vld [tilespmem:s2+$0x50];
	_ =	sdelay $0x4  }
0x1d6: {  	vm14 =	vgt.s32 v37, $0x182B7  }
0x1d7: {  	v59 =	vsel vm14, $0x1, v35  }
0x1d8: {  	(xrf0) =	vadd.scan.msk.s32 $0xffff, v59;
	_ =	sdelay $0x3  }
0x1d9: {  	v60 =	vmpcnt.ones.xlane vm13;
	_ =	sdelay $0x1  }
0x1da: {  	v36 =	vadd.s32 v36, v60;
	v61, _, _ =	vpop (xrf0)  }
0x1db: {  	s8 =	sor.u32 $0x50, s2;
	v38 =	vadd.s32 v61, v36  }
0x1dc: {  	v62 =	vor.u32 s8, v0;
	v38 =	vadd.s32 $0xFFFFFFFF, v38  }
0x1dd: {  	v63 =	vadd.s32 v1, v62  }
0x1de: {  	v40 =	vand.u32 $0x3FFF, v63  }
0x1df: {  	v37 =	vsel vm14, v40, v37  }
0x1e0: {  	v41 =	vadd.s32 v3, v62;
	[tilespmem:s2+$0x50] =	vst v37  }
0x1e1: {  	[tilespmem:v38+s11+$0x0] =	vst.idx.msk vm14, v41  }
0x1e2: {  	v37 =	vld [tilespmem:s2+$0x60];
	_ =	sdelay $0x4  }
0x1e3: {  	vm2 =	vgt.s32 v37, $0x182B7  }
0x1e4: {  	v42 =	vsel vm2, $0x1, v35  }
0x1e5: {  	(xrf0) =	vadd.scan.msk.s32 $0xffff, v42;
	_ =	sdelay $0x3  }
0x1e6: {  	v43 =	vmpcnt.ones.xlane vm14;
	_ =	sdelay $0x1  }
0x1e7: {  	v36 =	vadd.s32 v36, v43;
	v44, _, _ =	vpop (xrf0)  }
0x1e8: {  	s8 =	sor.u32 $0x60, s2;
	v38 =	vadd.s32 v44, v36  }
0x1e9: {  	v45 =	vor.u32 s8, v0;
	v38 =	vadd.s32 $0xFFFFFFFF, v38  }
0x1ea: {  	v46 =	vadd.s32 v1, v45  }
0x1eb: {  	v40 =	vand.u32 $0x3FEF, v46  }
0x1ec: {  	v37 =	vsel vm2, v40, v37  }
0x1ed: {  	v47 =	vadd.s32 v3, v45;
	[tilespmem:s2+$0x60] =	vst v37  }
0x1ee: {  	[tilespmem:v38+s11+$0x0] =	vst.idx.msk vm2, v47  }
0x1ef: {  	v37 =	vld [tilespmem:s2+$0x70];
	_ =	sdelay $0x4  }
0x1f0: {  	vm15 =	vgt.s32 v37, $0x182B7  }
0x1f1: {  	v48 =	vsel vm15, $0x1, v35  }
0x1f2: {  	(xrf0) =	vadd.scan.msk.s32 $0xffff, v48;
	_ =	sdelay $0x3  }
0x1f3: {  	v49 =	vmpcnt.ones.xlane vm2;
	_ =	sdelay $0x1  }
0x1f4: {  	v36 =	vadd.s32 v36, v49;
	v50, _, _ =	vpop (xrf0)  }
0x1f5: {  	s8 =	sor.u32 $0x70, s2;
	v38 =	vadd.s32 v50, v36  }
0x1f6: {  	v51 =	vor.u32 s8, v0;
	v38 =	vadd.s32 $0xFFFFFFFF, v38  }
0x1f7: {  	v52 =	vadd.s32 v1, v51  }
0x1f8: {  	v40 =	vand.u32 $0x3FFF, v52  }
0x1f9: {  	v37 =	vsel vm15, v40, v37  }
0x1fa: {  	v53 =	vadd.s32 v3, v51;
	[tilespmem:s2+$0x70] =	vst v37  }
0x1fb: {  	s0 =	simm.s32 @!p0 $0x8;
	[tilespmem:v38+s11+$0x0] =	vst.idx.msk vm15, v53  }
0x1fc: {  	_ =	swait.ge @!p0 [sflag:s0], $0x4000  }
0x1fd: {  	[sflag:s0] =	ssyncset.done @!p0 $0x0  }
0x1fe: {  	s8 =	sand.u32 $0x3FFFFF80, s2;
	[sflag:s0] =	ssyncadd.s32 @!p0 $0xFFFFC000  }
0x1ff: {  	[tilespmem:s18], [sflag:$0x4] =	stream.indirect.gather [hbm4b:s1+s12], $0x80, s8, s12, $0xb8;
	[tilespmem:$0x1CC00] =	vst v63  }
0x200: {  	_ =	swait.ge [sflag:s19], $0x4000  }
0x201: {  	[sflag:s19] =	ssyncset.done $0x0  }
0x202: {  	s2 =	simm.s32 $0x14C00;
	[sflag:s19] =	ssyncadd.s32 $0xFFFFC000  }
0x203: {  	v54 =	vld [tilespmem:s2+$0xA0]  }
0x204: {  	v55 =	vld [tilespmem:s2+$0x40]  }
0x205: {  	v56 =	vld [tilespmem:s2+$0xE0]  }
0x206: {  	v57 =	vld [tilespmem:s2+$0xD0]  }
0x207: {  	v58 =	vld [tilespmem:s2+$0x20]  }
0x208: {  	v37 =	vld [tilespmem:s2+$0x90]  }
0x209: {  	v59 =	vld [tilespmem:s2+$0x10]  }
0x20a: {  	v60 =	vld [tilespmem:s2+$0xC0]  }
0x20b: {  	v61 =	vld [tilespmem:s2+$0x0];
	v38 =	vmul.f32 $1.131370830e+01, v54  }
0x20c: {  	v48 =	vld [tilespmem:s2+$0x50];
	v41 =	vmul.f32 $1.131370830e+01, v57  }
0x20d: {  	v47 =	vld [tilespmem:s2+$0xB0];
	v62 =	vmul.f32 $1.131370830e+01, v55;
	[tilespmem:s2+$0xA0] =	vst v38  }
0x20e: {  	v43 =	vld [tilespmem:s2+$0xF0];
	v63 =	vmul.f32 $1.131370830e+01, v56;
	[tilespmem:s2+$0xD0] =	vst v41  }
0x20f: {  	v40 =	vld [tilespmem:s2+$0x80];
	v42 =	vmul.f32 $1.131370830e+01, v58;
	[tilespmem:s2+$0x40] =	vst v62  }
0x210: {  	v49 =	vmpcnt.ones.xlane vm15;
	v50 =	vmul.f32 $1.131370830e+01, v60;
	[tilespmem:s2+$0xE0] =	vst v63;
	v41 =	vld [tilespmem:s2+$0x70]  }
0x211: {  	v45 =	vmul.f32 $1.131370830e+01, v61;
	v46 =	vmul.f32 $1.131370830e+01, v48;
	[tilespmem:s2+$0x20] =	vst v42;
	v42 =	vld [tilespmem:s2+$0x60]  }
0x212: {  	v36 =	vadd.s32 v36, v49;
	s0 =	simm.s32 $0x0;
	s8 =	simm.s32 $0x14D00;
	v44 =	vld [tilespmem:s2+$0x30];
	v39 =	vmul.f32 $1.131370830e+01, v47;
	v38 =	vmul.f32 $1.131370830e+01, v59;
	[tilespmem:s2+$0xC0] =	vst v50  }
.LBB2_7:
0x213: {  	v47 =	vld [tilespmem:s8+$0xA0];
	s0 =	sadd.s32 $0x2, s0;
	[tilespmem:s2+$0x0] =	vst v45;
	v37 =	vmul.f32 $1.131370830e+01, v37;
	v43 =	vmul.f32 $1.131370830e+01, v43  }
0x214: {  	v45 =	vld [tilespmem:s8+$0x40];
	p0 =	slt.u32 s0, $0x7E;
	[tilespmem:s2+$0x50] =	vst v46;
	v40 =	vmul.f32 $1.131370830e+01, v40  }
0x215: {  	v46 =	vld [tilespmem:s8+$0xE0];
	v41 =	vmul.f32 $1.131370830e+01, v41;
	[tilespmem:s2+$0xF0] =	vst v43  }
0x216: {  	v48 =	vld [tilespmem:s8+$0x20];
	v42 =	vmul.f32 $1.131370830e+01, v42;
	[tilespmem:s2+$0x80] =	vst v40  }
0x217: {  	v40 =	vld [tilespmem:s8+$0xD0];
	v43 =	vmul.f32 $1.131370830e+01, v44;
	[tilespmem:s2+$0x90] =	vst v37  }
0x218: {  	v37 =	vld [tilespmem:s8+$0x90];
	v44 =	vmul.f32 $1.131370830e+01, v47;
	[tilespmem:s2+$0x10] =	vst v38  }
0x219: {  	v38 =	vld [tilespmem:s8+$0x10];
	[tilespmem:s2+$0x30] =	vst v43  }
0x21a: {  	v47 =	vld [tilespmem:s8+$0xC0];
	v46 =	vmul.f32 $1.131370830e+01, v46;
	[tilespmem:s2+$0xB0] =	vst v39  }
0x21b: {  	v39 =	vld [tilespmem:s8+$0x0];
	[tilespmem:s2+$0x70] =	vst v41  }
0x21c: {  	v49 =	vld [tilespmem:s8+$0xB0];
	v40 =	vmul.f32 $1.131370830e+01, v40;
	[tilespmem:s2+$0x60] =	vst v42;
	s2 =	smov.u32 s8  }
0x21d: {  	v50 =	vld [tilespmem:s8+$0x50];
	[tilespmem:s8+$0xA0] =	vst v44  }
.Ltmp4:
0x21e: {  	v41 =	vmul.f32 $1.131370830e+01, v45;
	[tilespmem:s8+$0xD0] =	vst v40;
	v43 =	vld [tilespmem:s8+$0xF0];
	(pc) =	sbr.rel @p0 .LBB2_7-.Ltmp4, $4  }
0x21f: {  	v40 =	vld [tilespmem:s8+$0x80];
	v44 =	vmul.f32 $1.131370830e+01, v47;
	[tilespmem:s8+$0xE0] =	vst v46  }
0x220: {  	v46 =	vmul.f32 $1.131370830e+01, v48;
	[tilespmem:s8+$0x40] =	vst v41;
	v41 =	vld [tilespmem:s8+$0x70]  }
0x221: {  	v38 =	vmul.f32 $1.131370830e+01, v38;
	v45 =	vmul.f32 $1.131370830e+01, v39;
	v42 =	vld [tilespmem:s8+$0x60];
	[tilespmem:s8+$0xC0] =	vst v44  }
0x222: {  	v39 =	vmul.f32 $1.131370830e+01, v49;
	s8 =	sadd.s32 $0x100, s8;
	[tilespmem:s2+$0x20] =	vst v46;
	v44 =	vld [tilespmem:s2+$0x30];
	v46 =	vmul.f32 $1.131370830e+01, v50  }
0x223: {  	[tilespmem:s2+$0x0] =	vst v45  }
0x224: {  	[tilespmem:s2+$0x10] =	vst v38  }
0x225: {  	v43 =	vmul.f32 $1.131370830e+01, v43;
	[tilespmem:s2+$0x50] =	vst v46  }
0x226: {  	v37 =	vmul.f32 $1.131370830e+01, v37;
	[tilespmem:s2+$0xB0] =	vst v39  }
0x227: {  	v40 =	vmul.f32 $1.131370830e+01, v40;
	[tilespmem:s2+$0xF0] =	vst v43  }
0x228: {  	p0 =	seq.s32 s28, $0x31;
	[tilespmem:s2+$0x90] =	vst v37;
	v62 =	vmul.f32 $1.131370830e+01, v41  }
.Ltmp5:
0x229: {  	s0 =	sshll.u32 s31, $0xE;
	[tilespmem:s2+$0x80] =	vst v40;
	v63 =	vmul.f32 $1.131370830e+01, v42;
	(pc) =	sbr.rel @p0 .LBB2_10-.Ltmp5, $4  }
0x22a: {  	s0 =	sadd.s32 s5, s0;
	v61 =	vmul.f32 $1.131370830e+01, v44;
	[tilespmem:s2+$0x70] =	vst v62  }
0x22b: {  	s0 =	sshrl.u32 s0, $0x3;
	[tilespmem:s2+$0x60] =	vst v63  }
0x22c: {  	s0 =	sadd.s32 s3, s0;
	[tilespmem:s2+$0x30] =	vst v61  }
0x22d: {  	[hbm4b:s0+s4] =	stream.linear.scatter [tilespmem:s16], [sflag:$0x7], $0x4000, $0x38;
	[tilespmem:$0x1CC00] =	vst v63  }
0x22e: {  	s2 =	sshll.u32 s29, $0x7  }
0x22f: {  	v37 =	vld [tilespmem:s2+$0x200];
	_ =	sdelay $0x4  }
0x230: {  	vm0 =	vgt.s32 v37, $0x182B7  }
0x231: {  	v38 =	vsel vm0, $0x1, v35  }
0x232: {  	(xrf0) =	vadd.scan.msk.s32 $0xffff, v38;
	_ =	sdelay $0x5  }
0x233: {  	v38, _, _ =	vpop (xrf0)  }
0x234: {  	s31 =	sadd.s32 $0x200, s2;
	v38 =	vadd.s32 v38, v36  }
0x235: {  	v39 =	vor.u32 s31, v0;
	v38 =	vadd.s32 $0xFFFFFFFF, v38  }
0x236: {  	v40 =	vadd.s32 v1, v39  }
0x237: {  	v40 =	vand.u32 $0x3FEF, v40  }
0x238: {  	v37 =	vsel vm0, v40, v37  }
0x239: {  	v60 =	vadd.s32 v3, v39;
	[tilespmem:s2+$0x200] =	vst v37  }
0x23a: {  	[tilespmem:v38+s11+$0x0] =	vst.idx.msk vm0, v60  }
0x23b: {  	v37 =	vld [tilespmem:s2+$0x210];
	_ =	sdelay $0x4  }
0x23c: {  	vm1 =	vgt.s32 v37, $0x182B7  }
0x23d: {  	v61 =	vsel vm1, $0x1, v35  }
0x23e: {  	(xrf0) =	vadd.scan.msk.s32 $0xffff, v61;
	_ =	sdelay $0x3  }
0x23f: {  	v62 =	vmpcnt.ones.xlane vm0;
	_ =	sdelay $0x1  }
0x240: {  	v63 =	vadd.s32 v36, v62;
	v43, _, _ =	vpop (xrf0)  }
0x241: {  	s0 =	sadd.s32 $0x210, s2;
	v38 =	vadd.s32 v43, v63  }
0x242: {  	v44 =	vor.u32 s0, v0;
	v38 =	vadd.s32 $0xFFFFFFFF, v38  }
0x243: {  	v45 =	vadd.s32 v1, v44  }
0x244: {  	v40 =	vand.u32 $0x3FFF, v45  }
0x245: {  	v37 =	vsel vm1, v40, v37  }
0x246: {  	v46 =	vadd.s32 v3, v44;
	[tilespmem:s2+$0x210] =	vst v37  }
0x247: {  	[tilespmem:v38+s11+$0x0] =	vst.idx.msk vm1, v46  }
0x248: {  	v37 =	vld [tilespmem:s2+$0x220];
	_ =	sdelay $0x4  }
0x249: {  	vm10 =	vgt.s32 v37, $0x182B7  }
0x24a: {  	v47 =	vsel vm10, $0x1, v35  }
0x24b: {  	(xrf0) =	vadd.scan.msk.s32 $0xffff, v47;
	_ =	sdelay $0x3  }
0x24c: {  	v48 =	vmpcnt.ones.xlane vm1;
	_ =	sdelay $0x1  }
0x24d: {  	v36 =	vadd.s32 v63, v48;
	v49, _, _ =	vpop (xrf0)  }
0x24e: {  	s8 =	sadd.s32 $0x220, s2;
	v38 =	vadd.s32 v49, v36  }
0x24f: {  	v50 =	vor.u32 s8, v0;
	v38 =	vadd.s32 $0xFFFFFFFF, v38  }
0x250: {  	v51 =	vadd.s32 v1, v50  }
0x251: {  	v40 =	vand.u32 $0x3FEF, v51  }
0x252: {  	v37 =	vsel vm10, v40, v37  }
0x253: {  	v52 =	vadd.s32 v3, v50;
	[tilespmem:s2+$0x220] =	vst v37  }
0x254: {  	[tilespmem:v38+s11+$0x0] =	vst.idx.msk vm10, v52  }
0x255: {  	v37 =	vld [tilespmem:s2+$0x230];
	_ =	sdelay $0x4  }
0x256: {  	vm11 =	vgt.s32 v37, $0x182B7  }
0x257: {  	v53 =	vsel vm11, $0x1, v35  }
0x258: {  	(xrf0) =	vadd.scan.msk.s32 $0xffff, v53;
	_ =	sdelay $0x3  }
0x259: {  	v54 =	vmpcnt.ones.xlane vm10;
	_ =	sdelay $0x1  }
0x25a: {  	v36 =	vadd.s32 v36, v54;
	v55, _, _ =	vpop (xrf0)  }
0x25b: {  	s8 =	sadd.s32 $0x230, s2;
	v38 =	vadd.s32 v55, v36  }
0x25c: {  	v56 =	vor.u32 s8, v0;
	v38 =	vadd.s32 $0xFFFFFFFF, v38  }
0x25d: {  	v57 =	vadd.s32 v1, v56  }
0x25e: {  	v40 =	vand.u32 $0x3FFF, v57  }
0x25f: {  	v37 =	vsel vm11, v40, v37  }
0x260: {  	v58 =	vadd.s32 v3, v56;
	[tilespmem:s2+$0x230] =	vst v37  }
0x261: {  	[tilespmem:v38+s11+$0x0] =	vst.idx.msk vm11, v58  }
0x262: {  	v37 =	vld [tilespmem:s2+$0x240];
	_ =	sdelay $0x4  }
0x263: {  	vm12 =	vgt.s32 v37, $0x182B7  }
0x264: {  	v59 =	vsel vm12, $0x1, v35  }
0x265: {  	(xrf0) =	vadd.scan.msk.s32 $0xffff, v59;
	_ =	sdelay $0x3  }
0x266: {  	v60 =	vmpcnt.ones.xlane vm11;
	_ =	sdelay $0x1  }
0x267: {  	v36 =	vadd.s32 v36, v60;
	v61, _, _ =	vpop (xrf0)  }
0x268: {  	s8 =	sadd.s32 $0x240, s2;
	v38 =	vadd.s32 v61, v36  }
0x269: {  	v62 =	vor.u32 s8, v0;
	v38 =	vadd.s32 $0xFFFFFFFF, v38  }
0x26a: {  	v63 =	vadd.s32 v1, v62  }
0x26b: {  	v40 =	vand.u32 $0x3FEF, v63  }
0x26c: {  	v37 =	vsel vm12, v40, v37  }
0x26d: {  	v44 =	vadd.s32 v3, v62;
	[tilespmem:s2+$0x240] =	vst v37  }
0x26e: {  	[tilespmem:v38+s11+$0x0] =	vst.idx.msk vm12, v44  }
0x26f: {  	v37 =	vld [tilespmem:s2+$0x250];
	_ =	sdelay $0x4  }
0x270: {  	vm13 =	vgt.s32 v37, $0x182B7  }
0x271: {  	v45 =	vsel vm13, $0x1, v35  }
0x272: {  	(xrf0) =	vadd.scan.msk.s32 $0xffff, v45;
	_ =	sdelay $0x3  }
0x273: {  	v46 =	vmpcnt.ones.xlane vm12;
	_ =	sdelay $0x1  }
0x274: {  	v36 =	vadd.s32 v36, v46;
	v47, _, _ =	vpop (xrf0)  }
0x275: {  	s8 =	sadd.s32 $0x250, s2;
	v38 =	vadd.s32 v47, v36  }
0x276: {  	v48 =	vor.u32 s8, v0;
	v38 =	vadd.s32 $0xFFFFFFFF, v38  }
0x277: {  	v49 =	vadd.s32 v1, v48  }
0x278: {  	v40 =	vand.u32 $0x3FFF, v49  }
0x279: {  	v37 =	vsel vm13, v40, v37  }
0x27a: {  	v50 =	vadd.s32 v3, v48;
	[tilespmem:s2+$0x250] =	vst v37  }
0x27b: {  	[tilespmem:v38+s11+$0x0] =	vst.idx.msk vm13, v50  }
0x27c: {  	v37 =	vld [tilespmem:s2+$0x260];
	_ =	sdelay $0x4  }
0x27d: {  	vm14 =	vgt.s32 v37, $0x182B7  }
0x27e: {  	v51 =	vsel vm14, $0x1, v35  }
0x27f: {  	(xrf0) =	vadd.scan.msk.s32 $0xffff, v51;
	_ =	sdelay $0x3  }
0x280: {  	v52 =	vmpcnt.ones.xlane vm13;
	_ =	sdelay $0x1  }
0x281: {  	v36 =	vadd.s32 v36, v52;
	v53, _, _ =	vpop (xrf0)  }
0x282: {  	s8 =	sadd.s32 $0x260, s2;
	v38 =	vadd.s32 v53, v36  }
0x283: {  	v54 =	vor.u32 s8, v0;
	v38 =	vadd.s32 $0xFFFFFFFF, v38  }
0x284: {  	v55 =	vadd.s32 v1, v54  }
0x285: {  	v40 =	vand.u32 $0x3FEF, v55  }
0x286: {  	v37 =	vsel vm14, v40, v37  }
0x287: {  	v56 =	vadd.s32 v3, v54;
	[tilespmem:s2+$0x260] =	vst v37  }
0x288: {  	[tilespmem:v38+s11+$0x0] =	vst.idx.msk vm14, v56  }
0x289: {  	v37 =	vld [tilespmem:s2+$0x270];
	_ =	sdelay $0x4  }
0x28a: {  	vm15 =	vgt.s32 v37, $0x182B7  }
0x28b: {  	v57 =	vsel vm15, $0x1, v35  }
0x28c: {  	(xrf0) =	vadd.scan.msk.s32 $0xffff, v57;
	_ =	sdelay $0x3  }
0x28d: {  	v58 =	vmpcnt.ones.xlane vm14;
	_ =	sdelay $0x1  }
0x28e: {  	v36 =	vadd.s32 v36, v58;
	v59, _, _ =	vpop (xrf0)  }
0x28f: {  	s8 =	sadd.s32 $0x270, s2;
	v38 =	vadd.s32 v59, v36  }
0x290: {  	v60 =	vor.u32 s8, v0;
	v38 =	vadd.s32 $0xFFFFFFFF, v38  }
0x291: {  	v61 =	vadd.s32 v1, v60  }
0x292: {  	v40 =	vand.u32 $0x3FFF, v61  }
0x293: {  	v37 =	vsel vm15, v40, v37  }
0x294: {  	v62 =	vadd.s32 v3, v60;
	[tilespmem:s2+$0x270] =	vst v37  }
0x295: {  	[tilespmem:v38+s11+$0x0] =	vst.idx.msk vm15, v62  }
0x296: {  	_ =	swait.ge [sflag:s21], $0x4000  }
0x297: {  	v63 =	vmpcnt.ones.xlane vm15;
	[sflag:s21] =	ssyncset.done $0x0  }
0x298: {  	s31 =	sand.u32 $0x3FFFFF80, s31;
	[sflag:s21] =	ssyncadd.s32 $0xFFFFC000  }
0x299: {  	v36 =	vadd.s32 v36, v63;
	[tilespmem:s13], [sflag:$0x1] =	stream.indirect.gather [hbm4b:s1+s12], $0x80, s31, s12, $0xb8;
	[tilespmem:$0x1CC00] =	vst v63  }
.LBB2_10:
0x29a: {  	_ =	swait.ge [sflag:s20], $0x4000  }
0x29b: {  	[sflag:s20] =	ssyncset.done $0x0  }
0x29c: {  	s2 =	simm.s32 $0x18C00;
	[sflag:s20] =	ssyncadd.s32 $0xFFFFC000  }
0x29d: {  	v38 =	vld [tilespmem:s2+$0xA0]  }
0x29e: {  	v39 =	vld [tilespmem:s2+$0x40]  }
0x29f: {  	v40 =	vld [tilespmem:s2+$0xE0]  }
0x2a0: {  	v41 =	vld [tilespmem:s2+$0xD0]  }
0x2a1: {  	v42 =	vld [tilespmem:s2+$0x20]  }
0x2a2: {  	v37 =	vld [tilespmem:s2+$0x90]  }
0x2a3: {  	v44 =	vld [tilespmem:s2+$0x10]  }
0x2a4: {  	v45 =	vld [tilespmem:s2+$0xC0]  }
0x2a5: {  	v46 =	vld [tilespmem:s2+$0x0];
	v38 =	vmul.f32 $1.131370830e+01, v38  }
0x2a6: {  	v48 =	vld [tilespmem:s2+$0x50];
	v41 =	vmul.f32 $1.131370830e+01, v41  }
0x2a7: {  	v47 =	vld [tilespmem:s2+$0xB0];
	v62 =	vmul.f32 $1.131370830e+01, v39;
	[tilespmem:s2+$0xA0] =	vst v38  }
0x2a8: {  	v43 =	vld [tilespmem:s2+$0xF0];
	v63 =	vmul.f32 $1.131370830e+01, v40;
	[tilespmem:s2+$0xD0] =	vst v41  }
0x2a9: {  	v40 =	vld [tilespmem:s2+$0x80];
	v49 =	vmul.f32 $1.131370830e+01, v42;
	[tilespmem:s2+$0x40] =	vst v62  }
0x2aa: {  	v50 =	vmul.f32 $1.131370830e+01, v45;
	[tilespmem:s2+$0xE0] =	vst v63;
	v41 =	vld [tilespmem:s2+$0x70]  }
0x2ab: {  	v45 =	vmul.f32 $1.131370830e+01, v46;
	v42 =	vld [tilespmem:s2+$0x60];
	v46 =	vmul.f32 $1.131370830e+01, v48;
	[tilespmem:s2+$0x20] =	vst v49  }
0x2ac: {  	s0 =	simm.s32 $0x0;
	s8 =	simm.s32 $0x18D00;
	v39 =	vmul.f32 $1.131370830e+01, v47;
	v38 =	vmul.f32 $1.131370830e+01, v44;
	[tilespmem:s2+$0xC0] =	vst v50;
	v44 =	vld [tilespmem:s2+$0x30]  }
.LBB2_11:
0x2ad: {  	v47 =	vld [tilespmem:s8+$0xA0];
	s0 =	sadd.s32 $0x2, s0;
	[tilespmem:s2+$0x0] =	vst v45;
	v37 =	vmul.f32 $1.131370830e+01, v37;
	v43 =	vmul.f32 $1.131370830e+01, v43  }
0x2ae: {  	v45 =	vld [tilespmem:s8+$0x40];
	p1 =	slt.u32 s0, $0x7E;
	[tilespmem:s2+$0x50] =	vst v46;
	v40 =	vmul.f32 $1.131370830e+01, v40  }
0x2af: {  	v46 =	vld [tilespmem:s8+$0xE0];
	v41 =	vmul.f32 $1.131370830e+01, v41;
	[tilespmem:s2+$0xF0] =	vst v43  }
0x2b0: {  	v48 =	vld [tilespmem:s8+$0x20];
	v42 =	vmul.f32 $1.131370830e+01, v42;
	[tilespmem:s2+$0x80] =	vst v40  }
0x2b1: {  	v40 =	vld [tilespmem:s8+$0xD0];
	v43 =	vmul.f32 $1.131370830e+01, v44;
	[tilespmem:s2+$0x90] =	vst v37  }
0x2b2: {  	v37 =	vld [tilespmem:s8+$0x90];
	v44 =	vmul.f32 $1.131370830e+01, v47;
	[tilespmem:s2+$0x10] =	vst v38  }
0x2b3: {  	v38 =	vld [tilespmem:s8+$0x10];
	[tilespmem:s2+$0x30] =	vst v43  }
0x2b4: {  	v47 =	vld [tilespmem:s8+$0xC0];
	v46 =	vmul.f32 $1.131370830e+01, v46;
	[tilespmem:s2+$0xB0] =	vst v39  }
0x2b5: {  	v39 =	vld [tilespmem:s8+$0x0];
	[tilespmem:s2+$0x70] =	vst v41  }
0x2b6: {  	v49 =	vld [tilespmem:s8+$0xB0];
	v40 =	vmul.f32 $1.131370830e+01, v40;
	[tilespmem:s2+$0x60] =	vst v42;
	s2 =	smov.u32 s8  }
0x2b7: {  	v50 =	vld [tilespmem:s8+$0x50];
	[tilespmem:s8+$0xA0] =	vst v44  }
.Ltmp6:
0x2b8: {  	v41 =	vmul.f32 $1.131370830e+01, v45;
	[tilespmem:s8+$0xD0] =	vst v40;
	v43 =	vld [tilespmem:s8+$0xF0];
	(pc) =	sbr.rel @p1 .LBB2_11-.Ltmp6, $4  }
0x2b9: {  	v40 =	vld [tilespmem:s8+$0x80];
	v44 =	vmul.f32 $1.131370830e+01, v47;
	[tilespmem:s8+$0xE0] =	vst v46  }
0x2ba: {  	v46 =	vmul.f32 $1.131370830e+01, v48;
	[tilespmem:s8+$0x40] =	vst v41;
	v41 =	vld [tilespmem:s8+$0x70]  }
0x2bb: {  	v38 =	vmul.f32 $1.131370830e+01, v38;
	v45 =	vmul.f32 $1.131370830e+01, v39;
	v42 =	vld [tilespmem:s8+$0x60];
	[tilespmem:s8+$0xC0] =	vst v44  }
0x2bc: {  	v39 =	vmul.f32 $1.131370830e+01, v49;
	s8 =	sadd.s32 $0x100, s8;
	[tilespmem:s2+$0x20] =	vst v46;
	v44 =	vld [tilespmem:s2+$0x30];
	v46 =	vmul.f32 $1.131370830e+01, v50  }
0x2bd: {  	[tilespmem:s2+$0x0] =	vst v45  }
0x2be: {  	[tilespmem:s2+$0x10] =	vst v38  }
0x2bf: {  	v43 =	vmul.f32 $1.131370830e+01, v43;
	[tilespmem:s2+$0x50] =	vst v46  }
0x2c0: {  	v37 =	vmul.f32 $1.131370830e+01, v37;
	[tilespmem:s2+$0xB0] =	vst v39  }
0x2c1: {  	v40 =	vmul.f32 $1.131370830e+01, v40;
	[tilespmem:s2+$0xF0] =	vst v43  }
0x2c2: {  	[tilespmem:s2+$0x90] =	vst v37;
	v62 =	vmul.f32 $1.131370830e+01, v41  }
.Ltmp7:
0x2c3: {  	s0 =	sshll.u32 s30, $0xE;
	[tilespmem:s2+$0x80] =	vst v40;
	v63 =	vmul.f32 $1.131370830e+01, v42;
	(pc) =	sbr.rel @p0 .LBB2_14-.Ltmp7, $4  }
0x2c4: {  	s0 =	sadd.s32 s5, s0;
	v61 =	vmul.f32 $1.131370830e+01, v44;
	[tilespmem:s2+$0x70] =	vst v62  }
0x2c5: {  	s0 =	sshrl.u32 s0, $0x3;
	[tilespmem:s2+$0x60] =	vst v63  }
0x2c6: {  	s0 =	sadd.s32 s3, s0;
	[tilespmem:s2+$0x30] =	vst v61  }
0x2c7: {  	[hbm4b:s0+s4] =	stream.linear.scatter [tilespmem:s18], [sflag:$0x8], $0x4000, $0x38;
	[tilespmem:$0x1CC00] =	vst v63  }
0x2c8: {  	s2 =	sshll.u32 s29, $0x7  }
0x2c9: {  	v37 =	vld [tilespmem:s2+$0x280];
	_ =	sdelay $0x4  }
0x2ca: {  	vm0 =	vgt.s32 v37, $0x182B7  }
0x2cb: {  	v38 =	vsel vm0, $0x1, v35  }
0x2cc: {  	(xrf0) =	vadd.scan.msk.s32 $0xffff, v38;
	_ =	sdelay $0x5  }
0x2cd: {  	v38, _, _ =	vpop (xrf0)  }
0x2ce: {  	s29 =	sadd.s32 $0x280, s2;
	v38 =	vadd.s32 v38, v36  }
0x2cf: {  	v39 =	vor.u32 s29, v0;
	v38 =	vadd.s32 $0xFFFFFFFF, v38  }
0x2d0: {  	v40 =	vadd.s32 v1, v39  }
0x2d1: {  	v40 =	vand.u32 $0x3FEF, v40  }
0x2d2: {  	v37 =	vsel vm0, v40, v37  }
0x2d3: {  	v60 =	vadd.s32 v3, v39;
	[tilespmem:s2+$0x280] =	vst v37  }
0x2d4: {  	[tilespmem:v38+s11+$0x0] =	vst.idx.msk vm0, v60  }
0x2d5: {  	v37 =	vld [tilespmem:s2+$0x290];
	_ =	sdelay $0x4  }
0x2d6: {  	vm1 =	vgt.s32 v37, $0x182B7  }
0x2d7: {  	v61 =	vsel vm1, $0x1, v35  }
0x2d8: {  	(xrf0) =	vadd.scan.msk.s32 $0xffff, v61;
	_ =	sdelay $0x3  }
0x2d9: {  	v62 =	vmpcnt.ones.xlane vm0;
	_ =	sdelay $0x1  }
0x2da: {  	v63 =	vadd.s32 v36, v62;
	v43, _, _ =	vpop (xrf0)  }
0x2db: {  	s0 =	sadd.s32 $0x290, s2;
	v38 =	vadd.s32 v43, v63  }
0x2dc: {  	v44 =	vor.u32 s0, v0;
	v38 =	vadd.s32 $0xFFFFFFFF, v38  }
0x2dd: {  	v45 =	vadd.s32 v1, v44  }
0x2de: {  	v40 =	vand.u32 $0x3FFF, v45  }
0x2df: {  	v37 =	vsel vm1, v40, v37  }
0x2e0: {  	v46 =	vadd.s32 v3, v44;
	[tilespmem:s2+$0x290] =	vst v37  }
0x2e1: {  	[tilespmem:v38+s11+$0x0] =	vst.idx.msk vm1, v46  }
0x2e2: {  	v37 =	vld [tilespmem:s2+$0x2A0];
	_ =	sdelay $0x4  }
0x2e3: {  	vm10 =	vgt.s32 v37, $0x182B7  }
0x2e4: {  	v47 =	vsel vm10, $0x1, v35  }
0x2e5: {  	(xrf0) =	vadd.scan.msk.s32 $0xffff, v47;
	_ =	sdelay $0x3  }
0x2e6: {  	v48 =	vmpcnt.ones.xlane vm1;
	_ =	sdelay $0x1  }
0x2e7: {  	v36 =	vadd.s32 v63, v48;
	v49, _, _ =	vpop (xrf0)  }
0x2e8: {  	s31 =	sadd.s32 $0x2A0, s2;
	v38 =	vadd.s32 v49, v36  }
0x2e9: {  	v50 =	vor.u32 s31, v0;
	v38 =	vadd.s32 $0xFFFFFFFF, v38  }
0x2ea: {  	v51 =	vadd.s32 v1, v50  }
0x2eb: {  	v40 =	vand.u32 $0x3FEF, v51  }
0x2ec: {  	v37 =	vsel vm10, v40, v37  }
0x2ed: {  	v52 =	vadd.s32 v3, v50;
	[tilespmem:s2+$0x2A0] =	vst v37  }
0x2ee: {  	[tilespmem:v38+s11+$0x0] =	vst.idx.msk vm10, v52  }
0x2ef: {  	v37 =	vld [tilespmem:s2+$0x2B0];
	_ =	sdelay $0x4  }
0x2f0: {  	vm11 =	vgt.s32 v37, $0x182B7  }
0x2f1: {  	v53 =	vsel vm11, $0x1, v35  }
0x2f2: {  	(xrf0) =	vadd.scan.msk.s32 $0xffff, v53;
	_ =	sdelay $0x3  }
0x2f3: {  	v54 =	vmpcnt.ones.xlane vm10;
	_ =	sdelay $0x1  }
0x2f4: {  	v36 =	vadd.s32 v36, v54;
	v55, _, _ =	vpop (xrf0)  }
0x2f5: {  	s8 =	sadd.s32 $0x2B0, s2;
	v38 =	vadd.s32 v55, v36  }
0x2f6: {  	v56 =	vor.u32 s8, v0;
	v38 =	vadd.s32 $0xFFFFFFFF, v38  }
0x2f7: {  	v57 =	vadd.s32 v1, v56  }
0x2f8: {  	v40 =	vand.u32 $0x3FFF, v57  }
0x2f9: {  	v37 =	vsel vm11, v40, v37  }
0x2fa: {  	v58 =	vadd.s32 v3, v56;
	[tilespmem:s2+$0x2B0] =	vst v37  }
0x2fb: {  	[tilespmem:v38+s11+$0x0] =	vst.idx.msk vm11, v58  }
0x2fc: {  	v37 =	vld [tilespmem:s2+$0x2C0];
	_ =	sdelay $0x4  }
0x2fd: {  	vm12 =	vgt.s32 v37, $0x182B7  }
0x2fe: {  	v59 =	vsel vm12, $0x1, v35  }
0x2ff: {  	(xrf0) =	vadd.scan.msk.s32 $0xffff, v59;
	_ =	sdelay $0x3  }
0x300: {  	v60 =	vmpcnt.ones.xlane vm11;
	_ =	sdelay $0x1  }
0x301: {  	v36 =	vadd.s32 v36, v60;
	v61, _, _ =	vpop (xrf0)  }
0x302: {  	s30 =	sadd.s32 $0x2C0, s2;
	v38 =	vadd.s32 v61, v36  }
0x303: {  	v62 =	vor.u32 s30, v0;
	v38 =	vadd.s32 $0xFFFFFFFF, v38  }
0x304: {  	v63 =	vadd.s32 v1, v62  }
0x305: {  	v40 =	vand.u32 $0x3FEF, v63  }
0x306: {  	v37 =	vsel vm12, v40, v37  }
0x307: {  	v44 =	vadd.s32 v3, v62;
	[tilespmem:s2+$0x2C0] =	vst v37  }
0x308: {  	[tilespmem:v38+s11+$0x0] =	vst.idx.msk vm12, v44  }
0x309: {  	v37 =	vld [tilespmem:s2+$0x2D0];
	_ =	sdelay $0x4  }
0x30a: {  	vm13 =	vgt.s32 v37, $0x182B7  }
0x30b: {  	v45 =	vsel vm13, $0x1, v35  }
0x30c: {  	(xrf0) =	vadd.scan.msk.s32 $0xffff, v45;
	_ =	sdelay $0x3  }
0x30d: {  	v46 =	vmpcnt.ones.xlane vm12;
	_ =	sdelay $0x1  }
0x30e: {  	v36 =	vadd.s32 v36, v46;
	v47, _, _ =	vpop (xrf0)  }
0x30f: {  	s31 =	sadd.s32 $0x2D0, s2;
	v38 =	vadd.s32 v47, v36  }
0x310: {  	v48 =	vor.u32 s31, v0;
	v38 =	vadd.s32 $0xFFFFFFFF, v38  }
0x311: {  	v49 =	vadd.s32 v1, v48  }
0x312: {  	v40 =	vand.u32 $0x3FFF, v49  }
0x313: {  	v37 =	vsel vm13, v40, v37  }
0x314: {  	v50 =	vadd.s32 v3, v48;
	[tilespmem:s2+$0x2D0] =	vst v37  }
0x315: {  	[tilespmem:v38+s11+$0x0] =	vst.idx.msk vm13, v50  }
0x316: {  	v37 =	vld [tilespmem:s2+$0x2E0];
	_ =	sdelay $0x4  }
0x317: {  	vm14 =	vgt.s32 v37, $0x182B7  }
0x318: {  	v51 =	vsel vm14, $0x1, v35  }
0x319: {  	(xrf0) =	vadd.scan.msk.s32 $0xffff, v51;
	_ =	sdelay $0x3  }
0x31a: {  	v52 =	vmpcnt.ones.xlane vm13;
	_ =	sdelay $0x1  }
0x31b: {  	v36 =	vadd.s32 v36, v52;
	v53, _, _ =	vpop (xrf0)  }
0x31c: {  	s8 =	sadd.s32 $0x2E0, s2;
	v38 =	vadd.s32 v53, v36  }
0x31d: {  	v54 =	vor.u32 s8, v0;
	v38 =	vadd.s32 $0xFFFFFFFF, v38  }
0x31e: {  	v55 =	vadd.s32 v1, v54  }
0x31f: {  	v40 =	vand.u32 $0x3FEF, v55  }
0x320: {  	v37 =	vsel vm14, v40, v37  }
0x321: {  	v56 =	vadd.s32 v3, v54;
	[tilespmem:s2+$0x2E0] =	vst v37  }
0x322: {  	[tilespmem:v38+s11+$0x0] =	vst.idx.msk vm14, v56  }
0x323: {  	v37 =	vld [tilespmem:s2+$0x2F0];
	_ =	sdelay $0x4  }
0x324: {  	vm15 =	vgt.s32 v37, $0x182B7  }
0x325: {  	v57 =	vsel vm15, $0x1, v35  }
0x326: {  	(xrf0) =	vadd.scan.msk.s32 $0xffff, v57;
	_ =	sdelay $0x3  }
0x327: {  	v58 =	vmpcnt.ones.xlane vm14;
	_ =	sdelay $0x1  }
0x328: {  	v36 =	vadd.s32 v36, v58;
	v59, _, _ =	vpop (xrf0)  }
0x329: {  	s30 =	sadd.s32 $0x2F0, s2;
	v38 =	vadd.s32 v59, v36  }
0x32a: {  	v60 =	vor.u32 s30, v0;
	v38 =	vadd.s32 $0xFFFFFFFF, v38  }
0x32b: {  	v61 =	vadd.s32 v1, v60  }
0x32c: {  	v40 =	vand.u32 $0x3FFF, v61  }
0x32d: {  	v37 =	vsel vm15, v40, v37  }
0x32e: {  	v62 =	vadd.s32 v3, v60;
	[tilespmem:s2+$0x2F0] =	vst v37  }
.Ltmp8:
0x32f: {  	[tilespmem:v38+s11+$0x0] =	vst.idx.msk vm15, v62;
	(pc) =	sbr.rel .LBB2_2-.Ltmp8, $4  }
0x330: {  	_ =	swait.ge [sflag:s22], $0x4000  }
0x331: {  	v63 =	vmpcnt.ones.xlane vm15;
	[sflag:s22] =	ssyncset.done $0x0  }
0x332: {  	s28 =	sadd.s32 $0x1, s28;
	s31 =	sand.u32 $0x3FFFFF80, s29;
	[sflag:s22] =	ssyncadd.s32 $0xFFFFC000  }
0x333: {  	v36 =	vadd.s32 v36, v63;
	[tilespmem:s14], [sflag:$0x2] =	stream.indirect.gather [hbm4b:s1+s12], $0x80, s31, s12, $0xb8;
	[tilespmem:$0x1CC00] =	vst v63  }
.LBB2_14:
0x334: {  	v36 =	vxor.u32 $0x80000000, v36  }
0x335: {  	(xrf0) =	vmax.scan.msk.u32 $0xffff, v36;
	_ =	sdelay $0x5  }
0x336: {  	v36, _, _ =	vpop (xrf0)  }
0x337: {  	(v2sf) =	vpush v36, $0xF;
	_ =	sdelay $0xe  }
0x338: {  	s2 =	spop (v2sf)  }
0x339: {  	_ =	swait.ge [sflag:s21], $0x4000  }
0x33a: {  	[sflag:s21] =	ssyncset.done $0x0  }
0x33b: {  	[sflag:s21] =	ssyncadd.s32 $0xFFFFC000  }
0x33c: {  	_ =	swait.ge [sflag:s22], $0x4000  }
0x33d: {  	[sflag:s22] =	ssyncset.done $0x0  }
0x33e: {  	s0 =	sxor.u32 $0x80000000, s2;
	[sflag:s22] =	ssyncadd.s32 $0xFFFFC000  }
0x33f: {  	p0 =	slt.s32 s0, $0x1;
	_ =	swait.ge [sflag:s23], $0x4000  }
.Ltmp9:
0x340: {  	[sflag:s23] =	ssyncset.done $0x0;
	(pc) =	sbr.rel @p0 .LBB2_21-.Ltmp9, $4  }
0x341: {  	[sflag:s23] =	ssyncadd.s32 $0xFFFFC000  }
0x342: {  	_ =	swait.ge [sflag:s24], $0x4000  }
0x343: {  	[sflag:s24] =	ssyncset.done $0x0  }
0x344: {  	[sflag:s24] =	ssyncadd.s32 $0xFFFFC000  }
0x345: {  	s8 =	sadd.s32 $0x7FFFFFFF, s2  }
0x346: {  	v36 =	vmov s8;
	_ =	sdelay $0x4  }
0x347: {  	v37 =	vadd.s32 s0, v0;
	s29 =	sadd.s32 $0x80000010, s2;
	v36 =	vld.idx.msk [tilespmem:v36+s11+$0x0], $0xffff  }
0x348: {  	s30 =	sadd.s32 $0x80000020, s2;
	v38 =	vadd.s32 s29, v0  }
0x349: {  	s31 =	sadd.s32 $0x80000030, s2;
	v39 =	vadd.s32 s30, v0  }
0x34a: {  	v40 =	vadd.s32 s31, v0;
	s8 =	sadd.s32 $0x80000040, s2  }
0x34b: {  	s28 =	sadd.s32 $0x80000050, s2;
	v41 =	vadd.s32 s8, v0  }
0x34c: {  	v56 =	vadd.s32 s28, v0;
	s29 =	sadd.s32 $0x80000060, s2;
	[tilespmem:v37+s11+$0x0] =	vst.idx.msk $0xffff, v36  }
0x34d: {  	s30 =	sadd.s32 $0x80000070, s2;
	v57 =	vadd.s32 s29, v0;
	[tilespmem:v38+s11+$0x0] =	vst.idx.msk $0xffff, v36  }
0x34e: {  	v58 =	vadd.s32 s30, v0;
	[tilespmem:v39+s11+$0x0] =	vst.idx.msk $0xffff, v36  }
0x34f: {  	[tilespmem:v40+s11+$0x0] =	vst.idx.msk $0xffff, v36  }
0x350: {  	[tilespmem:v41+s11+$0x0] =	vst.idx.msk $0xffff, v36  }
0x351: {  	[tilespmem:v56+s11+$0x0] =	vst.idx.msk $0xffff, v36  }
0x352: {  	[tilespmem:v57+s11+$0x0] =	vst.idx.msk $0xffff, v36  }
0x353: {  	s31 =	rddreg [dreg:$0x4];
	[tilespmem:v58+s11+$0x0] =	vst.idx.msk $0xffff, v36  }
0x354: {  	[tilespmem:s13], [sflag:$0xA] =	stream.linear.gather [hbm4b:s31+s4], $0x80, $0x38;
	[tilespmem:$0x1CC00] =	vst v63  }
0x355: {  	_ =	swait.ge [sflag:s10], $0x80  }
0x356: {  	[sflag:s10] =	ssyncset.done $0x0  }
0x357: {  	[sflag:s10] =	ssyncadd.s32 $0xFFFFFF80  }
0x358: {  	v59 =	vld [tilespmem:$0xCC00]  }
0x359: {  	v60 =	vld [tilespmem:$0xCC70]  }
0x35a: {  	v61 =	vld [tilespmem:$0xCC60]  }
0x35b: {  	v62 =	vld [tilespmem:$0xCC50]  }
0x35c: {  	v63 =	vld [tilespmem:$0xCC40]  }
0x35d: {  	v42 =	vld [tilespmem:$0xCC30];
	v40 =	vmul.f32 $1.131370830e+01, v59  }
0x35e: {  	s0 =	simm.s32 $0xCCC0;
	v44 =	vld [tilespmem:$0xCC20];
	v36 =	vmul.f32 $1.131370830e+01, v60  }
0x35f: {  	v43 =	vld [tilespmem:$0xCC10];
	v37 =	vmul.f32 $1.131370830e+01, v61;
	[tilespmem:s0+$0xFFFFFFC0] =	vst v40  }
0x360: {  	v38 =	vmul.f32 $1.131370830e+01, v62;
	[tilespmem:s0+$0xB0] =	vst v36  }
0x361: {  	v39 =	vmul.f32 $1.131370830e+01, v63;
	[tilespmem:s0+$0xA0] =	vst v37  }
0x362: {  	v41 =	vmul.f32 $1.131370830e+01, v42;
	[tilespmem:s0+$0x90] =	vst v38  }
0x363: {  	v42 =	vmul.f32 $1.131370830e+01, v44;
	[tilespmem:s0+$0x80] =	vst v39  }
0x364: {  	v43 =	vmul.f32 $1.131370830e+01, v43;
	[tilespmem:s0+$0x70] =	vst v41  }
0x365: {  	[tilespmem:s0+$0x60] =	vst v42  }
0x366: {  	[tilespmem:s0+$0x50] =	vst v43  }
0x367: {  	[tilespmem:s0+$0x40] =	vst v40  }
0x368: {  	[tilespmem:s0+$0x30] =	vst v36  }
0x369: {  	[tilespmem:s0+$0x20] =	vst v37  }
0x36a: {  	[tilespmem:s0+$0x10] =	vst v38  }
0x36b: {  	[tilespmem:s0+$0x0] =	vst v39  }
0x36c: {  	[tilespmem:s0+$0xFFFFFFF0] =	vst v41  }
0x36d: {  	s8 =	simm.s32 $0x1;
	[tilespmem:s0+$0xFFFFFFE0] =	vst v42  }
.LBB2_16:
0x36e: {  	s8 =	sadd.s32 $0x2, s8;
	[tilespmem:s0+$0xFFFFFFD0] =	vst v43;
	s0 =	sadd.s32 $0x100, s0  }
0x36f: {  	[tilespmem:s0+$0xFFFFFFC0] =	vst v40;
	p0 =	slt.u32 s8, $0x7D  }
0x370: {  	[tilespmem:s0+$0xB0] =	vst v36  }
0x371: {  	[tilespmem:s0+$0xA0] =	vst v37  }
0x372: {  	[tilespmem:s0+$0x90] =	vst v38  }
0x373: {  	[tilespmem:s0+$0x80] =	vst v39  }
0x374: {  	[tilespmem:s0+$0x70] =	vst v41  }
0x375: {  	[tilespmem:s0+$0x60] =	vst v42  }
0x376: {  	[tilespmem:s0+$0x50] =	vst v43  }
0x377: {  	[tilespmem:s0+$0x40] =	vst v40  }
0x378: {  	[tilespmem:s0+$0x30] =	vst v36  }
.Ltmp10:
0x379: {  	[tilespmem:s0+$0x20] =	vst v37;
	(pc) =	sbr.rel @p0 .LBB2_16-.Ltmp10, $4  }
0x37a: {  	[tilespmem:s0+$0x10] =	vst v38  }
0x37b: {  	[tilespmem:s0+$0x0] =	vst v39  }
0x37c: {  	[tilespmem:s0+$0xFFFFFFF0] =	vst v41  }
0x37d: {  	[tilespmem:s0+$0xFFFFFFE0] =	vst v42  }
0x37e: {  	[tilespmem:s0+$0xFFFFFFD0] =	vst v43  }
0x37f: {  	[tilespmem:$0x10B80] =	vst v40  }
0x380: {  	[tilespmem:$0x10B90] =	vst v43  }
0x381: {  	[tilespmem:$0x10BA0] =	vst v42  }
0x382: {  	s30 =	sadd.s32 $0x8000007F, s2;
	[tilespmem:$0x10BB0] =	vst v41  }
0x383: {  	[tilespmem:$0x10BC0] =	vst v39;
	s2 =	sand.u32 $0x7F, s30  }
0x384: {  	[tilespmem:$0x10BD0] =	vst v38;
	s31 =	sshra.s32 s30, $0x1F;
	p1 =	slt.s32 s30, $0x1;
	p0 =	sne.s32 s2, $0x0  }
0x385: {  	[tilespmem:$0x10BE0] =	vst v37;
	s2 =	sshrl.u32 s31, $0x19;
	p0 =	por !p1, !p0  }
0x386: {  	[tilespmem:$0x10BF0] =	vst v36;
	s0 =	sadd.s32 s2, s30;
	s2 =	simm.s32 $0x1;
	p0 =	por !p0, !p0  }
0x387: {  	[tilespmem:$0xCC00] =	vst v40;
	s0 =	sshra.s32 s0, $0x7;
	s2 =	simm.s32 @!p0 $0x0  }
0x388: {  	[tilespmem:$0xCC10] =	vst v43;
	s2 =	ssub.s32 s0, s2  }
0x389: {  	[tilespmem:$0xCC20] =	vst v42;
	p0 =	slt.s32 s2, $0x1  }
.Ltmp11:
0x38a: {  	[tilespmem:$0xCC30] =	vst v41;
	(pc) =	sbr.rel @p0 .LBB2_21-.Ltmp11, $4  }
0x38b: {  	[tilespmem:$0xCC40] =	vst v39  }
0x38c: {  	[tilespmem:$0xCC50] =	vst v38  }
0x38d: {  	[tilespmem:$0xCC60] =	vst v37  }
0x38e: {  	[tilespmem:$0xCC70] =	vst v36;
	s0 =	simm.s32 $0x6400  }
0x38f: {  	p0 =	sne.s32 s2, $0x1  }
.Ltmp12:
0x390: {  	_ = 	snop;
	(pc) =	sbr.rel @!p0 .LBB2_20-.Ltmp12, $4  }
0x391: {  	_ = 	snop  }
0x392: {  	[hbm4b:s3+s12] =	stream.indirect.scatter [tilespmem:s13], [sflag:$0x9], $0x80, s0, s12, $0xb8;
	[tilespmem:$0x1CC00] =	vst v63  }
0x393: {  	_ =	swait.ge [sflag:s25], $0x4000  }
0x394: {  	s2 =	sadd.s32 $0xFFFFFFFF, s2;
	[sflag:s25] =	ssyncset.done $0x0  }
.LBB2_19:
0x395: {  	p0 =	sne.s32 s2, $0x1;
	[sflag:s25] =	ssyncadd.s32 $0xFFFFC000;
	s0 =	sadd.s32 $0x80, s0  }
.Ltmp13:
0x396: {  	s2 =	sadd.s32 $0xFFFFFFFF, s2;
	(pc) =	sbr.rel @p0 .LBB2_19-.Ltmp13, $4  }
0x397: {  	_ = 	snop  }
0x398: {  	[hbm4b:s3+s12] =	stream.indirect.scatter [tilespmem:s13], [sflag:$0x9], $0x80, s0, s12, $0xb8;
	[tilespmem:$0x1CC00] =	vst v63  }
0x399: {  	_ =	swait.ge [sflag:s25], $0x4000  }
0x39a: {  	[sflag:s25] =	ssyncset.done $0x0  }
.Ltmp14:
0x39b: {  	_ = 	snop;
	(pc) =	sbr.rel .LBB2_20-.Ltmp14, $1  }
0x39c: {  	_ =	sdelay $0x3  }
.LBB2_22:
0x39d: {  	_ =	sfence.sel $0x180000  }
0x39e: {  	[bflag:$0x0] =	sbarrier.arrive $0xFFFF  }
0x39f: {  	_ =	strace $0x90000047  }
0x3a0: {  	s0 =	stileid.u32;
	[bflag:$0x2] =	sbarrier.arrive $0xFFFF  }
0x3a1: {  	p0 =	sne.s32 s0, $0x0;
	s0 =	rddreg [dreg:$0x3]  }
0x3a2: {  	s0 =	sadd.s32 @!p0 $0x100000, s0  }
0x3a3: {  	[sflag:s0] =	ssyncadd.tile.s32 @!p0 $0x1;
	_ =	shalt  }
.Lfunc_end2:
_tile_overlayer_lowered:
.L_overlay_start_2:
0x3a4: {  	(tag) =	ssettag $0x2  }
0x3a5: {  	s0 =	rddreg [dreg:$0x0];
	s2 =	stileid.u32  }
0x3a6: {  	s1 =	rddreg [dreg:$0x1];
	p0 =	sne.s32 s2, $0x0  }
0x3a7: {  	s3 =	rddreg [dreg:$0x2];
	[bflag:$0x3] =	sbarrier.arrive $0xFFFF;
	s2 =	simm.s32 @!p0 $0x1C0A  }
0x3a8: {  	[timem:s3], [sflag:s2] =	dma.local @!p0 [hbm:s0], s1  }
0x3a9: {  	s0 =	simm.s32 @!p0 $0xA  }
0x3aa: {  	_ =	swait.ge @!p0 [sflag:s0], s1  }
0x3ab: {  	s1 =	ssub.s32 @!p0 $0x0, s1;
	[sflag:s0] =	ssyncset.done @!p0 $0x0  }
0x3ac: {  	[sflag:s0] =	ssyncadd.s32 @!p0 s1  }
0x3ad: {  	[bflag:$0x3] =	sbarrier.arrive $0xFFFF  }
0x3ae: {  	_ =	shalt  }

</sc_bundles>
